<compile_context>
chip_gen: v7x
topology: tpu7x:2x2x1
jax: 0.10.2.dev20260603
libtpu: 0.0.44.dev20260713+nightly
codegen_flags: <defaults>
</compile_context>

<pallas_src>
import functools

import jax
import jax.numpy as jnp
from jax import lax
from jax.experimental import pallas as pl
from jax.experimental.pallas import tpu as pltpu
from jax.experimental.pallas import tpu_sc as plsc

N = 10000
D = 128
G = 64
E = 320000

NC = 2
NS = 16
NW = NC * NS
CH = 64
TCH = 5120
EPAD = TCH * CH
DCH = TCH // NW
NPAD = 10112
RPT = NPAD // NS

_MESH = plsc.VectorSubcoreMesh(
    core_axis_name="c", subcore_axis_name="s", num_cores=NC, num_subcores=NS
)


def _zero_acc_rows(zbuf, acc, s):
    for k in range(RPT // CH):
        pltpu.sync_copy(zbuf, acc.at[pl.ds(s * RPT + CH * k, CH), :])
    rem = RPT - (RPT // CH) * CH
    if rem:
        pltpu.sync_copy(zbuf.at[pl.ds(0, rem), :],
                        acc.at[pl.ds(s * RPT + (RPT // CH) * CH, rem), :])


@functools.partial(
    pl.kernel,
    out_type=jax.ShapeDtypeStruct((NC, NPAD, D), jnp.float32),
    mesh=_MESH,
    scratch_types=[
        pltpu.VMEM((DCH, CH), jnp.int32),
        pltpu.VMEM((CH, D), jnp.float32),
        pltpu.VMEM_SHARED((NPAD, D), jnp.float32),
    ],
)
def _deg_kernel(dst_hbm, out_hbm, dst_t, ones_t, acc):
    c = lax.axis_index("c")
    s = lax.axis_index("s")
    wid = c * NS + s
    pltpu.sync_copy(dst_hbm.at[pl.ds(wid * DCH, DCH), :], dst_t)

    def fill(i, carry):
        for b in range(D // 16):
            ones_t[i, pl.ds(16 * b, 16)] = jnp.ones((16,), jnp.float32)
        return carry

    def zfill(i, carry):
        for b in range(D // 16):
            ones_t[i, pl.ds(16 * b, 16)] = jnp.zeros((16,), jnp.float32)
        return carry

    lax.fori_loop(0, CH, zfill, 0)
    _zero_acc_rows(ones_t, acc, s)
    lax.fori_loop(0, CH, fill, 0)
    plsc.subcore_barrier()

    def step(j, carry):
        pltpu.sync_copy(ones_t, acc.at[dst_t.at[j]], add=True)
        return carry

    lax.fori_loop(0, DCH, step, 0)
    plsc.subcore_barrier()
    pltpu.sync_copy(
        acc.at[pl.ds(s * RPT, RPT), :], out_hbm.at[c, pl.ds(s * RPT, RPT), :]
    )


CH0 = 240
CH1 = 80
STG = 40


@functools.partial(
    pl.kernel,
    out_type=jax.ShapeDtypeStruct((NC, NPAD, D), jnp.float32),
    mesh=_MESH,
    scratch_types=[
        pltpu.VMEM((STG, CH), jnp.int32),
        pltpu.VMEM((STG, CH), jnp.int32),
        pltpu.VMEM((CH, D), jnp.float32),
        pltpu.VMEM((CH, D), jnp.float32),
        pltpu.VMEM((CH, D), jnp.float32),
        pltpu.VMEM((CH, D), jnp.float32),
        pltpu.VMEM_SHARED((NPAD, D), jnp.float32),
        pltpu.SemaphoreType.DMA,
    ],
)
def _edge_sum_kernel(t_hbm, src_hbm, dst_hbm, out_hbm,
                     src_t, dst_t, r0, r1, r2, r3, acc, gsem):
    c = lax.axis_index("c")
    s = lax.axis_index("s")
    nstg = lax.select(c == 0, CH0 // STG, CH1 // STG)
    base = lax.select(c == 0, s * CH0, NS * CH0 + s * CH1)

    def fill(i, carry):
        for b in range(D // 16):
            r0[i, pl.ds(16 * b, 16)] = jnp.zeros((16,), jnp.float32)
        return carry

    lax.fori_loop(0, CH, fill, 0)
    _zero_acc_rows(r0, acc, s)
    plsc.subcore_barrier()

    def stage(st, carry):
        cbase = base + st * STG
        pltpu.sync_copy(src_hbm.at[pl.ds(cbase, STG), :], src_t)
        pltpu.sync_copy(dst_hbm.at[pl.ds(cbase, STG), :], dst_t)

        rows = (r0, r1, r2, r3)

        def group(gi, inner):
            jg = 4 * gi
            ds = [pltpu.async_copy(t_hbm.at[src_t.at[jg + b]], rows[b], gsem)
                  for b in range(4)]
            for d in ds:
                d.wait()
            for b in range(4):
                pltpu.sync_copy(rows[b], acc.at[dst_t.at[jg + b]], add=True)
            return inner

        lax.fori_loop(0, STG // 4, group, 0)
        return carry

    lax.fori_loop(0, nstg, stage, 0)
    plsc.subcore_barrier()
    pltpu.sync_copy(
        acc.at[pl.ds(s * RPT, RPT), :], out_hbm.at[c, pl.ds(s * RPT, RPT), :]
    )


def _dis_from_parts(deg_ref):
    deg8 = deg_ref[0] + deg_ref[1]
    return lax.rsqrt(1.0 + deg8[:N, 0:1])


def _tc_first_body(deg_ref, x_ref, w_ref, t_ref):
    dis = _dis_from_parts(deg_ref)
    t_ref[...] = jnp.dot(x_ref[...], w_ref[...],
                         preferred_element_type=jnp.float32) * dis


def _tc_mid_body(deg_ref, s_ref, t_ref, b_ref, w_ref, out_ref):
    dis = _dis_from_parts(deg_ref)
    ssum = s_ref[0, :N, :] + s_ref[1, :N, :]
    h = jax.nn.relu(dis * (ssum + t_ref[...]) + b_ref[...])
    out_ref[...] = jnp.dot(h, w_ref[...],
                           preferred_element_type=jnp.float32) * dis


def _tc_pool_body(deg_ref, s_ref, t_ref, b_ref, batch_ref, out_ref):
    dis = _dis_from_parts(deg_ref)
    ssum = s_ref[0, :N, :] + s_ref[1, :N, :]
    h = dis * (ssum + t_ref[...]) + b_ref[...]
    gids = lax.broadcasted_iota(jnp.int32, (N, G), 1)
    mask = (batch_ref[...] == gids).astype(jnp.float32)
    sums = lax.dot_general(mask, h, (((0,), (0,)), ((), ())),
                           preferred_element_type=jnp.float32)
    counts = jnp.sum(mask, axis=0)
    out_ref[...] = sums / jnp.maximum(counts, 1.0)[:, None]


_tc_first = pl.pallas_call(
    _tc_first_body, out_shape=jax.ShapeDtypeStruct((N, D), jnp.float32))
_tc_mid = pl.pallas_call(
    _tc_mid_body, out_shape=jax.ShapeDtypeStruct((N, D), jnp.float32))
_tc_pool = pl.pallas_call(
    _tc_pool_body, out_shape=jax.ShapeDtypeStruct((G, D), jnp.float32))


@jax.jit
def kernel(x, edge_index, batch, W1, b1, W2, b2, W3, b3):
    pad = EPAD - E
    src = jnp.concatenate(
        [edge_index[0], jnp.zeros((pad,), jnp.int32)]).reshape(TCH, CH)
    dst = jnp.concatenate(
        [edge_index[1], jnp.full((pad,), N, jnp.int32)]).reshape(TCH, CH)

    batch2d = batch.reshape(N, 1)

    deg_parts = _deg_kernel(dst)

    t1 = _tc_first(deg_parts, x, W1)
    s1 = _edge_sum_kernel(t1, src, dst)
    t2 = _tc_mid(deg_parts, s1, t1, b1, W2)
    s2 = _edge_sum_kernel(t2, src, dst)
    t3 = _tc_mid(deg_parts, s2, t2, b2, W3)
    s3 = _edge_sum_kernel(t3, src, dst)
    return _tc_pool(deg_parts, s3, t3, b3, batch2d)

# --- scband reference (transcript-rebuilt; emitter-appended) ---
"""Pipeline reference for scband-gcnmodule-33328946217386 (READ-ONLY COPY).

The authoritative reference and input builder live on the scoring server;
editing this copy changes nothing except your own understanding.
"""

import jax, jax.numpy as jnp
import numpy as np

N = 10000
E = 320000
IN = 128
HID = 128
OUT = 128
G = 64


def setup_inputs(seed: int = 0) -> dict:
    key = jax.random.key(seed)
    ks = jax.random.split(key, 10)
    x = jax.random.normal(ks[0], (N, IN), dtype=jnp.float32)
    edge_index = jax.random.randint(ks[1], (2, E), 0, N, dtype=jnp.int32)
    batch = jnp.sort(jax.random.randint(ks[2], (N,), 0, G, dtype=jnp.int32))
    W1 = jax.random.normal(ks[3], (IN, HID), dtype=jnp.float32) * (1.0 / np.sqrt(IN))
    b1 = jnp.zeros((HID,), dtype=jnp.float32)
    W2 = jax.random.normal(ks[4], (HID, HID), dtype=jnp.float32) * (1.0 / np.sqrt(HID))
    b2 = jnp.zeros((HID,), dtype=jnp.float32)
    W3 = jax.random.normal(ks[5], (HID, OUT), dtype=jnp.float32) * (1.0 / np.sqrt(HID))
    b3 = jnp.zeros((OUT,), dtype=jnp.float32)
    return {"x": x, "edge_index": edge_index, "batch": batch,
            "W1": W1, "b1": b1, "W2": W2, "b2": b2, "W3": W3, "b3": b3}


def _gcn_conv(x, W, b, src, dst, norm):
    h = x @ W
    msg = h[src] * norm[:, None]
    out = jnp.zeros((x.shape[0], W.shape[1]), dtype=h.dtype).at[dst].add(msg)
    return out + b


def reference(x, edge_index, batch, W1, b1, W2, b2, W3, b3):
    # GCNConv with added self-loops and symmetric normalization D^-1/2 (A+I) D^-1/2
    loops = jnp.arange(N, dtype=edge_index.dtype)
    src = jnp.concatenate([edge_index[0], loops])
    dst = jnp.concatenate([edge_index[1], loops])
    deg = jnp.zeros((N,), dtype=x.dtype).at[dst].add(1.0)
    dis = jnp.where(deg > 0, jax.lax.rsqrt(jnp.maximum(deg, 1e-12)), 0.0)
    norm = dis[src] * dis[dst]

    h = _gcn_conv(x, W1, b1, src, dst, norm)
    h = jax.nn.relu(h)
    # dropout is identity in eval mode
    h = _gcn_conv(h, W2, b2, src, dst, norm)
    h = jax.nn.relu(h)
    h = _gcn_conv(h, W3, b3, src, dst, norm)

    # global_mean_pool over graph ids in `batch`
    sums = jnp.zeros((G, OUT), dtype=h.dtype).at[batch].add(h)
    counts = jnp.zeros((G,), dtype=h.dtype).at[batch].add(1.0)
    return sums / jnp.maximum(counts, 1.0)[:, None]

if __name__ == "__main__":
    import jax
    _d = setup_inputs()
    print(jax.jit(kernel)(*tuple(_d.values())))

</pallas_src>

<mosaic_0001>
#map = affine_map<(d0, d1) -> (0, 0)>
#map1 = affine_map<(d0, d1) -> (0, 0, 0)>
module attributes {stable_mosaic.version = 14 : i64} {
  func.func @_deg_kernel(%arg0: i32, %arg1: i32, %arg2: memref<5120x64xi32, #tpu.memory_space<hbm>>, %arg3: memref<2x10112x128xf32, #tpu.memory_space<hbm>>, %arg4: memref<160x64xi32, #tpu.memory_space<vmem>>, %arg5: memref<64x128xf32, #tpu.memory_space<vmem>>, %arg6: memref<10112x128xf32, #tpu.memory_space<vmem_shared>>) attributes {dimension_semantics = [#tpu.dimension_semantics<core_parallel>, #tpu.dimension_semantics<subcore_parallel>], iteration_bounds = array<i64: 2, 16>, scalar_prefetch = 0 : i64, scratch_operands = 3 : i64, tpu.core_type = #tpu.core_type<sc_vector_subcore>, window_params = [{transform_indices = #map}, {transform_indices = #map1}]} {
    %mul3A = arith.constant 16 : i32
    %mul3A_0 = arith.muli %arg0, %mul3A : i32
    %add3A = arith.addi %mul3A_0, %arg1 : i32
    %mul3A_1 = arith.constant 160 : i32
    %mul3A_2 = arith.muli %add3A, %mul3A_1 : i32
    "tpu.region"() ({
      %run_scoped3A = tpu.sem_alloc : memref<!tpu.dma_semaphore, #tpu.memory_space<semaphore_mem>>
      %dma_start3A = arith.constant 0 : i32
      %dma_start3A_65 = tpu.memref_slice %arg2[%mul3A_2, %dma_start3A] : memref<5120x64xi32, #tpu.memory_space<hbm>> -> memref<160x64xi32, #tpu.memory_space<hbm>>
      %dma_start3A_66 = arith.constant 0 : i32
      %dma_start3A_67 = tpu.memref_slice %arg2[%mul3A_2, %dma_start3A_66] : memref<5120x64xi32, #tpu.memory_space<hbm>> -> memref<160x64xi32, #tpu.memory_space<hbm>>
      tpu.enqueue_dma source(%dma_start3A_67 : memref<160x64xi32, #tpu.memory_space<hbm>>) target(%arg4 : memref<160x64xi32, #tpu.memory_space<vmem>>) target_semaphore(%run_scoped3A : memref<!tpu.dma_semaphore, #tpu.memory_space<semaphore_mem>>)
      %dma_wait3A = arith.constant 0 : i32
      %dma_wait3A_68 = tpu.memref_slice %arg2[%mul3A_2, %dma_wait3A] : memref<5120x64xi32, #tpu.memory_space<hbm>> -> memref<160x64xi32, #tpu.memory_space<hbm>>
      %dma_wait3A_69 = arith.constant 0 : i32
      %dma_wait3A_70 = tpu.memref_slice %arg2[%mul3A_2, %dma_wait3A_69] : memref<5120x64xi32, #tpu.memory_space<hbm>> -> memref<160x64xi32, #tpu.memory_space<hbm>>
      tpu.wait_dma2 semaphore(%run_scoped3A : memref<!tpu.dma_semaphore, #tpu.memory_space<semaphore_mem>>) src(%dma_wait3A_70 : memref<160x64xi32, #tpu.memory_space<hbm>>) dst(%arg4 : memref<160x64xi32, #tpu.memory_space<vmem>>)
      tpu.yield
    }) : () -> ()
    %scan3A = arith.constant 0 : i32
    %scan3A_3 = arith.constant 0 : i32
    %scan3A_4 = arith.constant 64 : i32
    %scan3A_5 = arith.addi %scan3A_3, %scan3A_4 : i32
    %scan3A_6 = arith.constant 1 : i32
    scf.for %scan3A_65 = %scan3A_3 to %scan3A_5 step %scan3A_6  : i32 {
      %broadcast_in_dim3A = arith.constant 0.000000e+00 : f32
      %broadcast_in_dim3A_66 = vector.broadcast %broadcast_in_dim3A : f32 to vector<16xf32>
      %swap3A = arith.index_cast %scan3A_65 : i32 to index
      %swap3A_67 = arith.constant 0 : index
      %swap3A_68 = tpu.vector_load %arg5[%swap3A, %swap3A_67] {strides = array<i32>} : memref<64x128xf32, #tpu.memory_space<vmem>>, vector<1x16xf32>,
      %swap3A_69 = vector.shape_cast %swap3A_68 : vector<1x16xf32> to vector<16xf32>
      %swap3A_70 = vector.shape_cast %broadcast_in_dim3A_66 : vector<16xf32> to vector<1x16xf32>
      tpu.vector_store %arg5[%swap3A, %swap3A_67], %swap3A_70 {strides = array<i32>} : memref<64x128xf32, #tpu.memory_space<vmem>>, vector<1x16xf32>,
      %broadcast_in_dim3A_71 = arith.constant 0.000000e+00 : f32
      %broadcast_in_dim3A_72 = vector.broadcast %broadcast_in_dim3A_71 : f32 to vector<16xf32>
      %swap3A_73 = arith.index_cast %scan3A_65 : i32 to index
      %swap3A_74 = arith.constant 16 : index
      %swap3A_75 = tpu.vector_load %arg5[%swap3A_73, %swap3A_74] {strides = array<i32>} : memref<64x128xf32, #tpu.memory_space<vmem>>, vector<1x16xf32>,
      %swap3A_76 = vector.shape_cast %swap3A_75 : vector<1x16xf32> to vector<16xf32>
      %swap3A_77 = vector.shape_cast %broadcast_in_dim3A_72 : vector<16xf32> to vector<1x16xf32>
      tpu.vector_store %arg5[%swap3A_73, %swap3A_74], %swap3A_77 {strides = array<i32>} : memref<64x128xf32, #tpu.memory_space<vmem>>, vector<1x16xf32>,
      %broadcast_in_dim3A_78 = arith.constant 0.000000e+00 : f32
      %broadcast_in_dim3A_79 = vector.broadcast %broadcast_in_dim3A_78 : f32 to vector<16xf32>
      %swap3A_80 = arith.index_cast %scan3A_65 : i32 to index
      %swap3A_81 = arith.constant 32 : index
      %swap3A_82 = tpu.vector_load %arg5[%swap3A_80, %swap3A_81] {strides = array<i32>} : memref<64x128xf32, #tpu.memory_space<vmem>>, vector<1x16xf32>,
      %swap3A_83 = vector.shape_cast %swap3A_82 : vector<1x16xf32> to vector<16xf32>
      %swap3A_84 = vector.shape_cast %broadcast_in_dim3A_79 : vector<16xf32> to vector<1x16xf32>
      tpu.vector_store %arg5[%swap3A_80, %swap3A_81], %swap3A_84 {strides = array<i32>} : memref<64x128xf32, #tpu.memory_space<vmem>>, vector<1x16xf32>,
      %broadcast_in_dim3A_85 = arith.constant 0.000000e+00 : f32
      %broadcast_in_dim3A_86 = vector.broadcast %broadcast_in_dim3A_85 : f32 to vector<16xf32>
      %swap3A_87 = arith.index_cast %scan3A_65 : i32 to index
      %swap3A_88 = arith.constant 48 : index
      %swap3A_89 = tpu.vector_load %arg5[%swap3A_87, %swap3A_88] {strides = array<i32>} : memref<64x128xf32, #tpu.memory_space<vmem>>, vector<1x16xf32>,
      %swap3A_90 = vector.shape_cast %swap3A_89 : vector<1x16xf32> to vector<16xf32>
      %swap3A_91 = vector.shape_cast %broadcast_in_dim3A_86 : vector<16xf32> to vector<1x16xf32>
      tpu.vector_store %arg5[%swap3A_87, %swap3A_88], %swap3A_91 {strides = array<i32>} : memref<64x128xf32, #tpu.memory_space<vmem>>, vector<1x16xf32>,
      %broadcast_in_dim3A_92 = arith.constant 0.000000e+00 : f32
      %broadcast_in_dim3A_93 = vector.broadcast %broadcast_in_dim3A_92 : f32 to vector<16xf32>
      %swap3A_94 = arith.index_cast %scan3A_65 : i32 to index
      %swap3A_95 = arith.constant 64 : index
      %swap3A_96 = tpu.vector_load %arg5[%swap3A_94, %swap3A_95] {strides = array<i32>} : memref<64x128xf32, #tpu.memory_space<vmem>>, vector<1x16xf32>,
      %swap3A_97 = vector.shape_cast %swap3A_96 : vector<1x16xf32> to vector<16xf32>
      %swap3A_98 = vector.shape_cast %broadcast_in_dim3A_93 : vector<16xf32> to vector<1x16xf32>
      tpu.vector_store %arg5[%swap3A_94, %swap3A_95], %swap3A_98 {strides = array<i32>} : memref<64x128xf32, #tpu.memory_space<vmem>>, vector<1x16xf32>,
      %broadcast_in_dim3A_99 = arith.constant 0.000000e+00 : f32
      %broadcast_in_dim3A_100 = vector.broadcast %broadcast_in_dim3A_99 : f32 to vector<16xf32>
      %swap3A_101 = arith.index_cast %scan3A_65 : i32 to index
      %swap3A_102 = arith.constant 80 : index
      %swap3A_103 = tpu.vector_load %arg5[%swap3A_101, %swap3A_102] {strides = array<i32>} : memref<64x128xf32, #tpu.memory_space<vmem>>, vector<1x16xf32>,
      %swap3A_104 = vector.shape_cast %swap3A_103 : vector<1x16xf32> to vector<16xf32>
      %swap3A_105 = vector.shape_cast %broadcast_in_dim3A_100 : vector<16xf32> to vector<1x16xf32>
      tpu.vector_store %arg5[%swap3A_101, %swap3A_102], %swap3A_105 {strides = array<i32>} : memref<64x128xf32, #tpu.memory_space<vmem>>, vector<1x16xf32>,
      %broadcast_in_dim3A_106 = arith.constant 0.000000e+00 : f32
      %broadcast_in_dim3A_107 = vector.broadcast %broadcast_in_dim3A_106 : f32 to vector<16xf32>
      %swap3A_108 = arith.index_cast %scan3A_65 : i32 to index
      %swap3A_109 = arith.constant 96 : index
      %swap3A_110 = tpu.vector_load %arg5[%swap3A_108, %swap3A_109] {strides = array<i32>} : memref<64x128xf32, #tpu.memory_space<vmem>>, vector<1x16xf32>,
      %swap3A_111 = vector.shape_cast %swap3A_110 : vector<1x16xf32> to vector<16xf32>
      %swap3A_112 = vector.shape_cast %broadcast_in_dim3A_107 : vector<16xf32> to vector<1x16xf32>
      tpu.vector_store %arg5[%swap3A_108, %swap3A_109], %swap3A_112 {strides = array<i32>} : memref<64x128xf32, #tpu.memory_space<vmem>>, vector<1x16xf32>,
      %broadcast_in_dim3A_113 = arith.constant 0.000000e+00 : f32
      %broadcast_in_dim3A_114 = vector.broadcast %broadcast_in_dim3A_113 : f32 to vector<16xf32>
      %swap3A_115 = arith.index_cast %scan3A_65 : i32 to index
      %swap3A_116 = arith.constant 112 : index
      %swap3A_117 = tpu.vector_load %arg5[%swap3A_115, %swap3A_116] {strides = array<i32>} : memref<64x128xf32, #tpu.memory_space<vmem>>, vector<1x16xf32>,
      %swap3A_118 = vector.shape_cast %swap3A_117 : vector<1x16xf32> to vector<16xf32>
      %swap3A_119 = vector.shape_cast %broadcast_in_dim3A_114 : vector<16xf32> to vector<1x16xf32>
      tpu.vector_store %arg5[%swap3A_115, %swap3A_116], %swap3A_119 {strides = array<i32>} : memref<64x128xf32, #tpu.memory_space<vmem>>, vector<1x16xf32>,
    }
    %scan3A_7 = arith.constant 64 : i32
    %mul3A_8 = arith.constant 632 : i32
    %mul3A_9 = arith.muli %arg1, %mul3A_8 : i32
    %add3A_10 = arith.constant 0 : i32
    %add3A_11 = arith.addi %mul3A_9, %add3A_10 : i32
    "tpu.region"() ({
      %run_scoped3A = tpu.sem_alloc : memref<!tpu.dma_semaphore, #tpu.memory_space<semaphore_mem>>
      %dma_start3A = arith.constant 0 : i32
      %dma_start3A_65 = tpu.memref_slice %arg6[%add3A_11, %dma_start3A] : memref<10112x128xf32, #tpu.memory_space<vmem_shared>> -> memref<64x128xf32, #tpu.memory_space<vmem_shared>>
      %dma_start3A_66 = arith.constant 0 : i32
      %dma_start3A_67 = tpu.memref_slice %arg6[%add3A_11, %dma_start3A_66] : memref<10112x128xf32, #tpu.memory_space<vmem_shared>> -> memref<64x128xf32, #tpu.memory_space<vmem_shared>>
      tpu.enqueue_dma source(%arg5 : memref<64x128xf32, #tpu.memory_space<vmem>>) target(%dma_start3A_67 : memref<64x128xf32, #tpu.memory_space<vmem_shared>>) target_semaphore(%run_scoped3A : memref<!tpu.dma_semaphore, #tpu.memory_space<semaphore_mem>>)
      %dma_wait3A = arith.constant 0 : i32
      %dma_wait3A_68 = tpu.memref_slice %arg6[%add3A_11, %dma_wait3A] : memref<10112x128xf32, #tpu.memory_space<vmem_shared>> -> memref<64x128xf32, #tpu.memory_space<vmem_shared>>
      %dma_wait3A_69 = arith.constant 0 : i32
      %dma_wait3A_70 = tpu.memref_slice %arg6[%add3A_11, %dma_wait3A_69] : memref<10112x128xf32, #tpu.memory_space<vmem_shared>> -> memref<64x128xf32, #tpu.memory_space<vmem_shared>>
      tpu.wait_dma2 semaphore(%run_scoped3A : memref<!tpu.dma_semaphore, #tpu.memory_space<semaphore_mem>>) src(%arg5 : memref<64x128xf32, #tpu.memory_space<vmem>>) dst(%dma_wait3A_70 : memref<64x128xf32, #tpu.memory_space<vmem_shared>>)
      tpu.yield
    }) : () -> ()
    %mul3A_12 = arith.constant 632 : i32
    %mul3A_13 = arith.muli %arg1, %mul3A_12 : i32
    %add3A_14 = arith.constant 64 : i32
    %add3A_15 = arith.addi %mul3A_13, %add3A_14 : i32
    "tpu.region"() ({
      %run_scoped3A = tpu.sem_alloc : memref<!tpu.dma_semaphore, #tpu.memory_space<semaphore_mem>>
      %dma_start3A = arith.constant 0 : i32
      %dma_start3A_65 = tpu.memref_slice %arg6[%add3A_15, %dma_start3A] : memref<10112x128xf32, #tpu.memory_space<vmem_shared>> -> memref<64x128xf32, #tpu.memory_space<vmem_shared>>
      %dma_start3A_66 = arith.constant 0 : i32
      %dma_start3A_67 = tpu.memref_slice %arg6[%add3A_15, %dma_start3A_66] : memref<10112x128xf32, #tpu.memory_space<vmem_shared>> -> memref<64x128xf32, #tpu.memory_space<vmem_shared>>
      tpu.enqueue_dma source(%arg5 : memref<64x128xf32, #tpu.memory_space<vmem>>) target(%dma_start3A_67 : memref<64x128xf32, #tpu.memory_space<vmem_shared>>) target_semaphore(%run_scoped3A : memref<!tpu.dma_semaphore, #tpu.memory_space<semaphore_mem>>)
      %dma_wait3A = arith.constant 0 : i32
      %dma_wait3A_68 = tpu.memref_slice %arg6[%add3A_15, %dma_wait3A] : memref<10112x128xf32, #tpu.memory_space<vmem_shared>> -> memref<64x128xf32, #tpu.memory_space<vmem_shared>>
      %dma_wait3A_69 = arith.constant 0 : i32
      %dma_wait3A_70 = tpu.memref_slice %arg6[%add3A_15, %dma_wait3A_69] : memref<10112x128xf32, #tpu.memory_space<vmem_shared>> -> memref<64x128xf32, #tpu.memory_space<vmem_shared>>
      tpu.wait_dma2 semaphore(%run_scoped3A : memref<!tpu.dma_semaphore, #tpu.memory_space<semaphore_mem>>) src(%arg5 : memref<64x128xf32, #tpu.memory_space<vmem>>) dst(%dma_wait3A_70 : memref<64x128xf32, #tpu.memory_space<vmem_shared>>)
      tpu.yield
    }) : () -> ()
    %mul3A_16 = arith.constant 632 : i32
    %mul3A_17 = arith.muli %arg1, %mul3A_16 : i32
    %add3A_18 = arith.constant 128 : i32
    %add3A_19 = arith.addi %mul3A_17, %add3A_18 : i32
    "tpu.region"() ({
      %run_scoped3A = tpu.sem_alloc : memref<!tpu.dma_semaphore, #tpu.memory_space<semaphore_mem>>
      %dma_start3A = arith.constant 0 : i32
      %dma_start3A_65 = tpu.memref_slice %arg6[%add3A_19, %dma_start3A] : memref<10112x128xf32, #tpu.memory_space<vmem_shared>> -> memref<64x128xf32, #tpu.memory_space<vmem_shared>>
      %dma_start3A_66 = arith.constant 0 : i32
      %dma_start3A_67 = tpu.memref_slice %arg6[%add3A_19, %dma_start3A_66] : memref<10112x128xf32, #tpu.memory_space<vmem_shared>> -> memref<64x128xf32, #tpu.memory_space<vmem_shared>>
      tpu.enqueue_dma source(%arg5 : memref<64x128xf32, #tpu.memory_space<vmem>>) target(%dma_start3A_67 : memref<64x128xf32, #tpu.memory_space<vmem_shared>>) target_semaphore(%run_scoped3A : memref<!tpu.dma_semaphore, #tpu.memory_space<semaphore_mem>>)
      %dma_wait3A = arith.constant 0 : i32
      %dma_wait3A_68 = tpu.memref_slice %arg6[%add3A_19, %dma_wait3A] : memref<10112x128xf32, #tpu.memory_space<vmem_shared>> -> memref<64x128xf32, #tpu.memory_space<vmem_shared>>
      %dma_wait3A_69 = arith.constant 0 : i32
      %dma_wait3A_70 = tpu.memref_slice %arg6[%add3A_19, %dma_wait3A_69] : memref<10112x128xf32, #tpu.memory_space<vmem_shared>> -> memref<64x128xf32, #tpu.memory_space<vmem_shared>>
      tpu.wait_dma2 semaphore(%run_scoped3A : memref<!tpu.dma_semaphore, #tpu.memory_space<semaphore_mem>>) src(%arg5 : memref<64x128xf32, #tpu.memory_space<vmem>>) dst(%dma_wait3A_70 : memref<64x128xf32, #tpu.memory_space<vmem_shared>>)
      tpu.yield
    }) : () -> ()
    %mul3A_20 = arith.constant 632 : i32
    %mul3A_21 = arith.muli %arg1, %mul3A_20 : i32
    %add3A_22 = arith.constant 192 : i32
    %add3A_23 = arith.addi %mul3A_21, %add3A_22 : i32
    "tpu.region"() ({
      %run_scoped3A = tpu.sem_alloc : memref<!tpu.dma_semaphore, #tpu.memory_space<semaphore_mem>>
      %dma_start3A = arith.constant 0 : i32
      %dma_start3A_65 = tpu.memref_slice %arg6[%add3A_23, %dma_start3A] : memref<10112x128xf32, #tpu.memory_space<vmem_shared>> -> memref<64x128xf32, #tpu.memory_space<vmem_shared>>
      %dma_start3A_66 = arith.constant 0 : i32
      %dma_start3A_67 = tpu.memref_slice %arg6[%add3A_23, %dma_start3A_66] : memref<10112x128xf32, #tpu.memory_space<vmem_shared>> -> memref<64x128xf32, #tpu.memory_space<vmem_shared>>
      tpu.enqueue_dma source(%arg5 : memref<64x128xf32, #tpu.memory_space<vmem>>) target(%dma_start3A_67 : memref<64x128xf32, #tpu.memory_space<vmem_shared>>) target_semaphore(%run_scoped3A : memref<!tpu.dma_semaphore, #tpu.memory_space<semaphore_mem>>)
      %dma_wait3A = arith.constant 0 : i32
      %dma_wait3A_68 = tpu.memref_slice %arg6[%add3A_23, %dma_wait3A] : memref<10112x128xf32, #tpu.memory_space<vmem_shared>> -> memref<64x128xf32, #tpu.memory_space<vmem_shared>>
      %dma_wait3A_69 = arith.constant 0 : i32
      %dma_wait3A_70 = tpu.memref_slice %arg6[%add3A_23, %dma_wait3A_69] : memref<10112x128xf32, #tpu.memory_space<vmem_shared>> -> memref<64x128xf32, #tpu.memory_space<vmem_shared>>
      tpu.wait_dma2 semaphore(%run_scoped3A : memref<!tpu.dma_semaphore, #tpu.memory_space<semaphore_mem>>) src(%arg5 : memref<64x128xf32, #tpu.memory_space<vmem>>) dst(%dma_wait3A_70 : memref<64x128xf32, #tpu.memory_space<vmem_shared>>)
      tpu.yield
    }) : () -> ()
    %mul3A_24 = arith.constant 632 : i32
    %mul3A_25 = arith.muli %arg1, %mul3A_24 : i32
    %add3A_26 = arith.constant 256 : i32
    %add3A_27 = arith.addi %mul3A_25, %add3A_26 : i32
    "tpu.region"() ({
      %run_scoped3A = tpu.sem_alloc : memref<!tpu.dma_semaphore, #tpu.memory_space<semaphore_mem>>
      %dma_start3A = arith.constant 0 : i32
      %dma_start3A_65 = tpu.memref_slice %arg6[%add3A_27, %dma_start3A] : memref<10112x128xf32, #tpu.memory_space<vmem_shared>> -> memref<64x128xf32, #tpu.memory_space<vmem_shared>>
      %dma_start3A_66 = arith.constant 0 : i32
      %dma_start3A_67 = tpu.memref_slice %arg6[%add3A_27, %dma_start3A_66] : memref<10112x128xf32, #tpu.memory_space<vmem_shared>> -> memref<64x128xf32, #tpu.memory_space<vmem_shared>>
      tpu.enqueue_dma source(%arg5 : memref<64x128xf32, #tpu.memory_space<vmem>>) target(%dma_start3A_67 : memref<64x128xf32, #tpu.memory_space<vmem_shared>>) target_semaphore(%run_scoped3A : memref<!tpu.dma_semaphore, #tpu.memory_space<semaphore_mem>>)
      %dma_wait3A = arith.constant 0 : i32
      %dma_wait3A_68 = tpu.memref_slice %arg6[%add3A_27, %dma_wait3A] : memref<10112x128xf32, #tpu.memory_space<vmem_shared>> -> memref<64x128xf32, #tpu.memory_space<vmem_shared>>
      %dma_wait3A_69 = arith.constant 0 : i32
      %dma_wait3A_70 = tpu.memref_slice %arg6[%add3A_27, %dma_wait3A_69] : memref<10112x128xf32, #tpu.memory_space<vmem_shared>> -> memref<64x128xf32, #tpu.memory_space<vmem_shared>>
      tpu.wait_dma2 semaphore(%run_scoped3A : memref<!tpu.dma_semaphore, #tpu.memory_space<semaphore_mem>>) src(%arg5 : memref<64x128xf32, #tpu.memory_space<vmem>>) dst(%dma_wait3A_70 : memref<64x128xf32, #tpu.memory_space<vmem_shared>>)
      tpu.yield
    }) : () -> ()
    %mul3A_28 = arith.constant 632 : i32
    %mul3A_29 = arith.muli %arg1, %mul3A_28 : i32
    %add3A_30 = arith.constant 320 : i32
    %add3A_31 = arith.addi %mul3A_29, %add3A_30 : i32
    "tpu.region"() ({
      %run_scoped3A = tpu.sem_alloc : memref<!tpu.dma_semaphore, #tpu.memory_space<semaphore_mem>>
      %dma_start3A = arith.constant 0 : i32
      %dma_start3A_65 = tpu.memref_slice %arg6[%add3A_31, %dma_start3A] : memref<10112x128xf32, #tpu.memory_space<vmem_shared>> -> memref<64x128xf32, #tpu.memory_space<vmem_shared>>
      %dma_start3A_66 = arith.constant 0 : i32
      %dma_start3A_67 = tpu.memref_slice %arg6[%add3A_31, %dma_start3A_66] : memref<10112x128xf32, #tpu.memory_space<vmem_shared>> -> memref<64x128xf32, #tpu.memory_space<vmem_shared>>
      tpu.enqueue_dma source(%arg5 : memref<64x128xf32, #tpu.memory_space<vmem>>) target(%dma_start3A_67 : memref<64x128xf32, #tpu.memory_space<vmem_shared>>) target_semaphore(%run_scoped3A : memref<!tpu.dma_semaphore, #tpu.memory_space<semaphore_mem>>)
      %dma_wait3A = arith.constant 0 : i32
      %dma_wait3A_68 = tpu.memref_slice %arg6[%add3A_31, %dma_wait3A] : memref<10112x128xf32, #tpu.memory_space<vmem_shared>> -> memref<64x128xf32, #tpu.memory_space<vmem_shared>>
      %dma_wait3A_69 = arith.constant 0 : i32
      %dma_wait3A_70 = tpu.memref_slice %arg6[%add3A_31, %dma_wait3A_69] : memref<10112x128xf32, #tpu.memory_space<vmem_shared>> -> memref<64x128xf32, #tpu.memory_space<vmem_shared>>
      tpu.wait_dma2 semaphore(%run_scoped3A : memref<!tpu.dma_semaphore, #tpu.memory_space<semaphore_mem>>) src(%arg5 : memref<64x128xf32, #tpu.memory_space<vmem>>) dst(%dma_wait3A_70 : memref<64x128xf32, #tpu.memory_space<vmem_shared>>)
      tpu.yield
    }) : () -> ()
    %mul3A_32 = arith.constant 632 : i32
    %mul3A_33 = arith.muli %arg1, %mul3A_32 : i32
    %add3A_34 = arith.constant 384 : i32
    %add3A_35 = arith.addi %mul3A_33, %add3A_34 : i32
    "tpu.region"() ({
      %run_scoped3A = tpu.sem_alloc : memref<!tpu.dma_semaphore, #tpu.memory_space<semaphore_mem>>
      %dma_start3A = arith.constant 0 : i32
      %dma_start3A_65 = tpu.memref_slice %arg6[%add3A_35, %dma_start3A] : memref<10112x128xf32, #tpu.memory_space<vmem_shared>> -> memref<64x128xf32, #tpu.memory_space<vmem_shared>>
      %dma_start3A_66 = arith.constant 0 : i32
      %dma_start3A_67 = tpu.memref_slice %arg6[%add3A_35, %dma_start3A_66] : memref<10112x128xf32, #tpu.memory_space<vmem_shared>> -> memref<64x128xf32, #tpu.memory_space<vmem_shared>>
      tpu.enqueue_dma source(%arg5 : memref<64x128xf32, #tpu.memory_space<vmem>>) target(%dma_start3A_67 : memref<64x128xf32, #tpu.memory_space<vmem_shared>>) target_semaphore(%run_scoped3A : memref<!tpu.dma_semaphore, #tpu.memory_space<semaphore_mem>>)
      %dma_wait3A = arith.constant 0 : i32
      %dma_wait3A_68 = tpu.memref_slice %arg6[%add3A_35, %dma_wait3A] : memref<10112x128xf32, #tpu.memory_space<vmem_shared>> -> memref<64x128xf32, #tpu.memory_space<vmem_shared>>
      %dma_wait3A_69 = arith.constant 0 : i32
      %dma_wait3A_70 = tpu.memref_slice %arg6[%add3A_35, %dma_wait3A_69] : memref<10112x128xf32, #tpu.memory_space<vmem_shared>> -> memref<64x128xf32, #tpu.memory_space<vmem_shared>>
      tpu.wait_dma2 semaphore(%run_scoped3A : memref<!tpu.dma_semaphore, #tpu.memory_space<semaphore_mem>>) src(%arg5 : memref<64x128xf32, #tpu.memory_space<vmem>>) dst(%dma_wait3A_70 : memref<64x128xf32, #tpu.memory_space<vmem_shared>>)
      tpu.yield
    }) : () -> ()
    %mul3A_36 = arith.constant 632 : i32
    %mul3A_37 = arith.muli %arg1, %mul3A_36 : i32
    %add3A_38 = arith.constant 448 : i32
    %add3A_39 = arith.addi %mul3A_37, %add3A_38 : i32
    "tpu.region"() ({
      %run_scoped3A = tpu.sem_alloc : memref<!tpu.dma_semaphore, #tpu.memory_space<semaphore_mem>>
      %dma_start3A = arith.constant 0 : i32
      %dma_start3A_65 = tpu.memref_slice %arg6[%add3A_39, %dma_start3A] : memref<10112x128xf32, #tpu.memory_space<vmem_shared>> -> memref<64x128xf32, #tpu.memory_space<vmem_shared>>
      %dma_start3A_66 = arith.constant 0 : i32
      %dma_start3A_67 = tpu.memref_slice %arg6[%add3A_39, %dma_start3A_66] : memref<10112x128xf32, #tpu.memory_space<vmem_shared>> -> memref<64x128xf32, #tpu.memory_space<vmem_shared>>
      tpu.enqueue_dma source(%arg5 : memref<64x128xf32, #tpu.memory_space<vmem>>) target(%dma_start3A_67 : memref<64x128xf32, #tpu.memory_space<vmem_shared>>) target_semaphore(%run_scoped3A : memref<!tpu.dma_semaphore, #tpu.memory_space<semaphore_mem>>)
      %dma_wait3A = arith.constant 0 : i32
      %dma_wait3A_68 = tpu.memref_slice %arg6[%add3A_39, %dma_wait3A] : memref<10112x128xf32, #tpu.memory_space<vmem_shared>> -> memref<64x128xf32, #tpu.memory_space<vmem_shared>>
      %dma_wait3A_69 = arith.constant 0 : i32
      %dma_wait3A_70 = tpu.memref_slice %arg6[%add3A_39, %dma_wait3A_69] : memref<10112x128xf32, #tpu.memory_space<vmem_shared>> -> memref<64x128xf32, #tpu.memory_space<vmem_shared>>
      tpu.wait_dma2 semaphore(%run_scoped3A : memref<!tpu.dma_semaphore, #tpu.memory_space<semaphore_mem>>) src(%arg5 : memref<64x128xf32, #tpu.memory_space<vmem>>) dst(%dma_wait3A_70 : memref<64x128xf32, #tpu.memory_space<vmem_shared>>)
      tpu.yield
    }) : () -> ()
    %mul3A_40 = arith.constant 632 : i32
    %mul3A_41 = arith.muli %arg1, %mul3A_40 : i32
    %add3A_42 = arith.constant 512 : i32
    %add3A_43 = arith.addi %mul3A_41, %add3A_42 : i32
    "tpu.region"() ({
      %run_scoped3A = tpu.sem_alloc : memref<!tpu.dma_semaphore, #tpu.memory_space<semaphore_mem>>
      %dma_start3A = arith.constant 0 : i32
      %dma_start3A_65 = tpu.memref_slice %arg6[%add3A_43, %dma_start3A] : memref<10112x128xf32, #tpu.memory_space<vmem_shared>> -> memref<64x128xf32, #tpu.memory_space<vmem_shared>>
      %dma_start3A_66 = arith.constant 0 : i32
      %dma_start3A_67 = tpu.memref_slice %arg6[%add3A_43, %dma_start3A_66] : memref<10112x128xf32, #tpu.memory_space<vmem_shared>> -> memref<64x128xf32, #tpu.memory_space<vmem_shared>>
      tpu.enqueue_dma source(%arg5 : memref<64x128xf32, #tpu.memory_space<vmem>>) target(%dma_start3A_67 : memref<64x128xf32, #tpu.memory_space<vmem_shared>>) target_semaphore(%run_scoped3A : memref<!tpu.dma_semaphore, #tpu.memory_space<semaphore_mem>>)
      %dma_wait3A = arith.constant 0 : i32
      %dma_wait3A_68 = tpu.memref_slice %arg6[%add3A_43, %dma_wait3A] : memref<10112x128xf32, #tpu.memory_space<vmem_shared>> -> memref<64x128xf32, #tpu.memory_space<vmem_shared>>
      %dma_wait3A_69 = arith.constant 0 : i32
      %dma_wait3A_70 = tpu.memref_slice %arg6[%add3A_43, %dma_wait3A_69] : memref<10112x128xf32, #tpu.memory_space<vmem_shared>> -> memref<64x128xf32, #tpu.memory_space<vmem_shared>>
      tpu.wait_dma2 semaphore(%run_scoped3A : memref<!tpu.dma_semaphore, #tpu.memory_space<semaphore_mem>>) src(%arg5 : memref<64x128xf32, #tpu.memory_space<vmem>>) dst(%dma_wait3A_70 : memref<64x128xf32, #tpu.memory_space<vmem_shared>>)
      tpu.yield
    }) : () -> ()
    %mul3A_44 = arith.constant 632 : i32
    %mul3A_45 = arith.muli %arg1, %mul3A_44 : i32
    %add3A_46 = arith.constant 576 : i32
    %add3A_47 = arith.addi %mul3A_45, %add3A_46 : i32
    "tpu.region"() ({
      %run_scoped3A = tpu.sem_alloc : memref<!tpu.dma_semaphore, #tpu.memory_space<semaphore_mem>>
      %dma_start3A = arith.constant 0 : i32
      %dma_start3A_65 = arith.constant 0 : i32
      %dma_start3A_66 = tpu.memref_slice %arg5[%dma_start3A, %dma_start3A_65] : memref<64x128xf32, #tpu.memory_space<vmem>> -> memref<56x128xf32, #tpu.memory_space<vmem>>
      %dma_start3A_67 = arith.constant 0 : i32
      %dma_start3A_68 = tpu.memref_slice %arg6[%add3A_47, %dma_start3A_67] : memref<10112x128xf32, #tpu.memory_space<vmem_shared>> -> memref<56x128xf32, #tpu.memory_space<vmem_shared>>
      %dma_start3A_69 = arith.constant 0 : i32
      %dma_start3A_70 = tpu.memref_slice %arg6[%add3A_47, %dma_start3A_69] : memref<10112x128xf32, #tpu.memory_space<vmem_shared>> -> memref<56x128xf32, #tpu.memory_space<vmem_shared>>
      %dma_start3A_71 = arith.constant 0 : i32
      %dma_start3A_72 = arith.constant 0 : i32
      %dma_start3A_73 = tpu.memref_slice %arg5[%dma_start3A_71, %dma_start3A_72] : memref<64x128xf32, #tpu.memory_space<vmem>> -> memref<56x128xf32, #tpu.memory_space<vmem>>
      tpu.enqueue_dma source(%dma_start3A_73 : memref<56x128xf32, #tpu.memory_space<vmem>>) target(%dma_start3A_70 : memref<56x128xf32, #tpu.memory_space<vmem_shared>>) target_semaphore(%run_scoped3A : memref<!tpu.dma_semaphore, #tpu.memory_space<semaphore_mem>>)
      %dma_wait3A = arith.constant 0 : i32
      %dma_wait3A_74 = arith.constant 0 : i32
      %dma_wait3A_75 = tpu.memref_slice %arg5[%dma_wait3A, %dma_wait3A_74] : memref<64x128xf32, #tpu.memory_space<vmem>> -> memref<56x128xf32, #tpu.memory_space<vmem>>
      %dma_wait3A_76 = arith.constant 0 : i32
      %dma_wait3A_77 = tpu.memref_slice %arg6[%add3A_47, %dma_wait3A_76] : memref<10112x128xf32, #tpu.memory_space<vmem_shared>> -> memref<56x128xf32, #tpu.memory_space<vmem_shared>>
      %dma_wait3A_78 = arith.constant 0 : i32
      %dma_wait3A_79 = tpu.memref_slice %arg6[%add3A_47, %dma_wait3A_78] : memref<10112x128xf32, #tpu.memory_space<vmem_shared>> -> memref<56x128xf32, #tpu.memory_space<vmem_shared>>
      %dma_wait3A_80 = arith.constant 0 : i32
      %dma_wait3A_81 = arith.constant 0 : i32
      %dma_wait3A_82 = tpu.memref_slice %arg5[%dma_wait3A_80, %dma_wait3A_81] : memref<64x128xf32, #tpu.memory_space<vmem>> -> memref<56x128xf32, #tpu.memory_space<vmem>>
      tpu.wait_dma2 semaphore(%run_scoped3A : memref<!tpu.dma_semaphore, #tpu.memory_space<semaphore_mem>>) src(%dma_wait3A_82 : memref<56x128xf32, #tpu.memory_space<vmem>>) dst(%dma_wait3A_79 : memref<56x128xf32, #tpu.memory_space<vmem_shared>>)
      tpu.yield
    }) : () -> ()
    %scan3A_48 = arith.constant 0 : i32
    %scan3A_49 = arith.constant 0 : i32
    %scan3A_50 = arith.constant 64 : i32
    %scan3A_51 = arith.addi %scan3A_49, %scan3A_50 : i32
    %scan3A_52 = arith.constant 1 : i32
    scf.for %scan3A_65 = %scan3A_49 to %scan3A_51 step %scan3A_52  : i32 {
      %broadcast_in_dim3A = arith.constant 1.000000e+00 : f32
      %broadcast_in_dim3A_66 = vector.broadcast %broadcast_in_dim3A : f32 to vector<16xf32>
      %swap3A = arith.index_cast %scan3A_65 : i32 to index
      %swap3A_67 = arith.constant 0 : index
      %swap3A_68 = tpu.vector_load %arg5[%swap3A, %swap3A_67] {strides = array<i32>} : memref<64x128xf32, #tpu.memory_space<vmem>>, vector<1x16xf32>,
      %swap3A_69 = vector.shape_cast %swap3A_68 : vector<1x16xf32> to vector<16xf32>
      %swap3A_70 = vector.shape_cast %broadcast_in_dim3A_66 : vector<16xf32> to vector<1x16xf32>
      tpu.vector_store %arg5[%swap3A, %swap3A_67], %swap3A_70 {strides = array<i32>} : memref<64x128xf32, #tpu.memory_space<vmem>>, vector<1x16xf32>,
      %broadcast_in_dim3A_71 = arith.constant 1.000000e+00 : f32
      %broadcast_in_dim3A_72 = vector.broadcast %broadcast_in_dim3A_71 : f32 to vector<16xf32>
      %swap3A_73 = arith.index_cast %scan3A_65 : i32 to index
      %swap3A_74 = arith.constant 16 : index
      %swap3A_75 = tpu.vector_load %arg5[%swap3A_73, %swap3A_74] {strides = array<i32>} : memref<64x128xf32, #tpu.memory_space<vmem>>, vector<1x16xf32>,
      %swap3A_76 = vector.shape_cast %swap3A_75 : vector<1x16xf32> to vector<16xf32>
      %swap3A_77 = vector.shape_cast %broadcast_in_dim3A_72 : vector<16xf32> to vector<1x16xf32>
      tpu.vector_store %arg5[%swap3A_73, %swap3A_74], %swap3A_77 {strides = array<i32>} : memref<64x128xf32, #tpu.memory_space<vmem>>, vector<1x16xf32>,
      %broadcast_in_dim3A_78 = arith.constant 1.000000e+00 : f32
      %broadcast_in_dim3A_79 = vector.broadcast %broadcast_in_dim3A_78 : f32 to vector<16xf32>
      %swap3A_80 = arith.index_cast %scan3A_65 : i32 to index
      %swap3A_81 = arith.constant 32 : index
      %swap3A_82 = tpu.vector_load %arg5[%swap3A_80, %swap3A_81] {strides = array<i32>} : memref<64x128xf32, #tpu.memory_space<vmem>>, vector<1x16xf32>,
      %swap3A_83 = vector.shape_cast %swap3A_82 : vector<1x16xf32> to vector<16xf32>
      %swap3A_84 = vector.shape_cast %broadcast_in_dim3A_79 : vector<16xf32> to vector<1x16xf32>
      tpu.vector_store %arg5[%swap3A_80, %swap3A_81], %swap3A_84 {strides = array<i32>} : memref<64x128xf32, #tpu.memory_space<vmem>>, vector<1x16xf32>,
      %broadcast_in_dim3A_85 = arith.constant 1.000000e+00 : f32
      %broadcast_in_dim3A_86 = vector.broadcast %broadcast_in_dim3A_85 : f32 to vector<16xf32>
      %swap3A_87 = arith.index_cast %scan3A_65 : i32 to index
      %swap3A_88 = arith.constant 48 : index
      %swap3A_89 = tpu.vector_load %arg5[%swap3A_87, %swap3A_88] {strides = array<i32>} : memref<64x128xf32, #tpu.memory_space<vmem>>, vector<1x16xf32>,
      %swap3A_90 = vector.shape_cast %swap3A_89 : vector<1x16xf32> to vector<16xf32>
      %swap3A_91 = vector.shape_cast %broadcast_in_dim3A_86 : vector<16xf32> to vector<1x16xf32>
      tpu.vector_store %arg5[%swap3A_87, %swap3A_88], %swap3A_91 {strides = array<i32>} : memref<64x128xf32, #tpu.memory_space<vmem>>, vector<1x16xf32>,
      %broadcast_in_dim3A_92 = arith.constant 1.000000e+00 : f32
      %broadcast_in_dim3A_93 = vector.broadcast %broadcast_in_dim3A_92 : f32 to vector<16xf32>
      %swap3A_94 = arith.index_cast %scan3A_65 : i32 to index
      %swap3A_95 = arith.constant 64 : index
      %swap3A_96 = tpu.vector_load %arg5[%swap3A_94, %swap3A_95] {strides = array<i32>} : memref<64x128xf32, #tpu.memory_space<vmem>>, vector<1x16xf32>,
      %swap3A_97 = vector.shape_cast %swap3A_96 : vector<1x16xf32> to vector<16xf32>
      %swap3A_98 = vector.shape_cast %broadcast_in_dim3A_93 : vector<16xf32> to vector<1x16xf32>
      tpu.vector_store %arg5[%swap3A_94, %swap3A_95], %swap3A_98 {strides = array<i32>} : memref<64x128xf32, #tpu.memory_space<vmem>>, vector<1x16xf32>,
      %broadcast_in_dim3A_99 = arith.constant 1.000000e+00 : f32
      %broadcast_in_dim3A_100 = vector.broadcast %broadcast_in_dim3A_99 : f32 to vector<16xf32>
      %swap3A_101 = arith.index_cast %scan3A_65 : i32 to index
      %swap3A_102 = arith.constant 80 : index
      %swap3A_103 = tpu.vector_load %arg5[%swap3A_101, %swap3A_102] {strides = array<i32>} : memref<64x128xf32, #tpu.memory_space<vmem>>, vector<1x16xf32>,
      %swap3A_104 = vector.shape_cast %swap3A_103 : vector<1x16xf32> to vector<16xf32>
      %swap3A_105 = vector.shape_cast %broadcast_in_dim3A_100 : vector<16xf32> to vector<1x16xf32>
      tpu.vector_store %arg5[%swap3A_101, %swap3A_102], %swap3A_105 {strides = array<i32>} : memref<64x128xf32, #tpu.memory_space<vmem>>, vector<1x16xf32>,
      %broadcast_in_dim3A_106 = arith.constant 1.000000e+00 : f32
      %broadcast_in_dim3A_107 = vector.broadcast %broadcast_in_dim3A_106 : f32 to vector<16xf32>
      %swap3A_108 = arith.index_cast %scan3A_65 : i32 to index
      %swap3A_109 = arith.constant 96 : index
      %swap3A_110 = tpu.vector_load %arg5[%swap3A_108, %swap3A_109] {strides = array<i32>} : memref<64x128xf32, #tpu.memory_space<vmem>>, vector<1x16xf32>,
      %swap3A_111 = vector.shape_cast %swap3A_110 : vector<1x16xf32> to vector<16xf32>
      %swap3A_112 = vector.shape_cast %broadcast_in_dim3A_107 : vector<16xf32> to vector<1x16xf32>
      tpu.vector_store %arg5[%swap3A_108, %swap3A_109], %swap3A_112 {strides = array<i32>} : memref<64x128xf32, #tpu.memory_space<vmem>>, vector<1x16xf32>,
      %broadcast_in_dim3A_113 = arith.constant 1.000000e+00 : f32
      %broadcast_in_dim3A_114 = vector.broadcast %broadcast_in_dim3A_113 : f32 to vector<16xf32>
      %swap3A_115 = arith.index_cast %scan3A_65 : i32 to index
      %swap3A_116 = arith.constant 112 : index
      %swap3A_117 = tpu.vector_load %arg5[%swap3A_115, %swap3A_116] {strides = array<i32>} : memref<64x128xf32, #tpu.memory_space<vmem>>, vector<1x16xf32>,
      %swap3A_118 = vector.shape_cast %swap3A_117 : vector<1x16xf32> to vector<16xf32>
      %swap3A_119 = vector.shape_cast %broadcast_in_dim3A_114 : vector<16xf32> to vector<1x16xf32>
      tpu.vector_store %arg5[%swap3A_115, %swap3A_116], %swap3A_119 {strides = array<i32>} : memref<64x128xf32, #tpu.memory_space<vmem>>, vector<1x16xf32>,
    }
    %scan3A_53 = arith.constant 64 : i32
    %barrier3A = arith.constant 0 : index
    tpu.barrier barrier_id(%barrier3A)
    %scan3A_54 = arith.constant 0 : i32
    %scan3A_55 = arith.constant 0 : i32
    %scan3A_56 = arith.constant 160 : i32
    %scan3A_57 = arith.addi %scan3A_55, %scan3A_56 : i32
    %scan3A_58 = arith.constant 1 : i32
    scf.for %scan3A_65 = %scan3A_55 to %scan3A_57 step %scan3A_58  : i32 {
      "tpu.region"() ({
        %run_scoped3A = tpu.sem_alloc : memref<!tpu.dma_semaphore, #tpu.memory_space<semaphore_mem>>
        %dma_start3A = arith.constant 0 : i32
        %dma_start3A_66 = tpu.memref_slice %arg4[%scan3A_65, %dma_start3A] : memref<160x64xi32, #tpu.memory_space<vmem>> -> memref<1x64xi32, #tpu.memory_space<vmem>>
        %dma_start3A_67 = tpu.memref_squeeze %dma_start3A_66 : memref<1x64xi32, #tpu.memory_space<vmem>> -> memref<64xi32, #tpu.memory_space<vmem>>
        %dma_start3A_68 = arith.constant 0 : i32
        %dma_start3A_69 = arith.constant 0 : i32
        %dma_start3A_70 = tpu.memref_slice %arg6[%dma_start3A_68, %dma_start3A_69] : memref<10112x128xf32, #tpu.memory_space<vmem_shared>> -> memref<10112x128xf32, #tpu.memory_space<vmem_shared>>
        tpu.enqueue_indirect_dma source(%arg5 : memref<64x128xf32, #tpu.memory_space<vmem>>) target(%dma_start3A_70 : memref<10112x128xf32, #tpu.memory_space<vmem_shared>>) offsets(%dma_start3A_67 : memref<64xi32, #tpu.memory_space<vmem>>) semaphore(%run_scoped3A : memref<!tpu.dma_semaphore, #tpu.memory_space<semaphore_mem>>) {add = true}
        %dma_wait3A = arith.constant 0 : i32
        %dma_wait3A_71 = tpu.memref_slice %arg4[%scan3A_65, %dma_wait3A] : memref<160x64xi32, #tpu.memory_space<vmem>> -> memref<1x64xi32, #tpu.memory_space<vmem>>
        %dma_wait3A_72 = tpu.memref_squeeze %dma_wait3A_71 : memref<1x64xi32, #tpu.memory_space<vmem>> -> memref<64xi32, #tpu.memory_space<vmem>>
        %dma_wait3A_73 = arith.constant 0 : i32
        %dma_wait3A_74 = arith.constant 0 : i32
        %dma_wait3A_75 = tpu.memref_slice %arg6[%dma_wait3A_73, %dma_wait3A_74] : memref<10112x128xf32, #tpu.memory_space<vmem_shared>> -> memref<10112x128xf32, #tpu.memory_space<vmem_shared>>
        tpu.wait_indirect_dma semaphore(%run_scoped3A : memref<!tpu.dma_semaphore, #tpu.memory_space<semaphore_mem>>) src(%arg5 : memref<64x128xf32, #tpu.memory_space<vmem>>) dst(%dma_wait3A_75 : memref<10112x128xf32, #tpu.memory_space<vmem_shared>>)
        tpu.yield
      }) : () -> ()
    }
    %scan3A_59 = arith.constant 160 : i32
    %barrier3A_60 = arith.constant 0 : index
    tpu.barrier barrier_id(%barrier3A_60)
    %mul3A_61 = arith.constant 632 : i32
    %mul3A_62 = arith.muli %arg1, %mul3A_61 : i32
    %mul3A_63 = arith.constant 632 : i32
    %mul3A_64 = arith.muli %arg1, %mul3A_63 : i32
    "tpu.region"() ({
      %run_scoped3A = tpu.sem_alloc : memref<!tpu.dma_semaphore, #tpu.memory_space<semaphore_mem>>
      %dma_start3A = arith.constant 0 : i32
      %dma_start3A_65 = tpu.memref_slice %arg3[%arg0, %mul3A_64, %dma_start3A] : memref<2x10112x128xf32, #tpu.memory_space<hbm>> -> memref<1x632x128xf32, #tpu.memory_space<hbm>>
      %dma_start3A_66 = tpu.memref_squeeze %dma_start3A_65 : memref<1x632x128xf32, #tpu.memory_space<hbm>> -> memref<632x128xf32, #tpu.memory_space<hbm>>
      %dma_start3A_67 = arith.constant 0 : i32
      %dma_start3A_68 = tpu.memref_slice %arg6[%mul3A_62, %dma_start3A_67] : memref<10112x128xf32, #tpu.memory_space<vmem_shared>> -> memref<632x128xf32, #tpu.memory_space<vmem_shared>>
      tpu.enqueue_dma source(%dma_start3A_68 : memref<632x128xf32, #tpu.memory_space<vmem_shared>>) target(%dma_start3A_66 : memref<632x128xf32, #tpu.memory_space<hbm>>) target_semaphore(%run_scoped3A : memref<!tpu.dma_semaphore, #tpu.memory_space<semaphore_mem>>)
      %dma_wait3A = arith.constant 0 : i32
      %dma_wait3A_69 = tpu.memref_slice %arg3[%arg0, %mul3A_64, %dma_wait3A] : memref<2x10112x128xf32, #tpu.memory_space<hbm>> -> memref<1x632x128xf32, #tpu.memory_space<hbm>>
      %dma_wait3A_70 = tpu.memref_squeeze %dma_wait3A_69 : memref<1x632x128xf32, #tpu.memory_space<hbm>> -> memref<632x128xf32, #tpu.memory_space<hbm>>
      %dma_wait3A_71 = arith.constant 0 : i32
      %dma_wait3A_72 = tpu.memref_slice %arg6[%mul3A_62, %dma_wait3A_71] : memref<10112x128xf32, #tpu.memory_space<vmem_shared>> -> memref<632x128xf32, #tpu.memory_space<vmem_shared>>
      tpu.wait_dma2 semaphore(%run_scoped3A : memref<!tpu.dma_semaphore, #tpu.memory_space<semaphore_mem>>) src(%dma_wait3A_72 : memref<632x128xf32, #tpu.memory_space<vmem_shared>>) dst(%dma_wait3A_70 : memref<632x128xf32, #tpu.memory_space<hbm>>)
      tpu.yield
    }) : () -> ()
    return
  }
}

#map = affine_map<(d0, d1) -> (0, 0)>
#map1 = affine_map<(d0, d1) -> (0, 0, 0)>
module attributes {stable_mosaic.version = 14 : i64} {
  func.func @_edge_sum_kernel(%arg0: i32, %arg1: i32, %arg2: memref<10000x128xf32, #tpu.memory_space<hbm>>, %arg3: memref<5120x64xi32, #tpu.memory_space<hbm>>, %arg4: memref<5120x64xi32, #tpu.memory_space<hbm>>, %arg5: memref<2x10112x128xf32, #tpu.memory_space<hbm>>, %arg6: memref<40x64xi32, #tpu.memory_space<vmem>>, %arg7: memref<40x64xi32, #tpu.memory_space<vmem>>, %arg8: memref<64x128xf32, #tpu.memory_space<vmem>>, %arg9: memref<64x128xf32, #tpu.memory_space<vmem>>, %arg10: memref<64x128xf32, #tpu.memory_space<vmem>>, %arg11: memref<64x128xf32, #tpu.memory_space<vmem>>, %arg12: memref<10112x128xf32, #tpu.memory_space<vmem_shared>>, %arg13: memref<!tpu.dma_semaphore, #tpu.memory_space<semaphore_mem>>) attributes {dimension_semantics = [#tpu.dimension_semantics<core_parallel>, #tpu.dimension_semantics<subcore_parallel>], iteration_bounds = array<i64: 2, 16>, scalar_prefetch = 0 : i64, scratch_operands = 8 : i64, tpu.core_type = #tpu.core_type<sc_vector_subcore>, window_params = [{transform_indices = #map}, {transform_indices = #map}, {transform_indices = #map}, {transform_indices = #map1}]} {
    %eq3A = arith.constant 0 : i32
    %eq3A_0 = arith.cmpi eq, %arg0, %eq3A : i32
    %select_n3A = arith.constant 2 : i32
    %select_n3A_1 = arith.constant 6 : i32
    %select_n3A_2 = arith.select %eq3A_0, %select_n3A_1, %select_n3A : i32
    %eq3A_3 = arith.constant 0 : i32
    %eq3A_4 = arith.cmpi eq, %arg0, %eq3A_3 : i32
    %mul3A = arith.constant 240 : i32
    %mul3A_5 = arith.muli %arg1, %mul3A : i32
    %mul3A_6 = arith.constant 80 : i32
    %mul3A_7 = arith.muli %arg1, %mul3A_6 : i32
    %add3A = arith.constant 3840 : i32
    %add3A_8 = arith.addi %add3A, %mul3A_7 : i32
    %select_n3A_9 = arith.select %eq3A_4, %mul3A_5, %add3A_8 : i32
    %scan3A = arith.constant 0 : i32
    %scan3A_10 = arith.constant 0 : i32
    %scan3A_11 = arith.constant 64 : i32
    %scan3A_12 = arith.addi %scan3A_10, %scan3A_11 : i32
    %scan3A_13 = arith.constant 1 : i32
    scf.for %scan3A_69 = %scan3A_10 to %scan3A_12 step %scan3A_13  : i32 {
      %broadcast_in_dim3A = arith.constant 0.000000e+00 : f32
      %broadcast_in_dim3A_70 = vector.broadcast %broadcast_in_dim3A : f32 to vector<16xf32>
      %swap3A = arith.index_cast %scan3A_69 : i32 to index
      %swap3A_71 = arith.constant 0 : index
      %swap3A_72 = tpu.vector_load %arg8[%swap3A, %swap3A_71] {strides = array<i32>} : memref<64x128xf32, #tpu.memory_space<vmem>>, vector<1x16xf32>,
      %swap3A_73 = vector.shape_cast %swap3A_72 : vector<1x16xf32> to vector<16xf32>
      %swap3A_74 = vector.shape_cast %broadcast_in_dim3A_70 : vector<16xf32> to vector<1x16xf32>
      tpu.vector_store %arg8[%swap3A, %swap3A_71], %swap3A_74 {strides = array<i32>} : memref<64x128xf32, #tpu.memory_space<vmem>>, vector<1x16xf32>,
      %broadcast_in_dim3A_75 = arith.constant 0.000000e+00 : f32
      %broadcast_in_dim3A_76 = vector.broadcast %broadcast_in_dim3A_75 : f32 to vector<16xf32>
      %swap3A_77 = arith.index_cast %scan3A_69 : i32 to index
      %swap3A_78 = arith.constant 16 : index
      %swap3A_79 = tpu.vector_load %arg8[%swap3A_77, %swap3A_78] {strides = array<i32>} : memref<64x128xf32, #tpu.memory_space<vmem>>, vector<1x16xf32>,
      %swap3A_80 = vector.shape_cast %swap3A_79 : vector<1x16xf32> to vector<16xf32>
      %swap3A_81 = vector.shape_cast %broadcast_in_dim3A_76 : vector<16xf32> to vector<1x16xf32>
      tpu.vector_store %arg8[%swap3A_77, %swap3A_78], %swap3A_81 {strides = array<i32>} : memref<64x128xf32, #tpu.memory_space<vmem>>, vector<1x16xf32>,
      %broadcast_in_dim3A_82 = arith.constant 0.000000e+00 : f32
      %broadcast_in_dim3A_83 = vector.broadcast %broadcast_in_dim3A_82 : f32 to vector<16xf32>
      %swap3A_84 = arith.index_cast %scan3A_69 : i32 to index
      %swap3A_85 = arith.constant 32 : index
      %swap3A_86 = tpu.vector_load %arg8[%swap3A_84, %swap3A_85] {strides = array<i32>} : memref<64x128xf32, #tpu.memory_space<vmem>>, vector<1x16xf32>,
      %swap3A_87 = vector.shape_cast %swap3A_86 : vector<1x16xf32> to vector<16xf32>
      %swap3A_88 = vector.shape_cast %broadcast_in_dim3A_83 : vector<16xf32> to vector<1x16xf32>
      tpu.vector_store %arg8[%swap3A_84, %swap3A_85], %swap3A_88 {strides = array<i32>} : memref<64x128xf32, #tpu.memory_space<vmem>>, vector<1x16xf32>,
      %broadcast_in_dim3A_89 = arith.constant 0.000000e+00 : f32
      %broadcast_in_dim3A_90 = vector.broadcast %broadcast_in_dim3A_89 : f32 to vector<16xf32>
      %swap3A_91 = arith.index_cast %scan3A_69 : i32 to index
      %swap3A_92 = arith.constant 48 : index
      %swap3A_93 = tpu.vector_load %arg8[%swap3A_91, %swap3A_92] {strides = array<i32>} : memref<64x128xf32, #tpu.memory_space<vmem>>, vector<1x16xf32>,
      %swap3A_94 = vector.shape_cast %swap3A_93 : vector<1x16xf32> to vector<16xf32>
      %swap3A_95 = vector.shape_cast %broadcast_in_dim3A_90 : vector<16xf32> to vector<1x16xf32>
      tpu.vector_store %arg8[%swap3A_91, %swap3A_92], %swap3A_95 {strides = array<i32>} : memref<64x128xf32, #tpu.memory_space<vmem>>, vector<1x16xf32>,
      %broadcast_in_dim3A_96 = arith.constant 0.000000e+00 : f32
      %broadcast_in_dim3A_97 = vector.broadcast %broadcast_in_dim3A_96 : f32 to vector<16xf32>
      %swap3A_98 = arith.index_cast %scan3A_69 : i32 to index
      %swap3A_99 = arith.constant 64 : index
      %swap3A_100 = tpu.vector_load %arg8[%swap3A_98, %swap3A_99] {strides = array<i32>} : memref<64x128xf32, #tpu.memory_space<vmem>>, vector<1x16xf32>,
      %swap3A_101 = vector.shape_cast %swap3A_100 : vector<1x16xf32> to vector<16xf32>
      %swap3A_102 = vector.shape_cast %broadcast_in_dim3A_97 : vector<16xf32> to vector<1x16xf32>
      tpu.vector_store %arg8[%swap3A_98, %swap3A_99], %swap3A_102 {strides = array<i32>} : memref<64x128xf32, #tpu.memory_space<vmem>>, vector<1x16xf32>,
      %broadcast_in_dim3A_103 = arith.constant 0.000000e+00 : f32
      %broadcast_in_dim3A_104 = vector.broadcast %broadcast_in_dim3A_103 : f32 to vector<16xf32>
      %swap3A_105 = arith.index_cast %scan3A_69 : i32 to index
      %swap3A_106 = arith.constant 80 : index
      %swap3A_107 = tpu.vector_load %arg8[%swap3A_105, %swap3A_106] {strides = array<i32>} : memref<64x128xf32, #tpu.memory_space<vmem>>, vector<1x16xf32>,
      %swap3A_108 = vector.shape_cast %swap3A_107 : vector<1x16xf32> to vector<16xf32>
      %swap3A_109 = vector.shape_cast %broadcast_in_dim3A_104 : vector<16xf32> to vector<1x16xf32>
      tpu.vector_store %arg8[%swap3A_105, %swap3A_106], %swap3A_109 {strides = array<i32>} : memref<64x128xf32, #tpu.memory_space<vmem>>, vector<1x16xf32>,
      %broadcast_in_dim3A_110 = arith.constant 0.000000e+00 : f32
      %broadcast_in_dim3A_111 = vector.broadcast %broadcast_in_dim3A_110 : f32 to vector<16xf32>
      %swap3A_112 = arith.index_cast %scan3A_69 : i32 to index
      %swap3A_113 = arith.constant 96 : index
      %swap3A_114 = tpu.vector_load %arg8[%swap3A_112, %swap3A_113] {strides = array<i32>} : memref<64x128xf32, #tpu.memory_space<vmem>>, vector<1x16xf32>,
      %swap3A_115 = vector.shape_cast %swap3A_114 : vector<1x16xf32> to vector<16xf32>
      %swap3A_116 = vector.shape_cast %broadcast_in_dim3A_111 : vector<16xf32> to vector<1x16xf32>
      tpu.vector_store %arg8[%swap3A_112, %swap3A_113], %swap3A_116 {strides = array<i32>} : memref<64x128xf32, #tpu.memory_space<vmem>>, vector<1x16xf32>,
      %broadcast_in_dim3A_117 = arith.constant 0.000000e+00 : f32
      %broadcast_in_dim3A_118 = vector.broadcast %broadcast_in_dim3A_117 : f32 to vector<16xf32>
      %swap3A_119 = arith.index_cast %scan3A_69 : i32 to index
      %swap3A_120 = arith.constant 112 : index
      %swap3A_121 = tpu.vector_load %arg8[%swap3A_119, %swap3A_120] {strides = array<i32>} : memref<64x128xf32, #tpu.memory_space<vmem>>, vector<1x16xf32>,
      %swap3A_122 = vector.shape_cast %swap3A_121 : vector<1x16xf32> to vector<16xf32>
      %swap3A_123 = vector.shape_cast %broadcast_in_dim3A_118 : vector<16xf32> to vector<1x16xf32>
      tpu.vector_store %arg8[%swap3A_119, %swap3A_120], %swap3A_123 {strides = array<i32>} : memref<64x128xf32, #tpu.memory_space<vmem>>, vector<1x16xf32>,
    }
    %scan3A_14 = arith.constant 64 : i32
    %mul3A_15 = arith.constant 632 : i32
    %mul3A_16 = arith.muli %arg1, %mul3A_15 : i32
    %add3A_17 = arith.constant 0 : i32
    %add3A_18 = arith.addi %mul3A_16, %add3A_17 : i32
    "tpu.region"() ({
      %run_scoped3A = tpu.sem_alloc : memref<!tpu.dma_semaphore, #tpu.memory_space<semaphore_mem>>
      %dma_start3A = arith.constant 0 : i32
      %dma_start3A_69 = tpu.memref_slice %arg12[%add3A_18, %dma_start3A] : memref<10112x128xf32, #tpu.memory_space<vmem_shared>> -> memref<64x128xf32, #tpu.memory_space<vmem_shared>>
      %dma_start3A_70 = arith.constant 0 : i32
      %dma_start3A_71 = tpu.memref_slice %arg12[%add3A_18, %dma_start3A_70] : memref<10112x128xf32, #tpu.memory_space<vmem_shared>> -> memref<64x128xf32, #tpu.memory_space<vmem_shared>>
      tpu.enqueue_dma source(%arg8 : memref<64x128xf32, #tpu.memory_space<vmem>>) target(%dma_start3A_71 : memref<64x128xf32, #tpu.memory_space<vmem_shared>>) target_semaphore(%run_scoped3A : memref<!tpu.dma_semaphore, #tpu.memory_space<semaphore_mem>>)
      %dma_wait3A = arith.constant 0 : i32
      %dma_wait3A_72 = tpu.memref_slice %arg12[%add3A_18, %dma_wait3A] : memref<10112x128xf32, #tpu.memory_space<vmem_shared>> -> memref<64x128xf32, #tpu.memory_space<vmem_shared>>
      %dma_wait3A_73 = arith.constant 0 : i32
      %dma_wait3A_74 = tpu.memref_slice %arg12[%add3A_18, %dma_wait3A_73] : memref<10112x128xf32, #tpu.memory_space<vmem_shared>> -> memref<64x128xf32, #tpu.memory_space<vmem_shared>>
      tpu.wait_dma2 semaphore(%run_scoped3A : memref<!tpu.dma_semaphore, #tpu.memory_space<semaphore_mem>>) src(%arg8 : memref<64x128xf32, #tpu.memory_space<vmem>>) dst(%dma_wait3A_74 : memref<64x128xf32, #tpu.memory_space<vmem_shared>>)
      tpu.yield
    }) : () -> ()
    %mul3A_19 = arith.constant 632 : i32
    %mul3A_20 = arith.muli %arg1, %mul3A_19 : i32
    %add3A_21 = arith.constant 64 : i32
    %add3A_22 = arith.addi %mul3A_20, %add3A_21 : i32
    "tpu.region"() ({
      %run_scoped3A = tpu.sem_alloc : memref<!tpu.dma_semaphore, #tpu.memory_space<semaphore_mem>>
      %dma_start3A = arith.constant 0 : i32
      %dma_start3A_69 = tpu.memref_slice %arg12[%add3A_22, %dma_start3A] : memref<10112x128xf32, #tpu.memory_space<vmem_shared>> -> memref<64x128xf32, #tpu.memory_space<vmem_shared>>
      %dma_start3A_70 = arith.constant 0 : i32
      %dma_start3A_71 = tpu.memref_slice %arg12[%add3A_22, %dma_start3A_70] : memref<10112x128xf32, #tpu.memory_space<vmem_shared>> -> memref<64x128xf32, #tpu.memory_space<vmem_shared>>
      tpu.enqueue_dma source(%arg8 : memref<64x128xf32, #tpu.memory_space<vmem>>) target(%dma_start3A_71 : memref<64x128xf32, #tpu.memory_space<vmem_shared>>) target_semaphore(%run_scoped3A : memref<!tpu.dma_semaphore, #tpu.memory_space<semaphore_mem>>)
      %dma_wait3A = arith.constant 0 : i32
      %dma_wait3A_72 = tpu.memref_slice %arg12[%add3A_22, %dma_wait3A] : memref<10112x128xf32, #tpu.memory_space<vmem_shared>> -> memref<64x128xf32, #tpu.memory_space<vmem_shared>>
      %dma_wait3A_73 = arith.constant 0 : i32
      %dma_wait3A_74 = tpu.memref_slice %arg12[%add3A_22, %dma_wait3A_73] : memref<10112x128xf32, #tpu.memory_space<vmem_shared>> -> memref<64x128xf32, #tpu.memory_space<vmem_shared>>
      tpu.wait_dma2 semaphore(%run_scoped3A : memref<!tpu.dma_semaphore, #tpu.memory_space<semaphore_mem>>) src(%arg8 : memref<64x128xf32, #tpu.memory_space<vmem>>) dst(%dma_wait3A_74 : memref<64x128xf32, #tpu.memory_space<vmem_shared>>)
      tpu.yield
    }) : () -> ()
    %mul3A_23 = arith.constant 632 : i32
    %mul3A_24 = arith.muli %arg1, %mul3A_23 : i32
    %add3A_25 = arith.constant 128 : i32
    %add3A_26 = arith.addi %mul3A_24, %add3A_25 : i32
    "tpu.region"() ({
      %run_scoped3A = tpu.sem_alloc : memref<!tpu.dma_semaphore, #tpu.memory_space<semaphore_mem>>
      %dma_start3A = arith.constant 0 : i32
      %dma_start3A_69 = tpu.memref_slice %arg12[%add3A_26, %dma_start3A] : memref<10112x128xf32, #tpu.memory_space<vmem_shared>> -> memref<64x128xf32, #tpu.memory_space<vmem_shared>>
      %dma_start3A_70 = arith.constant 0 : i32
      %dma_start3A_71 = tpu.memref_slice %arg12[%add3A_26, %dma_start3A_70] : memref<10112x128xf32, #tpu.memory_space<vmem_shared>> -> memref<64x128xf32, #tpu.memory_space<vmem_shared>>
      tpu.enqueue_dma source(%arg8 : memref<64x128xf32, #tpu.memory_space<vmem>>) target(%dma_start3A_71 : memref<64x128xf32, #tpu.memory_space<vmem_shared>>) target_semaphore(%run_scoped3A : memref<!tpu.dma_semaphore, #tpu.memory_space<semaphore_mem>>)
      %dma_wait3A = arith.constant 0 : i32
      %dma_wait3A_72 = tpu.memref_slice %arg12[%add3A_26, %dma_wait3A] : memref<10112x128xf32, #tpu.memory_space<vmem_shared>> -> memref<64x128xf32, #tpu.memory_space<vmem_shared>>
      %dma_wait3A_73 = arith.constant 0 : i32
      %dma_wait3A_74 = tpu.memref_slice %arg12[%add3A_26, %dma_wait3A_73] : memref<10112x128xf32, #tpu.memory_space<vmem_shared>> -> memref<64x128xf32, #tpu.memory_space<vmem_shared>>
      tpu.wait_dma2 semaphore(%run_scoped3A : memref<!tpu.dma_semaphore, #tpu.memory_space<semaphore_mem>>) src(%arg8 : memref<64x128xf32, #tpu.memory_space<vmem>>) dst(%dma_wait3A_74 : memref<64x128xf32, #tpu.memory_space<vmem_shared>>)
      tpu.yield
    }) : () -> ()
    %mul3A_27 = arith.constant 632 : i32
    %mul3A_28 = arith.muli %arg1, %mul3A_27 : i32
    %add3A_29 = arith.constant 192 : i32
    %add3A_30 = arith.addi %mul3A_28, %add3A_29 : i32
    "tpu.region"() ({
      %run_scoped3A = tpu.sem_alloc : memref<!tpu.dma_semaphore, #tpu.memory_space<semaphore_mem>>
      %dma_start3A = arith.constant 0 : i32
      %dma_start3A_69 = tpu.memref_slice %arg12[%add3A_30, %dma_start3A] : memref<10112x128xf32, #tpu.memory_space<vmem_shared>> -> memref<64x128xf32, #tpu.memory_space<vmem_shared>>
      %dma_start3A_70 = arith.constant 0 : i32
      %dma_start3A_71 = tpu.memref_slice %arg12[%add3A_30, %dma_start3A_70] : memref<10112x128xf32, #tpu.memory_space<vmem_shared>> -> memref<64x128xf32, #tpu.memory_space<vmem_shared>>
      tpu.enqueue_dma source(%arg8 : memref<64x128xf32, #tpu.memory_space<vmem>>) target(%dma_start3A_71 : memref<64x128xf32, #tpu.memory_space<vmem_shared>>) target_semaphore(%run_scoped3A : memref<!tpu.dma_semaphore, #tpu.memory_space<semaphore_mem>>)
      %dma_wait3A = arith.constant 0 : i32
      %dma_wait3A_72 = tpu.memref_slice %arg12[%add3A_30, %dma_wait3A] : memref<10112x128xf32, #tpu.memory_space<vmem_shared>> -> memref<64x128xf32, #tpu.memory_space<vmem_shared>>
      %dma_wait3A_73 = arith.constant 0 : i32
      %dma_wait3A_74 = tpu.memref_slice %arg12[%add3A_30, %dma_wait3A_73] : memref<10112x128xf32, #tpu.memory_space<vmem_shared>> -> memref<64x128xf32, #tpu.memory_space<vmem_shared>>
      tpu.wait_dma2 semaphore(%run_scoped3A : memref<!tpu.dma_semaphore, #tpu.memory_space<semaphore_mem>>) src(%arg8 : memref<64x128xf32, #tpu.memory_space<vmem>>) dst(%dma_wait3A_74 : memref<64x128xf32, #tpu.memory_space<vmem_shared>>)
      tpu.yield
    }) : () -> ()
    %mul3A_31 = arith.constant 632 : i32
    %mul3A_32 = arith.muli %arg1, %mul3A_31 : i32
    %add3A_33 = arith.constant 256 : i32
    %add3A_34 = arith.addi %mul3A_32, %add3A_33 : i32
    "tpu.region"() ({
      %run_scoped3A = tpu.sem_alloc : memref<!tpu.dma_semaphore, #tpu.memory_space<semaphore_mem>>
      %dma_start3A = arith.constant 0 : i32
      %dma_start3A_69 = tpu.memref_slice %arg12[%add3A_34, %dma_start3A] : memref<10112x128xf32, #tpu.memory_space<vmem_shared>> -> memref<64x128xf32, #tpu.memory_space<vmem_shared>>
      %dma_start3A_70 = arith.constant 0 : i32
      %dma_start3A_71 = tpu.memref_slice %arg12[%add3A_34, %dma_start3A_70] : memref<10112x128xf32, #tpu.memory_space<vmem_shared>> -> memref<64x128xf32, #tpu.memory_space<vmem_shared>>
      tpu.enqueue_dma source(%arg8 : memref<64x128xf32, #tpu.memory_space<vmem>>) target(%dma_start3A_71 : memref<64x128xf32, #tpu.memory_space<vmem_shared>>) target_semaphore(%run_scoped3A : memref<!tpu.dma_semaphore, #tpu.memory_space<semaphore_mem>>)
      %dma_wait3A = arith.constant 0 : i32
      %dma_wait3A_72 = tpu.memref_slice %arg12[%add3A_34, %dma_wait3A] : memref<10112x128xf32, #tpu.memory_space<vmem_shared>> -> memref<64x128xf32, #tpu.memory_space<vmem_shared>>
      %dma_wait3A_73 = arith.constant 0 : i32
      %dma_wait3A_74 = tpu.memref_slice %arg12[%add3A_34, %dma_wait3A_73] : memref<10112x128xf32, #tpu.memory_space<vmem_shared>> -> memref<64x128xf32, #tpu.memory_space<vmem_shared>>
      tpu.wait_dma2 semaphore(%run_scoped3A : memref<!tpu.dma_semaphore, #tpu.memory_space<semaphore_mem>>) src(%arg8 : memref<64x128xf32, #tpu.memory_space<vmem>>) dst(%dma_wait3A_74 : memref<64x128xf32, #tpu.memory_space<vmem_shared>>)
      tpu.yield
    }) : () -> ()
    %mul3A_35 = arith.constant 632 : i32
    %mul3A_36 = arith.muli %arg1, %mul3A_35 : i32
    %add3A_37 = arith.constant 320 : i32
    %add3A_38 = arith.addi %mul3A_36, %add3A_37 : i32
    "tpu.region"() ({
      %run_scoped3A = tpu.sem_alloc : memref<!tpu.dma_semaphore, #tpu.memory_space<semaphore_mem>>
      %dma_start3A = arith.constant 0 : i32
      %dma_start3A_69 = tpu.memref_slice %arg12[%add3A_38, %dma_start3A] : memref<10112x128xf32, #tpu.memory_space<vmem_shared>> -> memref<64x128xf32, #tpu.memory_space<vmem_shared>>
      %dma_start3A_70 = arith.constant 0 : i32
      %dma_start3A_71 = tpu.memref_slice %arg12[%add3A_38, %dma_start3A_70] : memref<10112x128xf32, #tpu.memory_space<vmem_shared>> -> memref<64x128xf32, #tpu.memory_space<vmem_shared>>
      tpu.enqueue_dma source(%arg8 : memref<64x128xf32, #tpu.memory_space<vmem>>) target(%dma_start3A_71 : memref<64x128xf32, #tpu.memory_space<vmem_shared>>) target_semaphore(%run_scoped3A : memref<!tpu.dma_semaphore, #tpu.memory_space<semaphore_mem>>)
      %dma_wait3A = arith.constant 0 : i32
      %dma_wait3A_72 = tpu.memref_slice %arg12[%add3A_38, %dma_wait3A] : memref<10112x128xf32, #tpu.memory_space<vmem_shared>> -> memref<64x128xf32, #tpu.memory_space<vmem_shared>>
      %dma_wait3A_73 = arith.constant 0 : i32
      %dma_wait3A_74 = tpu.memref_slice %arg12[%add3A_38, %dma_wait3A_73] : memref<10112x128xf32, #tpu.memory_space<vmem_shared>> -> memref<64x128xf32, #tpu.memory_space<vmem_shared>>
      tpu.wait_dma2 semaphore(%run_scoped3A : memref<!tpu.dma_semaphore, #tpu.memory_space<semaphore_mem>>) src(%arg8 : memref<64x128xf32, #tpu.memory_space<vmem>>) dst(%dma_wait3A_74 : memref<64x128xf32, #tpu.memory_space<vmem_shared>>)
      tpu.yield
    }) : () -> ()
    %mul3A_39 = arith.constant 632 : i32
    %mul3A_40 = arith.muli %arg1, %mul3A_39 : i32
    %add3A_41 = arith.constant 384 : i32
    %add3A_42 = arith.addi %mul3A_40, %add3A_41 : i32
    "tpu.region"() ({
      %run_scoped3A = tpu.sem_alloc : memref<!tpu.dma_semaphore, #tpu.memory_space<semaphore_mem>>
      %dma_start3A = arith.constant 0 : i32
      %dma_start3A_69 = tpu.memref_slice %arg12[%add3A_42, %dma_start3A] : memref<10112x128xf32, #tpu.memory_space<vmem_shared>> -> memref<64x128xf32, #tpu.memory_space<vmem_shared>>
      %dma_start3A_70 = arith.constant 0 : i32
      %dma_start3A_71 = tpu.memref_slice %arg12[%add3A_42, %dma_start3A_70] : memref<10112x128xf32, #tpu.memory_space<vmem_shared>> -> memref<64x128xf32, #tpu.memory_space<vmem_shared>>
      tpu.enqueue_dma source(%arg8 : memref<64x128xf32, #tpu.memory_space<vmem>>) target(%dma_start3A_71 : memref<64x128xf32, #tpu.memory_space<vmem_shared>>) target_semaphore(%run_scoped3A : memref<!tpu.dma_semaphore, #tpu.memory_space<semaphore_mem>>)
      %dma_wait3A = arith.constant 0 : i32
      %dma_wait3A_72 = tpu.memref_slice %arg12[%add3A_42, %dma_wait3A] : memref<10112x128xf32, #tpu.memory_space<vmem_shared>> -> memref<64x128xf32, #tpu.memory_space<vmem_shared>>
      %dma_wait3A_73 = arith.constant 0 : i32
      %dma_wait3A_74 = tpu.memref_slice %arg12[%add3A_42, %dma_wait3A_73] : memref<10112x128xf32, #tpu.memory_space<vmem_shared>> -> memref<64x128xf32, #tpu.memory_space<vmem_shared>>
      tpu.wait_dma2 semaphore(%run_scoped3A : memref<!tpu.dma_semaphore, #tpu.memory_space<semaphore_mem>>) src(%arg8 : memref<64x128xf32, #tpu.memory_space<vmem>>) dst(%dma_wait3A_74 : memref<64x128xf32, #tpu.memory_space<vmem_shared>>)
      tpu.yield
    }) : () -> ()
    %mul3A_43 = arith.constant 632 : i32
    %mul3A_44 = arith.muli %arg1, %mul3A_43 : i32
    %add3A_45 = arith.constant 448 : i32
    %add3A_46 = arith.addi %mul3A_44, %add3A_45 : i32
    "tpu.region"() ({
      %run_scoped3A = tpu.sem_alloc : memref<!tpu.dma_semaphore, #tpu.memory_space<semaphore_mem>>
      %dma_start3A = arith.constant 0 : i32
      %dma_start3A_69 = tpu.memref_slice %arg12[%add3A_46, %dma_start3A] : memref<10112x128xf32, #tpu.memory_space<vmem_shared>> -> memref<64x128xf32, #tpu.memory_space<vmem_shared>>
      %dma_start3A_70 = arith.constant 0 : i32
      %dma_start3A_71 = tpu.memref_slice %arg12[%add3A_46, %dma_start3A_70] : memref<10112x128xf32, #tpu.memory_space<vmem_shared>> -> memref<64x128xf32, #tpu.memory_space<vmem_shared>>
      tpu.enqueue_dma source(%arg8 : memref<64x128xf32, #tpu.memory_space<vmem>>) target(%dma_start3A_71 : memref<64x128xf32, #tpu.memory_space<vmem_shared>>) target_semaphore(%run_scoped3A : memref<!tpu.dma_semaphore, #tpu.memory_space<semaphore_mem>>)
      %dma_wait3A = arith.constant 0 : i32
      %dma_wait3A_72 = tpu.memref_slice %arg12[%add3A_46, %dma_wait3A] : memref<10112x128xf32, #tpu.memory_space<vmem_shared>> -> memref<64x128xf32, #tpu.memory_space<vmem_shared>>
      %dma_wait3A_73 = arith.constant 0 : i32
      %dma_wait3A_74 = tpu.memref_slice %arg12[%add3A_46, %dma_wait3A_73] : memref<10112x128xf32, #tpu.memory_space<vmem_shared>> -> memref<64x128xf32, #tpu.memory_space<vmem_shared>>
      tpu.wait_dma2 semaphore(%run_scoped3A : memref<!tpu.dma_semaphore, #tpu.memory_space<semaphore_mem>>) src(%arg8 : memref<64x128xf32, #tpu.memory_space<vmem>>) dst(%dma_wait3A_74 : memref<64x128xf32, #tpu.memory_space<vmem_shared>>)
      tpu.yield
    }) : () -> ()
    %mul3A_47 = arith.constant 632 : i32
    %mul3A_48 = arith.muli %arg1, %mul3A_47 : i32
    %add3A_49 = arith.constant 512 : i32
    %add3A_50 = arith.addi %mul3A_48, %add3A_49 : i32
    "tpu.region"() ({
      %run_scoped3A = tpu.sem_alloc : memref<!tpu.dma_semaphore, #tpu.memory_space<semaphore_mem>>
      %dma_start3A = arith.constant 0 : i32
      %dma_start3A_69 = tpu.memref_slice %arg12[%add3A_50, %dma_start3A] : memref<10112x128xf32, #tpu.memory_space<vmem_shared>> -> memref<64x128xf32, #tpu.memory_space<vmem_shared>>
      %dma_start3A_70 = arith.constant 0 : i32
      %dma_start3A_71 = tpu.memref_slice %arg12[%add3A_50, %dma_start3A_70] : memref<10112x128xf32, #tpu.memory_space<vmem_shared>> -> memref<64x128xf32, #tpu.memory_space<vmem_shared>>
      tpu.enqueue_dma source(%arg8 : memref<64x128xf32, #tpu.memory_space<vmem>>) target(%dma_start3A_71 : memref<64x128xf32, #tpu.memory_space<vmem_shared>>) target_semaphore(%run_scoped3A : memref<!tpu.dma_semaphore, #tpu.memory_space<semaphore_mem>>)
      %dma_wait3A = arith.constant 0 : i32
      %dma_wait3A_72 = tpu.memref_slice %arg12[%add3A_50, %dma_wait3A] : memref<10112x128xf32, #tpu.memory_space<vmem_shared>> -> memref<64x128xf32, #tpu.memory_space<vmem_shared>>
      %dma_wait3A_73 = arith.constant 0 : i32
      %dma_wait3A_74 = tpu.memref_slice %arg12[%add3A_50, %dma_wait3A_73] : memref<10112x128xf32, #tpu.memory_space<vmem_shared>> -> memref<64x128xf32, #tpu.memory_space<vmem_shared>>
      tpu.wait_dma2 semaphore(%run_scoped3A : memref<!tpu.dma_semaphore, #tpu.memory_space<semaphore_mem>>) src(%arg8 : memref<64x128xf32, #tpu.memory_space<vmem>>) dst(%dma_wait3A_74 : memref<64x128xf32, #tpu.memory_space<vmem_shared>>)
      tpu.yield
    }) : () -> ()
    %mul3A_51 = arith.constant 632 : i32
    %mul3A_52 = arith.muli %arg1, %mul3A_51 : i32
    %add3A_53 = arith.constant 576 : i32
    %add3A_54 = arith.addi %mul3A_52, %add3A_53 : i32
    "tpu.region"() ({
      %run_scoped3A = tpu.sem_alloc : memref<!tpu.dma_semaphore, #tpu.memory_space<semaphore_mem>>
      %dma_start3A = arith.constant 0 : i32
      %dma_start3A_69 = arith.constant 0 : i32
      %dma_start3A_70 = tpu.memref_slice %arg8[%dma_start3A, %dma_start3A_69] : memref<64x128xf32, #tpu.memory_space<vmem>> -> memref<56x128xf32, #tpu.memory_space<vmem>>
      %dma_start3A_71 = arith.constant 0 : i32
      %dma_start3A_72 = tpu.memref_slice %arg12[%add3A_54, %dma_start3A_71] : memref<10112x128xf32, #tpu.memory_space<vmem_shared>> -> memref<56x128xf32, #tpu.memory_space<vmem_shared>>
      %dma_start3A_73 = arith.constant 0 : i32
      %dma_start3A_74 = tpu.memref_slice %arg12[%add3A_54, %dma_start3A_73] : memref<10112x128xf32, #tpu.memory_space<vmem_shared>> -> memref<56x128xf32, #tpu.memory_space<vmem_shared>>
      %dma_start3A_75 = arith.constant 0 : i32
      %dma_start3A_76 = arith.constant 0 : i32
      %dma_start3A_77 = tpu.memref_slice %arg8[%dma_start3A_75, %dma_start3A_76] : memref<64x128xf32, #tpu.memory_space<vmem>> -> memref<56x128xf32, #tpu.memory_space<vmem>>
      tpu.enqueue_dma source(%dma_start3A_77 : memref<56x128xf32, #tpu.memory_space<vmem>>) target(%dma_start3A_74 : memref<56x128xf32, #tpu.memory_space<vmem_shared>>) target_semaphore(%run_scoped3A : memref<!tpu.dma_semaphore, #tpu.memory_space<semaphore_mem>>)
      %dma_wait3A = arith.constant 0 : i32
      %dma_wait3A_78 = arith.constant 0 : i32
      %dma_wait3A_79 = tpu.memref_slice %arg8[%dma_wait3A, %dma_wait3A_78] : memref<64x128xf32, #tpu.memory_space<vmem>> -> memref<56x128xf32, #tpu.memory_space<vmem>>
      %dma_wait3A_80 = arith.constant 0 : i32
      %dma_wait3A_81 = tpu.memref_slice %arg12[%add3A_54, %dma_wait3A_80] : memref<10112x128xf32, #tpu.memory_space<vmem_shared>> -> memref<56x128xf32, #tpu.memory_space<vmem_shared>>
      %dma_wait3A_82 = arith.constant 0 : i32
      %dma_wait3A_83 = tpu.memref_slice %arg12[%add3A_54, %dma_wait3A_82] : memref<10112x128xf32, #tpu.memory_space<vmem_shared>> -> memref<56x128xf32, #tpu.memory_space<vmem_shared>>
      %dma_wait3A_84 = arith.constant 0 : i32
      %dma_wait3A_85 = arith.constant 0 : i32
      %dma_wait3A_86 = tpu.memref_slice %arg8[%dma_wait3A_84, %dma_wait3A_85] : memref<64x128xf32, #tpu.memory_space<vmem>> -> memref<56x128xf32, #tpu.memory_space<vmem>>
      tpu.wait_dma2 semaphore(%run_scoped3A : memref<!tpu.dma_semaphore, #tpu.memory_space<semaphore_mem>>) src(%dma_wait3A_86 : memref<56x128xf32, #tpu.memory_space<vmem>>) dst(%dma_wait3A_83 : memref<56x128xf32, #tpu.memory_space<vmem_shared>>)
      tpu.yield
    }) : () -> ()
    %barrier3A = arith.constant 0 : index
    tpu.barrier barrier_id(%barrier3A)
    %while3A = arith.constant 0 : i32
    %while3A_55 = arith.constant 0 : i32
    %while3A_56 = arith.subi %select_n3A_2, %while3A_55 : i32
    %while3A_57 = arith.addi %while3A_55, %while3A_56 : i32
    %while3A_58 = arith.constant 1 : i32
    %while3A_59 = arith.divsi %while3A_56, %while3A_58 : i32
    %while3A_60 = arith.muli %while3A_59, %while3A_58 : i32
    %while3A_61 = arith.addi %while3A_55, %while3A_60 : i32
    %while3A_62 = arith.constant 1 : i32
    scf.for %while3A_69 = %while3A_55 to %while3A_61 step %while3A_62  : i32 {
      %mul3A_70 = arith.constant 40 : i32
      %mul3A_71 = arith.muli %while3A_69, %mul3A_70 : i32
      %add3A_72 = arith.addi %select_n3A_9, %mul3A_71 : i32
      "tpu.region"() ({
        %run_scoped3A = tpu.sem_alloc : memref<!tpu.dma_semaphore, #tpu.memory_space<semaphore_mem>>
        %dma_start3A = arith.constant 0 : i32
        %dma_start3A_79 = tpu.memref_slice %arg3[%add3A_72, %dma_start3A] : memref<5120x64xi32, #tpu.memory_space<hbm>> -> memref<40x64xi32, #tpu.memory_space<hbm>>
        %dma_start3A_80 = arith.constant 0 : i32
        %dma_start3A_81 = tpu.memref_slice %arg3[%add3A_72, %dma_start3A_80] : memref<5120x64xi32, #tpu.memory_space<hbm>> -> memref<40x64xi32, #tpu.memory_space<hbm>>
        tpu.enqueue_dma source(%dma_start3A_81 : memref<40x64xi32, #tpu.memory_space<hbm>>) target(%arg6 : memref<40x64xi32, #tpu.memory_space<vmem>>) target_semaphore(%run_scoped3A : memref<!tpu.dma_semaphore, #tpu.memory_space<semaphore_mem>>)
        %dma_wait3A = arith.constant 0 : i32
        %dma_wait3A_82 = tpu.memref_slice %arg3[%add3A_72, %dma_wait3A] : memref<5120x64xi32, #tpu.memory_space<hbm>> -> memref<40x64xi32, #tpu.memory_space<hbm>>
        %dma_wait3A_83 = arith.constant 0 : i32
        %dma_wait3A_84 = tpu.memref_slice %arg3[%add3A_72, %dma_wait3A_83] : memref<5120x64xi32, #tpu.memory_space<hbm>> -> memref<40x64xi32, #tpu.memory_space<hbm>>
        tpu.wait_dma2 semaphore(%run_scoped3A : memref<!tpu.dma_semaphore, #tpu.memory_space<semaphore_mem>>) src(%dma_wait3A_84 : memref<40x64xi32, #tpu.memory_space<hbm>>) dst(%arg6 : memref<40x64xi32, #tpu.memory_space<vmem>>)
        tpu.yield
      }) : () -> ()
      "tpu.region"() ({
        %run_scoped3A = tpu.sem_alloc : memref<!tpu.dma_semaphore, #tpu.memory_space<semaphore_mem>>
        %dma_start3A = arith.constant 0 : i32
        %dma_start3A_79 = tpu.memref_slice %arg4[%add3A_72, %dma_start3A] : memref<5120x64xi32, #tpu.memory_space<hbm>> -> memref<40x64xi32, #tpu.memory_space<hbm>>
        %dma_start3A_80 = arith.constant 0 : i32
        %dma_start3A_81 = tpu.memref_slice %arg4[%add3A_72, %dma_start3A_80] : memref<5120x64xi32, #tpu.memory_space<hbm>> -> memref<40x64xi32, #tpu.memory_space<hbm>>
        tpu.enqueue_dma source(%dma_start3A_81 : memref<40x64xi32, #tpu.memory_space<hbm>>) target(%arg7 : memref<40x64xi32, #tpu.memory_space<vmem>>) target_semaphore(%run_scoped3A : memref<!tpu.dma_semaphore, #tpu.memory_space<semaphore_mem>>)
        %dma_wait3A = arith.constant 0 : i32
        %dma_wait3A_82 = tpu.memref_slice %arg4[%add3A_72, %dma_wait3A] : memref<5120x64xi32, #tpu.memory_space<hbm>> -> memref<40x64xi32, #tpu.memory_space<hbm>>
        %dma_wait3A_83 = arith.constant 0 : i32
        %dma_wait3A_84 = tpu.memref_slice %arg4[%add3A_72, %dma_wait3A_83] : memref<5120x64xi32, #tpu.memory_space<hbm>> -> memref<40x64xi32, #tpu.memory_space<hbm>>
        tpu.wait_dma2 semaphore(%run_scoped3A : memref<!tpu.dma_semaphore, #tpu.memory_space<semaphore_mem>>) src(%dma_wait3A_84 : memref<40x64xi32, #tpu.memory_space<hbm>>) dst(%arg7 : memref<40x64xi32, #tpu.memory_space<vmem>>)
        tpu.yield
      }) : () -> ()
      %scan3A_73 = arith.constant 0 : i32
      %scan3A_74 = arith.constant 0 : i32
      %scan3A_75 = arith.constant 10 : i32
      %scan3A_76 = arith.addi %scan3A_74, %scan3A_75 : i32
      %scan3A_77 = arith.constant 1 : i32
      scf.for %scan3A_79 = %scan3A_74 to %scan3A_76 step %scan3A_77  : i32 {
        %mul3A_80 = arith.constant 4 : i32
        %mul3A_81 = arith.muli %mul3A_80, %scan3A_79 : i32
        %add3A_82 = arith.constant 0 : i32
        %add3A_83 = arith.addi %mul3A_81, %add3A_82 : i32
        %dma_start3A = arith.constant 0 : i32
        %dma_start3A_84 = tpu.memref_slice %arg6[%add3A_83, %dma_start3A] : memref<40x64xi32, #tpu.memory_space<vmem>> -> memref<1x64xi32, #tpu.memory_space<vmem>>
        %dma_start3A_85 = tpu.memref_squeeze %dma_start3A_84 : memref<1x64xi32, #tpu.memory_space<vmem>> -> memref<64xi32, #tpu.memory_space<vmem>>
        %dma_start3A_86 = arith.constant 0 : i32
        %dma_start3A_87 = arith.constant 0 : i32
        %dma_start3A_88 = tpu.memref_slice %arg2[%dma_start3A_86, %dma_start3A_87] : memref<10000x128xf32, #tpu.memory_space<hbm>> -> memref<10000x128xf32, #tpu.memory_space<hbm>>
        tpu.enqueue_indirect_dma source(%dma_start3A_88 : memref<10000x128xf32, #tpu.memory_space<hbm>>) target(%arg8 : memref<64x128xf32, #tpu.memory_space<vmem>>) offsets(%dma_start3A_85 : memref<64xi32, #tpu.memory_space<vmem>>) semaphore(%arg13 : memref<!tpu.dma_semaphore, #tpu.memory_space<semaphore_mem>>)
        %add3A_89 = arith.constant 1 : i32
        %add3A_90 = arith.addi %mul3A_81, %add3A_89 : i32
        %dma_start3A_91 = arith.constant 0 : i32
        %dma_start3A_92 = tpu.memref_slice %arg6[%add3A_90, %dma_start3A_91] : memref<40x64xi32, #tpu.memory_space<vmem>> -> memref<1x64xi32, #tpu.memory_space<vmem>>
        %dma_start3A_93 = tpu.memref_squeeze %dma_start3A_92 : memref<1x64xi32, #tpu.memory_space<vmem>> -> memref<64xi32, #tpu.memory_space<vmem>>
        %dma_start3A_94 = arith.constant 0 : i32
        %dma_start3A_95 = arith.constant 0 : i32
        %dma_start3A_96 = tpu.memref_slice %arg2[%dma_start3A_94, %dma_start3A_95] : memref<10000x128xf32, #tpu.memory_space<hbm>> -> memref<10000x128xf32, #tpu.memory_space<hbm>>
        tpu.enqueue_indirect_dma source(%dma_start3A_96 : memref<10000x128xf32, #tpu.memory_space<hbm>>) target(%arg9 : memref<64x128xf32, #tpu.memory_space<vmem>>) offsets(%dma_start3A_93 : memref<64xi32, #tpu.memory_space<vmem>>) semaphore(%arg13 : memref<!tpu.dma_semaphore, #tpu.memory_space<semaphore_mem>>)
        %add3A_97 = arith.constant 2 : i32
        %add3A_98 = arith.addi %mul3A_81, %add3A_97 : i32
        %dma_start3A_99 = arith.constant 0 : i32
        %dma_start3A_100 = tpu.memref_slice %arg6[%add3A_98, %dma_start3A_99] : memref<40x64xi32, #tpu.memory_space<vmem>> -> memref<1x64xi32, #tpu.memory_space<vmem>>
        %dma_start3A_101 = tpu.memref_squeeze %dma_start3A_100 : memref<1x64xi32, #tpu.memory_space<vmem>> -> memref<64xi32, #tpu.memory_space<vmem>>
        %dma_start3A_102 = arith.constant 0 : i32
        %dma_start3A_103 = arith.constant 0 : i32
        %dma_start3A_104 = tpu.memref_slice %arg2[%dma_start3A_102, %dma_start3A_103] : memref<10000x128xf32, #tpu.memory_space<hbm>> -> memref<10000x128xf32, #tpu.memory_space<hbm>>
        tpu.enqueue_indirect_dma source(%dma_start3A_104 : memref<10000x128xf32, #tpu.memory_space<hbm>>) target(%arg10 : memref<64x128xf32, #tpu.memory_space<vmem>>) offsets(%dma_start3A_101 : memref<64xi32, #tpu.memory_space<vmem>>) semaphore(%arg13 : memref<!tpu.dma_semaphore, #tpu.memory_space<semaphore_mem>>)
        %add3A_105 = arith.constant 3 : i32
        %add3A_106 = arith.addi %mul3A_81, %add3A_105 : i32
        %dma_start3A_107 = arith.constant 0 : i32
        %dma_start3A_108 = tpu.memref_slice %arg6[%add3A_106, %dma_start3A_107] : memref<40x64xi32, #tpu.memory_space<vmem>> -> memref<1x64xi32, #tpu.memory_space<vmem>>
        %dma_start3A_109 = tpu.memref_squeeze %dma_start3A_108 : memref<1x64xi32, #tpu.memory_space<vmem>> -> memref<64xi32, #tpu.memory_space<vmem>>
        %dma_start3A_110 = arith.constant 0 : i32
        %dma_start3A_111 = arith.constant 0 : i32
        %dma_start3A_112 = tpu.memref_slice %arg2[%dma_start3A_110, %dma_start3A_111] : memref<10000x128xf32, #tpu.memory_space<hbm>> -> memref<10000x128xf32, #tpu.memory_space<hbm>>
        tpu.enqueue_indirect_dma source(%dma_start3A_112 : memref<10000x128xf32, #tpu.memory_space<hbm>>) target(%arg11 : memref<64x128xf32, #tpu.memory_space<vmem>>) offsets(%dma_start3A_109 : memref<64xi32, #tpu.memory_space<vmem>>) semaphore(%arg13 : memref<!tpu.dma_semaphore, #tpu.memory_space<semaphore_mem>>)
        %dma_wait3A = arith.constant 0 : i32
        %dma_wait3A_113 = tpu.memref_slice %arg6[%add3A_83, %dma_wait3A] : memref<40x64xi32, #tpu.memory_space<vmem>> -> memref<1x64xi32, #tpu.memory_space<vmem>>
        %dma_wait3A_114 = tpu.memref_squeeze %dma_wait3A_113 : memref<1x64xi32, #tpu.memory_space<vmem>> -> memref<64xi32, #tpu.memory_space<vmem>>
        %dma_wait3A_115 = arith.constant 0 : i32
        %dma_wait3A_116 = arith.constant 0 : i32
        %dma_wait3A_117 = tpu.memref_slice %arg2[%dma_wait3A_115, %dma_wait3A_116] : memref<10000x128xf32, #tpu.memory_space<hbm>> -> memref<10000x128xf32, #tpu.memory_space<hbm>>
        tpu.wait_indirect_dma semaphore(%arg13 : memref<!tpu.dma_semaphore, #tpu.memory_space<semaphore_mem>>) src(%dma_wait3A_117 : memref<10000x128xf32, #tpu.memory_space<hbm>>) dst(%arg8 : memref<64x128xf32, #tpu.memory_space<vmem>>)
        %dma_wait3A_118 = arith.constant 0 : i32
        %dma_wait3A_119 = tpu.memref_slice %arg6[%add3A_90, %dma_wait3A_118] : memref<40x64xi32, #tpu.memory_space<vmem>> -> memref<1x64xi32, #tpu.memory_space<vmem>>
        %dma_wait3A_120 = tpu.memref_squeeze %dma_wait3A_119 : memref<1x64xi32, #tpu.memory_space<vmem>> -> memref<64xi32, #tpu.memory_space<vmem>>
        %dma_wait3A_121 = arith.constant 0 : i32
        %dma_wait3A_122 = arith.constant 0 : i32
        %dma_wait3A_123 = tpu.memref_slice %arg2[%dma_wait3A_121, %dma_wait3A_122] : memref<10000x128xf32, #tpu.memory_space<hbm>> -> memref<10000x128xf32, #tpu.memory_space<hbm>>
        tpu.wait_indirect_dma semaphore(%arg13 : memref<!tpu.dma_semaphore, #tpu.memory_space<semaphore_mem>>) src(%dma_wait3A_123 : memref<10000x128xf32, #tpu.memory_space<hbm>>) dst(%arg9 : memref<64x128xf32, #tpu.memory_space<vmem>>)
        %dma_wait3A_124 = arith.constant 0 : i32
        %dma_wait3A_125 = tpu.memref_slice %arg6[%add3A_98, %dma_wait3A_124] : memref<40x64xi32, #tpu.memory_space<vmem>> -> memref<1x64xi32, #tpu.memory_space<vmem>>
        %dma_wait3A_126 = tpu.memref_squeeze %dma_wait3A_125 : memref<1x64xi32, #tpu.memory_space<vmem>> -> memref<64xi32, #tpu.memory_space<vmem>>
        %dma_wait3A_127 = arith.constant 0 : i32
        %dma_wait3A_128 = arith.constant 0 : i32
        %dma_wait3A_129 = tpu.memref_slice %arg2[%dma_wait3A_127, %dma_wait3A_128] : memref<10000x128xf32, #tpu.memory_space<hbm>> -> memref<10000x128xf32, #tpu.memory_space<hbm>>
        tpu.wait_indirect_dma semaphore(%arg13 : memref<!tpu.dma_semaphore, #tpu.memory_space<semaphore_mem>>) src(%dma_wait3A_129 : memref<10000x128xf32, #tpu.memory_space<hbm>>) dst(%arg10 : memref<64x128xf32, #tpu.memory_space<vmem>>)
        %dma_wait3A_130 = arith.constant 0 : i32
        %dma_wait3A_131 = tpu.memref_slice %arg6[%add3A_106, %dma_wait3A_130] : memref<40x64xi32, #tpu.memory_space<vmem>> -> memref<1x64xi32, #tpu.memory_space<vmem>>
        %dma_wait3A_132 = tpu.memref_squeeze %dma_wait3A_131 : memref<1x64xi32, #tpu.memory_space<vmem>> -> memref<64xi32, #tpu.memory_space<vmem>>
        %dma_wait3A_133 = arith.constant 0 : i32
        %dma_wait3A_134 = arith.constant 0 : i32
        %dma_wait3A_135 = tpu.memref_slice %arg2[%dma_wait3A_133, %dma_wait3A_134] : memref<10000x128xf32, #tpu.memory_space<hbm>> -> memref<10000x128xf32, #tpu.memory_space<hbm>>
        tpu.wait_indirect_dma semaphore(%arg13 : memref<!tpu.dma_semaphore, #tpu.memory_space<semaphore_mem>>) src(%dma_wait3A_135 : memref<10000x128xf32, #tpu.memory_space<hbm>>) dst(%arg11 : memref<64x128xf32, #tpu.memory_space<vmem>>)
        %add3A_136 = arith.constant 0 : i32
        %add3A_137 = arith.addi %mul3A_81, %add3A_136 : i32
        "tpu.region"() ({
          %run_scoped3A = tpu.sem_alloc : memref<!tpu.dma_semaphore, #tpu.memory_space<semaphore_mem>>
          %dma_start3A_144 = arith.constant 0 : i32
          %dma_start3A_145 = tpu.memref_slice %arg7[%add3A_137, %dma_start3A_144] : memref<40x64xi32, #tpu.memory_space<vmem>> -> memref<1x64xi32, #tpu.memory_space<vmem>>
          %dma_start3A_146 = tpu.memref_squeeze %dma_start3A_145 : memref<1x64xi32, #tpu.memory_space<vmem>> -> memref<64xi32, #tpu.memory_space<vmem>>
          %dma_start3A_147 = arith.constant 0 : i32
          %dma_start3A_148 = arith.constant 0 : i32
          %dma_start3A_149 = tpu.memref_slice %arg12[%dma_start3A_147, %dma_start3A_148] : memref<10112x128xf32, #tpu.memory_space<vmem_shared>> -> memref<10112x128xf32, #tpu.memory_space<vmem_shared>>
          tpu.enqueue_indirect_dma source(%arg8 : memref<64x128xf32, #tpu.memory_space<vmem>>) target(%dma_start3A_149 : memref<10112x128xf32, #tpu.memory_space<vmem_shared>>) offsets(%dma_start3A_146 : memref<64xi32, #tpu.memory_space<vmem>>) semaphore(%run_scoped3A : memref<!tpu.dma_semaphore, #tpu.memory_space<semaphore_mem>>) {add = true}
          %dma_wait3A_150 = arith.constant 0 : i32
          %dma_wait3A_151 = tpu.memref_slice %arg7[%add3A_137, %dma_wait3A_150] : memref<40x64xi32, #tpu.memory_space<vmem>> -> memref<1x64xi32, #tpu.memory_space<vmem>>
          %dma_wait3A_152 = tpu.memref_squeeze %dma_wait3A_151 : memref<1x64xi32, #tpu.memory_space<vmem>> -> memref<64xi32, #tpu.memory_space<vmem>>
          %dma_wait3A_153 = arith.constant 0 : i32
          %dma_wait3A_154 = arith.constant 0 : i32
          %dma_wait3A_155 = tpu.memref_slice %arg12[%dma_wait3A_153, %dma_wait3A_154] : memref<10112x128xf32, #tpu.memory_space<vmem_shared>> -> memref<10112x128xf32, #tpu.memory_space<vmem_shared>>
          tpu.wait_indirect_dma semaphore(%run_scoped3A : memref<!tpu.dma_semaphore, #tpu.memory_space<semaphore_mem>>) src(%arg8 : memref<64x128xf32, #tpu.memory_space<vmem>>) dst(%dma_wait3A_155 : memref<10112x128xf32, #tpu.memory_space<vmem_shared>>)
          tpu.yield
        }) : () -> ()
        %add3A_138 = arith.constant 1 : i32
        %add3A_139 = arith.addi %mul3A_81, %add3A_138 : i32
        "tpu.region"() ({
          %run_scoped3A = tpu.sem_alloc : memref<!tpu.dma_semaphore, #tpu.memory_space<semaphore_mem>>
          %dma_start3A_144 = arith.constant 0 : i32
          %dma_start3A_145 = tpu.memref_slice %arg7[%add3A_139, %dma_start3A_144] : memref<40x64xi32, #tpu.memory_space<vmem>> -> memref<1x64xi32, #tpu.memory_space<vmem>>
          %dma_start3A_146 = tpu.memref_squeeze %dma_start3A_145 : memref<1x64xi32, #tpu.memory_space<vmem>> -> memref<64xi32, #tpu.memory_space<vmem>>
          %dma_start3A_147 = arith.constant 0 : i32
          %dma_start3A_148 = arith.constant 0 : i32
          %dma_start3A_149 = tpu.memref_slice %arg12[%dma_start3A_147, %dma_start3A_148] : memref<10112x128xf32, #tpu.memory_space<vmem_shared>> -> memref<10112x128xf32, #tpu.memory_space<vmem_shared>>
          tpu.enqueue_indirect_dma source(%arg9 : memref<64x128xf32, #tpu.memory_space<vmem>>) target(%dma_start3A_149 : memref<10112x128xf32, #tpu.memory_space<vmem_shared>>) offsets(%dma_start3A_146 : memref<64xi32, #tpu.memory_space<vmem>>) semaphore(%run_scoped3A : memref<!tpu.dma_semaphore, #tpu.memory_space<semaphore_mem>>) {add = true}
          %dma_wait3A_150 = arith.constant 0 : i32
          %dma_wait3A_151 = tpu.memref_slice %arg7[%add3A_139, %dma_wait3A_150] : memref<40x64xi32, #tpu.memory_space<vmem>> -> memref<1x64xi32, #tpu.memory_space<vmem>>
          %dma_wait3A_152 = tpu.memref_squeeze %dma_wait3A_151 : memref<1x64xi32, #tpu.memory_space<vmem>> -> memref<64xi32, #tpu.memory_space<vmem>>
          %dma_wait3A_153 = arith.constant 0 : i32
          %dma_wait3A_154 = arith.constant 0 : i32
          %dma_wait3A_155 = tpu.memref_slice %arg12[%dma_wait3A_153, %dma_wait3A_154] : memref<10112x128xf32, #tpu.memory_space<vmem_shared>> -> memref<10112x128xf32, #tpu.memory_space<vmem_shared>>
          tpu.wait_indirect_dma semaphore(%run_scoped3A : memref<!tpu.dma_semaphore, #tpu.memory_space<semaphore_mem>>) src(%arg9 : memref<64x128xf32, #tpu.memory_space<vmem>>) dst(%dma_wait3A_155 : memref<10112x128xf32, #tpu.memory_space<vmem_shared>>)
          tpu.yield
        }) : () -> ()
        %add3A_140 = arith.constant 2 : i32
        %add3A_141 = arith.addi %mul3A_81, %add3A_140 : i32
        "tpu.region"() ({
          %run_scoped3A = tpu.sem_alloc : memref<!tpu.dma_semaphore, #tpu.memory_space<semaphore_mem>>
          %dma_start3A_144 = arith.constant 0 : i32
          %dma_start3A_145 = tpu.memref_slice %arg7[%add3A_141, %dma_start3A_144] : memref<40x64xi32, #tpu.memory_space<vmem>> -> memref<1x64xi32, #tpu.memory_space<vmem>>
          %dma_start3A_146 = tpu.memref_squeeze %dma_start3A_145 : memref<1x64xi32, #tpu.memory_space<vmem>> -> memref<64xi32, #tpu.memory_space<vmem>>
          %dma_start3A_147 = arith.constant 0 : i32
          %dma_start3A_148 = arith.constant 0 : i32
          %dma_start3A_149 = tpu.memref_slice %arg12[%dma_start3A_147, %dma_start3A_148] : memref<10112x128xf32, #tpu.memory_space<vmem_shared>> -> memref<10112x128xf32, #tpu.memory_space<vmem_shared>>
          tpu.enqueue_indirect_dma source(%arg10 : memref<64x128xf32, #tpu.memory_space<vmem>>) target(%dma_start3A_149 : memref<10112x128xf32, #tpu.memory_space<vmem_shared>>) offsets(%dma_start3A_146 : memref<64xi32, #tpu.memory_space<vmem>>) semaphore(%run_scoped3A : memref<!tpu.dma_semaphore, #tpu.memory_space<semaphore_mem>>) {add = true}
          %dma_wait3A_150 = arith.constant 0 : i32
          %dma_wait3A_151 = tpu.memref_slice %arg7[%add3A_141, %dma_wait3A_150] : memref<40x64xi32, #tpu.memory_space<vmem>> -> memref<1x64xi32, #tpu.memory_space<vmem>>
          %dma_wait3A_152 = tpu.memref_squeeze %dma_wait3A_151 : memref<1x64xi32, #tpu.memory_space<vmem>> -> memref<64xi32, #tpu.memory_space<vmem>>
          %dma_wait3A_153 = arith.constant 0 : i32
          %dma_wait3A_154 = arith.constant 0 : i32
          %dma_wait3A_155 = tpu.memref_slice %arg12[%dma_wait3A_153, %dma_wait3A_154] : memref<10112x128xf32, #tpu.memory_space<vmem_shared>> -> memref<10112x128xf32, #tpu.memory_space<vmem_shared>>
          tpu.wait_indirect_dma semaphore(%run_scoped3A : memref<!tpu.dma_semaphore, #tpu.memory_space<semaphore_mem>>) src(%arg10 : memref<64x128xf32, #tpu.memory_space<vmem>>) dst(%dma_wait3A_155 : memref<10112x128xf32, #tpu.memory_space<vmem_shared>>)
          tpu.yield
        }) : () -> ()
        %add3A_142 = arith.constant 3 : i32
        %add3A_143 = arith.addi %mul3A_81, %add3A_142 : i32
        "tpu.region"() ({
          %run_scoped3A = tpu.sem_alloc : memref<!tpu.dma_semaphore, #tpu.memory_space<semaphore_mem>>
          %dma_start3A_144 = arith.constant 0 : i32
          %dma_start3A_145 = tpu.memref_slice %arg7[%add3A_143, %dma_start3A_144] : memref<40x64xi32, #tpu.memory_space<vmem>> -> memref<1x64xi32, #tpu.memory_space<vmem>>
          %dma_start3A_146 = tpu.memref_squeeze %dma_start3A_145 : memref<1x64xi32, #tpu.memory_space<vmem>> -> memref<64xi32, #tpu.memory_space<vmem>>
          %dma_start3A_147 = arith.constant 0 : i32
          %dma_start3A_148 = arith.constant 0 : i32
          %dma_start3A_149 = tpu.memref_slice %arg12[%dma_start3A_147, %dma_start3A_148] : memref<10112x128xf32, #tpu.memory_space<vmem_shared>> -> memref<10112x128xf32, #tpu.memory_space<vmem_shared>>
          tpu.enqueue_indirect_dma source(%arg11 : memref<64x128xf32, #tpu.memory_space<vmem>>) target(%dma_start3A_149 : memref<10112x128xf32, #tpu.memory_space<vmem_shared>>) offsets(%dma_start3A_146 : memref<64xi32, #tpu.memory_space<vmem>>) semaphore(%run_scoped3A : memref<!tpu.dma_semaphore, #tpu.memory_space<semaphore_mem>>) {add = true}
          %dma_wait3A_150 = arith.constant 0 : i32
          %dma_wait3A_151 = tpu.memref_slice %arg7[%add3A_143, %dma_wait3A_150] : memref<40x64xi32, #tpu.memory_space<vmem>> -> memref<1x64xi32, #tpu.memory_space<vmem>>
          %dma_wait3A_152 = tpu.memref_squeeze %dma_wait3A_151 : memref<1x64xi32, #tpu.memory_space<vmem>> -> memref<64xi32, #tpu.memory_space<vmem>>
          %dma_wait3A_153 = arith.constant 0 : i32
          %dma_wait3A_154 = arith.constant 0 : i32
          %dma_wait3A_155 = tpu.memref_slice %arg12[%dma_wait3A_153, %dma_wait3A_154] : memref<10112x128xf32, #tpu.memory_space<vmem_shared>> -> memref<10112x128xf32, #tpu.memory_space<vmem_shared>>
          tpu.wait_indirect_dma semaphore(%run_scoped3A : memref<!tpu.dma_semaphore, #tpu.memory_space<semaphore_mem>>) src(%arg11 : memref<64x128xf32, #tpu.memory_space<vmem>>) dst(%dma_wait3A_155 : memref<10112x128xf32, #tpu.memory_space<vmem_shared>>)
          tpu.yield
        }) : () -> ()
      }
      %scan3A_78 = arith.constant 10 : i32
    }
    %while3A_63 = arith.constant 1 : i32
    scf.for %while3A_69 = %while3A_61 to %while3A_57 step %while3A_63  : i32 {
      %mul3A_70 = arith.constant 40 : i32
      %mul3A_71 = arith.muli %while3A_69, %mul3A_70 : i32
      %add3A_72 = arith.addi %select_n3A_9, %mul3A_71 : i32
      "tpu.region"() ({
        %run_scoped3A = tpu.sem_alloc : memref<!tpu.dma_semaphore, #tpu.memory_space<semaphore_mem>>
        %dma_start3A = arith.constant 0 : i32
        %dma_start3A_79 = tpu.memref_slice %arg3[%add3A_72, %dma_start3A] : memref<5120x64xi32, #tpu.memory_space<hbm>> -> memref<40x64xi32, #tpu.memory_space<hbm>>
        %dma_start3A_80 = arith.constant 0 : i32
        %dma_start3A_81 = tpu.memref_slice %arg3[%add3A_72, %dma_start3A_80] : memref<5120x64xi32, #tpu.memory_space<hbm>> -> memref<40x64xi32, #tpu.memory_space<hbm>>
        tpu.enqueue_dma source(%dma_start3A_81 : memref<40x64xi32, #tpu.memory_space<hbm>>) target(%arg6 : memref<40x64xi32, #tpu.memory_space<vmem>>) target_semaphore(%run_scoped3A : memref<!tpu.dma_semaphore, #tpu.memory_space<semaphore_mem>>)
        %dma_wait3A = arith.constant 0 : i32
        %dma_wait3A_82 = tpu.memref_slice %arg3[%add3A_72, %dma_wait3A] : memref<5120x64xi32, #tpu.memory_space<hbm>> -> memref<40x64xi32, #tpu.memory_space<hbm>>
        %dma_wait3A_83 = arith.constant 0 : i32
        %dma_wait3A_84 = tpu.memref_slice %arg3[%add3A_72, %dma_wait3A_83] : memref<5120x64xi32, #tpu.memory_space<hbm>> -> memref<40x64xi32, #tpu.memory_space<hbm>>
        tpu.wait_dma2 semaphore(%run_scoped3A : memref<!tpu.dma_semaphore, #tpu.memory_space<semaphore_mem>>) src(%dma_wait3A_84 : memref<40x64xi32, #tpu.memory_space<hbm>>) dst(%arg6 : memref<40x64xi32, #tpu.memory_space<vmem>>)
        tpu.yield
      }) : () -> ()
      "tpu.region"() ({
        %run_scoped3A = tpu.sem_alloc : memref<!tpu.dma_semaphore, #tpu.memory_space<semaphore_mem>>
        %dma_start3A = arith.constant 0 : i32
        %dma_start3A_79 = tpu.memref_slice %arg4[%add3A_72, %dma_start3A] : memref<5120x64xi32, #tpu.memory_space<hbm>> -> memref<40x64xi32, #tpu.memory_space<hbm>>
        %dma_start3A_80 = arith.constant 0 : i32
        %dma_start3A_81 = tpu.memref_slice %arg4[%add3A_72, %dma_start3A_80] : memref<5120x64xi32, #tpu.memory_space<hbm>> -> memref<40x64xi32, #tpu.memory_space<hbm>>
        tpu.enqueue_dma source(%dma_start3A_81 : memref<40x64xi32, #tpu.memory_space<hbm>>) target(%arg7 : memref<40x64xi32, #tpu.memory_space<vmem>>) target_semaphore(%run_scoped3A : memref<!tpu.dma_semaphore, #tpu.memory_space<semaphore_mem>>)
        %dma_wait3A = arith.constant 0 : i32
        %dma_wait3A_82 = tpu.memref_slice %arg4[%add3A_72, %dma_wait3A] : memref<5120x64xi32, #tpu.memory_space<hbm>> -> memref<40x64xi32, #tpu.memory_space<hbm>>
        %dma_wait3A_83 = arith.constant 0 : i32
        %dma_wait3A_84 = tpu.memref_slice %arg4[%add3A_72, %dma_wait3A_83] : memref<5120x64xi32, #tpu.memory_space<hbm>> -> memref<40x64xi32, #tpu.memory_space<hbm>>
        tpu.wait_dma2 semaphore(%run_scoped3A : memref<!tpu.dma_semaphore, #tpu.memory_space<semaphore_mem>>) src(%dma_wait3A_84 : memref<40x64xi32, #tpu.memory_space<hbm>>) dst(%arg7 : memref<40x64xi32, #tpu.memory_space<vmem>>)
        tpu.yield
      }) : () -> ()
      %scan3A_73 = arith.constant 0 : i32
      %scan3A_74 = arith.constant 0 : i32
      %scan3A_75 = arith.constant 10 : i32
      %scan3A_76 = arith.addi %scan3A_74, %scan3A_75 : i32
      %scan3A_77 = arith.constant 1 : i32
      scf.for %scan3A_79 = %scan3A_74 to %scan3A_76 step %scan3A_77  : i32 {
        %mul3A_80 = arith.constant 4 : i32
        %mul3A_81 = arith.muli %mul3A_80, %scan3A_79 : i32
        %add3A_82 = arith.constant 0 : i32
        %add3A_83 = arith.addi %mul3A_81, %add3A_82 : i32
        %dma_start3A = arith.constant 0 : i32
        %dma_start3A_84 = tpu.memref_slice %arg6[%add3A_83, %dma_start3A] : memref<40x64xi32, #tpu.memory_space<vmem>> -> memref<1x64xi32, #tpu.memory_space<vmem>>
        %dma_start3A_85 = tpu.memref_squeeze %dma_start3A_84 : memref<1x64xi32, #tpu.memory_space<vmem>> -> memref<64xi32, #tpu.memory_space<vmem>>
        %dma_start3A_86 = arith.constant 0 : i32
        %dma_start3A_87 = arith.constant 0 : i32
        %dma_start3A_88 = tpu.memref_slice %arg2[%dma_start3A_86, %dma_start3A_87] : memref<10000x128xf32, #tpu.memory_space<hbm>> -> memref<10000x128xf32, #tpu.memory_space<hbm>>
        tpu.enqueue_indirect_dma source(%dma_start3A_88 : memref<10000x128xf32, #tpu.memory_space<hbm>>) target(%arg8 : memref<64x128xf32, #tpu.memory_space<vmem>>) offsets(%dma_start3A_85 : memref<64xi32, #tpu.memory_space<vmem>>) semaphore(%arg13 : memref<!tpu.dma_semaphore, #tpu.memory_space<semaphore_mem>>)
        %add3A_89 = arith.constant 1 : i32
        %add3A_90 = arith.addi %mul3A_81, %add3A_89 : i32
        %dma_start3A_91 = arith.constant 0 : i32
        %dma_start3A_92 = tpu.memref_slice %arg6[%add3A_90, %dma_start3A_91] : memref<40x64xi32, #tpu.memory_space<vmem>> -> memref<1x64xi32, #tpu.memory_space<vmem>>
        %dma_start3A_93 = tpu.memref_squeeze %dma_start3A_92 : memref<1x64xi32, #tpu.memory_space<vmem>> -> memref<64xi32, #tpu.memory_space<vmem>>
        %dma_start3A_94 = arith.constant 0 : i32
        %dma_start3A_95 = arith.constant 0 : i32
        %dma_start3A_96 = tpu.memref_slice %arg2[%dma_start3A_94, %dma_start3A_95] : memref<10000x128xf32, #tpu.memory_space<hbm>> -> memref<10000x128xf32, #tpu.memory_space<hbm>>
        tpu.enqueue_indirect_dma source(%dma_start3A_96 : memref<10000x128xf32, #tpu.memory_space<hbm>>) target(%arg9 : memref<64x128xf32, #tpu.memory_space<vmem>>) offsets(%dma_start3A_93 : memref<64xi32, #tpu.memory_space<vmem>>) semaphore(%arg13 : memref<!tpu.dma_semaphore, #tpu.memory_space<semaphore_mem>>)
        %add3A_97 = arith.constant 2 : i32
        %add3A_98 = arith.addi %mul3A_81, %add3A_97 : i32
        %dma_start3A_99 = arith.constant 0 : i32
        %dma_start3A_100 = tpu.memref_slice %arg6[%add3A_98, %dma_start3A_99] : memref<40x64xi32, #tpu.memory_space<vmem>> -> memref<1x64xi32, #tpu.memory_space<vmem>>
        %dma_start3A_101 = tpu.memref_squeeze %dma_start3A_100 : memref<1x64xi32, #tpu.memory_space<vmem>> -> memref<64xi32, #tpu.memory_space<vmem>>
        %dma_start3A_102 = arith.constant 0 : i32
        %dma_start3A_103 = arith.constant 0 : i32
        %dma_start3A_104 = tpu.memref_slice %arg2[%dma_start3A_102, %dma_start3A_103] : memref<10000x128xf32, #tpu.memory_space<hbm>> -> memref<10000x128xf32, #tpu.memory_space<hbm>>
        tpu.enqueue_indirect_dma source(%dma_start3A_104 : memref<10000x128xf32, #tpu.memory_space<hbm>>) target(%arg10 : memref<64x128xf32, #tpu.memory_space<vmem>>) offsets(%dma_start3A_101 : memref<64xi32, #tpu.memory_space<vmem>>) semaphore(%arg13 : memref<!tpu.dma_semaphore, #tpu.memory_space<semaphore_mem>>)
        %add3A_105 = arith.constant 3 : i32
        %add3A_106 = arith.addi %mul3A_81, %add3A_105 : i32
        %dma_start3A_107 = arith.constant 0 : i32
        %dma_start3A_108 = tpu.memref_slice %arg6[%add3A_106, %dma_start3A_107] : memref<40x64xi32, #tpu.memory_space<vmem>> -> memref<1x64xi32, #tpu.memory_space<vmem>>
        %dma_start3A_109 = tpu.memref_squeeze %dma_start3A_108 : memref<1x64xi32, #tpu.memory_space<vmem>> -> memref<64xi32, #tpu.memory_space<vmem>>
        %dma_start3A_110 = arith.constant 0 : i32
        %dma_start3A_111 = arith.constant 0 : i32
        %dma_start3A_112 = tpu.memref_slice %arg2[%dma_start3A_110, %dma_start3A_111] : memref<10000x128xf32, #tpu.memory_space<hbm>> -> memref<10000x128xf32, #tpu.memory_space<hbm>>
        tpu.enqueue_indirect_dma source(%dma_start3A_112 : memref<10000x128xf32, #tpu.memory_space<hbm>>) target(%arg11 : memref<64x128xf32, #tpu.memory_space<vmem>>) offsets(%dma_start3A_109 : memref<64xi32, #tpu.memory_space<vmem>>) semaphore(%arg13 : memref<!tpu.dma_semaphore, #tpu.memory_space<semaphore_mem>>)
        %dma_wait3A = arith.constant 0 : i32
        %dma_wait3A_113 = tpu.memref_slice %arg6[%add3A_83, %dma_wait3A] : memref<40x64xi32, #tpu.memory_space<vmem>> -> memref<1x64xi32, #tpu.memory_space<vmem>>
        %dma_wait3A_114 = tpu.memref_squeeze %dma_wait3A_113 : memref<1x64xi32, #tpu.memory_space<vmem>> -> memref<64xi32, #tpu.memory_space<vmem>>
        %dma_wait3A_115 = arith.constant 0 : i32
        %dma_wait3A_116 = arith.constant 0 : i32
        %dma_wait3A_117 = tpu.memref_slice %arg2[%dma_wait3A_115, %dma_wait3A_116] : memref<10000x128xf32, #tpu.memory_space<hbm>> -> memref<10000x128xf32, #tpu.memory_space<hbm>>
        tpu.wait_indirect_dma semaphore(%arg13 : memref<!tpu.dma_semaphore, #tpu.memory_space<semaphore_mem>>) src(%dma_wait3A_117 : memref<10000x128xf32, #tpu.memory_space<hbm>>) dst(%arg8 : memref<64x128xf32, #tpu.memory_space<vmem>>)
        %dma_wait3A_118 = arith.constant 0 : i32
        %dma_wait3A_119 = tpu.memref_slice %arg6[%add3A_90, %dma_wait3A_118] : memref<40x64xi32, #tpu.memory_space<vmem>> -> memref<1x64xi32, #tpu.memory_space<vmem>>
        %dma_wait3A_120 = tpu.memref_squeeze %dma_wait3A_119 : memref<1x64xi32, #tpu.memory_space<vmem>> -> memref<64xi32, #tpu.memory_space<vmem>>
        %dma_wait3A_121 = arith.constant 0 : i32
        %dma_wait3A_122 = arith.constant 0 : i32
        %dma_wait3A_123 = tpu.memref_slice %arg2[%dma_wait3A_121, %dma_wait3A_122] : memref<10000x128xf32, #tpu.memory_space<hbm>> -> memref<10000x128xf32, #tpu.memory_space<hbm>>
        tpu.wait_indirect_dma semaphore(%arg13 : memref<!tpu.dma_semaphore, #tpu.memory_space<semaphore_mem>>) src(%dma_wait3A_123 : memref<10000x128xf32, #tpu.memory_space<hbm>>) dst(%arg9 : memref<64x128xf32, #tpu.memory_space<vmem>>)
        %dma_wait3A_124 = arith.constant 0 : i32
        %dma_wait3A_125 = tpu.memref_slice %arg6[%add3A_98, %dma_wait3A_124] : memref<40x64xi32, #tpu.memory_space<vmem>> -> memref<1x64xi32, #tpu.memory_space<vmem>>
        %dma_wait3A_126 = tpu.memref_squeeze %dma_wait3A_125 : memref<1x64xi32, #tpu.memory_space<vmem>> -> memref<64xi32, #tpu.memory_space<vmem>>
        %dma_wait3A_127 = arith.constant 0 : i32
        %dma_wait3A_128 = arith.constant 0 : i32
        %dma_wait3A_129 = tpu.memref_slice %arg2[%dma_wait3A_127, %dma_wait3A_128] : memref<10000x128xf32, #tpu.memory_space<hbm>> -> memref<10000x128xf32, #tpu.memory_space<hbm>>
        tpu.wait_indirect_dma semaphore(%arg13 : memref<!tpu.dma_semaphore, #tpu.memory_space<semaphore_mem>>) src(%dma_wait3A_129 : memref<10000x128xf32, #tpu.memory_space<hbm>>) dst(%arg10 : memref<64x128xf32, #tpu.memory_space<vmem>>)
        %dma_wait3A_130 = arith.constant 0 : i32
        %dma_wait3A_131 = tpu.memref_slice %arg6[%add3A_106, %dma_wait3A_130] : memref<40x64xi32, #tpu.memory_space<vmem>> -> memref<1x64xi32, #tpu.memory_space<vmem>>
        %dma_wait3A_132 = tpu.memref_squeeze %dma_wait3A_131 : memref<1x64xi32, #tpu.memory_space<vmem>> -> memref<64xi32, #tpu.memory_space<vmem>>
        %dma_wait3A_133 = arith.constant 0 : i32
        %dma_wait3A_134 = arith.constant 0 : i32
        %dma_wait3A_135 = tpu.memref_slice %arg2[%dma_wait3A_133, %dma_wait3A_134] : memref<10000x128xf32, #tpu.memory_space<hbm>> -> memref<10000x128xf32, #tpu.memory_space<hbm>>
        tpu.wait_indirect_dma semaphore(%arg13 : memref<!tpu.dma_semaphore, #tpu.memory_space<semaphore_mem>>) src(%dma_wait3A_135 : memref<10000x128xf32, #tpu.memory_space<hbm>>) dst(%arg11 : memref<64x128xf32, #tpu.memory_space<vmem>>)
        %add3A_136 = arith.constant 0 : i32
        %add3A_137 = arith.addi %mul3A_81, %add3A_136 : i32
        "tpu.region"() ({
          %run_scoped3A = tpu.sem_alloc : memref<!tpu.dma_semaphore, #tpu.memory_space<semaphore_mem>>
          %dma_start3A_144 = arith.constant 0 : i32
          %dma_start3A_145 = tpu.memref_slice %arg7[%add3A_137, %dma_start3A_144] : memref<40x64xi32, #tpu.memory_space<vmem>> -> memref<1x64xi32, #tpu.memory_space<vmem>>
          %dma_start3A_146 = tpu.memref_squeeze %dma_start3A_145 : memref<1x64xi32, #tpu.memory_space<vmem>> -> memref<64xi32, #tpu.memory_space<vmem>>
          %dma_start3A_147 = arith.constant 0 : i32
          %dma_start3A_148 = arith.constant 0 : i32
          %dma_start3A_149 = tpu.memref_slice %arg12[%dma_start3A_147, %dma_start3A_148] : memref<10112x128xf32, #tpu.memory_space<vmem_shared>> -> memref<10112x128xf32, #tpu.memory_space<vmem_shared>>
          tpu.enqueue_indirect_dma source(%arg8 : memref<64x128xf32, #tpu.memory_space<vmem>>) target(%dma_start3A_149 : memref<10112x128xf32, #tpu.memory_space<vmem_shared>>) offsets(%dma_start3A_146 : memref<64xi32, #tpu.memory_space<vmem>>) semaphore(%run_scoped3A : memref<!tpu.dma_semaphore, #tpu.memory_space<semaphore_mem>>) {add = true}
          %dma_wait3A_150 = arith.constant 0 : i32
          %dma_wait3A_151 = tpu.memref_slice %arg7[%add3A_137, %dma_wait3A_150] : memref<40x64xi32, #tpu.memory_space<vmem>> -> memref<1x64xi32, #tpu.memory_space<vmem>>
          %dma_wait3A_152 = tpu.memref_squeeze %dma_wait3A_151 : memref<1x64xi32, #tpu.memory_space<vmem>> -> memref<64xi32, #tpu.memory_space<vmem>>
          %dma_wait3A_153 = arith.constant 0 : i32
          %dma_wait3A_154 = arith.constant 0 : i32
          %dma_wait3A_155 = tpu.memref_slice %arg12[%dma_wait3A_153, %dma_wait3A_154] : memref<10112x128xf32, #tpu.memory_space<vmem_shared>> -> memref<10112x128xf32, #tpu.memory_space<vmem_shared>>
          tpu.wait_indirect_dma semaphore(%run_scoped3A : memref<!tpu.dma_semaphore, #tpu.memory_space<semaphore_mem>>) src(%arg8 : memref<64x128xf32, #tpu.memory_space<vmem>>) dst(%dma_wait3A_155 : memref<10112x128xf32, #tpu.memory_space<vmem_shared>>)
          tpu.yield
        }) : () -> ()
        %add3A_138 = arith.constant 1 : i32
        %add3A_139 = arith.addi %mul3A_81, %add3A_138 : i32
        "tpu.region"() ({
          %run_scoped3A = tpu.sem_alloc : memref<!tpu.dma_semaphore, #tpu.memory_space<semaphore_mem>>
          %dma_start3A_144 = arith.constant 0 : i32
          %dma_start3A_145 = tpu.memref_slice %arg7[%add3A_139, %dma_start3A_144] : memref<40x64xi32, #tpu.memory_space<vmem>> -> memref<1x64xi32, #tpu.memory_space<vmem>>
          %dma_start3A_146 = tpu.memref_squeeze %dma_start3A_145 : memref<1x64xi32, #tpu.memory_space<vmem>> -> memref<64xi32, #tpu.memory_space<vmem>>
          %dma_start3A_147 = arith.constant 0 : i32
          %dma_start3A_148 = arith.constant 0 : i32
          %dma_start3A_149 = tpu.memref_slice %arg12[%dma_start3A_147, %dma_start3A_148] : memref<10112x128xf32, #tpu.memory_space<vmem_shared>> -> memref<10112x128xf32, #tpu.memory_space<vmem_shared>>
          tpu.enqueue_indirect_dma source(%arg9 : memref<64x128xf32, #tpu.memory_space<vmem>>) target(%dma_start3A_149 : memref<10112x128xf32, #tpu.memory_space<vmem_shared>>) offsets(%dma_start3A_146 : memref<64xi32, #tpu.memory_space<vmem>>) semaphore(%run_scoped3A : memref<!tpu.dma_semaphore, #tpu.memory_space<semaphore_mem>>) {add = true}
          %dma_wait3A_150 = arith.constant 0 : i32
          %dma_wait3A_151 = tpu.memref_slice %arg7[%add3A_139, %dma_wait3A_150] : memref<40x64xi32, #tpu.memory_space<vmem>> -> memref<1x64xi32, #tpu.memory_space<vmem>>
          %dma_wait3A_152 = tpu.memref_squeeze %dma_wait3A_151 : memref<1x64xi32, #tpu.memory_space<vmem>> -> memref<64xi32, #tpu.memory_space<vmem>>
          %dma_wait3A_153 = arith.constant 0 : i32
          %dma_wait3A_154 = arith.constant 0 : i32
          %dma_wait3A_155 = tpu.memref_slice %arg12[%dma_wait3A_153, %dma_wait3A_154] : memref<10112x128xf32, #tpu.memory_space<vmem_shared>> -> memref<10112x128xf32, #tpu.memory_space<vmem_shared>>
          tpu.wait_indirect_dma semaphore(%run_scoped3A : memref<!tpu.dma_semaphore, #tpu.memory_space<semaphore_mem>>) src(%arg9 : memref<64x128xf32, #tpu.memory_space<vmem>>) dst(%dma_wait3A_155 : memref<10112x128xf32, #tpu.memory_space<vmem_shared>>)
          tpu.yield
        }) : () -> ()
        %add3A_140 = arith.constant 2 : i32
        %add3A_141 = arith.addi %mul3A_81, %add3A_140 : i32
        "tpu.region"() ({
          %run_scoped3A = tpu.sem_alloc : memref<!tpu.dma_semaphore, #tpu.memory_space<semaphore_mem>>
          %dma_start3A_144 = arith.constant 0 : i32
          %dma_start3A_145 = tpu.memref_slice %arg7[%add3A_141, %dma_start3A_144] : memref<40x64xi32, #tpu.memory_space<vmem>> -> memref<1x64xi32, #tpu.memory_space<vmem>>
          %dma_start3A_146 = tpu.memref_squeeze %dma_start3A_145 : memref<1x64xi32, #tpu.memory_space<vmem>> -> memref<64xi32, #tpu.memory_space<vmem>>
          %dma_start3A_147 = arith.constant 0 : i32
          %dma_start3A_148 = arith.constant 0 : i32
          %dma_start3A_149 = tpu.memref_slice %arg12[%dma_start3A_147, %dma_start3A_148] : memref<10112x128xf32, #tpu.memory_space<vmem_shared>> -> memref<10112x128xf32, #tpu.memory_space<vmem_shared>>
          tpu.enqueue_indirect_dma source(%arg10 : memref<64x128xf32, #tpu.memory_space<vmem>>) target(%dma_start3A_149 : memref<10112x128xf32, #tpu.memory_space<vmem_shared>>) offsets(%dma_start3A_146 : memref<64xi32, #tpu.memory_space<vmem>>) semaphore(%run_scoped3A : memref<!tpu.dma_semaphore, #tpu.memory_space<semaphore_mem>>) {add = true}
          %dma_wait3A_150 = arith.constant 0 : i32
          %dma_wait3A_151 = tpu.memref_slice %arg7[%add3A_141, %dma_wait3A_150] : memref<40x64xi32, #tpu.memory_space<vmem>> -> memref<1x64xi32, #tpu.memory_space<vmem>>
          %dma_wait3A_152 = tpu.memref_squeeze %dma_wait3A_151 : memref<1x64xi32, #tpu.memory_space<vmem>> -> memref<64xi32, #tpu.memory_space<vmem>>
          %dma_wait3A_153 = arith.constant 0 : i32
          %dma_wait3A_154 = arith.constant 0 : i32
          %dma_wait3A_155 = tpu.memref_slice %arg12[%dma_wait3A_153, %dma_wait3A_154] : memref<10112x128xf32, #tpu.memory_space<vmem_shared>> -> memref<10112x128xf32, #tpu.memory_space<vmem_shared>>
          tpu.wait_indirect_dma semaphore(%run_scoped3A : memref<!tpu.dma_semaphore, #tpu.memory_space<semaphore_mem>>) src(%arg10 : memref<64x128xf32, #tpu.memory_space<vmem>>) dst(%dma_wait3A_155 : memref<10112x128xf32, #tpu.memory_space<vmem_shared>>)
          tpu.yield
        }) : () -> ()
        %add3A_142 = arith.constant 3 : i32
        %add3A_143 = arith.addi %mul3A_81, %add3A_142 : i32
        "tpu.region"() ({
          %run_scoped3A = tpu.sem_alloc : memref<!tpu.dma_semaphore, #tpu.memory_space<semaphore_mem>>
          %dma_start3A_144 = arith.constant 0 : i32
          %dma_start3A_145 = tpu.memref_slice %arg7[%add3A_143, %dma_start3A_144] : memref<40x64xi32, #tpu.memory_space<vmem>> -> memref<1x64xi32, #tpu.memory_space<vmem>>
          %dma_start3A_146 = tpu.memref_squeeze %dma_start3A_145 : memref<1x64xi32, #tpu.memory_space<vmem>> -> memref<64xi32, #tpu.memory_space<vmem>>
          %dma_start3A_147 = arith.constant 0 : i32
          %dma_start3A_148 = arith.constant 0 : i32
          %dma_start3A_149 = tpu.memref_slice %arg12[%dma_start3A_147, %dma_start3A_148] : memref<10112x128xf32, #tpu.memory_space<vmem_shared>> -> memref<10112x128xf32, #tpu.memory_space<vmem_shared>>
          tpu.enqueue_indirect_dma source(%arg11 : memref<64x128xf32, #tpu.memory_space<vmem>>) target(%dma_start3A_149 : memref<10112x128xf32, #tpu.memory_space<vmem_shared>>) offsets(%dma_start3A_146 : memref<64xi32, #tpu.memory_space<vmem>>) semaphore(%run_scoped3A : memref<!tpu.dma_semaphore, #tpu.memory_space<semaphore_mem>>) {add = true}
          %dma_wait3A_150 = arith.constant 0 : i32
          %dma_wait3A_151 = tpu.memref_slice %arg7[%add3A_143, %dma_wait3A_150] : memref<40x64xi32, #tpu.memory_space<vmem>> -> memref<1x64xi32, #tpu.memory_space<vmem>>
          %dma_wait3A_152 = tpu.memref_squeeze %dma_wait3A_151 : memref<1x64xi32, #tpu.memory_space<vmem>> -> memref<64xi32, #tpu.memory_space<vmem>>
          %dma_wait3A_153 = arith.constant 0 : i32
          %dma_wait3A_154 = arith.constant 0 : i32
          %dma_wait3A_155 = tpu.memref_slice %arg12[%dma_wait3A_153, %dma_wait3A_154] : memref<10112x128xf32, #tpu.memory_space<vmem_shared>> -> memref<10112x128xf32, #tpu.memory_space<vmem_shared>>
          tpu.wait_indirect_dma semaphore(%run_scoped3A : memref<!tpu.dma_semaphore, #tpu.memory_space<semaphore_mem>>) src(%arg11 : memref<64x128xf32, #tpu.memory_space<vmem>>) dst(%dma_wait3A_155 : memref<10112x128xf32, #tpu.memory_space<vmem_shared>>)
          tpu.yield
        }) : () -> ()
      }
      %scan3A_78 = arith.constant 10 : i32
    }
    %barrier3A_64 = arith.constant 0 : index
    tpu.barrier barrier_id(%barrier3A_64)
    %mul3A_65 = arith.constant 632 : i32
    %mul3A_66 = arith.muli %arg1, %mul3A_65 : i32
    %mul3A_67 = arith.constant 632 : i32
    %mul3A_68 = arith.muli %arg1, %mul3A_67 : i32
    "tpu.region"() ({
      %run_scoped3A = tpu.sem_alloc : memref<!tpu.dma_semaphore, #tpu.memory_space<semaphore_mem>>
      %dma_start3A = arith.constant 0 : i32
      %dma_start3A_69 = tpu.memref_slice %arg5[%arg0, %mul3A_68, %dma_start3A] : memref<2x10112x128xf32, #tpu.memory_space<hbm>> -> memref<1x632x128xf32, #tpu.memory_space<hbm>>
      %dma_start3A_70 = tpu.memref_squeeze %dma_start3A_69 : memref<1x632x128xf32, #tpu.memory_space<hbm>> -> memref<632x128xf32, #tpu.memory_space<hbm>>
      %dma_start3A_71 = arith.constant 0 : i32
      %dma_start3A_72 = tpu.memref_slice %arg12[%mul3A_66, %dma_start3A_71] : memref<10112x128xf32, #tpu.memory_space<vmem_shared>> -> memref<632x128xf32, #tpu.memory_space<vmem_shared>>
      tpu.enqueue_dma source(%dma_start3A_72 : memref<632x128xf32, #tpu.memory_space<vmem_shared>>) target(%dma_start3A_70 : memref<632x128xf32, #tpu.memory_space<hbm>>) target_semaphore(%run_scoped3A : memref<!tpu.dma_semaphore, #tpu.memory_space<semaphore_mem>>)
      %dma_wait3A = arith.constant 0 : i32
      %dma_wait3A_73 = tpu.memref_slice %arg5[%arg0, %mul3A_68, %dma_wait3A] : memref<2x10112x128xf32, #tpu.memory_space<hbm>> -> memref<1x632x128xf32, #tpu.memory_space<hbm>>
      %dma_wait3A_74 = tpu.memref_squeeze %dma_wait3A_73 : memref<1x632x128xf32, #tpu.memory_space<hbm>> -> memref<632x128xf32, #tpu.memory_space<hbm>>
      %dma_wait3A_75 = arith.constant 0 : i32
      %dma_wait3A_76 = tpu.memref_slice %arg12[%mul3A_66, %dma_wait3A_75] : memref<10112x128xf32, #tpu.memory_space<vmem_shared>> -> memref<632x128xf32, #tpu.memory_space<vmem_shared>>
      tpu.wait_dma2 semaphore(%run_scoped3A : memref<!tpu.dma_semaphore, #tpu.memory_space<semaphore_mem>>) src(%dma_wait3A_76 : memref<632x128xf32, #tpu.memory_space<vmem_shared>>) dst(%dma_wait3A_74 : memref<632x128xf32, #tpu.memory_space<hbm>>)
      tpu.yield
    }) : () -> ()
    return
  }
}

#map = affine_map<(d0, d1) -> (0, 0)>
#map1 = affine_map<(d0, d1) -> (0, 0, 0)>
module attributes {stable_mosaic.version = 14 : i64} {
  func.func @_edge_sum_kernel(%arg0: i32, %arg1: i32, %arg2: memref<10000x128xf32, #tpu.memory_space<hbm>>, %arg3: memref<5120x64xi32, #tpu.memory_space<hbm>>, %arg4: memref<5120x64xi32, #tpu.memory_space<hbm>>, %arg5: memref<2x10112x128xf32, #tpu.memory_space<hbm>>, %arg6: memref<40x64xi32, #tpu.memory_space<vmem>>, %arg7: memref<40x64xi32, #tpu.memory_space<vmem>>, %arg8: memref<64x128xf32, #tpu.memory_space<vmem>>, %arg9: memref<64x128xf32, #tpu.memory_space<vmem>>, %arg10: memref<64x128xf32, #tpu.memory_space<vmem>>, %arg11: memref<64x128xf32, #tpu.memory_space<vmem>>, %arg12: memref<10112x128xf32, #tpu.memory_space<vmem_shared>>, %arg13: memref<!tpu.dma_semaphore, #tpu.memory_space<semaphore_mem>>) attributes {dimension_semantics = [#tpu.dimension_semantics<core_parallel>, #tpu.dimension_semantics<subcore_parallel>], iteration_bounds = array<i64: 2, 16>, scalar_prefetch = 0 : i64, scratch_operands = 8 : i64, tpu.core_type = #tpu.core_type<sc_vector_subcore>, window_params = [{transform_indices = #map}, {transform_indices = #map}, {transform_indices = #map}, {transform_indices = #map1}]} {
    %eq3A = arith.constant 0 : i32
    %eq3A_0 = arith.cmpi eq, %arg0, %eq3A : i32
    %select_n3A = arith.constant 2 : i32
    %select_n3A_1 = arith.constant 6 : i32
    %select_n3A_2 = arith.select %eq3A_0, %select_n3A_1, %select_n3A : i32
    %eq3A_3 = arith.constant 0 : i32
    %eq3A_4 = arith.cmpi eq, %arg0, %eq3A_3 : i32
    %mul3A = arith.constant 240 : i32
    %mul3A_5 = arith.muli %arg1, %mul3A : i32
    %mul3A_6 = arith.constant 80 : i32
    %mul3A_7 = arith.muli %arg1, %mul3A_6 : i32
    %add3A = arith.constant 3840 : i32
    %add3A_8 = arith.addi %add3A, %mul3A_7 : i32
    %select_n3A_9 = arith.select %eq3A_4, %mul3A_5, %add3A_8 : i32
    %scan3A = arith.constant 0 : i32
    %scan3A_10 = arith.constant 0 : i32
    %scan3A_11 = arith.constant 64 : i32
    %scan3A_12 = arith.addi %scan3A_10, %scan3A_11 : i32
    %scan3A_13 = arith.constant 1 : i32
    scf.for %scan3A_69 = %scan3A_10 to %scan3A_12 step %scan3A_13  : i32 {
      %broadcast_in_dim3A = arith.constant 0.000000e+00 : f32
      %broadcast_in_dim3A_70 = vector.broadcast %broadcast_in_dim3A : f32 to vector<16xf32>
      %swap3A = arith.index_cast %scan3A_69 : i32 to index
      %swap3A_71 = arith.constant 0 : index
      %swap3A_72 = tpu.vector_load %arg8[%swap3A, %swap3A_71] {strides = array<i32>} : memref<64x128xf32, #tpu.memory_space<vmem>>, vector<1x16xf32>,
      %swap3A_73 = vector.shape_cast %swap3A_72 : vector<1x16xf32> to vector<16xf32>
      %swap3A_74 = vector.shape_cast %broadcast_in_dim3A_70 : vector<16xf32> to vector<1x16xf32>
      tpu.vector_store %arg8[%swap3A, %swap3A_71], %swap3A_74 {strides = array<i32>} : memref<64x128xf32, #tpu.memory_space<vmem>>, vector<1x16xf32>,
      %broadcast_in_dim3A_75 = arith.constant 0.000000e+00 : f32
      %broadcast_in_dim3A_76 = vector.broadcast %broadcast_in_dim3A_75 : f32 to vector<16xf32>
      %swap3A_77 = arith.index_cast %scan3A_69 : i32 to index
      %swap3A_78 = arith.constant 16 : index
      %swap3A_79 = tpu.vector_load %arg8[%swap3A_77, %swap3A_78] {strides = array<i32>} : memref<64x128xf32, #tpu.memory_space<vmem>>, vector<1x16xf32>,
      %swap3A_80 = vector.shape_cast %swap3A_79 : vector<1x16xf32> to vector<16xf32>
      %swap3A_81 = vector.shape_cast %broadcast_in_dim3A_76 : vector<16xf32> to vector<1x16xf32>
      tpu.vector_store %arg8[%swap3A_77, %swap3A_78], %swap3A_81 {strides = array<i32>} : memref<64x128xf32, #tpu.memory_space<vmem>>, vector<1x16xf32>,
      %broadcast_in_dim3A_82 = arith.constant 0.000000e+00 : f32
      %broadcast_in_dim3A_83 = vector.broadcast %broadcast_in_dim3A_82 : f32 to vector<16xf32>
      %swap3A_84 = arith.index_cast %scan3A_69 : i32 to index
      %swap3A_85 = arith.constant 32 : index
      %swap3A_86 = tpu.vector_load %arg8[%swap3A_84, %swap3A_85] {strides = array<i32>} : memref<64x128xf32, #tpu.memory_space<vmem>>, vector<1x16xf32>,
      %swap3A_87 = vector.shape_cast %swap3A_86 : vector<1x16xf32> to vector<16xf32>
      %swap3A_88 = vector.shape_cast %broadcast_in_dim3A_83 : vector<16xf32> to vector<1x16xf32>
      tpu.vector_store %arg8[%swap3A_84, %swap3A_85], %swap3A_88 {strides = array<i32>} : memref<64x128xf32, #tpu.memory_space<vmem>>, vector<1x16xf32>,
      %broadcast_in_dim3A_89 = arith.constant 0.000000e+00 : f32
      %broadcast_in_dim3A_90 = vector.broadcast %broadcast_in_dim3A_89 : f32 to vector<16xf32>
      %swap3A_91 = arith.index_cast %scan3A_69 : i32 to index
      %swap3A_92 = arith.constant 48 : index
      %swap3A_93 = tpu.vector_load %arg8[%swap3A_91, %swap3A_92] {strides = array<i32>} : memref<64x128xf32, #tpu.memory_space<vmem>>, vector<1x16xf32>,
      %swap3A_94 = vector.shape_cast %swap3A_93 : vector<1x16xf32> to vector<16xf32>
      %swap3A_95 = vector.shape_cast %broadcast_in_dim3A_90 : vector<16xf32> to vector<1x16xf32>
      tpu.vector_store %arg8[%swap3A_91, %swap3A_92], %swap3A_95 {strides = array<i32>} : memref<64x128xf32, #tpu.memory_space<vmem>>, vector<1x16xf32>,
      %broadcast_in_dim3A_96 = arith.constant 0.000000e+00 : f32
      %broadcast_in_dim3A_97 = vector.broadcast %broadcast_in_dim3A_96 : f32 to vector<16xf32>
      %swap3A_98 = arith.index_cast %scan3A_69 : i32 to index
      %swap3A_99 = arith.constant 64 : index
      %swap3A_100 = tpu.vector_load %arg8[%swap3A_98, %swap3A_99] {strides = array<i32>} : memref<64x128xf32, #tpu.memory_space<vmem>>, vector<1x16xf32>,
      %swap3A_101 = vector.shape_cast %swap3A_100 : vector<1x16xf32> to vector<16xf32>
      %swap3A_102 = vector.shape_cast %broadcast_in_dim3A_97 : vector<16xf32> to vector<1x16xf32>
      tpu.vector_store %arg8[%swap3A_98, %swap3A_99], %swap3A_102 {strides = array<i32>} : memref<64x128xf32, #tpu.memory_space<vmem>>, vector<1x16xf32>,
      %broadcast_in_dim3A_103 = arith.constant 0.000000e+00 : f32
      %broadcast_in_dim3A_104 = vector.broadcast %broadcast_in_dim3A_103 : f32 to vector<16xf32>
      %swap3A_105 = arith.index_cast %scan3A_69 : i32 to index
      %swap3A_106 = arith.constant 80 : index
      %swap3A_107 = tpu.vector_load %arg8[%swap3A_105, %swap3A_106] {strides = array<i32>} : memref<64x128xf32, #tpu.memory_space<vmem>>, vector<1x16xf32>,
      %swap3A_108 = vector.shape_cast %swap3A_107 : vector<1x16xf32> to vector<16xf32>
      %swap3A_109 = vector.shape_cast %broadcast_in_dim3A_104 : vector<16xf32> to vector<1x16xf32>
      tpu.vector_store %arg8[%swap3A_105, %swap3A_106], %swap3A_109 {strides = array<i32>} : memref<64x128xf32, #tpu.memory_space<vmem>>, vector<1x16xf32>,
      %broadcast_in_dim3A_110 = arith.constant 0.000000e+00 : f32
      %broadcast_in_dim3A_111 = vector.broadcast %broadcast_in_dim3A_110 : f32 to vector<16xf32>
      %swap3A_112 = arith.index_cast %scan3A_69 : i32 to index
      %swap3A_113 = arith.constant 96 : index
      %swap3A_114 = tpu.vector_load %arg8[%swap3A_112, %swap3A_113] {strides = array<i32>} : memref<64x128xf32, #tpu.memory_space<vmem>>, vector<1x16xf32>,
      %swap3A_115 = vector.shape_cast %swap3A_114 : vector<1x16xf32> to vector<16xf32>
      %swap3A_116 = vector.shape_cast %broadcast_in_dim3A_111 : vector<16xf32> to vector<1x16xf32>
      tpu.vector_store %arg8[%swap3A_112, %swap3A_113], %swap3A_116 {strides = array<i32>} : memref<64x128xf32, #tpu.memory_space<vmem>>, vector<1x16xf32>,
      %broadcast_in_dim3A_117 = arith.constant 0.000000e+00 : f32
      %broadcast_in_dim3A_118 = vector.broadcast %broadcast_in_dim3A_117 : f32 to vector<16xf32>
      %swap3A_119 = arith.index_cast %scan3A_69 : i32 to index
      %swap3A_120 = arith.constant 112 : index
      %swap3A_121 = tpu.vector_load %arg8[%swap3A_119, %swap3A_120] {strides = array<i32>} : memref<64x128xf32, #tpu.memory_space<vmem>>, vector<1x16xf32>,
      %swap3A_122 = vector.shape_cast %swap3A_121 : vector<1x16xf32> to vector<16xf32>
      %swap3A_123 = vector.shape_cast %broadcast_in_dim3A_118 : vector<16xf32> to vector<1x16xf32>
      tpu.vector_store %arg8[%swap3A_119, %swap3A_120], %swap3A_123 {strides = array<i32>} : memref<64x128xf32, #tpu.memory_space<vmem>>, vector<1x16xf32>,
    }
    %scan3A_14 = arith.constant 64 : i32
    %mul3A_15 = arith.constant 632 : i32
    %mul3A_16 = arith.muli %arg1, %mul3A_15 : i32
    %add3A_17 = arith.constant 0 : i32
    %add3A_18 = arith.addi %mul3A_16, %add3A_17 : i32
    "tpu.region"() ({
      %run_scoped3A = tpu.sem_alloc : memref<!tpu.dma_semaphore, #tpu.memory_space<semaphore_mem>>
      %dma_start3A = arith.constant 0 : i32
      %dma_start3A_69 = tpu.memref_slice %arg12[%add3A_18, %dma_start3A] : memref<10112x128xf32, #tpu.memory_space<vmem_shared>> -> memref<64x128xf32, #tpu.memory_space<vmem_shared>>
      %dma_start3A_70 = arith.constant 0 : i32
      %dma_start3A_71 = tpu.memref_slice %arg12[%add3A_18, %dma_start3A_70] : memref<10112x128xf32, #tpu.memory_space<vmem_shared>> -> memref<64x128xf32, #tpu.memory_space<vmem_shared>>
      tpu.enqueue_dma source(%arg8 : memref<64x128xf32, #tpu.memory_space<vmem>>) target(%dma_start3A_71 : memref<64x128xf32, #tpu.memory_space<vmem_shared>>) target_semaphore(%run_scoped3A : memref<!tpu.dma_semaphore, #tpu.memory_space<semaphore_mem>>)
      %dma_wait3A = arith.constant 0 : i32
      %dma_wait3A_72 = tpu.memref_slice %arg12[%add3A_18, %dma_wait3A] : memref<10112x128xf32, #tpu.memory_space<vmem_shared>> -> memref<64x128xf32, #tpu.memory_space<vmem_shared>>
      %dma_wait3A_73 = arith.constant 0 : i32
      %dma_wait3A_74 = tpu.memref_slice %arg12[%add3A_18, %dma_wait3A_73] : memref<10112x128xf32, #tpu.memory_space<vmem_shared>> -> memref<64x128xf32, #tpu.memory_space<vmem_shared>>
      tpu.wait_dma2 semaphore(%run_scoped3A : memref<!tpu.dma_semaphore, #tpu.memory_space<semaphore_mem>>) src(%arg8 : memref<64x128xf32, #tpu.memory_space<vmem>>) dst(%dma_wait3A_74 : memref<64x128xf32, #tpu.memory_space<vmem_shared>>)
      tpu.yield
    }) : () -> ()
    %mul3A_19 = arith.constant 632 : i32
    %mul3A_20 = arith.muli %arg1, %mul3A_19 : i32
    %add3A_21 = arith.constant 64 : i32
    %add3A_22 = arith.addi %mul3A_20, %add3A_21 : i32
    "tpu.region"() ({
      %run_scoped3A = tpu.sem_alloc : memref<!tpu.dma_semaphore, #tpu.memory_space<semaphore_mem>>
      %dma_start3A = arith.constant 0 : i32
      %dma_start3A_69 = tpu.memref_slice %arg12[%add3A_22, %dma_start3A] : memref<10112x128xf32, #tpu.memory_space<vmem_shared>> -> memref<64x128xf32, #tpu.memory_space<vmem_shared>>
      %dma_start3A_70 = arith.constant 0 : i32
      %dma_start3A_71 = tpu.memref_slice %arg12[%add3A_22, %dma_start3A_70] : memref<10112x128xf32, #tpu.memory_space<vmem_shared>> -> memref<64x128xf32, #tpu.memory_space<vmem_shared>>
      tpu.enqueue_dma source(%arg8 : memref<64x128xf32, #tpu.memory_space<vmem>>) target(%dma_start3A_71 : memref<64x128xf32, #tpu.memory_space<vmem_shared>>) target_semaphore(%run_scoped3A : memref<!tpu.dma_semaphore, #tpu.memory_space<semaphore_mem>>)
      %dma_wait3A = arith.constant 0 : i32
      %dma_wait3A_72 = tpu.memref_slice %arg12[%add3A_22, %dma_wait3A] : memref<10112x128xf32, #tpu.memory_space<vmem_shared>> -> memref<64x128xf32, #tpu.memory_space<vmem_shared>>
      %dma_wait3A_73 = arith.constant 0 : i32
      %dma_wait3A_74 = tpu.memref_slice %arg12[%add3A_22, %dma_wait3A_73] : memref<10112x128xf32, #tpu.memory_space<vmem_shared>> -> memref<64x128xf32, #tpu.memory_space<vmem_shared>>
      tpu.wait_dma2 semaphore(%run_scoped3A : memref<!tpu.dma_semaphore, #tpu.memory_space<semaphore_mem>>) src(%arg8 : memref<64x128xf32, #tpu.memory_space<vmem>>) dst(%dma_wait3A_74 : memref<64x128xf32, #tpu.memory_space<vmem_shared>>)
      tpu.yield
    }) : () -> ()
    %mul3A_23 = arith.constant 632 : i32
    %mul3A_24 = arith.muli %arg1, %mul3A_23 : i32
    %add3A_25 = arith.constant 128 : i32
    %add3A_26 = arith.addi %mul3A_24, %add3A_25 : i32
    "tpu.region"() ({
      %run_scoped3A = tpu.sem_alloc : memref<!tpu.dma_semaphore, #tpu.memory_space<semaphore_mem>>
      %dma_start3A = arith.constant 0 : i32
      %dma_start3A_69 = tpu.memref_slice %arg12[%add3A_26, %dma_start3A] : memref<10112x128xf32, #tpu.memory_space<vmem_shared>> -> memref<64x128xf32, #tpu.memory_space<vmem_shared>>
      %dma_start3A_70 = arith.constant 0 : i32
      %dma_start3A_71 = tpu.memref_slice %arg12[%add3A_26, %dma_start3A_70] : memref<10112x128xf32, #tpu.memory_space<vmem_shared>> -> memref<64x128xf32, #tpu.memory_space<vmem_shared>>
      tpu.enqueue_dma source(%arg8 : memref<64x128xf32, #tpu.memory_space<vmem>>) target(%dma_start3A_71 : memref<64x128xf32, #tpu.memory_space<vmem_shared>>) target_semaphore(%run_scoped3A : memref<!tpu.dma_semaphore, #tpu.memory_space<semaphore_mem>>)
      %dma_wait3A = arith.constant 0 : i32
      %dma_wait3A_72 = tpu.memref_slice %arg12[%add3A_26, %dma_wait3A] : memref<10112x128xf32, #tpu.memory_space<vmem_shared>> -> memref<64x128xf32, #tpu.memory_space<vmem_shared>>
      %dma_wait3A_73 = arith.constant 0 : i32
      %dma_wait3A_74 = tpu.memref_slice %arg12[%add3A_26, %dma_wait3A_73] : memref<10112x128xf32, #tpu.memory_space<vmem_shared>> -> memref<64x128xf32, #tpu.memory_space<vmem_shared>>
      tpu.wait_dma2 semaphore(%run_scoped3A : memref<!tpu.dma_semaphore, #tpu.memory_space<semaphore_mem>>) src(%arg8 : memref<64x128xf32, #tpu.memory_space<vmem>>) dst(%dma_wait3A_74 : memref<64x128xf32, #tpu.memory_space<vmem_shared>>)
      tpu.yield
    }) : () -> ()
    %mul3A_27 = arith.constant 632 : i32
    %mul3A_28 = arith.muli %arg1, %mul3A_27 : i32
    %add3A_29 = arith.constant 192 : i32
    %add3A_30 = arith.addi %mul3A_28, %add3A_29 : i32
    "tpu.region"() ({
      %run_scoped3A = tpu.sem_alloc : memref<!tpu.dma_semaphore, #tpu.memory_space<semaphore_mem>>
      %dma_start3A = arith.constant 0 : i32
      %dma_start3A_69 = tpu.memref_slice %arg12[%add3A_30, %dma_start3A] : memref<10112x128xf32, #tpu.memory_space<vmem_shared>> -> memref<64x128xf32, #tpu.memory_space<vmem_shared>>
      %dma_start3A_70 = arith.constant 0 : i32
      %dma_start3A_71 = tpu.memref_slice %arg12[%add3A_30, %dma_start3A_70] : memref<10112x128xf32, #tpu.memory_space<vmem_shared>> -> memref<64x128xf32, #tpu.memory_space<vmem_shared>>
      tpu.enqueue_dma source(%arg8 : memref<64x128xf32, #tpu.memory_space<vmem>>) target(%dma_start3A_71 : memref<64x128xf32, #tpu.memory_space<vmem_shared>>) target_semaphore(%run_scoped3A : memref<!tpu.dma_semaphore, #tpu.memory_space<semaphore_mem>>)
      %dma_wait3A = arith.constant 0 : i32
      %dma_wait3A_72 = tpu.memref_slice %arg12[%add3A_30, %dma_wait3A] : memref<10112x128xf32, #tpu.memory_space<vmem_shared>> -> memref<64x128xf32, #tpu.memory_space<vmem_shared>>
      %dma_wait3A_73 = arith.constant 0 : i32
      %dma_wait3A_74 = tpu.memref_slice %arg12[%add3A_30, %dma_wait3A_73] : memref<10112x128xf32, #tpu.memory_space<vmem_shared>> -> memref<64x128xf32, #tpu.memory_space<vmem_shared>>
      tpu.wait_dma2 semaphore(%run_scoped3A : memref<!tpu.dma_semaphore, #tpu.memory_space<semaphore_mem>>) src(%arg8 : memref<64x128xf32, #tpu.memory_space<vmem>>) dst(%dma_wait3A_74 : memref<64x128xf32, #tpu.memory_space<vmem_shared>>)
      tpu.yield
    }) : () -> ()
    %mul3A_31 = arith.constant 632 : i32
    %mul3A_32 = arith.muli %arg1, %mul3A_31 : i32
    %add3A_33 = arith.constant 256 : i32
    %add3A_34 = arith.addi %mul3A_32, %add3A_33 : i32
    "tpu.region"() ({
      %run_scoped3A = tpu.sem_alloc : memref<!tpu.dma_semaphore, #tpu.memory_space<semaphore_mem>>
      %dma_start3A = arith.constant 0 : i32
      %dma_start3A_69 = tpu.memref_slice %arg12[%add3A_34, %dma_start3A] : memref<10112x128xf32, #tpu.memory_space<vmem_shared>> -> memref<64x128xf32, #tpu.memory_space<vmem_shared>>
      %dma_start3A_70 = arith.constant 0 : i32
      %dma_start3A_71 = tpu.memref_slice %arg12[%add3A_34, %dma_start3A_70] : memref<10112x128xf32, #tpu.memory_space<vmem_shared>> -> memref<64x128xf32, #tpu.memory_space<vmem_shared>>
      tpu.enqueue_dma source(%arg8 : memref<64x128xf32, #tpu.memory_space<vmem>>) target(%dma_start3A_71 : memref<64x128xf32, #tpu.memory_space<vmem_shared>>) target_semaphore(%run_scoped3A : memref<!tpu.dma_semaphore, #tpu.memory_space<semaphore_mem>>)
      %dma_wait3A = arith.constant 0 : i32
      %dma_wait3A_72 = tpu.memref_slice %arg12[%add3A_34, %dma_wait3A] : memref<10112x128xf32, #tpu.memory_space<vmem_shared>> -> memref<64x128xf32, #tpu.memory_space<vmem_shared>>
      %dma_wait3A_73 = arith.constant 0 : i32
      %dma_wait3A_74 = tpu.memref_slice %arg12[%add3A_34, %dma_wait3A_73] : memref<10112x128xf32, #tpu.memory_space<vmem_shared>> -> memref<64x128xf32, #tpu.memory_space<vmem_shared>>
      tpu.wait_dma2 semaphore(%run_scoped3A : memref<!tpu.dma_semaphore, #tpu.memory_space<semaphore_mem>>) src(%arg8 : memref<64x128xf32, #tpu.memory_space<vmem>>) dst(%dma_wait3A_74 : memref<64x128xf32, #tpu.memory_space<vmem_shared>>)
      tpu.yield
    }) : () -> ()
    %mul3A_35 = arith.constant 632 : i32
    %mul3A_36 = arith.muli %arg1, %mul3A_35 : i32
    %add3A_37 = arith.constant 320 : i32
    %add3A_38 = arith.addi %mul3A_36, %add3A_37 : i32
    "tpu.region"() ({
      %run_scoped3A = tpu.sem_alloc : memref<!tpu.dma_semaphore, #tpu.memory_space<semaphore_mem>>
      %dma_start3A = arith.constant 0 : i32
      %dma_start3A_69 = tpu.memref_slice %arg12[%add3A_38, %dma_start3A] : memref<10112x128xf32, #tpu.memory_space<vmem_shared>> -> memref<64x128xf32, #tpu.memory_space<vmem_shared>>
      %dma_start3A_70 = arith.constant 0 : i32
      %dma_start3A_71 = tpu.memref_slice %arg12[%add3A_38, %dma_start3A_70] : memref<10112x128xf32, #tpu.memory_space<vmem_shared>> -> memref<64x128xf32, #tpu.memory_space<vmem_shared>>
      tpu.enqueue_dma source(%arg8 : memref<64x128xf32, #tpu.memory_space<vmem>>) target(%dma_start3A_71 : memref<64x128xf32, #tpu.memory_space<vmem_shared>>) target_semaphore(%run_scoped3A : memref<!tpu.dma_semaphore, #tpu.memory_space<semaphore_mem>>)
      %dma_wait3A = arith.constant 0 : i32
      %dma_wait3A_72 = tpu.memref_slice %arg12[%add3A_38, %dma_wait3A] : memref<10112x128xf32, #tpu.memory_space<vmem_shared>> -> memref<64x128xf32, #tpu.memory_space<vmem_shared>>
      %dma_wait3A_73 = arith.constant 0 : i32
      %dma_wait3A_74 = tpu.memref_slice %arg12[%add3A_38, %dma_wait3A_73] : memref<10112x128xf32, #tpu.memory_space<vmem_shared>> -> memref<64x128xf32, #tpu.memory_space<vmem_shared>>
      tpu.wait_dma2 semaphore(%run_scoped3A : memref<!tpu.dma_semaphore, #tpu.memory_space<semaphore_mem>>) src(%arg8 : memref<64x128xf32, #tpu.memory_space<vmem>>) dst(%dma_wait3A_74 : memref<64x128xf32, #tpu.memory_space<vmem_shared>>)
      tpu.yield
    }) : () -> ()
    %mul3A_39 = arith.constant 632 : i32
    %mul3A_40 = arith.muli %arg1, %mul3A_39 : i32
    %add3A_41 = arith.constant 384 : i32
    %add3A_42 = arith.addi %mul3A_40, %add3A_41 : i32
    "tpu.region"() ({
      %run_scoped3A = tpu.sem_alloc : memref<!tpu.dma_semaphore, #tpu.memory_space<semaphore_mem>>
      %dma_start3A = arith.constant 0 : i32
      %dma_start3A_69 = tpu.memref_slice %arg12[%add3A_42, %dma_start3A] : memref<10112x128xf32, #tpu.memory_space<vmem_shared>> -> memref<64x128xf32, #tpu.memory_space<vmem_shared>>
      %dma_start3A_70 = arith.constant 0 : i32
      %dma_start3A_71 = tpu.memref_slice %arg12[%add3A_42, %dma_start3A_70] : memref<10112x128xf32, #tpu.memory_space<vmem_shared>> -> memref<64x128xf32, #tpu.memory_space<vmem_shared>>
      tpu.enqueue_dma source(%arg8 : memref<64x128xf32, #tpu.memory_space<vmem>>) target(%dma_start3A_71 : memref<64x128xf32, #tpu.memory_space<vmem_shared>>) target_semaphore(%run_scoped3A : memref<!tpu.dma_semaphore, #tpu.memory_space<semaphore_mem>>)
      %dma_wait3A = arith.constant 0 : i32
      %dma_wait3A_72 = tpu.memref_slice %arg12[%add3A_42, %dma_wait3A] : memref<10112x128xf32, #tpu.memory_space<vmem_shared>> -> memref<64x128xf32, #tpu.memory_space<vmem_shared>>
      %dma_wait3A_73 = arith.constant 0 : i32
      %dma_wait3A_74 = tpu.memref_slice %arg12[%add3A_42, %dma_wait3A_73] : memref<10112x128xf32, #tpu.memory_space<vmem_shared>> -> memref<64x128xf32, #tpu.memory_space<vmem_shared>>
      tpu.wait_dma2 semaphore(%run_scoped3A : memref<!tpu.dma_semaphore, #tpu.memory_space<semaphore_mem>>) src(%arg8 : memref<64x128xf32, #tpu.memory_space<vmem>>) dst(%dma_wait3A_74 : memref<64x128xf32, #tpu.memory_space<vmem_shared>>)
      tpu.yield
    }) : () -> ()
    %mul3A_43 = arith.constant 632 : i32
    %mul3A_44 = arith.muli %arg1, %mul3A_43 : i32
    %add3A_45 = arith.constant 448 : i32
    %add3A_46 = arith.addi %mul3A_44, %add3A_45 : i32
    "tpu.region"() ({
      %run_scoped3A = tpu.sem_alloc : memref<!tpu.dma_semaphore, #tpu.memory_space<semaphore_mem>>
      %dma_start3A = arith.constant 0 : i32
      %dma_start3A_69 = tpu.memref_slice %arg12[%add3A_46, %dma_start3A] : memref<10112x128xf32, #tpu.memory_space<vmem_shared>> -> memref<64x128xf32, #tpu.memory_space<vmem_shared>>
      %dma_start3A_70 = arith.constant 0 : i32
      %dma_start3A_71 = tpu.memref_slice %arg12[%add3A_46, %dma_start3A_70] : memref<10112x128xf32, #tpu.memory_space<vmem_shared>> -> memref<64x128xf32, #tpu.memory_space<vmem_shared>>
      tpu.enqueue_dma source(%arg8 : memref<64x128xf32, #tpu.memory_space<vmem>>) target(%dma_start3A_71 : memref<64x128xf32, #tpu.memory_space<vmem_shared>>) target_semaphore(%run_scoped3A : memref<!tpu.dma_semaphore, #tpu.memory_space<semaphore_mem>>)
      %dma_wait3A = arith.constant 0 : i32
      %dma_wait3A_72 = tpu.memref_slice %arg12[%add3A_46, %dma_wait3A] : memref<10112x128xf32, #tpu.memory_space<vmem_shared>> -> memref<64x128xf32, #tpu.memory_space<vmem_shared>>
      %dma_wait3A_73 = arith.constant 0 : i32
      %dma_wait3A_74 = tpu.memref_slice %arg12[%add3A_46, %dma_wait3A_73] : memref<10112x128xf32, #tpu.memory_space<vmem_shared>> -> memref<64x128xf32, #tpu.memory_space<vmem_shared>>
      tpu.wait_dma2 semaphore(%run_scoped3A : memref<!tpu.dma_semaphore, #tpu.memory_space<semaphore_mem>>) src(%arg8 : memref<64x128xf32, #tpu.memory_space<vmem>>) dst(%dma_wait3A_74 : memref<64x128xf32, #tpu.memory_space<vmem_shared>>)
      tpu.yield
    }) : () -> ()
    %mul3A_47 = arith.constant 632 : i32
    %mul3A_48 = arith.muli %arg1, %mul3A_47 : i32
    %add3A_49 = arith.constant 512 : i32
    %add3A_50 = arith.addi %mul3A_48, %add3A_49 : i32
    "tpu.region"() ({
      %run_scoped3A = tpu.sem_alloc : memref<!tpu.dma_semaphore, #tpu.memory_space<semaphore_mem>>
      %dma_start3A = arith.constant 0 : i32
      %dma_start3A_69 = tpu.memref_slice %arg12[%add3A_50, %dma_start3A] : memref<10112x128xf32, #tpu.memory_space<vmem_shared>> -> memref<64x128xf32, #tpu.memory_space<vmem_shared>>
      %dma_start3A_70 = arith.constant 0 : i32
      %dma_start3A_71 = tpu.memref_slice %arg12[%add3A_50, %dma_start3A_70] : memref<10112x128xf32, #tpu.memory_space<vmem_shared>> -> memref<64x128xf32, #tpu.memory_space<vmem_shared>>
      tpu.enqueue_dma source(%arg8 : memref<64x128xf32, #tpu.memory_space<vmem>>) target(%dma_start3A_71 : memref<64x128xf32, #tpu.memory_space<vmem_shared>>) target_semaphore(%run_scoped3A : memref<!tpu.dma_semaphore, #tpu.memory_space<semaphore_mem>>)
      %dma_wait3A = arith.constant 0 : i32
      %dma_wait3A_72 = tpu.memref_slice %arg12[%add3A_50, %dma_wait3A] : memref<10112x128xf32, #tpu.memory_space<vmem_shared>> -> memref<64x128xf32, #tpu.memory_space<vmem_shared>>
      %dma_wait3A_73 = arith.constant 0 : i32
      %dma_wait3A_74 = tpu.memref_slice %arg12[%add3A_50, %dma_wait3A_73] : memref<10112x128xf32, #tpu.memory_space<vmem_shared>> -> memref<64x128xf32, #tpu.memory_space<vmem_shared>>
      tpu.wait_dma2 semaphore(%run_scoped3A : memref<!tpu.dma_semaphore, #tpu.memory_space<semaphore_mem>>) src(%arg8 : memref<64x128xf32, #tpu.memory_space<vmem>>) dst(%dma_wait3A_74 : memref<64x128xf32, #tpu.memory_space<vmem_shared>>)
      tpu.yield
    }) : () -> ()
    %mul3A_51 = arith.constant 632 : i32
    %mul3A_52 = arith.muli %arg1, %mul3A_51 : i32
    %add3A_53 = arith.constant 576 : i32
    %add3A_54 = arith.addi %mul3A_52, %add3A_53 : i32
    "tpu.region"() ({
      %run_scoped3A = tpu.sem_alloc : memref<!tpu.dma_semaphore, #tpu.memory_space<semaphore_mem>>
      %dma_start3A = arith.constant 0 : i32
      %dma_start3A_69 = arith.constant 0 : i32
      %dma_start3A_70 = tpu.memref_slice %arg8[%dma_start3A, %dma_start3A_69] : memref<64x128xf32, #tpu.memory_space<vmem>> -> memref<56x128xf32, #tpu.memory_space<vmem>>
      %dma_start3A_71 = arith.constant 0 : i32
      %dma_start3A_72 = tpu.memref_slice %arg12[%add3A_54, %dma_start3A_71] : memref<10112x128xf32, #tpu.memory_space<vmem_shared>> -> memref<56x128xf32, #tpu.memory_space<vmem_shared>>
      %dma_start3A_73 = arith.constant 0 : i32
      %dma_start3A_74 = tpu.memref_slice %arg12[%add3A_54, %dma_start3A_73] : memref<10112x128xf32, #tpu.memory_space<vmem_shared>> -> memref<56x128xf32, #tpu.memory_space<vmem_shared>>
      %dma_start3A_75 = arith.constant 0 : i32
      %dma_start3A_76 = arith.constant 0 : i32
      %dma_start3A_77 = tpu.memref_slice %arg8[%dma_start3A_75, %dma_start3A_76] : memref<64x128xf32, #tpu.memory_space<vmem>> -> memref<56x128xf32, #tpu.memory_space<vmem>>
      tpu.enqueue_dma source(%dma_start3A_77 : memref<56x128xf32, #tpu.memory_space<vmem>>) target(%dma_start3A_74 : memref<56x128xf32, #tpu.memory_space<vmem_shared>>) target_semaphore(%run_scoped3A : memref<!tpu.dma_semaphore, #tpu.memory_space<semaphore_mem>>)
      %dma_wait3A = arith.constant 0 : i32
      %dma_wait3A_78 = arith.constant 0 : i32
      %dma_wait3A_79 = tpu.memref_slice %arg8[%dma_wait3A, %dma_wait3A_78] : memref<64x128xf32, #tpu.memory_space<vmem>> -> memref<56x128xf32, #tpu.memory_space<vmem>>
      %dma_wait3A_80 = arith.constant 0 : i32
      %dma_wait3A_81 = tpu.memref_slice %arg12[%add3A_54, %dma_wait3A_80] : memref<10112x128xf32, #tpu.memory_space<vmem_shared>> -> memref<56x128xf32, #tpu.memory_space<vmem_shared>>
      %dma_wait3A_82 = arith.constant 0 : i32
      %dma_wait3A_83 = tpu.memref_slice %arg12[%add3A_54, %dma_wait3A_82] : memref<10112x128xf32, #tpu.memory_space<vmem_shared>> -> memref<56x128xf32, #tpu.memory_space<vmem_shared>>
      %dma_wait3A_84 = arith.constant 0 : i32
      %dma_wait3A_85 = arith.constant 0 : i32
      %dma_wait3A_86 = tpu.memref_slice %arg8[%dma_wait3A_84, %dma_wait3A_85] : memref<64x128xf32, #tpu.memory_space<vmem>> -> memref<56x128xf32, #tpu.memory_space<vmem>>
      tpu.wait_dma2 semaphore(%run_scoped3A : memref<!tpu.dma_semaphore, #tpu.memory_space<semaphore_mem>>) src(%dma_wait3A_86 : memref<56x128xf32, #tpu.memory_space<vmem>>) dst(%dma_wait3A_83 : memref<56x128xf32, #tpu.memory_space<vmem_shared>>)
      tpu.yield
    }) : () -> ()
    %barrier3A = arith.constant 0 : index
    tpu.barrier barrier_id(%barrier3A)
    %while3A = arith.constant 0 : i32
    %while3A_55 = arith.constant 0 : i32
    %while3A_56 = arith.subi %select_n3A_2, %while3A_55 : i32
    %while3A_57 = arith.addi %while3A_55, %while3A_56 : i32
    %while3A_58 = arith.constant 1 : i32
    %while3A_59 = arith.divsi %while3A_56, %while3A_58 : i32
    %while3A_60 = arith.muli %while3A_59, %while3A_58 : i32
    %while3A_61 = arith.addi %while3A_55, %while3A_60 : i32
    %while3A_62 = arith.constant 1 : i32
    scf.for %while3A_69 = %while3A_55 to %while3A_61 step %while3A_62  : i32 {
      %mul3A_70 = arith.constant 40 : i32
      %mul3A_71 = arith.muli %while3A_69, %mul3A_70 : i32
      %add3A_72 = arith.addi %select_n3A_9, %mul3A_71 : i32
      "tpu.region"() ({
        %run_scoped3A = tpu.sem_alloc : memref<!tpu.dma_semaphore, #tpu.memory_space<semaphore_mem>>
        %dma_start3A = arith.constant 0 : i32
        %dma_start3A_79 = tpu.memref_slice %arg3[%add3A_72, %dma_start3A] : memref<5120x64xi32, #tpu.memory_space<hbm>> -> memref<40x64xi32, #tpu.memory_space<hbm>>
        %dma_start3A_80 = arith.constant 0 : i32
        %dma_start3A_81 = tpu.memref_slice %arg3[%add3A_72, %dma_start3A_80] : memref<5120x64xi32, #tpu.memory_space<hbm>> -> memref<40x64xi32, #tpu.memory_space<hbm>>
        tpu.enqueue_dma source(%dma_start3A_81 : memref<40x64xi32, #tpu.memory_space<hbm>>) target(%arg6 : memref<40x64xi32, #tpu.memory_space<vmem>>) target_semaphore(%run_scoped3A : memref<!tpu.dma_semaphore, #tpu.memory_space<semaphore_mem>>)
        %dma_wait3A = arith.constant 0 : i32
        %dma_wait3A_82 = tpu.memref_slice %arg3[%add3A_72, %dma_wait3A] : memref<5120x64xi32, #tpu.memory_space<hbm>> -> memref<40x64xi32, #tpu.memory_space<hbm>>
        %dma_wait3A_83 = arith.constant 0 : i32
        %dma_wait3A_84 = tpu.memref_slice %arg3[%add3A_72, %dma_wait3A_83] : memref<5120x64xi32, #tpu.memory_space<hbm>> -> memref<40x64xi32, #tpu.memory_space<hbm>>
        tpu.wait_dma2 semaphore(%run_scoped3A : memref<!tpu.dma_semaphore, #tpu.memory_space<semaphore_mem>>) src(%dma_wait3A_84 : memref<40x64xi32, #tpu.memory_space<hbm>>) dst(%arg6 : memref<40x64xi32, #tpu.memory_space<vmem>>)
        tpu.yield
      }) : () -> ()
      "tpu.region"() ({
        %run_scoped3A = tpu.sem_alloc : memref<!tpu.dma_semaphore, #tpu.memory_space<semaphore_mem>>
        %dma_start3A = arith.constant 0 : i32
        %dma_start3A_79 = tpu.memref_slice %arg4[%add3A_72, %dma_start3A] : memref<5120x64xi32, #tpu.memory_space<hbm>> -> memref<40x64xi32, #tpu.memory_space<hbm>>
        %dma_start3A_80 = arith.constant 0 : i32
        %dma_start3A_81 = tpu.memref_slice %arg4[%add3A_72, %dma_start3A_80] : memref<5120x64xi32, #tpu.memory_space<hbm>> -> memref<40x64xi32, #tpu.memory_space<hbm>>
        tpu.enqueue_dma source(%dma_start3A_81 : memref<40x64xi32, #tpu.memory_space<hbm>>) target(%arg7 : memref<40x64xi32, #tpu.memory_space<vmem>>) target_semaphore(%run_scoped3A : memref<!tpu.dma_semaphore, #tpu.memory_space<semaphore_mem>>)
        %dma_wait3A = arith.constant 0 : i32
        %dma_wait3A_82 = tpu.memref_slice %arg4[%add3A_72, %dma_wait3A] : memref<5120x64xi32, #tpu.memory_space<hbm>> -> memref<40x64xi32, #tpu.memory_space<hbm>>
        %dma_wait3A_83 = arith.constant 0 : i32
        %dma_wait3A_84 = tpu.memref_slice %arg4[%add3A_72, %dma_wait3A_83] : memref<5120x64xi32, #tpu.memory_space<hbm>> -> memref<40x64xi32, #tpu.memory_space<hbm>>
        tpu.wait_dma2 semaphore(%run_scoped3A : memref<!tpu.dma_semaphore, #tpu.memory_space<semaphore_mem>>) src(%dma_wait3A_84 : memref<40x64xi32, #tpu.memory_space<hbm>>) dst(%arg7 : memref<40x64xi32, #tpu.memory_space<vmem>>)
        tpu.yield
      }) : () -> ()
      %scan3A_73 = arith.constant 0 : i32
      %scan3A_74 = arith.constant 0 : i32
      %scan3A_75 = arith.constant 10 : i32
      %scan3A_76 = arith.addi %scan3A_74, %scan3A_75 : i32
      %scan3A_77 = arith.constant 1 : i32
      scf.for %scan3A_79 = %scan3A_74 to %scan3A_76 step %scan3A_77  : i32 {
        %mul3A_80 = arith.constant 4 : i32
        %mul3A_81 = arith.muli %mul3A_80, %scan3A_79 : i32
        %add3A_82 = arith.constant 0 : i32
        %add3A_83 = arith.addi %mul3A_81, %add3A_82 : i32
        %dma_start3A = arith.constant 0 : i32
        %dma_start3A_84 = tpu.memref_slice %arg6[%add3A_83, %dma_start3A] : memref<40x64xi32, #tpu.memory_space<vmem>> -> memref<1x64xi32, #tpu.memory_space<vmem>>
        %dma_start3A_85 = tpu.memref_squeeze %dma_start3A_84 : memref<1x64xi32, #tpu.memory_space<vmem>> -> memref<64xi32, #tpu.memory_space<vmem>>
        %dma_start3A_86 = arith.constant 0 : i32
        %dma_start3A_87 = arith.constant 0 : i32
        %dma_start3A_88 = tpu.memref_slice %arg2[%dma_start3A_86, %dma_start3A_87] : memref<10000x128xf32, #tpu.memory_space<hbm>> -> memref<10000x128xf32, #tpu.memory_space<hbm>>
        tpu.enqueue_indirect_dma source(%dma_start3A_88 : memref<10000x128xf32, #tpu.memory_space<hbm>>) target(%arg8 : memref<64x128xf32, #tpu.memory_space<vmem>>) offsets(%dma_start3A_85 : memref<64xi32, #tpu.memory_space<vmem>>) semaphore(%arg13 : memref<!tpu.dma_semaphore, #tpu.memory_space<semaphore_mem>>)
        %add3A_89 = arith.constant 1 : i32
        %add3A_90 = arith.addi %mul3A_81, %add3A_89 : i32
        %dma_start3A_91 = arith.constant 0 : i32
        %dma_start3A_92 = tpu.memref_slice %arg6[%add3A_90, %dma_start3A_91] : memref<40x64xi32, #tpu.memory_space<vmem>> -> memref<1x64xi32, #tpu.memory_space<vmem>>
        %dma_start3A_93 = tpu.memref_squeeze %dma_start3A_92 : memref<1x64xi32, #tpu.memory_space<vmem>> -> memref<64xi32, #tpu.memory_space<vmem>>
        %dma_start3A_94 = arith.constant 0 : i32
        %dma_start3A_95 = arith.constant 0 : i32
        %dma_start3A_96 = tpu.memref_slice %arg2[%dma_start3A_94, %dma_start3A_95] : memref<10000x128xf32, #tpu.memory_space<hbm>> -> memref<10000x128xf32, #tpu.memory_space<hbm>>
        tpu.enqueue_indirect_dma source(%dma_start3A_96 : memref<10000x128xf32, #tpu.memory_space<hbm>>) target(%arg9 : memref<64x128xf32, #tpu.memory_space<vmem>>) offsets(%dma_start3A_93 : memref<64xi32, #tpu.memory_space<vmem>>) semaphore(%arg13 : memref<!tpu.dma_semaphore, #tpu.memory_space<semaphore_mem>>)
        %add3A_97 = arith.constant 2 : i32
        %add3A_98 = arith.addi %mul3A_81, %add3A_97 : i32
        %dma_start3A_99 = arith.constant 0 : i32
        %dma_start3A_100 = tpu.memref_slice %arg6[%add3A_98, %dma_start3A_99] : memref<40x64xi32, #tpu.memory_space<vmem>> -> memref<1x64xi32, #tpu.memory_space<vmem>>
        %dma_start3A_101 = tpu.memref_squeeze %dma_start3A_100 : memref<1x64xi32, #tpu.memory_space<vmem>> -> memref<64xi32, #tpu.memory_space<vmem>>
        %dma_start3A_102 = arith.constant 0 : i32
        %dma_start3A_103 = arith.constant 0 : i32
        %dma_start3A_104 = tpu.memref_slice %arg2[%dma_start3A_102, %dma_start3A_103] : memref<10000x128xf32, #tpu.memory_space<hbm>> -> memref<10000x128xf32, #tpu.memory_space<hbm>>
        tpu.enqueue_indirect_dma source(%dma_start3A_104 : memref<10000x128xf32, #tpu.memory_space<hbm>>) target(%arg10 : memref<64x128xf32, #tpu.memory_space<vmem>>) offsets(%dma_start3A_101 : memref<64xi32, #tpu.memory_space<vmem>>) semaphore(%arg13 : memref<!tpu.dma_semaphore, #tpu.memory_space<semaphore_mem>>)
        %add3A_105 = arith.constant 3 : i32
        %add3A_106 = arith.addi %mul3A_81, %add3A_105 : i32
        %dma_start3A_107 = arith.constant 0 : i32
        %dma_start3A_108 = tpu.memref_slice %arg6[%add3A_106, %dma_start3A_107] : memref<40x64xi32, #tpu.memory_space<vmem>> -> memref<1x64xi32, #tpu.memory_space<vmem>>
        %dma_start3A_109 = tpu.memref_squeeze %dma_start3A_108 : memref<1x64xi32, #tpu.memory_space<vmem>> -> memref<64xi32, #tpu.memory_space<vmem>>
        %dma_start3A_110 = arith.constant 0 : i32
        %dma_start3A_111 = arith.constant 0 : i32
        %dma_start3A_112 = tpu.memref_slice %arg2[%dma_start3A_110, %dma_start3A_111] : memref<10000x128xf32, #tpu.memory_space<hbm>> -> memref<10000x128xf32, #tpu.memory_space<hbm>>
        tpu.enqueue_indirect_dma source(%dma_start3A_112 : memref<10000x128xf32, #tpu.memory_space<hbm>>) target(%arg11 : memref<64x128xf32, #tpu.memory_space<vmem>>) offsets(%dma_start3A_109 : memref<64xi32, #tpu.memory_space<vmem>>) semaphore(%arg13 : memref<!tpu.dma_semaphore, #tpu.memory_space<semaphore_mem>>)
        %dma_wait3A = arith.constant 0 : i32
        %dma_wait3A_113 = tpu.memref_slice %arg6[%add3A_83, %dma_wait3A] : memref<40x64xi32, #tpu.memory_space<vmem>> -> memref<1x64xi32, #tpu.memory_space<vmem>>
        %dma_wait3A_114 = tpu.memref_squeeze %dma_wait3A_113 : memref<1x64xi32, #tpu.memory_space<vmem>> -> memref<64xi32, #tpu.memory_space<vmem>>
        %dma_wait3A_115 = arith.constant 0 : i32
        %dma_wait3A_116 = arith.constant 0 : i32
        %dma_wait3A_117 = tpu.memref_slice %arg2[%dma_wait3A_115, %dma_wait3A_116] : memref<10000x128xf32, #tpu.memory_space<hbm>> -> memref<10000x128xf32, #tpu.memory_space<hbm>>
        tpu.wait_indirect_dma semaphore(%arg13 : memref<!tpu.dma_semaphore, #tpu.memory_space<semaphore_mem>>) src(%dma_wait3A_117 : memref<10000x128xf32, #tpu.memory_space<hbm>>) dst(%arg8 : memref<64x128xf32, #tpu.memory_space<vmem>>)
        %dma_wait3A_118 = arith.constant 0 : i32
        %dma_wait3A_119 = tpu.memref_slice %arg6[%add3A_90, %dma_wait3A_118] : memref<40x64xi32, #tpu.memory_space<vmem>> -> memref<1x64xi32, #tpu.memory_space<vmem>>
        %dma_wait3A_120 = tpu.memref_squeeze %dma_wait3A_119 : memref<1x64xi32, #tpu.memory_space<vmem>> -> memref<64xi32, #tpu.memory_space<vmem>>
        %dma_wait3A_121 = arith.constant 0 : i32
        %dma_wait3A_122 = arith.constant 0 : i32
        %dma_wait3A_123 = tpu.memref_slice %arg2[%dma_wait3A_121, %dma_wait3A_122] : memref<10000x128xf32, #tpu.memory_space<hbm>> -> memref<10000x128xf32, #tpu.memory_space<hbm>>
        tpu.wait_indirect_dma semaphore(%arg13 : memref<!tpu.dma_semaphore, #tpu.memory_space<semaphore_mem>>) src(%dma_wait3A_123 : memref<10000x128xf32, #tpu.memory_space<hbm>>) dst(%arg9 : memref<64x128xf32, #tpu.memory_space<vmem>>)
        %dma_wait3A_124 = arith.constant 0 : i32
        %dma_wait3A_125 = tpu.memref_slice %arg6[%add3A_98, %dma_wait3A_124] : memref<40x64xi32, #tpu.memory_space<vmem>> -> memref<1x64xi32, #tpu.memory_space<vmem>>
        %dma_wait3A_126 = tpu.memref_squeeze %dma_wait3A_125 : memref<1x64xi32, #tpu.memory_space<vmem>> -> memref<64xi32, #tpu.memory_space<vmem>>
        %dma_wait3A_127 = arith.constant 0 : i32
        %dma_wait3A_128 = arith.constant 0 : i32
        %dma_wait3A_129 = tpu.memref_slice %arg2[%dma_wait3A_127, %dma_wait3A_128] : memref<10000x128xf32, #tpu.memory_space<hbm>> -> memref<10000x128xf32, #tpu.memory_space<hbm>>
        tpu.wait_indirect_dma semaphore(%arg13 : memref<!tpu.dma_semaphore, #tpu.memory_space<semaphore_mem>>) src(%dma_wait3A_129 : memref<10000x128xf32, #tpu.memory_space<hbm>>) dst(%arg10 : memref<64x128xf32, #tpu.memory_space<vmem>>)
        %dma_wait3A_130 = arith.constant 0 : i32
        %dma_wait3A_131 = tpu.memref_slice %arg6[%add3A_106, %dma_wait3A_130] : memref<40x64xi32, #tpu.memory_space<vmem>> -> memref<1x64xi32, #tpu.memory_space<vmem>>
        %dma_wait3A_132 = tpu.memref_squeeze %dma_wait3A_131 : memref<1x64xi32, #tpu.memory_space<vmem>> -> memref<64xi32, #tpu.memory_space<vmem>>
        %dma_wait3A_133 = arith.constant 0 : i32
        %dma_wait3A_134 = arith.constant 0 : i32
        %dma_wait3A_135 = tpu.memref_slice %arg2[%dma_wait3A_133, %dma_wait3A_134] : memref<10000x128xf32, #tpu.memory_space<hbm>> -> memref<10000x128xf32, #tpu.memory_space<hbm>>
        tpu.wait_indirect_dma semaphore(%arg13 : memref<!tpu.dma_semaphore, #tpu.memory_space<semaphore_mem>>) src(%dma_wait3A_135 : memref<10000x128xf32, #tpu.memory_space<hbm>>) dst(%arg11 : memref<64x128xf32, #tpu.memory_space<vmem>>)
        %add3A_136 = arith.constant 0 : i32
        %add3A_137 = arith.addi %mul3A_81, %add3A_136 : i32
        "tpu.region"() ({
          %run_scoped3A = tpu.sem_alloc : memref<!tpu.dma_semaphore, #tpu.memory_space<semaphore_mem>>
          %dma_start3A_144 = arith.constant 0 : i32
          %dma_start3A_145 = tpu.memref_slice %arg7[%add3A_137, %dma_start3A_144] : memref<40x64xi32, #tpu.memory_space<vmem>> -> memref<1x64xi32, #tpu.memory_space<vmem>>
          %dma_start3A_146 = tpu.memref_squeeze %dma_start3A_145 : memref<1x64xi32, #tpu.memory_space<vmem>> -> memref<64xi32, #tpu.memory_space<vmem>>
          %dma_start3A_147 = arith.constant 0 : i32
          %dma_start3A_148 = arith.constant 0 : i32
          %dma_start3A_149 = tpu.memref_slice %arg12[%dma_start3A_147, %dma_start3A_148] : memref<10112x128xf32, #tpu.memory_space<vmem_shared>> -> memref<10112x128xf32, #tpu.memory_space<vmem_shared>>
          tpu.enqueue_indirect_dma source(%arg8 : memref<64x128xf32, #tpu.memory_space<vmem>>) target(%dma_start3A_149 : memref<10112x128xf32, #tpu.memory_space<vmem_shared>>) offsets(%dma_start3A_146 : memref<64xi32, #tpu.memory_space<vmem>>) semaphore(%run_scoped3A : memref<!tpu.dma_semaphore, #tpu.memory_space<semaphore_mem>>) {add = true}
          %dma_wait3A_150 = arith.constant 0 : i32
          %dma_wait3A_151 = tpu.memref_slice %arg7[%add3A_137, %dma_wait3A_150] : memref<40x64xi32, #tpu.memory_space<vmem>> -> memref<1x64xi32, #tpu.memory_space<vmem>>
          %dma_wait3A_152 = tpu.memref_squeeze %dma_wait3A_151 : memref<1x64xi32, #tpu.memory_space<vmem>> -> memref<64xi32, #tpu.memory_space<vmem>>
          %dma_wait3A_153 = arith.constant 0 : i32
          %dma_wait3A_154 = arith.constant 0 : i32
          %dma_wait3A_155 = tpu.memref_slice %arg12[%dma_wait3A_153, %dma_wait3A_154] : memref<10112x128xf32, #tpu.memory_space<vmem_shared>> -> memref<10112x128xf32, #tpu.memory_space<vmem_shared>>
          tpu.wait_indirect_dma semaphore(%run_scoped3A : memref<!tpu.dma_semaphore, #tpu.memory_space<semaphore_mem>>) src(%arg8 : memref<64x128xf32, #tpu.memory_space<vmem>>) dst(%dma_wait3A_155 : memref<10112x128xf32, #tpu.memory_space<vmem_shared>>)
          tpu.yield
        }) : () -> ()
        %add3A_138 = arith.constant 1 : i32
        %add3A_139 = arith.addi %mul3A_81, %add3A_138 : i32
        "tpu.region"() ({
          %run_scoped3A = tpu.sem_alloc : memref<!tpu.dma_semaphore, #tpu.memory_space<semaphore_mem>>
          %dma_start3A_144 = arith.constant 0 : i32
          %dma_start3A_145 = tpu.memref_slice %arg7[%add3A_139, %dma_start3A_144] : memref<40x64xi32, #tpu.memory_space<vmem>> -> memref<1x64xi32, #tpu.memory_space<vmem>>
          %dma_start3A_146 = tpu.memref_squeeze %dma_start3A_145 : memref<1x64xi32, #tpu.memory_space<vmem>> -> memref<64xi32, #tpu.memory_space<vmem>>
          %dma_start3A_147 = arith.constant 0 : i32
          %dma_start3A_148 = arith.constant 0 : i32
          %dma_start3A_149 = tpu.memref_slice %arg12[%dma_start3A_147, %dma_start3A_148] : memref<10112x128xf32, #tpu.memory_space<vmem_shared>> -> memref<10112x128xf32, #tpu.memory_space<vmem_shared>>
          tpu.enqueue_indirect_dma source(%arg9 : memref<64x128xf32, #tpu.memory_space<vmem>>) target(%dma_start3A_149 : memref<10112x128xf32, #tpu.memory_space<vmem_shared>>) offsets(%dma_start3A_146 : memref<64xi32, #tpu.memory_space<vmem>>) semaphore(%run_scoped3A : memref<!tpu.dma_semaphore, #tpu.memory_space<semaphore_mem>>) {add = true}
          %dma_wait3A_150 = arith.constant 0 : i32
          %dma_wait3A_151 = tpu.memref_slice %arg7[%add3A_139, %dma_wait3A_150] : memref<40x64xi32, #tpu.memory_space<vmem>> -> memref<1x64xi32, #tpu.memory_space<vmem>>
          %dma_wait3A_152 = tpu.memref_squeeze %dma_wait3A_151 : memref<1x64xi32, #tpu.memory_space<vmem>> -> memref<64xi32, #tpu.memory_space<vmem>>
          %dma_wait3A_153 = arith.constant 0 : i32
          %dma_wait3A_154 = arith.constant 0 : i32
          %dma_wait3A_155 = tpu.memref_slice %arg12[%dma_wait3A_153, %dma_wait3A_154] : memref<10112x128xf32, #tpu.memory_space<vmem_shared>> -> memref<10112x128xf32, #tpu.memory_space<vmem_shared>>
          tpu.wait_indirect_dma semaphore(%run_scoped3A : memref<!tpu.dma_semaphore, #tpu.memory_space<semaphore_mem>>) src(%arg9 : memref<64x128xf32, #tpu.memory_space<vmem>>) dst(%dma_wait3A_155 : memref<10112x128xf32, #tpu.memory_space<vmem_shared>>)
          tpu.yield
        }) : () -> ()
        %add3A_140 = arith.constant 2 : i32
        %add3A_141 = arith.addi %mul3A_81, %add3A_140 : i32
        "tpu.region"() ({
          %run_scoped3A = tpu.sem_alloc : memref<!tpu.dma_semaphore, #tpu.memory_space<semaphore_mem>>
          %dma_start3A_144 = arith.constant 0 : i32
          %dma_start3A_145 = tpu.memref_slice %arg7[%add3A_141, %dma_start3A_144] : memref<40x64xi32, #tpu.memory_space<vmem>> -> memref<1x64xi32, #tpu.memory_space<vmem>>
          %dma_start3A_146 = tpu.memref_squeeze %dma_start3A_145 : memref<1x64xi32, #tpu.memory_space<vmem>> -> memref<64xi32, #tpu.memory_space<vmem>>
          %dma_start3A_147 = arith.constant 0 : i32
          %dma_start3A_148 = arith.constant 0 : i32
          %dma_start3A_149 = tpu.memref_slice %arg12[%dma_start3A_147, %dma_start3A_148] : memref<10112x128xf32, #tpu.memory_space<vmem_shared>> -> memref<10112x128xf32, #tpu.memory_space<vmem_shared>>
          tpu.enqueue_indirect_dma source(%arg10 : memref<64x128xf32, #tpu.memory_space<vmem>>) target(%dma_start3A_149 : memref<10112x128xf32, #tpu.memory_space<vmem_shared>>) offsets(%dma_start3A_146 : memref<64xi32, #tpu.memory_space<vmem>>) semaphore(%run_scoped3A : memref<!tpu.dma_semaphore, #tpu.memory_space<semaphore_mem>>) {add = true}
          %dma_wait3A_150 = arith.constant 0 : i32
          %dma_wait3A_151 = tpu.memref_slice %arg7[%add3A_141, %dma_wait3A_150] : memref<40x64xi32, #tpu.memory_space<vmem>> -> memref<1x64xi32, #tpu.memory_space<vmem>>
          %dma_wait3A_152 = tpu.memref_squeeze %dma_wait3A_151 : memref<1x64xi32, #tpu.memory_space<vmem>> -> memref<64xi32, #tpu.memory_space<vmem>>
          %dma_wait3A_153 = arith.constant 0 : i32
          %dma_wait3A_154 = arith.constant 0 : i32
          %dma_wait3A_155 = tpu.memref_slice %arg12[%dma_wait3A_153, %dma_wait3A_154] : memref<10112x128xf32, #tpu.memory_space<vmem_shared>> -> memref<10112x128xf32, #tpu.memory_space<vmem_shared>>
          tpu.wait_indirect_dma semaphore(%run_scoped3A : memref<!tpu.dma_semaphore, #tpu.memory_space<semaphore_mem>>) src(%arg10 : memref<64x128xf32, #tpu.memory_space<vmem>>) dst(%dma_wait3A_155 : memref<10112x128xf32, #tpu.memory_space<vmem_shared>>)
          tpu.yield
        }) : () -> ()
        %add3A_142 = arith.constant 3 : i32
        %add3A_143 = arith.addi %mul3A_81, %add3A_142 : i32
        "tpu.region"() ({
          %run_scoped3A = tpu.sem_alloc : memref<!tpu.dma_semaphore, #tpu.memory_space<semaphore_mem>>
          %dma_start3A_144 = arith.constant 0 : i32
          %dma_start3A_145 = tpu.memref_slice %arg7[%add3A_143, %dma_start3A_144] : memref<40x64xi32, #tpu.memory_space<vmem>> -> memref<1x64xi32, #tpu.memory_space<vmem>>
          %dma_start3A_146 = tpu.memref_squeeze %dma_start3A_145 : memref<1x64xi32, #tpu.memory_space<vmem>> -> memref<64xi32, #tpu.memory_space<vmem>>
          %dma_start3A_147 = arith.constant 0 : i32
          %dma_start3A_148 = arith.constant 0 : i32
          %dma_start3A_149 = tpu.memref_slice %arg12[%dma_start3A_147, %dma_start3A_148] : memref<10112x128xf32, #tpu.memory_space<vmem_shared>> -> memref<10112x128xf32, #tpu.memory_space<vmem_shared>>
          tpu.enqueue_indirect_dma source(%arg11 : memref<64x128xf32, #tpu.memory_space<vmem>>) target(%dma_start3A_149 : memref<10112x128xf32, #tpu.memory_space<vmem_shared>>) offsets(%dma_start3A_146 : memref<64xi32, #tpu.memory_space<vmem>>) semaphore(%run_scoped3A : memref<!tpu.dma_semaphore, #tpu.memory_space<semaphore_mem>>) {add = true}
          %dma_wait3A_150 = arith.constant 0 : i32
          %dma_wait3A_151 = tpu.memref_slice %arg7[%add3A_143, %dma_wait3A_150] : memref<40x64xi32, #tpu.memory_space<vmem>> -> memref<1x64xi32, #tpu.memory_space<vmem>>
          %dma_wait3A_152 = tpu.memref_squeeze %dma_wait3A_151 : memref<1x64xi32, #tpu.memory_space<vmem>> -> memref<64xi32, #tpu.memory_space<vmem>>
          %dma_wait3A_153 = arith.constant 0 : i32
          %dma_wait3A_154 = arith.constant 0 : i32
          %dma_wait3A_155 = tpu.memref_slice %arg12[%dma_wait3A_153, %dma_wait3A_154] : memref<10112x128xf32, #tpu.memory_space<vmem_shared>> -> memref<10112x128xf32, #tpu.memory_space<vmem_shared>>
          tpu.wait_indirect_dma semaphore(%run_scoped3A : memref<!tpu.dma_semaphore, #tpu.memory_space<semaphore_mem>>) src(%arg11 : memref<64x128xf32, #tpu.memory_space<vmem>>) dst(%dma_wait3A_155 : memref<10112x128xf32, #tpu.memory_space<vmem_shared>>)
          tpu.yield
        }) : () -> ()
      }
      %scan3A_78 = arith.constant 10 : i32
    }
    %while3A_63 = arith.constant 1 : i32
    scf.for %while3A_69 = %while3A_61 to %while3A_57 step %while3A_63  : i32 {
      %mul3A_70 = arith.constant 40 : i32
      %mul3A_71 = arith.muli %while3A_69, %mul3A_70 : i32
      %add3A_72 = arith.addi %select_n3A_9, %mul3A_71 : i32
      "tpu.region"() ({
        %run_scoped3A = tpu.sem_alloc : memref<!tpu.dma_semaphore, #tpu.memory_space<semaphore_mem>>
        %dma_start3A = arith.constant 0 : i32
        %dma_start3A_79 = tpu.memref_slice %arg3[%add3A_72, %dma_start3A] : memref<5120x64xi32, #tpu.memory_space<hbm>> -> memref<40x64xi32, #tpu.memory_space<hbm>>
        %dma_start3A_80 = arith.constant 0 : i32
        %dma_start3A_81 = tpu.memref_slice %arg3[%add3A_72, %dma_start3A_80] : memref<5120x64xi32, #tpu.memory_space<hbm>> -> memref<40x64xi32, #tpu.memory_space<hbm>>
        tpu.enqueue_dma source(%dma_start3A_81 : memref<40x64xi32, #tpu.memory_space<hbm>>) target(%arg6 : memref<40x64xi32, #tpu.memory_space<vmem>>) target_semaphore(%run_scoped3A : memref<!tpu.dma_semaphore, #tpu.memory_space<semaphore_mem>>)
        %dma_wait3A = arith.constant 0 : i32
        %dma_wait3A_82 = tpu.memref_slice %arg3[%add3A_72, %dma_wait3A] : memref<5120x64xi32, #tpu.memory_space<hbm>> -> memref<40x64xi32, #tpu.memory_space<hbm>>
        %dma_wait3A_83 = arith.constant 0 : i32
        %dma_wait3A_84 = tpu.memref_slice %arg3[%add3A_72, %dma_wait3A_83] : memref<5120x64xi32, #tpu.memory_space<hbm>> -> memref<40x64xi32, #tpu.memory_space<hbm>>
        tpu.wait_dma2 semaphore(%run_scoped3A : memref<!tpu.dma_semaphore, #tpu.memory_space<semaphore_mem>>) src(%dma_wait3A_84 : memref<40x64xi32, #tpu.memory_space<hbm>>) dst(%arg6 : memref<40x64xi32, #tpu.memory_space<vmem>>)
        tpu.yield
      }) : () -> ()
      "tpu.region"() ({
        %run_scoped3A = tpu.sem_alloc : memref<!tpu.dma_semaphore, #tpu.memory_space<semaphore_mem>>
        %dma_start3A = arith.constant 0 : i32
        %dma_start3A_79 = tpu.memref_slice %arg4[%add3A_72, %dma_start3A] : memref<5120x64xi32, #tpu.memory_space<hbm>> -> memref<40x64xi32, #tpu.memory_space<hbm>>
        %dma_start3A_80 = arith.constant 0 : i32
        %dma_start3A_81 = tpu.memref_slice %arg4[%add3A_72, %dma_start3A_80] : memref<5120x64xi32, #tpu.memory_space<hbm>> -> memref<40x64xi32, #tpu.memory_space<hbm>>
        tpu.enqueue_dma source(%dma_start3A_81 : memref<40x64xi32, #tpu.memory_space<hbm>>) target(%arg7 : memref<40x64xi32, #tpu.memory_space<vmem>>) target_semaphore(%run_scoped3A : memref<!tpu.dma_semaphore, #tpu.memory_space<semaphore_mem>>)
        %dma_wait3A = arith.constant 0 : i32
        %dma_wait3A_82 = tpu.memref_slice %arg4[%add3A_72, %dma_wait3A] : memref<5120x64xi32, #tpu.memory_space<hbm>> -> memref<40x64xi32, #tpu.memory_space<hbm>>
        %dma_wait3A_83 = arith.constant 0 : i32
        %dma_wait3A_84 = tpu.memref_slice %arg4[%add3A_72, %dma_wait3A_83] : memref<5120x64xi32, #tpu.memory_space<hbm>> -> memref<40x64xi32, #tpu.memory_space<hbm>>
        tpu.wait_dma2 semaphore(%run_scoped3A : memref<!tpu.dma_semaphore, #tpu.memory_space<semaphore_mem>>) src(%dma_wait3A_84 : memref<40x64xi32, #tpu.memory_space<hbm>>) dst(%arg7 : memref<40x64xi32, #tpu.memory_space<vmem>>)
        tpu.yield
      }) : () -> ()
      %scan3A_73 = arith.constant 0 : i32
      %scan3A_74 = arith.constant 0 : i32
      %scan3A_75 = arith.constant 10 : i32
      %scan3A_76 = arith.addi %scan3A_74, %scan3A_75 : i32
      %scan3A_77 = arith.constant 1 : i32
      scf.for %scan3A_79 = %scan3A_74 to %scan3A_76 step %scan3A_77  : i32 {
        %mul3A_80 = arith.constant 4 : i32
        %mul3A_81 = arith.muli %mul3A_80, %scan3A_79 : i32
        %add3A_82 = arith.constant 0 : i32
        %add3A_83 = arith.addi %mul3A_81, %add3A_82 : i32
        %dma_start3A = arith.constant 0 : i32
        %dma_start3A_84 = tpu.memref_slice %arg6[%add3A_83, %dma_start3A] : memref<40x64xi32, #tpu.memory_space<vmem>> -> memref<1x64xi32, #tpu.memory_space<vmem>>
        %dma_start3A_85 = tpu.memref_squeeze %dma_start3A_84 : memref<1x64xi32, #tpu.memory_space<vmem>> -> memref<64xi32, #tpu.memory_space<vmem>>
        %dma_start3A_86 = arith.constant 0 : i32
        %dma_start3A_87 = arith.constant 0 : i32
        %dma_start3A_88 = tpu.memref_slice %arg2[%dma_start3A_86, %dma_start3A_87] : memref<10000x128xf32, #tpu.memory_space<hbm>> -> memref<10000x128xf32, #tpu.memory_space<hbm>>
        tpu.enqueue_indirect_dma source(%dma_start3A_88 : memref<10000x128xf32, #tpu.memory_space<hbm>>) target(%arg8 : memref<64x128xf32, #tpu.memory_space<vmem>>) offsets(%dma_start3A_85 : memref<64xi32, #tpu.memory_space<vmem>>) semaphore(%arg13 : memref<!tpu.dma_semaphore, #tpu.memory_space<semaphore_mem>>)
        %add3A_89 = arith.constant 1 : i32
        %add3A_90 = arith.addi %mul3A_81, %add3A_89 : i32
        %dma_start3A_91 = arith.constant 0 : i32
        %dma_start3A_92 = tpu.memref_slice %arg6[%add3A_90, %dma_start3A_91] : memref<40x64xi32, #tpu.memory_space<vmem>> -> memref<1x64xi32, #tpu.memory_space<vmem>>
        %dma_start3A_93 = tpu.memref_squeeze %dma_start3A_92 : memref<1x64xi32, #tpu.memory_space<vmem>> -> memref<64xi32, #tpu.memory_space<vmem>>
        %dma_start3A_94 = arith.constant 0 : i32
        %dma_start3A_95 = arith.constant 0 : i32
        %dma_start3A_96 = tpu.memref_slice %arg2[%dma_start3A_94, %dma_start3A_95] : memref<10000x128xf32, #tpu.memory_space<hbm>> -> memref<10000x128xf32, #tpu.memory_space<hbm>>
        tpu.enqueue_indirect_dma source(%dma_start3A_96 : memref<10000x128xf32, #tpu.memory_space<hbm>>) target(%arg9 : memref<64x128xf32, #tpu.memory_space<vmem>>) offsets(%dma_start3A_93 : memref<64xi32, #tpu.memory_space<vmem>>) semaphore(%arg13 : memref<!tpu.dma_semaphore, #tpu.memory_space<semaphore_mem>>)
        %add3A_97 = arith.constant 2 : i32
        %add3A_98 = arith.addi %mul3A_81, %add3A_97 : i32
        %dma_start3A_99 = arith.constant 0 : i32
        %dma_start3A_100 = tpu.memref_slice %arg6[%add3A_98, %dma_start3A_99] : memref<40x64xi32, #tpu.memory_space<vmem>> -> memref<1x64xi32, #tpu.memory_space<vmem>>
        %dma_start3A_101 = tpu.memref_squeeze %dma_start3A_100 : memref<1x64xi32, #tpu.memory_space<vmem>> -> memref<64xi32, #tpu.memory_space<vmem>>
        %dma_start3A_102 = arith.constant 0 : i32
        %dma_start3A_103 = arith.constant 0 : i32
        %dma_start3A_104 = tpu.memref_slice %arg2[%dma_start3A_102, %dma_start3A_103] : memref<10000x128xf32, #tpu.memory_space<hbm>> -> memref<10000x128xf32, #tpu.memory_space<hbm>>
        tpu.enqueue_indirect_dma source(%dma_start3A_104 : memref<10000x128xf32, #tpu.memory_space<hbm>>) target(%arg10 : memref<64x128xf32, #tpu.memory_space<vmem>>) offsets(%dma_start3A_101 : memref<64xi32, #tpu.memory_space<vmem>>) semaphore(%arg13 : memref<!tpu.dma_semaphore, #tpu.memory_space<semaphore_mem>>)
        %add3A_105 = arith.constant 3 : i32
        %add3A_106 = arith.addi %mul3A_81, %add3A_105 : i32
        %dma_start3A_107 = arith.constant 0 : i32
        %dma_start3A_108 = tpu.memref_slice %arg6[%add3A_106, %dma_start3A_107] : memref<40x64xi32, #tpu.memory_space<vmem>> -> memref<1x64xi32, #tpu.memory_space<vmem>>
        %dma_start3A_109 = tpu.memref_squeeze %dma_start3A_108 : memref<1x64xi32, #tpu.memory_space<vmem>> -> memref<64xi32, #tpu.memory_space<vmem>>
        %dma_start3A_110 = arith.constant 0 : i32
        %dma_start3A_111 = arith.constant 0 : i32
        %dma_start3A_112 = tpu.memref_slice %arg2[%dma_start3A_110, %dma_start3A_111] : memref<10000x128xf32, #tpu.memory_space<hbm>> -> memref<10000x128xf32, #tpu.memory_space<hbm>>
        tpu.enqueue_indirect_dma source(%dma_start3A_112 : memref<10000x128xf32, #tpu.memory_space<hbm>>) target(%arg11 : memref<64x128xf32, #tpu.memory_space<vmem>>) offsets(%dma_start3A_109 : memref<64xi32, #tpu.memory_space<vmem>>) semaphore(%arg13 : memref<!tpu.dma_semaphore, #tpu.memory_space<semaphore_mem>>)
        %dma_wait3A = arith.constant 0 : i32
        %dma_wait3A_113 = tpu.memref_slice %arg6[%add3A_83, %dma_wait3A] : memref<40x64xi32, #tpu.memory_space<vmem>> -> memref<1x64xi32, #tpu.memory_space<vmem>>
        %dma_wait3A_114 = tpu.memref_squeeze %dma_wait3A_113 : memref<1x64xi32, #tpu.memory_space<vmem>> -> memref<64xi32, #tpu.memory_space<vmem>>
        %dma_wait3A_115 = arith.constant 0 : i32
        %dma_wait3A_116 = arith.constant 0 : i32
        %dma_wait3A_117 = tpu.memref_slice %arg2[%dma_wait3A_115, %dma_wait3A_116] : memref<10000x128xf32, #tpu.memory_space<hbm>> -> memref<10000x128xf32, #tpu.memory_space<hbm>>
        tpu.wait_indirect_dma semaphore(%arg13 : memref<!tpu.dma_semaphore, #tpu.memory_space<semaphore_mem>>) src(%dma_wait3A_117 : memref<10000x128xf32, #tpu.memory_space<hbm>>) dst(%arg8 : memref<64x128xf32, #tpu.memory_space<vmem>>)
        %dma_wait3A_118 = arith.constant 0 : i32
        %dma_wait3A_119 = tpu.memref_slice %arg6[%add3A_90, %dma_wait3A_118] : memref<40x64xi32, #tpu.memory_space<vmem>> -> memref<1x64xi32, #tpu.memory_space<vmem>>
        %dma_wait3A_120 = tpu.memref_squeeze %dma_wait3A_119 : memref<1x64xi32, #tpu.memory_space<vmem>> -> memref<64xi32, #tpu.memory_space<vmem>>
        %dma_wait3A_121 = arith.constant 0 : i32
        %dma_wait3A_122 = arith.constant 0 : i32
        %dma_wait3A_123 = tpu.memref_slice %arg2[%dma_wait3A_121, %dma_wait3A_122] : memref<10000x128xf32, #tpu.memory_space<hbm>> -> memref<10000x128xf32, #tpu.memory_space<hbm>>
        tpu.wait_indirect_dma semaphore(%arg13 : memref<!tpu.dma_semaphore, #tpu.memory_space<semaphore_mem>>) src(%dma_wait3A_123 : memref<10000x128xf32, #tpu.memory_space<hbm>>) dst(%arg9 : memref<64x128xf32, #tpu.memory_space<vmem>>)
        %dma_wait3A_124 = arith.constant 0 : i32
        %dma_wait3A_125 = tpu.memref_slice %arg6[%add3A_98, %dma_wait3A_124] : memref<40x64xi32, #tpu.memory_space<vmem>> -> memref<1x64xi32, #tpu.memory_space<vmem>>
        %dma_wait3A_126 = tpu.memref_squeeze %dma_wait3A_125 : memref<1x64xi32, #tpu.memory_space<vmem>> -> memref<64xi32, #tpu.memory_space<vmem>>
        %dma_wait3A_127 = arith.constant 0 : i32
        %dma_wait3A_128 = arith.constant 0 : i32
        %dma_wait3A_129 = tpu.memref_slice %arg2[%dma_wait3A_127, %dma_wait3A_128] : memref<10000x128xf32, #tpu.memory_space<hbm>> -> memref<10000x128xf32, #tpu.memory_space<hbm>>
        tpu.wait_indirect_dma semaphore(%arg13 : memref<!tpu.dma_semaphore, #tpu.memory_space<semaphore_mem>>) src(%dma_wait3A_129 : memref<10000x128xf32, #tpu.memory_space<hbm>>) dst(%arg10 : memref<64x128xf32, #tpu.memory_space<vmem>>)
        %dma_wait3A_130 = arith.constant 0 : i32
        %dma_wait3A_131 = tpu.memref_slice %arg6[%add3A_106, %dma_wait3A_130] : memref<40x64xi32, #tpu.memory_space<vmem>> -> memref<1x64xi32, #tpu.memory_space<vmem>>
        %dma_wait3A_132 = tpu.memref_squeeze %dma_wait3A_131 : memref<1x64xi32, #tpu.memory_space<vmem>> -> memref<64xi32, #tpu.memory_space<vmem>>
        %dma_wait3A_133 = arith.constant 0 : i32
        %dma_wait3A_134 = arith.constant 0 : i32
        %dma_wait3A_135 = tpu.memref_slice %arg2[%dma_wait3A_133, %dma_wait3A_134] : memref<10000x128xf32, #tpu.memory_space<hbm>> -> memref<10000x128xf32, #tpu.memory_space<hbm>>
        tpu.wait_indirect_dma semaphore(%arg13 : memref<!tpu.dma_semaphore, #tpu.memory_space<semaphore_mem>>) src(%dma_wait3A_135 : memref<10000x128xf32, #tpu.memory_space<hbm>>) dst(%arg11 : memref<64x128xf32, #tpu.memory_space<vmem>>)
        %add3A_136 = arith.constant 0 : i32
        %add3A_137 = arith.addi %mul3A_81, %add3A_136 : i32
        "tpu.region"() ({
          %run_scoped3A = tpu.sem_alloc : memref<!tpu.dma_semaphore, #tpu.memory_space<semaphore_mem>>
          %dma_start3A_144 = arith.constant 0 : i32
          %dma_start3A_145 = tpu.memref_slice %arg7[%add3A_137, %dma_start3A_144] : memref<40x64xi32, #tpu.memory_space<vmem>> -> memref<1x64xi32, #tpu.memory_space<vmem>>
          %dma_start3A_146 = tpu.memref_squeeze %dma_start3A_145 : memref<1x64xi32, #tpu.memory_space<vmem>> -> memref<64xi32, #tpu.memory_space<vmem>>
          %dma_start3A_147 = arith.constant 0 : i32
          %dma_start3A_148 = arith.constant 0 : i32
          %dma_start3A_149 = tpu.memref_slice %arg12[%dma_start3A_147, %dma_start3A_148] : memref<10112x128xf32, #tpu.memory_space<vmem_shared>> -> memref<10112x128xf32, #tpu.memory_space<vmem_shared>>
          tpu.enqueue_indirect_dma source(%arg8 : memref<64x128xf32, #tpu.memory_space<vmem>>) target(%dma_start3A_149 : memref<10112x128xf32, #tpu.memory_space<vmem_shared>>) offsets(%dma_start3A_146 : memref<64xi32, #tpu.memory_space<vmem>>) semaphore(%run_scoped3A : memref<!tpu.dma_semaphore, #tpu.memory_space<semaphore_mem>>) {add = true}
          %dma_wait3A_150 = arith.constant 0 : i32
          %dma_wait3A_151 = tpu.memref_slice %arg7[%add3A_137, %dma_wait3A_150] : memref<40x64xi32, #tpu.memory_space<vmem>> -> memref<1x64xi32, #tpu.memory_space<vmem>>
          %dma_wait3A_152 = tpu.memref_squeeze %dma_wait3A_151 : memref<1x64xi32, #tpu.memory_space<vmem>> -> memref<64xi32, #tpu.memory_space<vmem>>
          %dma_wait3A_153 = arith.constant 0 : i32
          %dma_wait3A_154 = arith.constant 0 : i32
          %dma_wait3A_155 = tpu.memref_slice %arg12[%dma_wait3A_153, %dma_wait3A_154] : memref<10112x128xf32, #tpu.memory_space<vmem_shared>> -> memref<10112x128xf32, #tpu.memory_space<vmem_shared>>
          tpu.wait_indirect_dma semaphore(%run_scoped3A : memref<!tpu.dma_semaphore, #tpu.memory_space<semaphore_mem>>) src(%arg8 : memref<64x128xf32, #tpu.memory_space<vmem>>) dst(%dma_wait3A_155 : memref<10112x128xf32, #tpu.memory_space<vmem_shared>>)
          tpu.yield
        }) : () -> ()
        %add3A_138 = arith.constant 1 : i32
        %add3A_139 = arith.addi %mul3A_81, %add3A_138 : i32
        "tpu.region"() ({
          %run_scoped3A = tpu.sem_alloc : memref<!tpu.dma_semaphore, #tpu.memory_space<semaphore_mem>>
          %dma_start3A_144 = arith.constant 0 : i32
          %dma_start3A_145 = tpu.memref_slice %arg7[%add3A_139, %dma_start3A_144] : memref<40x64xi32, #tpu.memory_space<vmem>> -> memref<1x64xi32, #tpu.memory_space<vmem>>
          %dma_start3A_146 = tpu.memref_squeeze %dma_start3A_145 : memref<1x64xi32, #tpu.memory_space<vmem>> -> memref<64xi32, #tpu.memory_space<vmem>>
          %dma_start3A_147 = arith.constant 0 : i32
          %dma_start3A_148 = arith.constant 0 : i32
          %dma_start3A_149 = tpu.memref_slice %arg12[%dma_start3A_147, %dma_start3A_148] : memref<10112x128xf32, #tpu.memory_space<vmem_shared>> -> memref<10112x128xf32, #tpu.memory_space<vmem_shared>>
          tpu.enqueue_indirect_dma source(%arg9 : memref<64x128xf32, #tpu.memory_space<vmem>>) target(%dma_start3A_149 : memref<10112x128xf32, #tpu.memory_space<vmem_shared>>) offsets(%dma_start3A_146 : memref<64xi32, #tpu.memory_space<vmem>>) semaphore(%run_scoped3A : memref<!tpu.dma_semaphore, #tpu.memory_space<semaphore_mem>>) {add = true}
          %dma_wait3A_150 = arith.constant 0 : i32
          %dma_wait3A_151 = tpu.memref_slice %arg7[%add3A_139, %dma_wait3A_150] : memref<40x64xi32, #tpu.memory_space<vmem>> -> memref<1x64xi32, #tpu.memory_space<vmem>>
          %dma_wait3A_152 = tpu.memref_squeeze %dma_wait3A_151 : memref<1x64xi32, #tpu.memory_space<vmem>> -> memref<64xi32, #tpu.memory_space<vmem>>
          %dma_wait3A_153 = arith.constant 0 : i32
          %dma_wait3A_154 = arith.constant 0 : i32
          %dma_wait3A_155 = tpu.memref_slice %arg12[%dma_wait3A_153, %dma_wait3A_154] : memref<10112x128xf32, #tpu.memory_space<vmem_shared>> -> memref<10112x128xf32, #tpu.memory_space<vmem_shared>>
          tpu.wait_indirect_dma semaphore(%run_scoped3A : memref<!tpu.dma_semaphore, #tpu.memory_space<semaphore_mem>>) src(%arg9 : memref<64x128xf32, #tpu.memory_space<vmem>>) dst(%dma_wait3A_155 : memref<10112x128xf32, #tpu.memory_space<vmem_shared>>)
          tpu.yield
        }) : () -> ()
        %add3A_140 = arith.constant 2 : i32
        %add3A_141 = arith.addi %mul3A_81, %add3A_140 : i32
        "tpu.region"() ({
          %run_scoped3A = tpu.sem_alloc : memref<!tpu.dma_semaphore, #tpu.memory_space<semaphore_mem>>
          %dma_start3A_144 = arith.constant 0 : i32
          %dma_start3A_145 = tpu.memref_slice %arg7[%add3A_141, %dma_start3A_144] : memref<40x64xi32, #tpu.memory_space<vmem>> -> memref<1x64xi32, #tpu.memory_space<vmem>>
          %dma_start3A_146 = tpu.memref_squeeze %dma_start3A_145 : memref<1x64xi32, #tpu.memory_space<vmem>> -> memref<64xi32, #tpu.memory_space<vmem>>
          %dma_start3A_147 = arith.constant 0 : i32
          %dma_start3A_148 = arith.constant 0 : i32
          %dma_start3A_149 = tpu.memref_slice %arg12[%dma_start3A_147, %dma_start3A_148] : memref<10112x128xf32, #tpu.memory_space<vmem_shared>> -> memref<10112x128xf32, #tpu.memory_space<vmem_shared>>
          tpu.enqueue_indirect_dma source(%arg10 : memref<64x128xf32, #tpu.memory_space<vmem>>) target(%dma_start3A_149 : memref<10112x128xf32, #tpu.memory_space<vmem_shared>>) offsets(%dma_start3A_146 : memref<64xi32, #tpu.memory_space<vmem>>) semaphore(%run_scoped3A : memref<!tpu.dma_semaphore, #tpu.memory_space<semaphore_mem>>) {add = true}
          %dma_wait3A_150 = arith.constant 0 : i32
          %dma_wait3A_151 = tpu.memref_slice %arg7[%add3A_141, %dma_wait3A_150] : memref<40x64xi32, #tpu.memory_space<vmem>> -> memref<1x64xi32, #tpu.memory_space<vmem>>
          %dma_wait3A_152 = tpu.memref_squeeze %dma_wait3A_151 : memref<1x64xi32, #tpu.memory_space<vmem>> -> memref<64xi32, #tpu.memory_space<vmem>>
          %dma_wait3A_153 = arith.constant 0 : i32
          %dma_wait3A_154 = arith.constant 0 : i32
          %dma_wait3A_155 = tpu.memref_slice %arg12[%dma_wait3A_153, %dma_wait3A_154] : memref<10112x128xf32, #tpu.memory_space<vmem_shared>> -> memref<10112x128xf32, #tpu.memory_space<vmem_shared>>
          tpu.wait_indirect_dma semaphore(%run_scoped3A : memref<!tpu.dma_semaphore, #tpu.memory_space<semaphore_mem>>) src(%arg10 : memref<64x128xf32, #tpu.memory_space<vmem>>) dst(%dma_wait3A_155 : memref<10112x128xf32, #tpu.memory_space<vmem_shared>>)
          tpu.yield
        }) : () -> ()
        %add3A_142 = arith.constant 3 : i32
        %add3A_143 = arith.addi %mul3A_81, %add3A_142 : i32
        "tpu.region"() ({
          %run_scoped3A = tpu.sem_alloc : memref<!tpu.dma_semaphore, #tpu.memory_space<semaphore_mem>>
          %dma_start3A_144 = arith.constant 0 : i32
          %dma_start3A_145 = tpu.memref_slice %arg7[%add3A_143, %dma_start3A_144] : memref<40x64xi32, #tpu.memory_space<vmem>> -> memref<1x64xi32, #tpu.memory_space<vmem>>
          %dma_start3A_146 = tpu.memref_squeeze %dma_start3A_145 : memref<1x64xi32, #tpu.memory_space<vmem>> -> memref<64xi32, #tpu.memory_space<vmem>>
          %dma_start3A_147 = arith.constant 0 : i32
          %dma_start3A_148 = arith.constant 0 : i32
          %dma_start3A_149 = tpu.memref_slice %arg12[%dma_start3A_147, %dma_start3A_148] : memref<10112x128xf32, #tpu.memory_space<vmem_shared>> -> memref<10112x128xf32, #tpu.memory_space<vmem_shared>>
          tpu.enqueue_indirect_dma source(%arg11 : memref<64x128xf32, #tpu.memory_space<vmem>>) target(%dma_start3A_149 : memref<10112x128xf32, #tpu.memory_space<vmem_shared>>) offsets(%dma_start3A_146 : memref<64xi32, #tpu.memory_space<vmem>>) semaphore(%run_scoped3A : memref<!tpu.dma_semaphore, #tpu.memory_space<semaphore_mem>>) {add = true}
          %dma_wait3A_150 = arith.constant 0 : i32
          %dma_wait3A_151 = tpu.memref_slice %arg7[%add3A_143, %dma_wait3A_150] : memref<40x64xi32, #tpu.memory_space<vmem>> -> memref<1x64xi32, #tpu.memory_space<vmem>>
          %dma_wait3A_152 = tpu.memref_squeeze %dma_wait3A_151 : memref<1x64xi32, #tpu.memory_space<vmem>> -> memref<64xi32, #tpu.memory_space<vmem>>
          %dma_wait3A_153 = arith.constant 0 : i32
          %dma_wait3A_154 = arith.constant 0 : i32
          %dma_wait3A_155 = tpu.memref_slice %arg12[%dma_wait3A_153, %dma_wait3A_154] : memref<10112x128xf32, #tpu.memory_space<vmem_shared>> -> memref<10112x128xf32, #tpu.memory_space<vmem_shared>>
          tpu.wait_indirect_dma semaphore(%run_scoped3A : memref<!tpu.dma_semaphore, #tpu.memory_space<semaphore_mem>>) src(%arg11 : memref<64x128xf32, #tpu.memory_space<vmem>>) dst(%dma_wait3A_155 : memref<10112x128xf32, #tpu.memory_space<vmem_shared>>)
          tpu.yield
        }) : () -> ()
      }
      %scan3A_78 = arith.constant 10 : i32
    }
    %barrier3A_64 = arith.constant 0 : index
    tpu.barrier barrier_id(%barrier3A_64)
    %mul3A_65 = arith.constant 632 : i32
    %mul3A_66 = arith.muli %arg1, %mul3A_65 : i32
    %mul3A_67 = arith.constant 632 : i32
    %mul3A_68 = arith.muli %arg1, %mul3A_67 : i32
    "tpu.region"() ({
      %run_scoped3A = tpu.sem_alloc : memref<!tpu.dma_semaphore, #tpu.memory_space<semaphore_mem>>
      %dma_start3A = arith.constant 0 : i32
      %dma_start3A_69 = tpu.memref_slice %arg5[%arg0, %mul3A_68, %dma_start3A] : memref<2x10112x128xf32, #tpu.memory_space<hbm>> -> memref<1x632x128xf32, #tpu.memory_space<hbm>>
      %dma_start3A_70 = tpu.memref_squeeze %dma_start3A_69 : memref<1x632x128xf32, #tpu.memory_space<hbm>> -> memref<632x128xf32, #tpu.memory_space<hbm>>
      %dma_start3A_71 = arith.constant 0 : i32
      %dma_start3A_72 = tpu.memref_slice %arg12[%mul3A_66, %dma_start3A_71] : memref<10112x128xf32, #tpu.memory_space<vmem_shared>> -> memref<632x128xf32, #tpu.memory_space<vmem_shared>>
      tpu.enqueue_dma source(%dma_start3A_72 : memref<632x128xf32, #tpu.memory_space<vmem_shared>>) target(%dma_start3A_70 : memref<632x128xf32, #tpu.memory_space<hbm>>) target_semaphore(%run_scoped3A : memref<!tpu.dma_semaphore, #tpu.memory_space<semaphore_mem>>)
      %dma_wait3A = arith.constant 0 : i32
      %dma_wait3A_73 = tpu.memref_slice %arg5[%arg0, %mul3A_68, %dma_wait3A] : memref<2x10112x128xf32, #tpu.memory_space<hbm>> -> memref<1x632x128xf32, #tpu.memory_space<hbm>>
      %dma_wait3A_74 = tpu.memref_squeeze %dma_wait3A_73 : memref<1x632x128xf32, #tpu.memory_space<hbm>> -> memref<632x128xf32, #tpu.memory_space<hbm>>
      %dma_wait3A_75 = arith.constant 0 : i32
      %dma_wait3A_76 = tpu.memref_slice %arg12[%mul3A_66, %dma_wait3A_75] : memref<10112x128xf32, #tpu.memory_space<vmem_shared>> -> memref<632x128xf32, #tpu.memory_space<vmem_shared>>
      tpu.wait_dma2 semaphore(%run_scoped3A : memref<!tpu.dma_semaphore, #tpu.memory_space<semaphore_mem>>) src(%dma_wait3A_76 : memref<632x128xf32, #tpu.memory_space<vmem_shared>>) dst(%dma_wait3A_74 : memref<632x128xf32, #tpu.memory_space<hbm>>)
      tpu.yield
    }) : () -> ()
    return
  }
}

#map = affine_map<(d0, d1) -> (0, 0)>
#map1 = affine_map<(d0, d1) -> (0, 0, 0)>
module attributes {stable_mosaic.version = 14 : i64} {
  func.func @_edge_sum_kernel(%arg0: i32, %arg1: i32, %arg2: memref<10000x128xf32, #tpu.memory_space<hbm>>, %arg3: memref<5120x64xi32, #tpu.memory_space<hbm>>, %arg4: memref<5120x64xi32, #tpu.memory_space<hbm>>, %arg5: memref<2x10112x128xf32, #tpu.memory_space<hbm>>, %arg6: memref<40x64xi32, #tpu.memory_space<vmem>>, %arg7: memref<40x64xi32, #tpu.memory_space<vmem>>, %arg8: memref<64x128xf32, #tpu.memory_space<vmem>>, %arg9: memref<64x128xf32, #tpu.memory_space<vmem>>, %arg10: memref<64x128xf32, #tpu.memory_space<vmem>>, %arg11: memref<64x128xf32, #tpu.memory_space<vmem>>, %arg12: memref<10112x128xf32, #tpu.memory_space<vmem_shared>>, %arg13: memref<!tpu.dma_semaphore, #tpu.memory_space<semaphore_mem>>) attributes {dimension_semantics = [#tpu.dimension_semantics<core_parallel>, #tpu.dimension_semantics<subcore_parallel>], iteration_bounds = array<i64: 2, 16>, scalar_prefetch = 0 : i64, scratch_operands = 8 : i64, tpu.core_type = #tpu.core_type<sc_vector_subcore>, window_params = [{transform_indices = #map}, {transform_indices = #map}, {transform_indices = #map}, {transform_indices = #map1}]} {
    %eq3A = arith.constant 0 : i32
    %eq3A_0 = arith.cmpi eq, %arg0, %eq3A : i32
    %select_n3A = arith.constant 2 : i32
    %select_n3A_1 = arith.constant 6 : i32
    %select_n3A_2 = arith.select %eq3A_0, %select_n3A_1, %select_n3A : i32
    %eq3A_3 = arith.constant 0 : i32
    %eq3A_4 = arith.cmpi eq, %arg0, %eq3A_3 : i32
    %mul3A = arith.constant 240 : i32
    %mul3A_5 = arith.muli %arg1, %mul3A : i32
    %mul3A_6 = arith.constant 80 : i32
    %mul3A_7 = arith.muli %arg1, %mul3A_6 : i32
    %add3A = arith.constant 3840 : i32
    %add3A_8 = arith.addi %add3A, %mul3A_7 : i32
    %select_n3A_9 = arith.select %eq3A_4, %mul3A_5, %add3A_8 : i32
    %scan3A = arith.constant 0 : i32
    %scan3A_10 = arith.constant 0 : i32
    %scan3A_11 = arith.constant 64 : i32
    %scan3A_12 = arith.addi %scan3A_10, %scan3A_11 : i32
    %scan3A_13 = arith.constant 1 : i32
    scf.for %scan3A_69 = %scan3A_10 to %scan3A_12 step %scan3A_13  : i32 {
      %broadcast_in_dim3A = arith.constant 0.000000e+00 : f32
      %broadcast_in_dim3A_70 = vector.broadcast %broadcast_in_dim3A : f32 to vector<16xf32>
      %swap3A = arith.index_cast %scan3A_69 : i32 to index
      %swap3A_71 = arith.constant 0 : index
      %swap3A_72 = tpu.vector_load %arg8[%swap3A, %swap3A_71] {strides = array<i32>} : memref<64x128xf32, #tpu.memory_space<vmem>>, vector<1x16xf32>,
      %swap3A_73 = vector.shape_cast %swap3A_72 : vector<1x16xf32> to vector<16xf32>
      %swap3A_74 = vector.shape_cast %broadcast_in_dim3A_70 : vector<16xf32> to vector<1x16xf32>
      tpu.vector_store %arg8[%swap3A, %swap3A_71], %swap3A_74 {strides = array<i32>} : memref<64x128xf32, #tpu.memory_space<vmem>>, vector<1x16xf32>,
      %broadcast_in_dim3A_75 = arith.constant 0.000000e+00 : f32
      %broadcast_in_dim3A_76 = vector.broadcast %broadcast_in_dim3A_75 : f32 to vector<16xf32>
      %swap3A_77 = arith.index_cast %scan3A_69 : i32 to index
      %swap3A_78 = arith.constant 16 : index
      %swap3A_79 = tpu.vector_load %arg8[%swap3A_77, %swap3A_78] {strides = array<i32>} : memref<64x128xf32, #tpu.memory_space<vmem>>, vector<1x16xf32>,
      %swap3A_80 = vector.shape_cast %swap3A_79 : vector<1x16xf32> to vector<16xf32>
      %swap3A_81 = vector.shape_cast %broadcast_in_dim3A_76 : vector<16xf32> to vector<1x16xf32>
      tpu.vector_store %arg8[%swap3A_77, %swap3A_78], %swap3A_81 {strides = array<i32>} : memref<64x128xf32, #tpu.memory_space<vmem>>, vector<1x16xf32>,
      %broadcast_in_dim3A_82 = arith.constant 0.000000e+00 : f32
      %broadcast_in_dim3A_83 = vector.broadcast %broadcast_in_dim3A_82 : f32 to vector<16xf32>
      %swap3A_84 = arith.index_cast %scan3A_69 : i32 to index
      %swap3A_85 = arith.constant 32 : index
      %swap3A_86 = tpu.vector_load %arg8[%swap3A_84, %swap3A_85] {strides = array<i32>} : memref<64x128xf32, #tpu.memory_space<vmem>>, vector<1x16xf32>,
      %swap3A_87 = vector.shape_cast %swap3A_86 : vector<1x16xf32> to vector<16xf32>
      %swap3A_88 = vector.shape_cast %broadcast_in_dim3A_83 : vector<16xf32> to vector<1x16xf32>
      tpu.vector_store %arg8[%swap3A_84, %swap3A_85], %swap3A_88 {strides = array<i32>} : memref<64x128xf32, #tpu.memory_space<vmem>>, vector<1x16xf32>,
      %broadcast_in_dim3A_89 = arith.constant 0.000000e+00 : f32
      %broadcast_in_dim3A_90 = vector.broadcast %broadcast_in_dim3A_89 : f32 to vector<16xf32>
      %swap3A_91 = arith.index_cast %scan3A_69 : i32 to index
      %swap3A_92 = arith.constant 48 : index
      %swap3A_93 = tpu.vector_load %arg8[%swap3A_91, %swap3A_92] {strides = array<i32>} : memref<64x128xf32, #tpu.memory_space<vmem>>, vector<1x16xf32>,
      %swap3A_94 = vector.shape_cast %swap3A_93 : vector<1x16xf32> to vector<16xf32>
      %swap3A_95 = vector.shape_cast %broadcast_in_dim3A_90 : vector<16xf32> to vector<1x16xf32>
      tpu.vector_store %arg8[%swap3A_91, %swap3A_92], %swap3A_95 {strides = array<i32>} : memref<64x128xf32, #tpu.memory_space<vmem>>, vector<1x16xf32>,
      %broadcast_in_dim3A_96 = arith.constant 0.000000e+00 : f32
      %broadcast_in_dim3A_97 = vector.broadcast %broadcast_in_dim3A_96 : f32 to vector<16xf32>
      %swap3A_98 = arith.index_cast %scan3A_69 : i32 to index
      %swap3A_99 = arith.constant 64 : index
      %swap3A_100 = tpu.vector_load %arg8[%swap3A_98, %swap3A_99] {strides = array<i32>} : memref<64x128xf32, #tpu.memory_space<vmem>>, vector<1x16xf32>,
      %swap3A_101 = vector.shape_cast %swap3A_100 : vector<1x16xf32> to vector<16xf32>
      %swap3A_102 = vector.shape_cast %broadcast_in_dim3A_97 : vector<16xf32> to vector<1x16xf32>
      tpu.vector_store %arg8[%swap3A_98, %swap3A_99], %swap3A_102 {strides = array<i32>} : memref<64x128xf32, #tpu.memory_space<vmem>>, vector<1x16xf32>,
      %broadcast_in_dim3A_103 = arith.constant 0.000000e+00 : f32
      %broadcast_in_dim3A_104 = vector.broadcast %broadcast_in_dim3A_103 : f32 to vector<16xf32>
      %swap3A_105 = arith.index_cast %scan3A_69 : i32 to index
      %swap3A_106 = arith.constant 80 : index
      %swap3A_107 = tpu.vector_load %arg8[%swap3A_105, %swap3A_106] {strides = array<i32>} : memref<64x128xf32, #tpu.memory_space<vmem>>, vector<1x16xf32>,
      %swap3A_108 = vector.shape_cast %swap3A_107 : vector<1x16xf32> to vector<16xf32>
      %swap3A_109 = vector.shape_cast %broadcast_in_dim3A_104 : vector<16xf32> to vector<1x16xf32>
      tpu.vector_store %arg8[%swap3A_105, %swap3A_106], %swap3A_109 {strides = array<i32>} : memref<64x128xf32, #tpu.memory_space<vmem>>, vector<1x16xf32>,
      %broadcast_in_dim3A_110 = arith.constant 0.000000e+00 : f32
      %broadcast_in_dim3A_111 = vector.broadcast %broadcast_in_dim3A_110 : f32 to vector<16xf32>
      %swap3A_112 = arith.index_cast %scan3A_69 : i32 to index
      %swap3A_113 = arith.constant 96 : index
      %swap3A_114 = tpu.vector_load %arg8[%swap3A_112, %swap3A_113] {strides = array<i32>} : memref<64x128xf32, #tpu.memory_space<vmem>>, vector<1x16xf32>,
      %swap3A_115 = vector.shape_cast %swap3A_114 : vector<1x16xf32> to vector<16xf32>
      %swap3A_116 = vector.shape_cast %broadcast_in_dim3A_111 : vector<16xf32> to vector<1x16xf32>
      tpu.vector_store %arg8[%swap3A_112, %swap3A_113], %swap3A_116 {strides = array<i32>} : memref<64x128xf32, #tpu.memory_space<vmem>>, vector<1x16xf32>,
      %broadcast_in_dim3A_117 = arith.constant 0.000000e+00 : f32
      %broadcast_in_dim3A_118 = vector.broadcast %broadcast_in_dim3A_117 : f32 to vector<16xf32>
      %swap3A_119 = arith.index_cast %scan3A_69 : i32 to index
      %swap3A_120 = arith.constant 112 : index
      %swap3A_121 = tpu.vector_load %arg8[%swap3A_119, %swap3A_120] {strides = array<i32>} : memref<64x128xf32, #tpu.memory_space<vmem>>, vector<1x16xf32>,
      %swap3A_122 = vector.shape_cast %swap3A_121 : vector<1x16xf32> to vector<16xf32>
      %swap3A_123 = vector.shape_cast %broadcast_in_dim3A_118 : vector<16xf32> to vector<1x16xf32>
      tpu.vector_store %arg8[%swap3A_119, %swap3A_120], %swap3A_123 {strides = array<i32>} : memref<64x128xf32, #tpu.memory_space<vmem>>, vector<1x16xf32>,
    }
    %scan3A_14 = arith.constant 64 : i32
    %mul3A_15 = arith.constant 632 : i32
    %mul3A_16 = arith.muli %arg1, %mul3A_15 : i32
    %add3A_17 = arith.constant 0 : i32
    %add3A_18 = arith.addi %mul3A_16, %add3A_17 : i32
    "tpu.region"() ({
      %run_scoped3A = tpu.sem_alloc : memref<!tpu.dma_semaphore, #tpu.memory_space<semaphore_mem>>
      %dma_start3A = arith.constant 0 : i32
      %dma_start3A_69 = tpu.memref_slice %arg12[%add3A_18, %dma_start3A] : memref<10112x128xf32, #tpu.memory_space<vmem_shared>> -> memref<64x128xf32, #tpu.memory_space<vmem_shared>>
      %dma_start3A_70 = arith.constant 0 : i32
      %dma_start3A_71 = tpu.memref_slice %arg12[%add3A_18, %dma_start3A_70] : memref<10112x128xf32, #tpu.memory_space<vmem_shared>> -> memref<64x128xf32, #tpu.memory_space<vmem_shared>>
      tpu.enqueue_dma source(%arg8 : memref<64x128xf32, #tpu.memory_space<vmem>>) target(%dma_start3A_71 : memref<64x128xf32, #tpu.memory_space<vmem_shared>>) target_semaphore(%run_scoped3A : memref<!tpu.dma_semaphore, #tpu.memory_space<semaphore_mem>>)
      %dma_wait3A = arith.constant 0 : i32
      %dma_wait3A_72 = tpu.memref_slice %arg12[%add3A_18, %dma_wait3A] : memref<10112x128xf32, #tpu.memory_space<vmem_shared>> -> memref<64x128xf32, #tpu.memory_space<vmem_shared>>
      %dma_wait3A_73 = arith.constant 0 : i32
      %dma_wait3A_74 = tpu.memref_slice %arg12[%add3A_18, %dma_wait3A_73] : memref<10112x128xf32, #tpu.memory_space<vmem_shared>> -> memref<64x128xf32, #tpu.memory_space<vmem_shared>>
      tpu.wait_dma2 semaphore(%run_scoped3A : memref<!tpu.dma_semaphore, #tpu.memory_space<semaphore_mem>>) src(%arg8 : memref<64x128xf32, #tpu.memory_space<vmem>>) dst(%dma_wait3A_74 : memref<64x128xf32, #tpu.memory_space<vmem_shared>>)
      tpu.yield
    }) : () -> ()
    %mul3A_19 = arith.constant 632 : i32
    %mul3A_20 = arith.muli %arg1, %mul3A_19 : i32
    %add3A_21 = arith.constant 64 : i32
    %add3A_22 = arith.addi %mul3A_20, %add3A_21 : i32
    "tpu.region"() ({
      %run_scoped3A = tpu.sem_alloc : memref<!tpu.dma_semaphore, #tpu.memory_space<semaphore_mem>>
      %dma_start3A = arith.constant 0 : i32
      %dma_start3A_69 = tpu.memref_slice %arg12[%add3A_22, %dma_start3A] : memref<10112x128xf32, #tpu.memory_space<vmem_shared>> -> memref<64x128xf32, #tpu.memory_space<vmem_shared>>
      %dma_start3A_70 = arith.constant 0 : i32
      %dma_start3A_71 = tpu.memref_slice %arg12[%add3A_22, %dma_start3A_70] : memref<10112x128xf32, #tpu.memory_space<vmem_shared>> -> memref<64x128xf32, #tpu.memory_space<vmem_shared>>
      tpu.enqueue_dma source(%arg8 : memref<64x128xf32, #tpu.memory_space<vmem>>) target(%dma_start3A_71 : memref<64x128xf32, #tpu.memory_space<vmem_shared>>) target_semaphore(%run_scoped3A : memref<!tpu.dma_semaphore, #tpu.memory_space<semaphore_mem>>)
      %dma_wait3A = arith.constant 0 : i32
      %dma_wait3A_72 = tpu.memref_slice %arg12[%add3A_22, %dma_wait3A] : memref<10112x128xf32, #tpu.memory_space<vmem_shared>> -> memref<64x128xf32, #tpu.memory_space<vmem_shared>>
      %dma_wait3A_73 = arith.constant 0 : i32
      %dma_wait3A_74 = tpu.memref_slice %arg12[%add3A_22, %dma_wait3A_73] : memref<10112x128xf32, #tpu.memory_space<vmem_shared>> -> memref<64x128xf32, #tpu.memory_space<vmem_shared>>
      tpu.wait_dma2 semaphore(%run_scoped3A : memref<!tpu.dma_semaphore, #tpu.memory_space<semaphore_mem>>) src(%arg8 : memref<64x128xf32, #tpu.memory_space<vmem>>) dst(%dma_wait3A_74 : memref<64x128xf32, #tpu.memory_space<vmem_shared>>)
      tpu.yield
    }) : () -> ()
    %mul3A_23 = arith.constant 632 : i32
    %mul3A_24 = arith.muli %arg1, %mul3A_23 : i32
    %add3A_25 = arith.constant 128 : i32
    %add3A_26 = arith.addi %mul3A_24, %add3A_25 : i32
    "tpu.region"() ({
      %run_scoped3A = tpu.sem_alloc : memref<!tpu.dma_semaphore, #tpu.memory_space<semaphore_mem>>
      %dma_start3A = arith.constant 0 : i32
      %dma_start3A_69 = tpu.memref_slice %arg12[%add3A_26, %dma_start3A] : memref<10112x128xf32, #tpu.memory_space<vmem_shared>> -> memref<64x128xf32, #tpu.memory_space<vmem_shared>>
      %dma_start3A_70 = arith.constant 0 : i32
      %dma_start3A_71 = tpu.memref_slice %arg12[%add3A_26, %dma_start3A_70] : memref<10112x128xf32, #tpu.memory_space<vmem_shared>> -> memref<64x128xf32, #tpu.memory_space<vmem_shared>>
      tpu.enqueue_dma source(%arg8 : memref<64x128xf32, #tpu.memory_space<vmem>>) target(%dma_start3A_71 : memref<64x128xf32, #tpu.memory_space<vmem_shared>>) target_semaphore(%run_scoped3A : memref<!tpu.dma_semaphore, #tpu.memory_space<semaphore_mem>>)
      %dma_wait3A = arith.constant 0 : i32
      %dma_wait3A_72 = tpu.memref_slice %arg12[%add3A_26, %dma_wait3A] : memref<10112x128xf32, #tpu.memory_space<vmem_shared>> -> memref<64x128xf32, #tpu.memory_space<vmem_shared>>
      %dma_wait3A_73 = arith.constant 0 : i32
      %dma_wait3A_74 = tpu.memref_slice %arg12[%add3A_26, %dma_wait3A_73] : memref<10112x128xf32, #tpu.memory_space<vmem_shared>> -> memref<64x128xf32, #tpu.memory_space<vmem_shared>>
      tpu.wait_dma2 semaphore(%run_scoped3A : memref<!tpu.dma_semaphore, #tpu.memory_space<semaphore_mem>>) src(%arg8 : memref<64x128xf32, #tpu.memory_space<vmem>>) dst(%dma_wait3A_74 : memref<64x128xf32, #tpu.memory_space<vmem_shared>>)
      tpu.yield
    }) : () -> ()
    %mul3A_27 = arith.constant 632 : i32
    %mul3A_28 = arith.muli %arg1, %mul3A_27 : i32
    %add3A_29 = arith.constant 192 : i32
    %add3A_30 = arith.addi %mul3A_28, %add3A_29 : i32
    "tpu.region"() ({
      %run_scoped3A = tpu.sem_alloc : memref<!tpu.dma_semaphore, #tpu.memory_space<semaphore_mem>>
      %dma_start3A = arith.constant 0 : i32
      %dma_start3A_69 = tpu.memref_slice %arg12[%add3A_30, %dma_start3A] : memref<10112x128xf32, #tpu.memory_space<vmem_shared>> -> memref<64x128xf32, #tpu.memory_space<vmem_shared>>
      %dma_start3A_70 = arith.constant 0 : i32
      %dma_start3A_71 = tpu.memref_slice %arg12[%add3A_30, %dma_start3A_70] : memref<10112x128xf32, #tpu.memory_space<vmem_shared>> -> memref<64x128xf32, #tpu.memory_space<vmem_shared>>
      tpu.enqueue_dma source(%arg8 : memref<64x128xf32, #tpu.memory_space<vmem>>) target(%dma_start3A_71 : memref<64x128xf32, #tpu.memory_space<vmem_shared>>) target_semaphore(%run_scoped3A : memref<!tpu.dma_semaphore, #tpu.memory_space<semaphore_mem>>)
      %dma_wait3A = arith.constant 0 : i32
      %dma_wait3A_72 = tpu.memref_slice %arg12[%add3A_30, %dma_wait3A] : memref<10112x128xf32, #tpu.memory_space<vmem_shared>> -> memref<64x128xf32, #tpu.memory_space<vmem_shared>>
      %dma_wait3A_73 = arith.constant 0 : i32
      %dma_wait3A_74 = tpu.memref_slice %arg12[%add3A_30, %dma_wait3A_73] : memref<10112x128xf32, #tpu.memory_space<vmem_shared>> -> memref<64x128xf32, #tpu.memory_space<vmem_shared>>
      tpu.wait_dma2 semaphore(%run_scoped3A : memref<!tpu.dma_semaphore, #tpu.memory_space<semaphore_mem>>) src(%arg8 : memref<64x128xf32, #tpu.memory_space<vmem>>) dst(%dma_wait3A_74 : memref<64x128xf32, #tpu.memory_space<vmem_shared>>)
      tpu.yield
    }) : () -> ()
    %mul3A_31 = arith.constant 632 : i32
    %mul3A_32 = arith.muli %arg1, %mul3A_31 : i32
    %add3A_33 = arith.constant 256 : i32
    %add3A_34 = arith.addi %mul3A_32, %add3A_33 : i32
    "tpu.region"() ({
      %run_scoped3A = tpu.sem_alloc : memref<!tpu.dma_semaphore, #tpu.memory_space<semaphore_mem>>
      %dma_start3A = arith.constant 0 : i32
      %dma_start3A_69 = tpu.memref_slice %arg12[%add3A_34, %dma_start3A] : memref<10112x128xf32, #tpu.memory_space<vmem_shared>> -> memref<64x128xf32, #tpu.memory_space<vmem_shared>>
      %dma_start3A_70 = arith.constant 0 : i32
      %dma_start3A_71 = tpu.memref_slice %arg12[%add3A_34, %dma_start3A_70] : memref<10112x128xf32, #tpu.memory_space<vmem_shared>> -> memref<64x128xf32, #tpu.memory_space<vmem_shared>>
      tpu.enqueue_dma source(%arg8 : memref<64x128xf32, #tpu.memory_space<vmem>>) target(%dma_start3A_71 : memref<64x128xf32, #tpu.memory_space<vmem_shared>>) target_semaphore(%run_scoped3A : memref<!tpu.dma_semaphore, #tpu.memory_space<semaphore_mem>>)
      %dma_wait3A = arith.constant 0 : i32
      %dma_wait3A_72 = tpu.memref_slice %arg12[%add3A_34, %dma_wait3A] : memref<10112x128xf32, #tpu.memory_space<vmem_shared>> -> memref<64x128xf32, #tpu.memory_space<vmem_shared>>
      %dma_wait3A_73 = arith.constant 0 : i32
      %dma_wait3A_74 = tpu.memref_slice %arg12[%add3A_34, %dma_wait3A_73] : memref<10112x128xf32, #tpu.memory_space<vmem_shared>> -> memref<64x128xf32, #tpu.memory_space<vmem_shared>>
      tpu.wait_dma2 semaphore(%run_scoped3A : memref<!tpu.dma_semaphore, #tpu.memory_space<semaphore_mem>>) src(%arg8 : memref<64x128xf32, #tpu.memory_space<vmem>>) dst(%dma_wait3A_74 : memref<64x128xf32, #tpu.memory_space<vmem_shared>>)
      tpu.yield
    }) : () -> ()
    %mul3A_35 = arith.constant 632 : i32
    %mul3A_36 = arith.muli %arg1, %mul3A_35 : i32
    %add3A_37 = arith.constant 320 : i32
    %add3A_38 = arith.addi %mul3A_36, %add3A_37 : i32
    "tpu.region"() ({
      %run_scoped3A = tpu.sem_alloc : memref<!tpu.dma_semaphore, #tpu.memory_space<semaphore_mem>>
      %dma_start3A = arith.constant 0 : i32
      %dma_start3A_69 = tpu.memref_slice %arg12[%add3A_38, %dma_start3A] : memref<10112x128xf32, #tpu.memory_space<vmem_shared>> -> memref<64x128xf32, #tpu.memory_space<vmem_shared>>
      %dma_start3A_70 = arith.constant 0 : i32
      %dma_start3A_71 = tpu.memref_slice %arg12[%add3A_38, %dma_start3A_70] : memref<10112x128xf32, #tpu.memory_space<vmem_shared>> -> memref<64x128xf32, #tpu.memory_space<vmem_shared>>
      tpu.enqueue_dma source(%arg8 : memref<64x128xf32, #tpu.memory_space<vmem>>) target(%dma_start3A_71 : memref<64x128xf32, #tpu.memory_space<vmem_shared>>) target_semaphore(%run_scoped3A : memref<!tpu.dma_semaphore, #tpu.memory_space<semaphore_mem>>)
      %dma_wait3A = arith.constant 0 : i32
      %dma_wait3A_72 = tpu.memref_slice %arg12[%add3A_38, %dma_wait3A] : memref<10112x128xf32, #tpu.memory_space<vmem_shared>> -> memref<64x128xf32, #tpu.memory_space<vmem_shared>>
      %dma_wait3A_73 = arith.constant 0 : i32
      %dma_wait3A_74 = tpu.memref_slice %arg12[%add3A_38, %dma_wait3A_73] : memref<10112x128xf32, #tpu.memory_space<vmem_shared>> -> memref<64x128xf32, #tpu.memory_space<vmem_shared>>
      tpu.wait_dma2 semaphore(%run_scoped3A : memref<!tpu.dma_semaphore, #tpu.memory_space<semaphore_mem>>) src(%arg8 : memref<64x128xf32, #tpu.memory_space<vmem>>) dst(%dma_wait3A_74 : memref<64x128xf32, #tpu.memory_space<vmem_shared>>)
      tpu.yield
    }) : () -> ()
    %mul3A_39 = arith.constant 632 : i32
    %mul3A_40 = arith.muli %arg1, %mul3A_39 : i32
    %add3A_41 = arith.constant 384 : i32
    %add3A_42 = arith.addi %mul3A_40, %add3A_41 : i32
    "tpu.region"() ({
      %run_scoped3A = tpu.sem_alloc : memref<!tpu.dma_semaphore, #tpu.memory_space<semaphore_mem>>
      %dma_start3A = arith.constant 0 : i32
      %dma_start3A_69 = tpu.memref_slice %arg12[%add3A_42, %dma_start3A] : memref<10112x128xf32, #tpu.memory_space<vmem_shared>> -> memref<64x128xf32, #tpu.memory_space<vmem_shared>>
      %dma_start3A_70 = arith.constant 0 : i32
      %dma_start3A_71 = tpu.memref_slice %arg12[%add3A_42, %dma_start3A_70] : memref<10112x128xf32, #tpu.memory_space<vmem_shared>> -> memref<64x128xf32, #tpu.memory_space<vmem_shared>>
      tpu.enqueue_dma source(%arg8 : memref<64x128xf32, #tpu.memory_space<vmem>>) target(%dma_start3A_71 : memref<64x128xf32, #tpu.memory_space<vmem_shared>>) target_semaphore(%run_scoped3A : memref<!tpu.dma_semaphore, #tpu.memory_space<semaphore_mem>>)
      %dma_wait3A = arith.constant 0 : i32
      %dma_wait3A_72 = tpu.memref_slice %arg12[%add3A_42, %dma_wait3A] : memref<10112x128xf32, #tpu.memory_space<vmem_shared>> -> memref<64x128xf32, #tpu.memory_space<vmem_shared>>
      %dma_wait3A_73 = arith.constant 0 : i32
      %dma_wait3A_74 = tpu.memref_slice %arg12[%add3A_42, %dma_wait3A_73] : memref<10112x128xf32, #tpu.memory_space<vmem_shared>> -> memref<64x128xf32, #tpu.memory_space<vmem_shared>>
      tpu.wait_dma2 semaphore(%run_scoped3A : memref<!tpu.dma_semaphore, #tpu.memory_space<semaphore_mem>>) src(%arg8 : memref<64x128xf32, #tpu.memory_space<vmem>>) dst(%dma_wait3A_74 : memref<64x128xf32, #tpu.memory_space<vmem_shared>>)
      tpu.yield
    }) : () -> ()
    %mul3A_43 = arith.constant 632 : i32
    %mul3A_44 = arith.muli %arg1, %mul3A_43 : i32
    %add3A_45 = arith.constant 448 : i32
    %add3A_46 = arith.addi %mul3A_44, %add3A_45 : i32
    "tpu.region"() ({
      %run_scoped3A = tpu.sem_alloc : memref<!tpu.dma_semaphore, #tpu.memory_space<semaphore_mem>>
      %dma_start3A = arith.constant 0 : i32
      %dma_start3A_69 = tpu.memref_slice %arg12[%add3A_46, %dma_start3A] : memref<10112x128xf32, #tpu.memory_space<vmem_shared>> -> memref<64x128xf32, #tpu.memory_space<vmem_shared>>
      %dma_start3A_70 = arith.constant 0 : i32
      %dma_start3A_71 = tpu.memref_slice %arg12[%add3A_46, %dma_start3A_70] : memref<10112x128xf32, #tpu.memory_space<vmem_shared>> -> memref<64x128xf32, #tpu.memory_space<vmem_shared>>
      tpu.enqueue_dma source(%arg8 : memref<64x128xf32, #tpu.memory_space<vmem>>) target(%dma_start3A_71 : memref<64x128xf32, #tpu.memory_space<vmem_shared>>) target_semaphore(%run_scoped3A : memref<!tpu.dma_semaphore, #tpu.memory_space<semaphore_mem>>)
      %dma_wait3A = arith.constant 0 : i32
      %dma_wait3A_72 = tpu.memref_slice %arg12[%add3A_46, %dma_wait3A] : memref<10112x128xf32, #tpu.memory_space<vmem_shared>> -> memref<64x128xf32, #tpu.memory_space<vmem_shared>>
      %dma_wait3A_73 = arith.constant 0 : i32
      %dma_wait3A_74 = tpu.memref_slice %arg12[%add3A_46, %dma_wait3A_73] : memref<10112x128xf32, #tpu.memory_space<vmem_shared>> -> memref<64x128xf32, #tpu.memory_space<vmem_shared>>
      tpu.wait_dma2 semaphore(%run_scoped3A : memref<!tpu.dma_semaphore, #tpu.memory_space<semaphore_mem>>) src(%arg8 : memref<64x128xf32, #tpu.memory_space<vmem>>) dst(%dma_wait3A_74 : memref<64x128xf32, #tpu.memory_space<vmem_shared>>)
      tpu.yield
    }) : () -> ()
    %mul3A_47 = arith.constant 632 : i32
    %mul3A_48 = arith.muli %arg1, %mul3A_47 : i32
    %add3A_49 = arith.constant 512 : i32
    %add3A_50 = arith.addi %mul3A_48, %add3A_49 : i32
    "tpu.region"() ({
      %run_scoped3A = tpu.sem_alloc : memref<!tpu.dma_semaphore, #tpu.memory_space<semaphore_mem>>
      %dma_start3A = arith.constant 0 : i32
      %dma_start3A_69 = tpu.memref_slice %arg12[%add3A_50, %dma_start3A] : memref<10112x128xf32, #tpu.memory_space<vmem_shared>> -> memref<64x128xf32, #tpu.memory_space<vmem_shared>>
      %dma_start3A_70 = arith.constant 0 : i32
      %dma_start3A_71 = tpu.memref_slice %arg12[%add3A_50, %dma_start3A_70] : memref<10112x128xf32, #tpu.memory_space<vmem_shared>> -> memref<64x128xf32, #tpu.memory_space<vmem_shared>>
      tpu.enqueue_dma source(%arg8 : memref<64x128xf32, #tpu.memory_space<vmem>>) target(%dma_start3A_71 : memref<64x128xf32, #tpu.memory_space<vmem_shared>>) target_semaphore(%run_scoped3A : memref<!tpu.dma_semaphore, #tpu.memory_space<semaphore_mem>>)
      %dma_wait3A = arith.constant 0 : i32
      %dma_wait3A_72 = tpu.memref_slice %arg12[%add3A_50, %dma_wait3A] : memref<10112x128xf32, #tpu.memory_space<vmem_shared>> -> memref<64x128xf32, #tpu.memory_space<vmem_shared>>
      %dma_wait3A_73 = arith.constant 0 : i32
      %dma_wait3A_74 = tpu.memref_slice %arg12[%add3A_50, %dma_wait3A_73] : memref<10112x128xf32, #tpu.memory_space<vmem_shared>> -> memref<64x128xf32, #tpu.memory_space<vmem_shared>>
      tpu.wait_dma2 semaphore(%run_scoped3A : memref<!tpu.dma_semaphore, #tpu.memory_space<semaphore_mem>>) src(%arg8 : memref<64x128xf32, #tpu.memory_space<vmem>>) dst(%dma_wait3A_74 : memref<64x128xf32, #tpu.memory_space<vmem_shared>>)
      tpu.yield
    }) : () -> ()
    %mul3A_51 = arith.constant 632 : i32
    %mul3A_52 = arith.muli %arg1, %mul3A_51 : i32
    %add3A_53 = arith.constant 576 : i32
    %add3A_54 = arith.addi %mul3A_52, %add3A_53 : i32
    "tpu.region"() ({
      %run_scoped3A = tpu.sem_alloc : memref<!tpu.dma_semaphore, #tpu.memory_space<semaphore_mem>>
      %dma_start3A = arith.constant 0 : i32
      %dma_start3A_69 = arith.constant 0 : i32
      %dma_start3A_70 = tpu.memref_slice %arg8[%dma_start3A, %dma_start3A_69] : memref<64x128xf32, #tpu.memory_space<vmem>> -> memref<56x128xf32, #tpu.memory_space<vmem>>
      %dma_start3A_71 = arith.constant 0 : i32
      %dma_start3A_72 = tpu.memref_slice %arg12[%add3A_54, %dma_start3A_71] : memref<10112x128xf32, #tpu.memory_space<vmem_shared>> -> memref<56x128xf32, #tpu.memory_space<vmem_shared>>
      %dma_start3A_73 = arith.constant 0 : i32
      %dma_start3A_74 = tpu.memref_slice %arg12[%add3A_54, %dma_start3A_73] : memref<10112x128xf32, #tpu.memory_space<vmem_shared>> -> memref<56x128xf32, #tpu.memory_space<vmem_shared>>
      %dma_start3A_75 = arith.constant 0 : i32
      %dma_start3A_76 = arith.constant 0 : i32
      %dma_start3A_77 = tpu.memref_slice %arg8[%dma_start3A_75, %dma_start3A_76] : memref<64x128xf32, #tpu.memory_space<vmem>> -> memref<56x128xf32, #tpu.memory_space<vmem>>
      tpu.enqueue_dma source(%dma_start3A_77 : memref<56x128xf32, #tpu.memory_space<vmem>>) target(%dma_start3A_74 : memref<56x128xf32, #tpu.memory_space<vmem_shared>>) target_semaphore(%run_scoped3A : memref<!tpu.dma_semaphore, #tpu.memory_space<semaphore_mem>>)
      %dma_wait3A = arith.constant 0 : i32
      %dma_wait3A_78 = arith.constant 0 : i32
      %dma_wait3A_79 = tpu.memref_slice %arg8[%dma_wait3A, %dma_wait3A_78] : memref<64x128xf32, #tpu.memory_space<vmem>> -> memref<56x128xf32, #tpu.memory_space<vmem>>
      %dma_wait3A_80 = arith.constant 0 : i32
      %dma_wait3A_81 = tpu.memref_slice %arg12[%add3A_54, %dma_wait3A_80] : memref<10112x128xf32, #tpu.memory_space<vmem_shared>> -> memref<56x128xf32, #tpu.memory_space<vmem_shared>>
      %dma_wait3A_82 = arith.constant 0 : i32
      %dma_wait3A_83 = tpu.memref_slice %arg12[%add3A_54, %dma_wait3A_82] : memref<10112x128xf32, #tpu.memory_space<vmem_shared>> -> memref<56x128xf32, #tpu.memory_space<vmem_shared>>
      %dma_wait3A_84 = arith.constant 0 : i32
      %dma_wait3A_85 = arith.constant 0 : i32
      %dma_wait3A_86 = tpu.memref_slice %arg8[%dma_wait3A_84, %dma_wait3A_85] : memref<64x128xf32, #tpu.memory_space<vmem>> -> memref<56x128xf32, #tpu.memory_space<vmem>>
      tpu.wait_dma2 semaphore(%run_scoped3A : memref<!tpu.dma_semaphore, #tpu.memory_space<semaphore_mem>>) src(%dma_wait3A_86 : memref<56x128xf32, #tpu.memory_space<vmem>>) dst(%dma_wait3A_83 : memref<56x128xf32, #tpu.memory_space<vmem_shared>>)
      tpu.yield
    }) : () -> ()
    %barrier3A = arith.constant 0 : index
    tpu.barrier barrier_id(%barrier3A)
    %while3A = arith.constant 0 : i32
    %while3A_55 = arith.constant 0 : i32
    %while3A_56 = arith.subi %select_n3A_2, %while3A_55 : i32
    %while3A_57 = arith.addi %while3A_55, %while3A_56 : i32
    %while3A_58 = arith.constant 1 : i32
    %while3A_59 = arith.divsi %while3A_56, %while3A_58 : i32
    %while3A_60 = arith.muli %while3A_59, %while3A_58 : i32
    %while3A_61 = arith.addi %while3A_55, %while3A_60 : i32
    %while3A_62 = arith.constant 1 : i32
    scf.for %while3A_69 = %while3A_55 to %while3A_61 step %while3A_62  : i32 {
      %mul3A_70 = arith.constant 40 : i32
      %mul3A_71 = arith.muli %while3A_69, %mul3A_70 : i32
      %add3A_72 = arith.addi %select_n3A_9, %mul3A_71 : i32
      "tpu.region"() ({
        %run_scoped3A = tpu.sem_alloc : memref<!tpu.dma_semaphore, #tpu.memory_space<semaphore_mem>>
        %dma_start3A = arith.constant 0 : i32
        %dma_start3A_79 = tpu.memref_slice %arg3[%add3A_72, %dma_start3A] : memref<5120x64xi32, #tpu.memory_space<hbm>> -> memref<40x64xi32, #tpu.memory_space<hbm>>
        %dma_start3A_80 = arith.constant 0 : i32
        %dma_start3A_81 = tpu.memref_slice %arg3[%add3A_72, %dma_start3A_80] : memref<5120x64xi32, #tpu.memory_space<hbm>> -> memref<40x64xi32, #tpu.memory_space<hbm>>
        tpu.enqueue_dma source(%dma_start3A_81 : memref<40x64xi32, #tpu.memory_space<hbm>>) target(%arg6 : memref<40x64xi32, #tpu.memory_space<vmem>>) target_semaphore(%run_scoped3A : memref<!tpu.dma_semaphore, #tpu.memory_space<semaphore_mem>>)
        %dma_wait3A = arith.constant 0 : i32
        %dma_wait3A_82 = tpu.memref_slice %arg3[%add3A_72, %dma_wait3A] : memref<5120x64xi32, #tpu.memory_space<hbm>> -> memref<40x64xi32, #tpu.memory_space<hbm>>
        %dma_wait3A_83 = arith.constant 0 : i32
        %dma_wait3A_84 = tpu.memref_slice %arg3[%add3A_72, %dma_wait3A_83] : memref<5120x64xi32, #tpu.memory_space<hbm>> -> memref<40x64xi32, #tpu.memory_space<hbm>>
        tpu.wait_dma2 semaphore(%run_scoped3A : memref<!tpu.dma_semaphore, #tpu.memory_space<semaphore_mem>>) src(%dma_wait3A_84 : memref<40x64xi32, #tpu.memory_space<hbm>>) dst(%arg6 : memref<40x64xi32, #tpu.memory_space<vmem>>)
        tpu.yield
      }) : () -> ()
      "tpu.region"() ({
        %run_scoped3A = tpu.sem_alloc : memref<!tpu.dma_semaphore, #tpu.memory_space<semaphore_mem>>
        %dma_start3A = arith.constant 0 : i32
        %dma_start3A_79 = tpu.memref_slice %arg4[%add3A_72, %dma_start3A] : memref<5120x64xi32, #tpu.memory_space<hbm>> -> memref<40x64xi32, #tpu.memory_space<hbm>>
        %dma_start3A_80 = arith.constant 0 : i32
        %dma_start3A_81 = tpu.memref_slice %arg4[%add3A_72, %dma_start3A_80] : memref<5120x64xi32, #tpu.memory_space<hbm>> -> memref<40x64xi32, #tpu.memory_space<hbm>>
        tpu.enqueue_dma source(%dma_start3A_81 : memref<40x64xi32, #tpu.memory_space<hbm>>) target(%arg7 : memref<40x64xi32, #tpu.memory_space<vmem>>) target_semaphore(%run_scoped3A : memref<!tpu.dma_semaphore, #tpu.memory_space<semaphore_mem>>)
        %dma_wait3A = arith.constant 0 : i32
        %dma_wait3A_82 = tpu.memref_slice %arg4[%add3A_72, %dma_wait3A] : memref<5120x64xi32, #tpu.memory_space<hbm>> -> memref<40x64xi32, #tpu.memory_space<hbm>>
        %dma_wait3A_83 = arith.constant 0 : i32
        %dma_wait3A_84 = tpu.memref_slice %arg4[%add3A_72, %dma_wait3A_83] : memref<5120x64xi32, #tpu.memory_space<hbm>> -> memref<40x64xi32, #tpu.memory_space<hbm>>
        tpu.wait_dma2 semaphore(%run_scoped3A : memref<!tpu.dma_semaphore, #tpu.memory_space<semaphore_mem>>) src(%dma_wait3A_84 : memref<40x64xi32, #tpu.memory_space<hbm>>) dst(%arg7 : memref<40x64xi32, #tpu.memory_space<vmem>>)
        tpu.yield
      }) : () -> ()
      %scan3A_73 = arith.constant 0 : i32
      %scan3A_74 = arith.constant 0 : i32
      %scan3A_75 = arith.constant 10 : i32
      %scan3A_76 = arith.addi %scan3A_74, %scan3A_75 : i32
      %scan3A_77 = arith.constant 1 : i32
      scf.for %scan3A_79 = %scan3A_74 to %scan3A_76 step %scan3A_77  : i32 {
        %mul3A_80 = arith.constant 4 : i32
        %mul3A_81 = arith.muli %mul3A_80, %scan3A_79 : i32
        %add3A_82 = arith.constant 0 : i32
        %add3A_83 = arith.addi %mul3A_81, %add3A_82 : i32
        %dma_start3A = arith.constant 0 : i32
        %dma_start3A_84 = tpu.memref_slice %arg6[%add3A_83, %dma_start3A] : memref<40x64xi32, #tpu.memory_space<vmem>> -> memref<1x64xi32, #tpu.memory_space<vmem>>
        %dma_start3A_85 = tpu.memref_squeeze %dma_start3A_84 : memref<1x64xi32, #tpu.memory_space<vmem>> -> memref<64xi32, #tpu.memory_space<vmem>>
        %dma_start3A_86 = arith.constant 0 : i32
        %dma_start3A_87 = arith.constant 0 : i32
        %dma_start3A_88 = tpu.memref_slice %arg2[%dma_start3A_86, %dma_start3A_87] : memref<10000x128xf32, #tpu.memory_space<hbm>> -> memref<10000x128xf32, #tpu.memory_space<hbm>>
        tpu.enqueue_indirect_dma source(%dma_start3A_88 : memref<10000x128xf32, #tpu.memory_space<hbm>>) target(%arg8 : memref<64x128xf32, #tpu.memory_space<vmem>>) offsets(%dma_start3A_85 : memref<64xi32, #tpu.memory_space<vmem>>) semaphore(%arg13 : memref<!tpu.dma_semaphore, #tpu.memory_space<semaphore_mem>>)
        %add3A_89 = arith.constant 1 : i32
        %add3A_90 = arith.addi %mul3A_81, %add3A_89 : i32
        %dma_start3A_91 = arith.constant 0 : i32
        %dma_start3A_92 = tpu.memref_slice %arg6[%add3A_90, %dma_start3A_91] : memref<40x64xi32, #tpu.memory_space<vmem>> -> memref<1x64xi32, #tpu.memory_space<vmem>>
        %dma_start3A_93 = tpu.memref_squeeze %dma_start3A_92 : memref<1x64xi32, #tpu.memory_space<vmem>> -> memref<64xi32, #tpu.memory_space<vmem>>
        %dma_start3A_94 = arith.constant 0 : i32
        %dma_start3A_95 = arith.constant 0 : i32
        %dma_start3A_96 = tpu.memref_slice %arg2[%dma_start3A_94, %dma_start3A_95] : memref<10000x128xf32, #tpu.memory_space<hbm>> -> memref<10000x128xf32, #tpu.memory_space<hbm>>
        tpu.enqueue_indirect_dma source(%dma_start3A_96 : memref<10000x128xf32, #tpu.memory_space<hbm>>) target(%arg9 : memref<64x128xf32, #tpu.memory_space<vmem>>) offsets(%dma_start3A_93 : memref<64xi32, #tpu.memory_space<vmem>>) semaphore(%arg13 : memref<!tpu.dma_semaphore, #tpu.memory_space<semaphore_mem>>)
        %add3A_97 = arith.constant 2 : i32
        %add3A_98 = arith.addi %mul3A_81, %add3A_97 : i32
        %dma_start3A_99 = arith.constant 0 : i32
        %dma_start3A_100 = tpu.memref_slice %arg6[%add3A_98, %dma_start3A_99] : memref<40x64xi32, #tpu.memory_space<vmem>> -> memref<1x64xi32, #tpu.memory_space<vmem>>
        %dma_start3A_101 = tpu.memref_squeeze %dma_start3A_100 : memref<1x64xi32, #tpu.memory_space<vmem>> -> memref<64xi32, #tpu.memory_space<vmem>>
        %dma_start3A_102 = arith.constant 0 : i32
        %dma_start3A_103 = arith.constant 0 : i32
        %dma_start3A_104 = tpu.memref_slice %arg2[%dma_start3A_102, %dma_start3A_103] : memref<10000x128xf32, #tpu.memory_space<hbm>> -> memref<10000x128xf32, #tpu.memory_space<hbm>>
        tpu.enqueue_indirect_dma source(%dma_start3A_104 : memref<10000x128xf32, #tpu.memory_space<hbm>>) target(%arg10 : memref<64x128xf32, #tpu.memory_space<vmem>>) offsets(%dma_start3A_101 : memref<64xi32, #tpu.memory_space<vmem>>) semaphore(%arg13 : memref<!tpu.dma_semaphore, #tpu.memory_space<semaphore_mem>>)
        %add3A_105 = arith.constant 3 : i32
        %add3A_106 = arith.addi %mul3A_81, %add3A_105 : i32
        %dma_start3A_107 = arith.constant 0 : i32
        %dma_start3A_108 = tpu.memref_slice %arg6[%add3A_106, %dma_start3A_107] : memref<40x64xi32, #tpu.memory_space<vmem>> -> memref<1x64xi32, #tpu.memory_space<vmem>>
        %dma_start3A_109 = tpu.memref_squeeze %dma_start3A_108 : memref<1x64xi32, #tpu.memory_space<vmem>> -> memref<64xi32, #tpu.memory_space<vmem>>
        %dma_start3A_110 = arith.constant 0 : i32
        %dma_start3A_111 = arith.constant 0 : i32
        %dma_start3A_112 = tpu.memref_slice %arg2[%dma_start3A_110, %dma_start3A_111] : memref<10000x128xf32, #tpu.memory_space<hbm>> -> memref<10000x128xf32, #tpu.memory_space<hbm>>
        tpu.enqueue_indirect_dma source(%dma_start3A_112 : memref<10000x128xf32, #tpu.memory_space<hbm>>) target(%arg11 : memref<64x128xf32, #tpu.memory_space<vmem>>) offsets(%dma_start3A_109 : memref<64xi32, #tpu.memory_space<vmem>>) semaphore(%arg13 : memref<!tpu.dma_semaphore, #tpu.memory_space<semaphore_mem>>)
        %dma_wait3A = arith.constant 0 : i32
        %dma_wait3A_113 = tpu.memref_slice %arg6[%add3A_83, %dma_wait3A] : memref<40x64xi32, #tpu.memory_space<vmem>> -> memref<1x64xi32, #tpu.memory_space<vmem>>
        %dma_wait3A_114 = tpu.memref_squeeze %dma_wait3A_113 : memref<1x64xi32, #tpu.memory_space<vmem>> -> memref<64xi32, #tpu.memory_space<vmem>>
        %dma_wait3A_115 = arith.constant 0 : i32
        %dma_wait3A_116 = arith.constant 0 : i32
        %dma_wait3A_117 = tpu.memref_slice %arg2[%dma_wait3A_115, %dma_wait3A_116] : memref<10000x128xf32, #tpu.memory_space<hbm>> -> memref<10000x128xf32, #tpu.memory_space<hbm>>
        tpu.wait_indirect_dma semaphore(%arg13 : memref<!tpu.dma_semaphore, #tpu.memory_space<semaphore_mem>>) src(%dma_wait3A_117 : memref<10000x128xf32, #tpu.memory_space<hbm>>) dst(%arg8 : memref<64x128xf32, #tpu.memory_space<vmem>>)
        %dma_wait3A_118 = arith.constant 0 : i32
        %dma_wait3A_119 = tpu.memref_slice %arg6[%add3A_90, %dma_wait3A_118] : memref<40x64xi32, #tpu.memory_space<vmem>> -> memref<1x64xi32, #tpu.memory_space<vmem>>
        %dma_wait3A_120 = tpu.memref_squeeze %dma_wait3A_119 : memref<1x64xi32, #tpu.memory_space<vmem>> -> memref<64xi32, #tpu.memory_space<vmem>>
        %dma_wait3A_121 = arith.constant 0 : i32
        %dma_wait3A_122 = arith.constant 0 : i32
        %dma_wait3A_123 = tpu.memref_slice %arg2[%dma_wait3A_121, %dma_wait3A_122] : memref<10000x128xf32, #tpu.memory_space<hbm>> -> memref<10000x128xf32, #tpu.memory_space<hbm>>
        tpu.wait_indirect_dma semaphore(%arg13 : memref<!tpu.dma_semaphore, #tpu.memory_space<semaphore_mem>>) src(%dma_wait3A_123 : memref<10000x128xf32, #tpu.memory_space<hbm>>) dst(%arg9 : memref<64x128xf32, #tpu.memory_space<vmem>>)
        %dma_wait3A_124 = arith.constant 0 : i32
        %dma_wait3A_125 = tpu.memref_slice %arg6[%add3A_98, %dma_wait3A_124] : memref<40x64xi32, #tpu.memory_space<vmem>> -> memref<1x64xi32, #tpu.memory_space<vmem>>
        %dma_wait3A_126 = tpu.memref_squeeze %dma_wait3A_125 : memref<1x64xi32, #tpu.memory_space<vmem>> -> memref<64xi32, #tpu.memory_space<vmem>>
        %dma_wait3A_127 = arith.constant 0 : i32
        %dma_wait3A_128 = arith.constant 0 : i32
        %dma_wait3A_129 = tpu.memref_slice %arg2[%dma_wait3A_127, %dma_wait3A_128] : memref<10000x128xf32, #tpu.memory_space<hbm>> -> memref<10000x128xf32, #tpu.memory_space<hbm>>
        tpu.wait_indirect_dma semaphore(%arg13 : memref<!tpu.dma_semaphore, #tpu.memory_space<semaphore_mem>>) src(%dma_wait3A_129 : memref<10000x128xf32, #tpu.memory_space<hbm>>) dst(%arg10 : memref<64x128xf32, #tpu.memory_space<vmem>>)
        %dma_wait3A_130 = arith.constant 0 : i32
        %dma_wait3A_131 = tpu.memref_slice %arg6[%add3A_106, %dma_wait3A_130] : memref<40x64xi32, #tpu.memory_space<vmem>> -> memref<1x64xi32, #tpu.memory_space<vmem>>
        %dma_wait3A_132 = tpu.memref_squeeze %dma_wait3A_131 : memref<1x64xi32, #tpu.memory_space<vmem>> -> memref<64xi32, #tpu.memory_space<vmem>>
        %dma_wait3A_133 = arith.constant 0 : i32
        %dma_wait3A_134 = arith.constant 0 : i32
        %dma_wait3A_135 = tpu.memref_slice %arg2[%dma_wait3A_133, %dma_wait3A_134] : memref<10000x128xf32, #tpu.memory_space<hbm>> -> memref<10000x128xf32, #tpu.memory_space<hbm>>
        tpu.wait_indirect_dma semaphore(%arg13 : memref<!tpu.dma_semaphore, #tpu.memory_space<semaphore_mem>>) src(%dma_wait3A_135 : memref<10000x128xf32, #tpu.memory_space<hbm>>) dst(%arg11 : memref<64x128xf32, #tpu.memory_space<vmem>>)
        %add3A_136 = arith.constant 0 : i32
        %add3A_137 = arith.addi %mul3A_81, %add3A_136 : i32
        "tpu.region"() ({
          %run_scoped3A = tpu.sem_alloc : memref<!tpu.dma_semaphore, #tpu.memory_space<semaphore_mem>>
          %dma_start3A_144 = arith.constant 0 : i32
          %dma_start3A_145 = tpu.memref_slice %arg7[%add3A_137, %dma_start3A_144] : memref<40x64xi32, #tpu.memory_space<vmem>> -> memref<1x64xi32, #tpu.memory_space<vmem>>
          %dma_start3A_146 = tpu.memref_squeeze %dma_start3A_145 : memref<1x64xi32, #tpu.memory_space<vmem>> -> memref<64xi32, #tpu.memory_space<vmem>>
          %dma_start3A_147 = arith.constant 0 : i32
          %dma_start3A_148 = arith.constant 0 : i32
          %dma_start3A_149 = tpu.memref_slice %arg12[%dma_start3A_147, %dma_start3A_148] : memref<10112x128xf32, #tpu.memory_space<vmem_shared>> -> memref<10112x128xf32, #tpu.memory_space<vmem_shared>>
          tpu.enqueue_indirect_dma source(%arg8 : memref<64x128xf32, #tpu.memory_space<vmem>>) target(%dma_start3A_149 : memref<10112x128xf32, #tpu.memory_space<vmem_shared>>) offsets(%dma_start3A_146 : memref<64xi32, #tpu.memory_space<vmem>>) semaphore(%run_scoped3A : memref<!tpu.dma_semaphore, #tpu.memory_space<semaphore_mem>>) {add = true}
          %dma_wait3A_150 = arith.constant 0 : i32
          %dma_wait3A_151 = tpu.memref_slice %arg7[%add3A_137, %dma_wait3A_150] : memref<40x64xi32, #tpu.memory_space<vmem>> -> memref<1x64xi32, #tpu.memory_space<vmem>>
          %dma_wait3A_152 = tpu.memref_squeeze %dma_wait3A_151 : memref<1x64xi32, #tpu.memory_space<vmem>> -> memref<64xi32, #tpu.memory_space<vmem>>
          %dma_wait3A_153 = arith.constant 0 : i32
          %dma_wait3A_154 = arith.constant 0 : i32
          %dma_wait3A_155 = tpu.memref_slice %arg12[%dma_wait3A_153, %dma_wait3A_154] : memref<10112x128xf32, #tpu.memory_space<vmem_shared>> -> memref<10112x128xf32, #tpu.memory_space<vmem_shared>>
          tpu.wait_indirect_dma semaphore(%run_scoped3A : memref<!tpu.dma_semaphore, #tpu.memory_space<semaphore_mem>>) src(%arg8 : memref<64x128xf32, #tpu.memory_space<vmem>>) dst(%dma_wait3A_155 : memref<10112x128xf32, #tpu.memory_space<vmem_shared>>)
          tpu.yield
        }) : () -> ()
        %add3A_138 = arith.constant 1 : i32
        %add3A_139 = arith.addi %mul3A_81, %add3A_138 : i32
        "tpu.region"() ({
          %run_scoped3A = tpu.sem_alloc : memref<!tpu.dma_semaphore, #tpu.memory_space<semaphore_mem>>
          %dma_start3A_144 = arith.constant 0 : i32
          %dma_start3A_145 = tpu.memref_slice %arg7[%add3A_139, %dma_start3A_144] : memref<40x64xi32, #tpu.memory_space<vmem>> -> memref<1x64xi32, #tpu.memory_space<vmem>>
          %dma_start3A_146 = tpu.memref_squeeze %dma_start3A_145 : memref<1x64xi32, #tpu.memory_space<vmem>> -> memref<64xi32, #tpu.memory_space<vmem>>
          %dma_start3A_147 = arith.constant 0 : i32
          %dma_start3A_148 = arith.constant 0 : i32
          %dma_start3A_149 = tpu.memref_slice %arg12[%dma_start3A_147, %dma_start3A_148] : memref<10112x128xf32, #tpu.memory_space<vmem_shared>> -> memref<10112x128xf32, #tpu.memory_space<vmem_shared>>
          tpu.enqueue_indirect_dma source(%arg9 : memref<64x128xf32, #tpu.memory_space<vmem>>) target(%dma_start3A_149 : memref<10112x128xf32, #tpu.memory_space<vmem_shared>>) offsets(%dma_start3A_146 : memref<64xi32, #tpu.memory_space<vmem>>) semaphore(%run_scoped3A : memref<!tpu.dma_semaphore, #tpu.memory_space<semaphore_mem>>) {add = true}
          %dma_wait3A_150 = arith.constant 0 : i32
          %dma_wait3A_151 = tpu.memref_slice %arg7[%add3A_139, %dma_wait3A_150] : memref<40x64xi32, #tpu.memory_space<vmem>> -> memref<1x64xi32, #tpu.memory_space<vmem>>
          %dma_wait3A_152 = tpu.memref_squeeze %dma_wait3A_151 : memref<1x64xi32, #tpu.memory_space<vmem>> -> memref<64xi32, #tpu.memory_space<vmem>>
          %dma_wait3A_153 = arith.constant 0 : i32
          %dma_wait3A_154 = arith.constant 0 : i32
          %dma_wait3A_155 = tpu.memref_slice %arg12[%dma_wait3A_153, %dma_wait3A_154] : memref<10112x128xf32, #tpu.memory_space<vmem_shared>> -> memref<10112x128xf32, #tpu.memory_space<vmem_shared>>
          tpu.wait_indirect_dma semaphore(%run_scoped3A : memref<!tpu.dma_semaphore, #tpu.memory_space<semaphore_mem>>) src(%arg9 : memref<64x128xf32, #tpu.memory_space<vmem>>) dst(%dma_wait3A_155 : memref<10112x128xf32, #tpu.memory_space<vmem_shared>>)
          tpu.yield
        }) : () -> ()
        %add3A_140 = arith.constant 2 : i32
        %add3A_141 = arith.addi %mul3A_81, %add3A_140 : i32
        "tpu.region"() ({
          %run_scoped3A = tpu.sem_alloc : memref<!tpu.dma_semaphore, #tpu.memory_space<semaphore_mem>>
          %dma_start3A_144 = arith.constant 0 : i32
          %dma_start3A_145 = tpu.memref_slice %arg7[%add3A_141, %dma_start3A_144] : memref<40x64xi32, #tpu.memory_space<vmem>> -> memref<1x64xi32, #tpu.memory_space<vmem>>
          %dma_start3A_146 = tpu.memref_squeeze %dma_start3A_145 : memref<1x64xi32, #tpu.memory_space<vmem>> -> memref<64xi32, #tpu.memory_space<vmem>>
          %dma_start3A_147 = arith.constant 0 : i32
          %dma_start3A_148 = arith.constant 0 : i32
          %dma_start3A_149 = tpu.memref_slice %arg12[%dma_start3A_147, %dma_start3A_148] : memref<10112x128xf32, #tpu.memory_space<vmem_shared>> -> memref<10112x128xf32, #tpu.memory_space<vmem_shared>>
          tpu.enqueue_indirect_dma source(%arg10 : memref<64x128xf32, #tpu.memory_space<vmem>>) target(%dma_start3A_149 : memref<10112x128xf32, #tpu.memory_space<vmem_shared>>) offsets(%dma_start3A_146 : memref<64xi32, #tpu.memory_space<vmem>>) semaphore(%run_scoped3A : memref<!tpu.dma_semaphore, #tpu.memory_space<semaphore_mem>>) {add = true}
          %dma_wait3A_150 = arith.constant 0 : i32
          %dma_wait3A_151 = tpu.memref_slice %arg7[%add3A_141, %dma_wait3A_150] : memref<40x64xi32, #tpu.memory_space<vmem>> -> memref<1x64xi32, #tpu.memory_space<vmem>>
          %dma_wait3A_152 = tpu.memref_squeeze %dma_wait3A_151 : memref<1x64xi32, #tpu.memory_space<vmem>> -> memref<64xi32, #tpu.memory_space<vmem>>
          %dma_wait3A_153 = arith.constant 0 : i32
          %dma_wait3A_154 = arith.constant 0 : i32
          %dma_wait3A_155 = tpu.memref_slice %arg12[%dma_wait3A_153, %dma_wait3A_154] : memref<10112x128xf32, #tpu.memory_space<vmem_shared>> -> memref<10112x128xf32, #tpu.memory_space<vmem_shared>>
          tpu.wait_indirect_dma semaphore(%run_scoped3A : memref<!tpu.dma_semaphore, #tpu.memory_space<semaphore_mem>>) src(%arg10 : memref<64x128xf32, #tpu.memory_space<vmem>>) dst(%dma_wait3A_155 : memref<10112x128xf32, #tpu.memory_space<vmem_shared>>)
          tpu.yield
        }) : () -> ()
        %add3A_142 = arith.constant 3 : i32
        %add3A_143 = arith.addi %mul3A_81, %add3A_142 : i32
        "tpu.region"() ({
          %run_scoped3A = tpu.sem_alloc : memref<!tpu.dma_semaphore, #tpu.memory_space<semaphore_mem>>
          %dma_start3A_144 = arith.constant 0 : i32
          %dma_start3A_145 = tpu.memref_slice %arg7[%add3A_143, %dma_start3A_144] : memref<40x64xi32, #tpu.memory_space<vmem>> -> memref<1x64xi32, #tpu.memory_space<vmem>>
          %dma_start3A_146 = tpu.memref_squeeze %dma_start3A_145 : memref<1x64xi32, #tpu.memory_space<vmem>> -> memref<64xi32, #tpu.memory_space<vmem>>
          %dma_start3A_147 = arith.constant 0 : i32
          %dma_start3A_148 = arith.constant 0 : i32
          %dma_start3A_149 = tpu.memref_slice %arg12[%dma_start3A_147, %dma_start3A_148] : memref<10112x128xf32, #tpu.memory_space<vmem_shared>> -> memref<10112x128xf32, #tpu.memory_space<vmem_shared>>
          tpu.enqueue_indirect_dma source(%arg11 : memref<64x128xf32, #tpu.memory_space<vmem>>) target(%dma_start3A_149 : memref<10112x128xf32, #tpu.memory_space<vmem_shared>>) offsets(%dma_start3A_146 : memref<64xi32, #tpu.memory_space<vmem>>) semaphore(%run_scoped3A : memref<!tpu.dma_semaphore, #tpu.memory_space<semaphore_mem>>) {add = true}
          %dma_wait3A_150 = arith.constant 0 : i32
          %dma_wait3A_151 = tpu.memref_slice %arg7[%add3A_143, %dma_wait3A_150] : memref<40x64xi32, #tpu.memory_space<vmem>> -> memref<1x64xi32, #tpu.memory_space<vmem>>
          %dma_wait3A_152 = tpu.memref_squeeze %dma_wait3A_151 : memref<1x64xi32, #tpu.memory_space<vmem>> -> memref<64xi32, #tpu.memory_space<vmem>>
          %dma_wait3A_153 = arith.constant 0 : i32
          %dma_wait3A_154 = arith.constant 0 : i32
          %dma_wait3A_155 = tpu.memref_slice %arg12[%dma_wait3A_153, %dma_wait3A_154] : memref<10112x128xf32, #tpu.memory_space<vmem_shared>> -> memref<10112x128xf32, #tpu.memory_space<vmem_shared>>
          tpu.wait_indirect_dma semaphore(%run_scoped3A : memref<!tpu.dma_semaphore, #tpu.memory_space<semaphore_mem>>) src(%arg11 : memref<64x128xf32, #tpu.memory_space<vmem>>) dst(%dma_wait3A_155 : memref<10112x128xf32, #tpu.memory_space<vmem_shared>>)
          tpu.yield
        }) : () -> ()
      }
      %scan3A_78 = arith.constant 10 : i32
    }
    %while3A_63 = arith.constant 1 : i32
    scf.for %while3A_69 = %while3A_61 to %while3A_57 step %while3A_63  : i32 {
      %mul3A_70 = arith.constant 40 : i32
      %mul3A_71 = arith.muli %while3A_69, %mul3A_70 : i32
      %add3A_72 = arith.addi %select_n3A_9, %mul3A_71 : i32
      "tpu.region"() ({
        %run_scoped3A = tpu.sem_alloc : memref<!tpu.dma_semaphore, #tpu.memory_space<semaphore_mem>>
        %dma_start3A = arith.constant 0 : i32
        %dma_start3A_79 = tpu.memref_slice %arg3[%add3A_72, %dma_start3A] : memref<5120x64xi32, #tpu.memory_space<hbm>> -> memref<40x64xi32, #tpu.memory_space<hbm>>
        %dma_start3A_80 = arith.constant 0 : i32
        %dma_start3A_81 = tpu.memref_slice %arg3[%add3A_72, %dma_start3A_80] : memref<5120x64xi32, #tpu.memory_space<hbm>> -> memref<40x64xi32, #tpu.memory_space<hbm>>
        tpu.enqueue_dma source(%dma_start3A_81 : memref<40x64xi32, #tpu.memory_space<hbm>>) target(%arg6 : memref<40x64xi32, #tpu.memory_space<vmem>>) target_semaphore(%run_scoped3A : memref<!tpu.dma_semaphore, #tpu.memory_space<semaphore_mem>>)
        %dma_wait3A = arith.constant 0 : i32
        %dma_wait3A_82 = tpu.memref_slice %arg3[%add3A_72, %dma_wait3A] : memref<5120x64xi32, #tpu.memory_space<hbm>> -> memref<40x64xi32, #tpu.memory_space<hbm>>
        %dma_wait3A_83 = arith.constant 0 : i32
        %dma_wait3A_84 = tpu.memref_slice %arg3[%add3A_72, %dma_wait3A_83] : memref<5120x64xi32, #tpu.memory_space<hbm>> -> memref<40x64xi32, #tpu.memory_space<hbm>>
        tpu.wait_dma2 semaphore(%run_scoped3A : memref<!tpu.dma_semaphore, #tpu.memory_space<semaphore_mem>>) src(%dma_wait3A_84 : memref<40x64xi32, #tpu.memory_space<hbm>>) dst(%arg6 : memref<40x64xi32, #tpu.memory_space<vmem>>)
        tpu.yield
      }) : () -> ()
      "tpu.region"() ({
        %run_scoped3A = tpu.sem_alloc : memref<!tpu.dma_semaphore, #tpu.memory_space<semaphore_mem>>
        %dma_start3A = arith.constant 0 : i32
        %dma_start3A_79 = tpu.memref_slice %arg4[%add3A_72, %dma_start3A] : memref<5120x64xi32, #tpu.memory_space<hbm>> -> memref<40x64xi32, #tpu.memory_space<hbm>>
        %dma_start3A_80 = arith.constant 0 : i32
        %dma_start3A_81 = tpu.memref_slice %arg4[%add3A_72, %dma_start3A_80] : memref<5120x64xi32, #tpu.memory_space<hbm>> -> memref<40x64xi32, #tpu.memory_space<hbm>>
        tpu.enqueue_dma source(%dma_start3A_81 : memref<40x64xi32, #tpu.memory_space<hbm>>) target(%arg7 : memref<40x64xi32, #tpu.memory_space<vmem>>) target_semaphore(%run_scoped3A : memref<!tpu.dma_semaphore, #tpu.memory_space<semaphore_mem>>)
        %dma_wait3A = arith.constant 0 : i32
        %dma_wait3A_82 = tpu.memref_slice %arg4[%add3A_72, %dma_wait3A] : memref<5120x64xi32, #tpu.memory_space<hbm>> -> memref<40x64xi32, #tpu.memory_space<hbm>>
        %dma_wait3A_83 = arith.constant 0 : i32
        %dma_wait3A_84 = tpu.memref_slice %arg4[%add3A_72, %dma_wait3A_83] : memref<5120x64xi32, #tpu.memory_space<hbm>> -> memref<40x64xi32, #tpu.memory_space<hbm>>
        tpu.wait_dma2 semaphore(%run_scoped3A : memref<!tpu.dma_semaphore, #tpu.memory_space<semaphore_mem>>) src(%dma_wait3A_84 : memref<40x64xi32, #tpu.memory_space<hbm>>) dst(%arg7 : memref<40x64xi32, #tpu.memory_space<vmem>>)
        tpu.yield
      }) : () -> ()
      %scan3A_73 = arith.constant 0 : i32
      %scan3A_74 = arith.constant 0 : i32
      %scan3A_75 = arith.constant 10 : i32
      %scan3A_76 = arith.addi %scan3A_74, %scan3A_75 : i32
      %scan3A_77 = arith.constant 1 : i32
      scf.for %scan3A_79 = %scan3A_74 to %scan3A_76 step %scan3A_77  : i32 {
        %mul3A_80 = arith.constant 4 : i32
        %mul3A_81 = arith.muli %mul3A_80, %scan3A_79 : i32
        %add3A_82 = arith.constant 0 : i32
        %add3A_83 = arith.addi %mul3A_81, %add3A_82 : i32
        %dma_start3A = arith.constant 0 : i32
        %dma_start3A_84 = tpu.memref_slice %arg6[%add3A_83, %dma_start3A] : memref<40x64xi32, #tpu.memory_space<vmem>> -> memref<1x64xi32, #tpu.memory_space<vmem>>
        %dma_start3A_85 = tpu.memref_squeeze %dma_start3A_84 : memref<1x64xi32, #tpu.memory_space<vmem>> -> memref<64xi32, #tpu.memory_space<vmem>>
        %dma_start3A_86 = arith.constant 0 : i32
        %dma_start3A_87 = arith.constant 0 : i32
        %dma_start3A_88 = tpu.memref_slice %arg2[%dma_start3A_86, %dma_start3A_87] : memref<10000x128xf32, #tpu.memory_space<hbm>> -> memref<10000x128xf32, #tpu.memory_space<hbm>>
        tpu.enqueue_indirect_dma source(%dma_start3A_88 : memref<10000x128xf32, #tpu.memory_space<hbm>>) target(%arg8 : memref<64x128xf32, #tpu.memory_space<vmem>>) offsets(%dma_start3A_85 : memref<64xi32, #tpu.memory_space<vmem>>) semaphore(%arg13 : memref<!tpu.dma_semaphore, #tpu.memory_space<semaphore_mem>>)
        %add3A_89 = arith.constant 1 : i32
        %add3A_90 = arith.addi %mul3A_81, %add3A_89 : i32
        %dma_start3A_91 = arith.constant 0 : i32
        %dma_start3A_92 = tpu.memref_slice %arg6[%add3A_90, %dma_start3A_91] : memref<40x64xi32, #tpu.memory_space<vmem>> -> memref<1x64xi32, #tpu.memory_space<vmem>>
        %dma_start3A_93 = tpu.memref_squeeze %dma_start3A_92 : memref<1x64xi32, #tpu.memory_space<vmem>> -> memref<64xi32, #tpu.memory_space<vmem>>
        %dma_start3A_94 = arith.constant 0 : i32
        %dma_start3A_95 = arith.constant 0 : i32
        %dma_start3A_96 = tpu.memref_slice %arg2[%dma_start3A_94, %dma_start3A_95] : memref<10000x128xf32, #tpu.memory_space<hbm>> -> memref<10000x128xf32, #tpu.memory_space<hbm>>
        tpu.enqueue_indirect_dma source(%dma_start3A_96 : memref<10000x128xf32, #tpu.memory_space<hbm>>) target(%arg9 : memref<64x128xf32, #tpu.memory_space<vmem>>) offsets(%dma_start3A_93 : memref<64xi32, #tpu.memory_space<vmem>>) semaphore(%arg13 : memref<!tpu.dma_semaphore, #tpu.memory_space<semaphore_mem>>)
        %add3A_97 = arith.constant 2 : i32
        %add3A_98 = arith.addi %mul3A_81, %add3A_97 : i32
        %dma_start3A_99 = arith.constant 0 : i32
        %dma_start3A_100 = tpu.memref_slice %arg6[%add3A_98, %dma_start3A_99] : memref<40x64xi32, #tpu.memory_space<vmem>> -> memref<1x64xi32, #tpu.memory_space<vmem>>
        %dma_start3A_101 = tpu.memref_squeeze %dma_start3A_100 : memref<1x64xi32, #tpu.memory_space<vmem>> -> memref<64xi32, #tpu.memory_space<vmem>>
        %dma_start3A_102 = arith.constant 0 : i32
        %dma_start3A_103 = arith.constant 0 : i32
        %dma_start3A_104 = tpu.memref_slice %arg2[%dma_start3A_102, %dma_start3A_103] : memref<10000x128xf32, #tpu.memory_space<hbm>> -> memref<10000x128xf32, #tpu.memory_space<hbm>>
        tpu.enqueue_indirect_dma source(%dma_start3A_104 : memref<10000x128xf32, #tpu.memory_space<hbm>>) target(%arg10 : memref<64x128xf32, #tpu.memory_space<vmem>>) offsets(%dma_start3A_101 : memref<64xi32, #tpu.memory_space<vmem>>) semaphore(%arg13 : memref<!tpu.dma_semaphore, #tpu.memory_space<semaphore_mem>>)
        %add3A_105 = arith.constant 3 : i32
        %add3A_106 = arith.addi %mul3A_81, %add3A_105 : i32
        %dma_start3A_107 = arith.constant 0 : i32
        %dma_start3A_108 = tpu.memref_slice %arg6[%add3A_106, %dma_start3A_107] : memref<40x64xi32, #tpu.memory_space<vmem>> -> memref<1x64xi32, #tpu.memory_space<vmem>>
        %dma_start3A_109 = tpu.memref_squeeze %dma_start3A_108 : memref<1x64xi32, #tpu.memory_space<vmem>> -> memref<64xi32, #tpu.memory_space<vmem>>
        %dma_start3A_110 = arith.constant 0 : i32
        %dma_start3A_111 = arith.constant 0 : i32
        %dma_start3A_112 = tpu.memref_slice %arg2[%dma_start3A_110, %dma_start3A_111] : memref<10000x128xf32, #tpu.memory_space<hbm>> -> memref<10000x128xf32, #tpu.memory_space<hbm>>
        tpu.enqueue_indirect_dma source(%dma_start3A_112 : memref<10000x128xf32, #tpu.memory_space<hbm>>) target(%arg11 : memref<64x128xf32, #tpu.memory_space<vmem>>) offsets(%dma_start3A_109 : memref<64xi32, #tpu.memory_space<vmem>>) semaphore(%arg13 : memref<!tpu.dma_semaphore, #tpu.memory_space<semaphore_mem>>)
        %dma_wait3A = arith.constant 0 : i32
        %dma_wait3A_113 = tpu.memref_slice %arg6[%add3A_83, %dma_wait3A] : memref<40x64xi32, #tpu.memory_space<vmem>> -> memref<1x64xi32, #tpu.memory_space<vmem>>
        %dma_wait3A_114 = tpu.memref_squeeze %dma_wait3A_113 : memref<1x64xi32, #tpu.memory_space<vmem>> -> memref<64xi32, #tpu.memory_space<vmem>>
        %dma_wait3A_115 = arith.constant 0 : i32
        %dma_wait3A_116 = arith.constant 0 : i32
        %dma_wait3A_117 = tpu.memref_slice %arg2[%dma_wait3A_115, %dma_wait3A_116] : memref<10000x128xf32, #tpu.memory_space<hbm>> -> memref<10000x128xf32, #tpu.memory_space<hbm>>
        tpu.wait_indirect_dma semaphore(%arg13 : memref<!tpu.dma_semaphore, #tpu.memory_space<semaphore_mem>>) src(%dma_wait3A_117 : memref<10000x128xf32, #tpu.memory_space<hbm>>) dst(%arg8 : memref<64x128xf32, #tpu.memory_space<vmem>>)
        %dma_wait3A_118 = arith.constant 0 : i32
        %dma_wait3A_119 = tpu.memref_slice %arg6[%add3A_90, %dma_wait3A_118] : memref<40x64xi32, #tpu.memory_space<vmem>> -> memref<1x64xi32, #tpu.memory_space<vmem>>
        %dma_wait3A_120 = tpu.memref_squeeze %dma_wait3A_119 : memref<1x64xi32, #tpu.memory_space<vmem>> -> memref<64xi32, #tpu.memory_space<vmem>>
        %dma_wait3A_121 = arith.constant 0 : i32
        %dma_wait3A_122 = arith.constant 0 : i32
        %dma_wait3A_123 = tpu.memref_slice %arg2[%dma_wait3A_121, %dma_wait3A_122] : memref<10000x128xf32, #tpu.memory_space<hbm>> -> memref<10000x128xf32, #tpu.memory_space<hbm>>
        tpu.wait_indirect_dma semaphore(%arg13 : memref<!tpu.dma_semaphore, #tpu.memory_space<semaphore_mem>>) src(%dma_wait3A_123 : memref<10000x128xf32, #tpu.memory_space<hbm>>) dst(%arg9 : memref<64x128xf32, #tpu.memory_space<vmem>>)
        %dma_wait3A_124 = arith.constant 0 : i32
        %dma_wait3A_125 = tpu.memref_slice %arg6[%add3A_98, %dma_wait3A_124] : memref<40x64xi32, #tpu.memory_space<vmem>> -> memref<1x64xi32, #tpu.memory_space<vmem>>
        %dma_wait3A_126 = tpu.memref_squeeze %dma_wait3A_125 : memref<1x64xi32, #tpu.memory_space<vmem>> -> memref<64xi32, #tpu.memory_space<vmem>>
        %dma_wait3A_127 = arith.constant 0 : i32
        %dma_wait3A_128 = arith.constant 0 : i32
        %dma_wait3A_129 = tpu.memref_slice %arg2[%dma_wait3A_127, %dma_wait3A_128] : memref<10000x128xf32, #tpu.memory_space<hbm>> -> memref<10000x128xf32, #tpu.memory_space<hbm>>
        tpu.wait_indirect_dma semaphore(%arg13 : memref<!tpu.dma_semaphore, #tpu.memory_space<semaphore_mem>>) src(%dma_wait3A_129 : memref<10000x128xf32, #tpu.memory_space<hbm>>) dst(%arg10 : memref<64x128xf32, #tpu.memory_space<vmem>>)
        %dma_wait3A_130 = arith.constant 0 : i32
        %dma_wait3A_131 = tpu.memref_slice %arg6[%add3A_106, %dma_wait3A_130] : memref<40x64xi32, #tpu.memory_space<vmem>> -> memref<1x64xi32, #tpu.memory_space<vmem>>
        %dma_wait3A_132 = tpu.memref_squeeze %dma_wait3A_131 : memref<1x64xi32, #tpu.memory_space<vmem>> -> memref<64xi32, #tpu.memory_space<vmem>>
        %dma_wait3A_133 = arith.constant 0 : i32
        %dma_wait3A_134 = arith.constant 0 : i32
        %dma_wait3A_135 = tpu.memref_slice %arg2[%dma_wait3A_133, %dma_wait3A_134] : memref<10000x128xf32, #tpu.memory_space<hbm>> -> memref<10000x128xf32, #tpu.memory_space<hbm>>
        tpu.wait_indirect_dma semaphore(%arg13 : memref<!tpu.dma_semaphore, #tpu.memory_space<semaphore_mem>>) src(%dma_wait3A_135 : memref<10000x128xf32, #tpu.memory_space<hbm>>) dst(%arg11 : memref<64x128xf32, #tpu.memory_space<vmem>>)
        %add3A_136 = arith.constant 0 : i32
        %add3A_137 = arith.addi %mul3A_81, %add3A_136 : i32
        "tpu.region"() ({
          %run_scoped3A = tpu.sem_alloc : memref<!tpu.dma_semaphore, #tpu.memory_space<semaphore_mem>>
          %dma_start3A_144 = arith.constant 0 : i32
          %dma_start3A_145 = tpu.memref_slice %arg7[%add3A_137, %dma_start3A_144] : memref<40x64xi32, #tpu.memory_space<vmem>> -> memref<1x64xi32, #tpu.memory_space<vmem>>
          %dma_start3A_146 = tpu.memref_squeeze %dma_start3A_145 : memref<1x64xi32, #tpu.memory_space<vmem>> -> memref<64xi32, #tpu.memory_space<vmem>>
          %dma_start3A_147 = arith.constant 0 : i32
          %dma_start3A_148 = arith.constant 0 : i32
          %dma_start3A_149 = tpu.memref_slice %arg12[%dma_start3A_147, %dma_start3A_148] : memref<10112x128xf32, #tpu.memory_space<vmem_shared>> -> memref<10112x128xf32, #tpu.memory_space<vmem_shared>>
          tpu.enqueue_indirect_dma source(%arg8 : memref<64x128xf32, #tpu.memory_space<vmem>>) target(%dma_start3A_149 : memref<10112x128xf32, #tpu.memory_space<vmem_shared>>) offsets(%dma_start3A_146 : memref<64xi32, #tpu.memory_space<vmem>>) semaphore(%run_scoped3A : memref<!tpu.dma_semaphore, #tpu.memory_space<semaphore_mem>>) {add = true}
          %dma_wait3A_150 = arith.constant 0 : i32
          %dma_wait3A_151 = tpu.memref_slice %arg7[%add3A_137, %dma_wait3A_150] : memref<40x64xi32, #tpu.memory_space<vmem>> -> memref<1x64xi32, #tpu.memory_space<vmem>>
          %dma_wait3A_152 = tpu.memref_squeeze %dma_wait3A_151 : memref<1x64xi32, #tpu.memory_space<vmem>> -> memref<64xi32, #tpu.memory_space<vmem>>
          %dma_wait3A_153 = arith.constant 0 : i32
          %dma_wait3A_154 = arith.constant 0 : i32
          %dma_wait3A_155 = tpu.memref_slice %arg12[%dma_wait3A_153, %dma_wait3A_154] : memref<10112x128xf32, #tpu.memory_space<vmem_shared>> -> memref<10112x128xf32, #tpu.memory_space<vmem_shared>>
          tpu.wait_indirect_dma semaphore(%run_scoped3A : memref<!tpu.dma_semaphore, #tpu.memory_space<semaphore_mem>>) src(%arg8 : memref<64x128xf32, #tpu.memory_space<vmem>>) dst(%dma_wait3A_155 : memref<10112x128xf32, #tpu.memory_space<vmem_shared>>)
          tpu.yield
        }) : () -> ()
        %add3A_138 = arith.constant 1 : i32
        %add3A_139 = arith.addi %mul3A_81, %add3A_138 : i32
        "tpu.region"() ({
          %run_scoped3A = tpu.sem_alloc : memref<!tpu.dma_semaphore, #tpu.memory_space<semaphore_mem>>
          %dma_start3A_144 = arith.constant 0 : i32
          %dma_start3A_145 = tpu.memref_slice %arg7[%add3A_139, %dma_start3A_144] : memref<40x64xi32, #tpu.memory_space<vmem>> -> memref<1x64xi32, #tpu.memory_space<vmem>>
          %dma_start3A_146 = tpu.memref_squeeze %dma_start3A_145 : memref<1x64xi32, #tpu.memory_space<vmem>> -> memref<64xi32, #tpu.memory_space<vmem>>
          %dma_start3A_147 = arith.constant 0 : i32
          %dma_start3A_148 = arith.constant 0 : i32
          %dma_start3A_149 = tpu.memref_slice %arg12[%dma_start3A_147, %dma_start3A_148] : memref<10112x128xf32, #tpu.memory_space<vmem_shared>> -> memref<10112x128xf32, #tpu.memory_space<vmem_shared>>
          tpu.enqueue_indirect_dma source(%arg9 : memref<64x128xf32, #tpu.memory_space<vmem>>) target(%dma_start3A_149 : memref<10112x128xf32, #tpu.memory_space<vmem_shared>>) offsets(%dma_start3A_146 : memref<64xi32, #tpu.memory_space<vmem>>) semaphore(%run_scoped3A : memref<!tpu.dma_semaphore, #tpu.memory_space<semaphore_mem>>) {add = true}
          %dma_wait3A_150 = arith.constant 0 : i32
          %dma_wait3A_151 = tpu.memref_slice %arg7[%add3A_139, %dma_wait3A_150] : memref<40x64xi32, #tpu.memory_space<vmem>> -> memref<1x64xi32, #tpu.memory_space<vmem>>
          %dma_wait3A_152 = tpu.memref_squeeze %dma_wait3A_151 : memref<1x64xi32, #tpu.memory_space<vmem>> -> memref<64xi32, #tpu.memory_space<vmem>>
          %dma_wait3A_153 = arith.constant 0 : i32
          %dma_wait3A_154 = arith.constant 0 : i32
          %dma_wait3A_155 = tpu.memref_slice %arg12[%dma_wait3A_153, %dma_wait3A_154] : memref<10112x128xf32, #tpu.memory_space<vmem_shared>> -> memref<10112x128xf32, #tpu.memory_space<vmem_shared>>
          tpu.wait_indirect_dma semaphore(%run_scoped3A : memref<!tpu.dma_semaphore, #tpu.memory_space<semaphore_mem>>) src(%arg9 : memref<64x128xf32, #tpu.memory_space<vmem>>) dst(%dma_wait3A_155 : memref<10112x128xf32, #tpu.memory_space<vmem_shared>>)
          tpu.yield
        }) : () -> ()
        %add3A_140 = arith.constant 2 : i32
        %add3A_141 = arith.addi %mul3A_81, %add3A_140 : i32
        "tpu.region"() ({
          %run_scoped3A = tpu.sem_alloc : memref<!tpu.dma_semaphore, #tpu.memory_space<semaphore_mem>>
          %dma_start3A_144 = arith.constant 0 : i32
          %dma_start3A_145 = tpu.memref_slice %arg7[%add3A_141, %dma_start3A_144] : memref<40x64xi32, #tpu.memory_space<vmem>> -> memref<1x64xi32, #tpu.memory_space<vmem>>
          %dma_start3A_146 = tpu.memref_squeeze %dma_start3A_145 : memref<1x64xi32, #tpu.memory_space<vmem>> -> memref<64xi32, #tpu.memory_space<vmem>>
          %dma_start3A_147 = arith.constant 0 : i32
          %dma_start3A_148 = arith.constant 0 : i32
          %dma_start3A_149 = tpu.memref_slice %arg12[%dma_start3A_147, %dma_start3A_148] : memref<10112x128xf32, #tpu.memory_space<vmem_shared>> -> memref<10112x128xf32, #tpu.memory_space<vmem_shared>>
          tpu.enqueue_indirect_dma source(%arg10 : memref<64x128xf32, #tpu.memory_space<vmem>>) target(%dma_start3A_149 : memref<10112x128xf32, #tpu.memory_space<vmem_shared>>) offsets(%dma_start3A_146 : memref<64xi32, #tpu.memory_space<vmem>>) semaphore(%run_scoped3A : memref<!tpu.dma_semaphore, #tpu.memory_space<semaphore_mem>>) {add = true}
          %dma_wait3A_150 = arith.constant 0 : i32
          %dma_wait3A_151 = tpu.memref_slice %arg7[%add3A_141, %dma_wait3A_150] : memref<40x64xi32, #tpu.memory_space<vmem>> -> memref<1x64xi32, #tpu.memory_space<vmem>>
          %dma_wait3A_152 = tpu.memref_squeeze %dma_wait3A_151 : memref<1x64xi32, #tpu.memory_space<vmem>> -> memref<64xi32, #tpu.memory_space<vmem>>
          %dma_wait3A_153 = arith.constant 0 : i32
          %dma_wait3A_154 = arith.constant 0 : i32
          %dma_wait3A_155 = tpu.memref_slice %arg12[%dma_wait3A_153, %dma_wait3A_154] : memref<10112x128xf32, #tpu.memory_space<vmem_shared>> -> memref<10112x128xf32, #tpu.memory_space<vmem_shared>>
          tpu.wait_indirect_dma semaphore(%run_scoped3A : memref<!tpu.dma_semaphore, #tpu.memory_space<semaphore_mem>>) src(%arg10 : memref<64x128xf32, #tpu.memory_space<vmem>>) dst(%dma_wait3A_155 : memref<10112x128xf32, #tpu.memory_space<vmem_shared>>)
          tpu.yield
        }) : () -> ()
        %add3A_142 = arith.constant 3 : i32
        %add3A_143 = arith.addi %mul3A_81, %add3A_142 : i32
        "tpu.region"() ({
          %run_scoped3A = tpu.sem_alloc : memref<!tpu.dma_semaphore, #tpu.memory_space<semaphore_mem>>
          %dma_start3A_144 = arith.constant 0 : i32
          %dma_start3A_145 = tpu.memref_slice %arg7[%add3A_143, %dma_start3A_144] : memref<40x64xi32, #tpu.memory_space<vmem>> -> memref<1x64xi32, #tpu.memory_space<vmem>>
          %dma_start3A_146 = tpu.memref_squeeze %dma_start3A_145 : memref<1x64xi32, #tpu.memory_space<vmem>> -> memref<64xi32, #tpu.memory_space<vmem>>
          %dma_start3A_147 = arith.constant 0 : i32
          %dma_start3A_148 = arith.constant 0 : i32
          %dma_start3A_149 = tpu.memref_slice %arg12[%dma_start3A_147, %dma_start3A_148] : memref<10112x128xf32, #tpu.memory_space<vmem_shared>> -> memref<10112x128xf32, #tpu.memory_space<vmem_shared>>
          tpu.enqueue_indirect_dma source(%arg11 : memref<64x128xf32, #tpu.memory_space<vmem>>) target(%dma_start3A_149 : memref<10112x128xf32, #tpu.memory_space<vmem_shared>>) offsets(%dma_start3A_146 : memref<64xi32, #tpu.memory_space<vmem>>) semaphore(%run_scoped3A : memref<!tpu.dma_semaphore, #tpu.memory_space<semaphore_mem>>) {add = true}
          %dma_wait3A_150 = arith.constant 0 : i32
          %dma_wait3A_151 = tpu.memref_slice %arg7[%add3A_143, %dma_wait3A_150] : memref<40x64xi32, #tpu.memory_space<vmem>> -> memref<1x64xi32, #tpu.memory_space<vmem>>
          %dma_wait3A_152 = tpu.memref_squeeze %dma_wait3A_151 : memref<1x64xi32, #tpu.memory_space<vmem>> -> memref<64xi32, #tpu.memory_space<vmem>>
          %dma_wait3A_153 = arith.constant 0 : i32
          %dma_wait3A_154 = arith.constant 0 : i32
          %dma_wait3A_155 = tpu.memref_slice %arg12[%dma_wait3A_153, %dma_wait3A_154] : memref<10112x128xf32, #tpu.memory_space<vmem_shared>> -> memref<10112x128xf32, #tpu.memory_space<vmem_shared>>
          tpu.wait_indirect_dma semaphore(%run_scoped3A : memref<!tpu.dma_semaphore, #tpu.memory_space<semaphore_mem>>) src(%arg11 : memref<64x128xf32, #tpu.memory_space<vmem>>) dst(%dma_wait3A_155 : memref<10112x128xf32, #tpu.memory_space<vmem_shared>>)
          tpu.yield
        }) : () -> ()
      }
      %scan3A_78 = arith.constant 10 : i32
    }
    %barrier3A_64 = arith.constant 0 : index
    tpu.barrier barrier_id(%barrier3A_64)
    %mul3A_65 = arith.constant 632 : i32
    %mul3A_66 = arith.muli %arg1, %mul3A_65 : i32
    %mul3A_67 = arith.constant 632 : i32
    %mul3A_68 = arith.muli %arg1, %mul3A_67 : i32
    "tpu.region"() ({
      %run_scoped3A = tpu.sem_alloc : memref<!tpu.dma_semaphore, #tpu.memory_space<semaphore_mem>>
      %dma_start3A = arith.constant 0 : i32
      %dma_start3A_69 = tpu.memref_slice %arg5[%arg0, %mul3A_68, %dma_start3A] : memref<2x10112x128xf32, #tpu.memory_space<hbm>> -> memref<1x632x128xf32, #tpu.memory_space<hbm>>
      %dma_start3A_70 = tpu.memref_squeeze %dma_start3A_69 : memref<1x632x128xf32, #tpu.memory_space<hbm>> -> memref<632x128xf32, #tpu.memory_space<hbm>>
      %dma_start3A_71 = arith.constant 0 : i32
      %dma_start3A_72 = tpu.memref_slice %arg12[%mul3A_66, %dma_start3A_71] : memref<10112x128xf32, #tpu.memory_space<vmem_shared>> -> memref<632x128xf32, #tpu.memory_space<vmem_shared>>
      tpu.enqueue_dma source(%dma_start3A_72 : memref<632x128xf32, #tpu.memory_space<vmem_shared>>) target(%dma_start3A_70 : memref<632x128xf32, #tpu.memory_space<hbm>>) target_semaphore(%run_scoped3A : memref<!tpu.dma_semaphore, #tpu.memory_space<semaphore_mem>>)
      %dma_wait3A = arith.constant 0 : i32
      %dma_wait3A_73 = tpu.memref_slice %arg5[%arg0, %mul3A_68, %dma_wait3A] : memref<2x10112x128xf32, #tpu.memory_space<hbm>> -> memref<1x632x128xf32, #tpu.memory_space<hbm>>
      %dma_wait3A_74 = tpu.memref_squeeze %dma_wait3A_73 : memref<1x632x128xf32, #tpu.memory_space<hbm>> -> memref<632x128xf32, #tpu.memory_space<hbm>>
      %dma_wait3A_75 = arith.constant 0 : i32
      %dma_wait3A_76 = tpu.memref_slice %arg12[%mul3A_66, %dma_wait3A_75] : memref<10112x128xf32, #tpu.memory_space<vmem_shared>> -> memref<632x128xf32, #tpu.memory_space<vmem_shared>>
      tpu.wait_dma2 semaphore(%run_scoped3A : memref<!tpu.dma_semaphore, #tpu.memory_space<semaphore_mem>>) src(%dma_wait3A_76 : memref<632x128xf32, #tpu.memory_space<vmem_shared>>) dst(%dma_wait3A_74 : memref<632x128xf32, #tpu.memory_space<hbm>>)
      tpu.yield
    }) : () -> ()
    return
  }
}

module attributes {stable_mosaic.version = 14 : i64} {
  func.func @_tc_first_body(%arg0: memref<2x10112x128xf32, #tpu.memory_space<vmem>>, %arg1: memref<10000x128xf32, #tpu.memory_space<vmem>>, %arg2: memref<128x128xf32, #tpu.memory_space<vmem>>, %arg3: memref<10000x128xf32, #tpu.memory_space<vmem>>) attributes {dimension_semantics = [], scalar_prefetch = 0 : i64, scratch_operands = 0 : i64, tpu.core_type = #tpu.core_type<tc>} {
    %get3A = arith.constant 0 : index
    %get3A_0 = arith.constant 0 : index
    %get3A_1 = arith.constant 0 : index
    %get3A_2 = vector.load %arg0[%get3A, %get3A_0, %get3A_1] : memref<2x10112x128xf32, #tpu.memory_space<vmem>>, vector<1x10112x128xf32>
    %get3A_3 = vector.shape_cast %get3A_2 : vector<1x10112x128xf32> to vector<10112x128xf32>
    %get3A_4 = arith.constant 1 : index
    %get3A_5 = arith.constant 0 : index
    %get3A_6 = arith.constant 0 : index
    %get3A_7 = vector.load %arg0[%get3A_4, %get3A_5, %get3A_6] : memref<2x10112x128xf32, #tpu.memory_space<vmem>>, vector<1x10112x128xf32>
    %get3A_8 = vector.shape_cast %get3A_7 : vector<1x10112x128xf32> to vector<10112x128xf32>
    %add3A = arith.addf %get3A_3, %get3A_8 : vector<10112x128xf32>
    %slice3A = vector.extract_strided_slice %add3A {offsets = [0, 0], sizes = [10000, 1], strides = [1, 1]} : vector<10112x128xf32> to vector<10000x1xf32>
    %add3A_9 = arith.constant 1.000000e+00 : f32
    %add3A_10 = vector.broadcast %add3A_9 : f32 to vector<10000x1xf32>
    %add3A_11 = arith.addf %add3A_10, %slice3A : vector<10000x1xf32>
    %rsqrt3A = math.rsqrt %add3A_11 : vector<10000x1xf32>
    %get3A_12 = arith.constant 0 : index
    %get3A_13 = arith.constant 0 : index
    %get3A_14 = vector.load %arg1[%get3A_12, %get3A_13] : memref<10000x128xf32, #tpu.memory_space<vmem>>, vector<10000x128xf32>
    %get3A_15 = arith.constant 0 : index
    %get3A_16 = arith.constant 0 : index
    %get3A_17 = vector.load %arg2[%get3A_15, %get3A_16] : memref<128x128xf32, #tpu.memory_space<vmem>>, vector<128x128xf32>
    %dot_general3A = arith.constant dense<0.000000e+00> : vector<10000x128xf32>
    %dot_general3A_18 = tpu.matmul %get3A_14, %get3A_17, %dot_general3A {dimension_numbers = #tpu.dot_dimension_numbers<[1], [0], [0], [1], [0, 0, 1, 1], [], []>, transpose_lhs_hint = false} : vector<10000x128xf32>, vector<128x128xf32>, vector<10000x128xf32> -> vector<10000x128xf32>
    %mul3A = vector.broadcast %rsqrt3A : vector<10000x1xf32> to vector<10000x128xf32>
    %mul3A_19 = arith.mulf %dot_general3A_18, %mul3A : vector<10000x128xf32>
    %swap3A = arith.constant 0 : index
    %swap3A_20 = arith.constant 0 : index
    %swap3A_21 = vector.load %arg3[%swap3A, %swap3A_20] : memref<10000x128xf32, #tpu.memory_space<vmem>>, vector<10000x128xf32>
    tpu.vector_store %arg3[%swap3A, %swap3A_20], %mul3A_19 {strides = array<i32>} : memref<10000x128xf32, #tpu.memory_space<vmem>>, vector<10000x128xf32>,
    return
  }
}

module attributes {stable_mosaic.version = 14 : i64} {
  func.func @_tc_mid_body(%arg0: memref<2x10112x128xf32, #tpu.memory_space<vmem>>, %arg1: memref<2x10112x128xf32, #tpu.memory_space<vmem>>, %arg2: memref<10000x128xf32, #tpu.memory_space<vmem>>, %arg3: memref<128xf32, #tpu.memory_space<vmem>>, %arg4: memref<128x128xf32, #tpu.memory_space<vmem>>, %arg5: memref<10000x128xf32, #tpu.memory_space<vmem>>) attributes {dimension_semantics = [], scalar_prefetch = 0 : i64, scratch_operands = 0 : i64, tpu.core_type = #tpu.core_type<tc>} {
    %get3A = arith.constant 0 : index
    %get3A_0 = arith.constant 0 : index
    %get3A_1 = arith.constant 0 : index
    %get3A_2 = vector.load %arg0[%get3A, %get3A_0, %get3A_1] : memref<2x10112x128xf32, #tpu.memory_space<vmem>>, vector<1x10112x128xf32>
    %get3A_3 = vector.shape_cast %get3A_2 : vector<1x10112x128xf32> to vector<10112x128xf32>
    %get3A_4 = arith.constant 1 : index
    %get3A_5 = arith.constant 0 : index
    %get3A_6 = arith.constant 0 : index
    %get3A_7 = vector.load %arg0[%get3A_4, %get3A_5, %get3A_6] : memref<2x10112x128xf32, #tpu.memory_space<vmem>>, vector<1x10112x128xf32>
    %get3A_8 = vector.shape_cast %get3A_7 : vector<1x10112x128xf32> to vector<10112x128xf32>
    %add3A = arith.addf %get3A_3, %get3A_8 : vector<10112x128xf32>
    %slice3A = vector.extract_strided_slice %add3A {offsets = [0, 0], sizes = [10000, 1], strides = [1, 1]} : vector<10112x128xf32> to vector<10000x1xf32>
    %add3A_9 = arith.constant 1.000000e+00 : f32
    %add3A_10 = vector.broadcast %add3A_9 : f32 to vector<10000x1xf32>
    %add3A_11 = arith.addf %add3A_10, %slice3A : vector<10000x1xf32>
    %rsqrt3A = math.rsqrt %add3A_11 : vector<10000x1xf32>
    %get3A_12 = arith.constant 0 : index
    %get3A_13 = arith.constant 0 : index
    %get3A_14 = arith.constant 0 : index
    %get3A_15 = vector.load %arg1[%get3A_12, %get3A_13, %get3A_14] : memref<2x10112x128xf32, #tpu.memory_space<vmem>>, vector<1x10000x128xf32>
    %get3A_16 = vector.shape_cast %get3A_15 : vector<1x10000x128xf32> to vector<10000x128xf32>
    %get3A_17 = arith.constant 1 : index
    %get3A_18 = arith.constant 0 : index
    %get3A_19 = arith.constant 0 : index
    %get3A_20 = vector.load %arg1[%get3A_17, %get3A_18, %get3A_19] : memref<2x10112x128xf32, #tpu.memory_space<vmem>>, vector<1x10000x128xf32>
    %get3A_21 = vector.shape_cast %get3A_20 : vector<1x10000x128xf32> to vector<10000x128xf32>
    %add3A_22 = arith.addf %get3A_16, %get3A_21 : vector<10000x128xf32>
    %get3A_23 = arith.constant 0 : index
    %get3A_24 = arith.constant 0 : index
    %get3A_25 = vector.load %arg2[%get3A_23, %get3A_24] : memref<10000x128xf32, #tpu.memory_space<vmem>>, vector<10000x128xf32>
    %add3A_26 = arith.addf %add3A_22, %get3A_25 : vector<10000x128xf32>
    %mul3A = vector.broadcast %rsqrt3A : vector<10000x1xf32> to vector<10000x128xf32>
    %mul3A_27 = arith.mulf %mul3A, %add3A_26 : vector<10000x128xf32>
    %get3A_28 = arith.constant 0 : index
    %get3A_29 = vector.load %arg3[%get3A_28] : memref<128xf32, #tpu.memory_space<vmem>>, vector<128xf32>
    %broadcast_in_dim3A = vector.shape_cast %get3A_29 : vector<128xf32> to vector<1x128xf32>
    %add3A_30 = vector.broadcast %broadcast_in_dim3A : vector<1x128xf32> to vector<10000x128xf32>
    %add3A_31 = arith.addf %mul3A_27, %add3A_30 : vector<10000x128xf32>
    %max3A = arith.constant 0.000000e+00 : f32
    %max3A_32 = vector.broadcast %max3A : f32 to vector<10000x128xf32>
    %max3A_33 = arith.maximumf %add3A_31, %max3A_32 : vector<10000x128xf32>
    %get3A_34 = arith.constant 0 : index
    %get3A_35 = arith.constant 0 : index
    %get3A_36 = vector.load %arg4[%get3A_34, %get3A_35] : memref<128x128xf32, #tpu.memory_space<vmem>>, vector<128x128xf32>
    %dot_general3A = arith.constant dense<0.000000e+00> : vector<10000x128xf32>
    %dot_general3A_37 = tpu.matmul %max3A_33, %get3A_36, %dot_general3A {dimension_numbers = #tpu.dot_dimension_numbers<[1], [0], [0], [1], [0, 0, 1, 1], [], []>, transpose_lhs_hint = false} : vector<10000x128xf32>, vector<128x128xf32>, vector<10000x128xf32> -> vector<10000x128xf32>
    %mul3A_38 = vector.broadcast %rsqrt3A : vector<10000x1xf32> to vector<10000x128xf32>
    %mul3A_39 = arith.mulf %dot_general3A_37, %mul3A_38 : vector<10000x128xf32>
    %swap3A = arith.constant 0 : index
    %swap3A_40 = arith.constant 0 : index
    %swap3A_41 = vector.load %arg5[%swap3A, %swap3A_40] : memref<10000x128xf32, #tpu.memory_space<vmem>>, vector<10000x128xf32>
    tpu.vector_store %arg5[%swap3A, %swap3A_40], %mul3A_39 {strides = array<i32>} : memref<10000x128xf32, #tpu.memory_space<vmem>>, vector<10000x128xf32>,
    return
  }
}

module attributes {stable_mosaic.version = 14 : i64} {
  func.func @_tc_pool_body(%arg0: memref<2x10112x128xf32, #tpu.memory_space<vmem>>, %arg1: memref<2x10112x128xf32, #tpu.memory_space<vmem>>, %arg2: memref<10000x128xf32, #tpu.memory_space<vmem>>, %arg3: memref<128xf32, #tpu.memory_space<vmem>>, %arg4: memref<10000x1xi32, #tpu.memory_space<vmem>>, %arg5: memref<64x128xf32, #tpu.memory_space<vmem>>) attributes {dimension_semantics = [], scalar_prefetch = 0 : i64, scratch_operands = 0 : i64, tpu.core_type = #tpu.core_type<tc>} {
    %get3A = arith.constant 0 : index
    %get3A_0 = arith.constant 0 : index
    %get3A_1 = arith.constant 0 : index
    %get3A_2 = vector.load %arg0[%get3A, %get3A_0, %get3A_1] : memref<2x10112x128xf32, #tpu.memory_space<vmem>>, vector<1x10112x128xf32>
    %get3A_3 = vector.shape_cast %get3A_2 : vector<1x10112x128xf32> to vector<10112x128xf32>
    %get3A_4 = arith.constant 1 : index
    %get3A_5 = arith.constant 0 : index
    %get3A_6 = arith.constant 0 : index
    %get3A_7 = vector.load %arg0[%get3A_4, %get3A_5, %get3A_6] : memref<2x10112x128xf32, #tpu.memory_space<vmem>>, vector<1x10112x128xf32>
    %get3A_8 = vector.shape_cast %get3A_7 : vector<1x10112x128xf32> to vector<10112x128xf32>
    %add3A = arith.addf %get3A_3, %get3A_8 : vector<10112x128xf32>
    %slice3A = vector.extract_strided_slice %add3A {offsets = [0, 0], sizes = [10000, 1], strides = [1, 1]} : vector<10112x128xf32> to vector<10000x1xf32>
    %add3A_9 = arith.constant 1.000000e+00 : f32
    %add3A_10 = vector.broadcast %add3A_9 : f32 to vector<10000x1xf32>
    %add3A_11 = arith.addf %add3A_10, %slice3A : vector<10000x1xf32>
    %rsqrt3A = math.rsqrt %add3A_11 : vector<10000x1xf32>
    %get3A_12 = arith.constant 0 : index
    %get3A_13 = arith.constant 0 : index
    %get3A_14 = arith.constant 0 : index
    %get3A_15 = vector.load %arg1[%get3A_12, %get3A_13, %get3A_14] : memref<2x10112x128xf32, #tpu.memory_space<vmem>>, vector<1x10000x128xf32>
    %get3A_16 = vector.shape_cast %get3A_15 : vector<1x10000x128xf32> to vector<10000x128xf32>
    %get3A_17 = arith.constant 1 : index
    %get3A_18 = arith.constant 0 : index
    %get3A_19 = arith.constant 0 : index
    %get3A_20 = vector.load %arg1[%get3A_17, %get3A_18, %get3A_19] : memref<2x10112x128xf32, #tpu.memory_space<vmem>>, vector<1x10000x128xf32>
    %get3A_21 = vector.shape_cast %get3A_20 : vector<1x10000x128xf32> to vector<10000x128xf32>
    %add3A_22 = arith.addf %get3A_16, %get3A_21 : vector<10000x128xf32>
    %get3A_23 = arith.constant 0 : index
    %get3A_24 = arith.constant 0 : index
    %get3A_25 = vector.load %arg2[%get3A_23, %get3A_24] : memref<10000x128xf32, #tpu.memory_space<vmem>>, vector<10000x128xf32>
    %add3A_26 = arith.addf %add3A_22, %get3A_25 : vector<10000x128xf32>
    %mul3A = vector.broadcast %rsqrt3A : vector<10000x1xf32> to vector<10000x128xf32>
    %mul3A_27 = arith.mulf %mul3A, %add3A_26 : vector<10000x128xf32>
    %get3A_28 = arith.constant 0 : index
    %get3A_29 = vector.load %arg3[%get3A_28] : memref<128xf32, #tpu.memory_space<vmem>>, vector<128xf32>
    %broadcast_in_dim3A = vector.shape_cast %get3A_29 : vector<128xf32> to vector<1x128xf32>
    %add3A_30 = vector.broadcast %broadcast_in_dim3A : vector<1x128xf32> to vector<10000x128xf32>
    %add3A_31 = arith.addf %mul3A_27, %add3A_30 : vector<10000x128xf32>
    %iota3A = tpu.iota {dimensions = array<i32: 1>} : vector<10000x64xi32>
    %get3A_32 = arith.constant 0 : index
    %get3A_33 = arith.constant 0 : index
    %get3A_34 = vector.load %arg4[%get3A_32, %get3A_33] : memref<10000x1xi32, #tpu.memory_space<vmem>>, vector<10000x1xi32>
    %eq3A = vector.broadcast %get3A_34 : vector<10000x1xi32> to vector<10000x64xi32>
    %eq3A_35 = arith.cmpi eq, %eq3A, %iota3A : vector<10000x64xi32>
    %convert_element_type3A = arith.extui %eq3A_35 : vector<10000x64xi1> to vector<10000x64xi32>
    %convert_element_type3A_36 = arith.sitofp %convert_element_type3A : vector<10000x64xi32> to vector<10000x64xf32>
    %dot_general3A = arith.constant dense<0.000000e+00> : vector<64x128xf32>
    %dot_general3A_37 = tpu.matmul %convert_element_type3A_36, %add3A_31, %dot_general3A {dimension_numbers = #tpu.dot_dimension_numbers<[0], [0], [1], [1], [0, 1, 1, 1], [], []>, transpose_lhs_hint = false} : vector<10000x64xf32>, vector<10000x128xf32>, vector<64x128xf32> -> vector<64x128xf32>
    %reduce_sum3A = arith.constant dense<0.000000e+00> : vector<64xf32>
    %reduce_sum3A_38 = vector.multi_reduction <add>, %convert_element_type3A_36, %reduce_sum3A [0] : vector<10000x64xf32> to vector<64xf32>
    %max3A = arith.constant 1.000000e+00 : f32
    %max3A_39 = vector.broadcast %max3A : f32 to vector<64xf32>
    %max3A_40 = arith.maximumf %reduce_sum3A_38, %max3A_39 : vector<64xf32>
    %broadcast_in_dim3A_41 = vector.shape_cast %max3A_40 : vector<64xf32> to vector<64x1xf32>
    %div3A = vector.broadcast %broadcast_in_dim3A_41 : vector<64x1xf32> to vector<64x128xf32>
    %div3A_42 = arith.divf %dot_general3A_37, %div3A : vector<64x128xf32>
    %swap3A = arith.constant 0 : index
    %swap3A_43 = arith.constant 0 : index
    %swap3A_44 = vector.load %arg5[%swap3A, %swap3A_43] : memref<64x128xf32, #tpu.memory_space<vmem>>, vector<64x128xf32>
    tpu.vector_store %arg5[%swap3A, %swap3A_43], %div3A_42 {strides = array<i32>} : memref<64x128xf32, #tpu.memory_space<vmem>>, vector<64x128xf32>,
    return
  }
}

</mosaic_0001>

<sc_bundles>
// kernel: kernel.10.cloned.1.call-start
scs
__scs_entry_jumppad:
0x0: {  	(pc) =	sbr.rel $0x88, $3  }
0x1: {  	(tag) =	ssettag $0x0;
	lr =	simm.s32 $0x1  }
0x2: {  	[smem:$0x3F98] =	sst lr;
	_ =	strace $0xD0000000  }
0x3: {  	_ = 	snop  }
0x4: {  	_ = 	snop  }
0x5: {  	_ = 	snop  }
0x6: {  	_ = 	snop  }
0x7: {  	_ = 	snop  }
__scs_overlays_trampoline_lowered:
0x8: {  	[smem:$0x3FA7] =	sst s0  }
0x9: {  	[smem:$0x3FA8] =	sst s1  }
0xa: {  	[smem:$0x3FA9] =	sst s2  }
0xb: {  	[smem:$0x3FAA] =	sst s3  }
0xc: {  	[smem:$0x3FAB] =	sst s4  }
0xd: {  	[smem:$0x3FAC] =	sst s5  }
0xe: {  	[smem:$0x3FAD] =	sst s6  }
0xf: {  	[smem:$0x3FAE] =	sst s7  }
0x10: {  	[smem:$0x3FAF] =	sst s8  }
0x11: {  	[smem:$0x3FB0] =	sst s9;
	s0 =	simm.s32 @!p0 $0x0  }
0x12: {  	s1 =	sld [smem:$0x3F96];
	s0 =	simm.s32 @p0 $0x1  }
0x13: {  	[smem:$0x3FB1] =	sst s0;
	s0 =	simm.s32 @!p1 $0x0  }
0x14: {  	s2 =	sld [smem:$0x3F95];
	s0 =	simm.s32 @p1 $0x1  }
0x15: {  	[smem:$0x3FB2] =	sst s0;
	s0 =	simm.s32 @!p2 $0x0  }
0x16: {  	s3 =	sld [smem:$0x3FDB];
	s0 =	simm.s32 @p2 $0x1  }
0x17: {  	s4 =	simm.s32 $0x1BF5;
	[smem:$0x3FB4] =	sst s0  }
0x18: {  	s0 =	sld [smem:$0x3F97];
	_ =	swait.ge [sflag:s4], $0x0  }
0x19: {  	s7 =	sld [smem:$0x3F98]  }
0x1a: {  	s8 =	sadd.s32 $0xFFFFE003, lr  }
0x1b: {  	s9 =	sadd.s32 $0xFFFFFEF7, lr;
	s5 =	simm.s32 $0xFFFFFFFF;
	p2 =	slt.u32 s8, $0xFFFFF086  }
0x1c: {  	p1 =	slt.u32 s9, $0xF7A;
	s5 =	simm.s32 @!p2 $0x0  }
0x1d: {  	s5 =	simm.s32 @p1 $0x1;
	p0 =	seq.s32 s7, s2  }
0x1e: {  	s7 =	smul.u32 @!p0 $0xF7A, s2;
	p2 =	seq.s32 @!p0 s5, $0x0  }
0x1f: {  	s9 =	smul.u32 $0xF7A, s1;
	s8 =	simm.s32 @!p0 $0x1BF5;
	p2 =	por !p2, p0  }
0x20: {  	[sflag:s8] =	ssyncset.s32 @!p0 $0xFFFFF086;
	s6 =	sadd.s32 @!p0 s3, s7;
	s7 =	simm.s32 @!p0 $0x108  }
0x21: {  	s3 =	sadd.s32 s3, s9;
	s6 =	sadd.s32 @!p0 $0x88, s6;
	s7 =	simm.s32 @p2 $0x1082  }
0x22: {  	[simem:s7], [sflag:s8] =	dma.local @!p0 [hbm:s6], $0xF7A  }
0x23: {  	s9 =	sor.u32 $0xD0000000, s2;
	s6 =	simm.s32 $0x108;
	_ =	swait.ge @!p0 [sflag:s8], $0x0  }
0x24: {  	s3 =	sadd.s32 $0x88, s3;
	s6 =	simm.s32 @!p1 $0x1082;
	[sflag:s4] =	ssyncset.s32 $0xFFFFF086  }
0x25: {  	[simem:s6], [sflag:s4] =	dma.local [hbm:s3], $0xF7A  }
0x26: {  	[smem:$0x3F98] =	sst s1;
	(tag) =	ssettag s2;
	_ =	strace s9  }
0x27: {  	s1 =	sld [smem:$0x3FA8]  }
0x28: {  	s2 =	sld [smem:$0x3FA9]  }
0x29: {  	s4 =	sld [smem:$0x3FAB]  }
0x2a: {  	p0 =	seq.s32 s5, $0x0;
	s5 =	sld [smem:$0x3FAC]  }
0x2b: {  	s6 =	sld [smem:$0x3FAD]  }
0x2c: {  	s7 =	sld [smem:$0x3FAE]  }
0x2d: {  	s3 =	simm.s32 $0x108;
	s8 =	sld [smem:$0x3FAF]  }
0x2e: {  	s3 =	simm.s32 @!p0 $0x1082;
	s9 =	sld [smem:$0x3FB0]  }
0x2f: {  	lr =	sadd.s32 s0, s3;
	s0 =	sld [smem:$0x3FA7]  }
0x30: {  	s3 =	sld [smem:$0x3FAA]  }
0x31: {  	[smem:$0x3FB3] =	sst s10  }
0x32: {  	s10 =	sld [smem:$0x3FB1];
	_ =	sdelay $0x3  }
0x33: {  	p0 =	seq.s32 s10, $0x1;
	s10 =	sld [smem:$0x3FB3];
	_ =	sdelay $0x3  }
0x34: {  	[smem:$0x3FB3] =	sst s10  }
0x35: {  	s10 =	sld [smem:$0x3FB2];
	_ =	sdelay $0x3  }
0x36: {  	p1 =	seq.s32 s10, $0x1;
	s10 =	sld [smem:$0x3FB3];
	_ =	sdelay $0x3  }
0x37: {  	[smem:$0x3FB3] =	sst s10  }
0x38: {  	s10 =	sld [smem:$0x3FB4]  }
0x39: {  	_ = 	snop;
	(pc) =	sbr.ind lr, $3  }
0x3a: {  	_ = 	snop  }
0x3b: {  	_ = 	snop  }
0x3c: {  	p2 =	seq.s32 s10, $0x1;
	s10 =	sld [smem:$0x3FB3]  }
0x3d: {  	_ =	shalt  }
0x3e: {  	_ =	shalt  }
0x3f: {  	_ =	shalt  }
0x40: {  	_ =	shalt  }
0x41: {  	_ =	shalt  }
0x42: {  	_ =	shalt  }
0x43: {  	_ =	shalt  }
0x44: {  	_ =	shalt  }
0x45: {  	_ =	shalt  }
0x46: {  	_ =	shalt  }
0x47: {  	_ =	shalt  }
0x48: {  	_ =	shalt  }
0x49: {  	_ =	shalt  }
0x4a: {  	_ =	shalt  }
0x4b: {  	_ =	shalt  }
0x4c: {  	_ =	shalt  }
0x4d: {  	_ =	shalt  }
0x4e: {  	_ =	shalt  }
0x4f: {  	_ =	shalt  }
0x50: {  	_ =	shalt  }
0x51: {  	_ =	shalt  }
0x52: {  	_ =	shalt  }
0x53: {  	_ =	shalt  }
0x54: {  	_ =	shalt  }
0x55: {  	_ =	shalt  }
0x56: {  	_ =	shalt  }
0x57: {  	_ =	shalt  }
0x58: {  	_ =	shalt  }
0x59: {  	_ =	shalt  }
0x5a: {  	_ =	shalt  }
0x5b: {  	_ =	shalt  }
0x5c: {  	_ =	shalt  }
0x5d: {  	_ =	shalt  }
0x5e: {  	_ =	shalt  }
0x5f: {  	_ =	shalt  }
0x60: {  	_ =	shalt  }
0x61: {  	_ =	shalt  }
0x62: {  	_ =	shalt  }
0x63: {  	_ =	shalt  }
0x64: {  	_ =	shalt  }
0x65: {  	_ =	shalt  }
0x66: {  	_ =	shalt  }
0x67: {  	_ =	shalt  }
0x68: {  	_ =	shalt  }
0x69: {  	_ =	shalt  }
0x6a: {  	_ =	shalt  }
0x6b: {  	_ =	shalt  }
0x6c: {  	_ =	shalt  }
0x6d: {  	_ =	shalt  }
0x6e: {  	_ =	shalt  }
0x6f: {  	_ =	shalt  }
0x70: {  	_ =	shalt  }
0x71: {  	_ =	shalt  }
0x72: {  	_ =	shalt  }
0x73: {  	_ =	shalt  }
0x74: {  	_ =	shalt  }
0x75: {  	_ =	shalt  }
0x76: {  	_ =	shalt  }
0x77: {  	_ =	shalt  }
0x78: {  	_ =	shalt  }
0x79: {  	_ =	shalt  }
0x7a: {  	_ =	shalt  }
0x7b: {  	_ =	shalt  }
0x7c: {  	_ =	shalt  }
0x7d: {  	_ =	shalt  }
0x7e: {  	_ =	shalt  }
0x7f: {  	_ =	shalt  }
0x80: {  	_ =	shalt  }
0x81: {  	_ =	shalt  }
0x82: {  	_ =	shalt  }
0x83: {  	_ =	shalt  }
0x84: {  	_ =	shalt  }
0x85: {  	_ =	shalt  }
0x86: {  	_ =	shalt  }
0x87: {  	_ =	shalt  }
.Lfunc_end0:
.L_simem_size_0:
called_computation_lowered:
.L_overlay_start_0:
0x88: {  	s2 =	sld [smem:$0x3FD9]  }
0x89: {  	s3 =	sld [smem:$0x3FFE];
	_ =	sdelay $0x1  }
0x8a: {  	s1 =	srdreg.scid  }
0x8b: {  	s0 =	sand.u32 $0x1, s1  }
0x8c: {  	s16 =	sshll.u32 s0, $0xA;
	s2 =	sadd.s32 s3, s2  }
0x8d: {  	s2 =	sadd.s32 s2, s16  }
0x8e: {  	[smem:$0x3FBF] =	sst s2  }
0x8f: {  	_ = 	snop  }
0x90: {  	(tm) =	ssettm $0x1  }
0x91: {  	s17 =	sld [smem:$0x3FFB];
	_ =	sdelay $0x3  }
0x92: {  	_ =	strace s17  }
0x93: {  	s2 =	sld [smem:$0x3FFC];
	_ =	sdelay $0x3  }
0x94: {  	_ =	strace s2  }
0x95: {  	s2 =	sld [smem:$0x3FFD];
	_ =	sdelay $0x3  }
0x96: {  	_ =	strace s2  }
0x97: {  	_ =	strace $0x8FFFFFFF  }
0x98: {  	s18 =	sld [smem:$0x3FDB];
	_ =	sdelay $0x1  }
0x99: {  	s19 =	simm.s32 $_scs_section_size  }
0x9a: {  	s4 =	simm.s32 $_size__tile_overlayer_lowered;
	s5 =	simm.s32 $_tile_overlayer_lowered  }
0x9b: {  	s22 =	simm.s32 $0x1BFF;
	s21 =	sshll.u32 s5, $0x1;
	s2 =	sadd.s32 s19, s18  }
0x9c: {  	s6 =	simm.s32 $0x0;
	s20 =	sshll.u32 s4, $0x1;
	s4 =	sadd.s32 s21, s2  }
0x9d: {  	[timem:s6], [sflag:s22] =	dma.local [hbm:s4], s20  }
0x9e: {  	_ =	swait.ge [sflag:s22], s20  }
0x9f: {  	s3 =	ssub.s32 $0x0, s20;
	[sflag:s22] =	ssyncset.done $0x0  }
0xa0: {  	[sflag:s22] =	ssyncadd.s32 s3;
	_ =	sdelay $0x1  }
0xa1: {  	s23 =	simm.s32 $0x1B8B  }
0xa2: {  	_ =	swait.ge [sflag:s23], $0x1  }
0xa3: {  	[sflag:s23] =	ssyncset.done $0x0  }
0xa4: {  	s25 =	simm.s32 $0x1B8E;
	s24 =	sld [smem:$0x3FFE];
	[sflag:s23] =	ssyncadd.s32 $0xFFFFFFFF  }
0xa5: {  	s26 =	simm.s32 $execute0_lowered;
	[smem:$0x3FD2] =	sst s25  }
0xa6: {  	s4 =	sshll.u32 s26, $0x1;
	_ =	strace $0x80000046;
	[dreg:$0x1] =	wrdreg $0xFFFFFFFF  }
0xa7: {  	s28 =	simm.s32 $_size_execute0_lowered;
	s2 =	sadd.s32 s2, s4;
	[dreg:$0x0] =	wrdreg $0x0  }
0xa8: {  	s4 =	sshll.u32 s28, $0x1;
	[dreg:$0x2] =	wrdreg s2  }
0xa9: {  	[dreg:$0x3] =	wrdreg s4  }
0xaa: {  	[dreg:$0x4] =	wrdreg $0xC0  }
0xab: {  	_ =	task [dreg:s6], $0x5FFFF  }
0xac: {  	[dreg:$0x1] =	wrdreg $0xFFFFFFFF  }
0xad: {  	[dreg:$0x0] =	wrdreg $0x60  }
0xae: {  	[dreg:$0x2] =	wrdreg s24  }
0xaf: {  	[dreg:$0x3] =	wrdreg $0x70000  }
0xb0: {  	[dreg:$0x4] =	wrdreg $0x9  }
0xb1: {  	_ =	task.clear_ibuf [dreg:s6], $0x5FFFF;
	_ =	strace $0x90000046  }
0xb2: {  	s29 =	simm.s32 $0x9;
	_ =	strace $0x80000048  }
0xb3: {  	_ =	swait.ge [sflag:s29], $0x1  }
0xb4: {  	[sflag:s29] =	ssyncadd.s32 $0xFFFFFFFF  }
0xb5: {  	_ =	strace $0x90000048  }
0xb6: {  	_ =	sfence  }
0xb7: {  	s30 =	sld [smem:$0x0];
	_ =	sdelay $0x2  }
0xb8: {  	s31 =	sshll.u32 s1, $0xD;
	s1 =	sshrl.u32 s1, $0x2  }
0xb9: {  	s3 =	sand.u32 $0x4000, s31;
	s1 =	sadd.s32 s1, s30  }
0xba: {  	s0 =	sor.u32 s3, s0;
	s1 =	sshll.u32 s1, $0x11  }
0xbb: {  	s0 =	sor.u32 s1, s0  }
0xbc: {  	s0 =	sadd.s32 $0x8F2B, s0  }
0xbd: {  	[sflag:s0] =	ssyncadd.remote.s32 $0x1  }
0xbe: {  	_ =	sfence.sel $0xFFFF  }
0xbf: {  	[dreg:$0x0] =	wrdreg $0xFFFFFFFF;
	(pc) =	sbr.abs _section_cstart, $3  }
0xc0: {  	[dreg:$0x1] =	wrdreg $0xFFFFFFFF  }
0xc1: {  	_ =	task.clear_ibuf [dreg:s6], $0x2FFFF;
	_ =	strace $0x9FFFFFFF  }
0xc2: {  	(tm) =	ssettm $0x7FFFFFFF  }
0xc3: {  	_ =	shalt  }
tec
execute0_lowered:
.L_overlay_start_1:
0x0: {  	(tag) =	ssettag $0x1  }
0x1: {  	s4 =	rddreg [dreg:$0x0]  }
0x2: {  	s2 =	rddreg [dreg:$0x1]  }
0x3: {  	s1 =	srdreg.scid;
	s0 =	rddreg [dreg:$0x2]  }
0x4: {  	s3 =	simm.s32 $0x0;
	s17 =	simm.s32 $0x1;
	s18 =	simm.s32 $0x5000  }
0x5: {  	s19 =	simm.s32 $0x40;
	s5 =	sand.u32 $0x1, s1;
	s1 =	stileid.u32  }
0x6: {  	s22 =	simm.s32 $0x0;
	[smem:$0x7FF] =	sst s3;
	s7 =	smul.u32 $0x13C000, s5  }
0x7: {  	s6 =	sshll.u32 s5, $0x4;
	s8 =	smul.u32 $0x13C00, s1;
	_ =	strace $0x80000047  }
0x8: {  	s29 =	smul.u32 $0x4F000, s1;
	s5 =	ssub.s32 $0x2, s5;
	s20 =	sshll.u32 s1, $0x6  }
0x9: {  	s6 =	sor.u32 s1, s6;
	s30 =	sshrl.u32 s5, $0x1;
	s20 =	sor.u32 $0x1C01, s20  }
0xa: {  	s6 =	smul.u32 $0xA00, s6;
	s7 =	sadd.s32 s8, s7;
	s31 =	sshrl.u32 s29, $0x2  }
0xb: {  	s16 =	ssub.s32 s5, s30;
	s7 =	sshrl.u32 s7, $0x3;
	s5 =	sadd.s32 s31, s2  }
0xc: {  	s16 =	smax.u32 s16, $0x1;
	s6 =	sadd.s32 s6, s4;
	s15 =	sadd.s32 s7, s4  }
0xd: {  	s7 =	sadd.s32 $0x4000, s5;
	s8 =	sadd.s32 $0x6000, s5;
	s9 =	sadd.s32 $0x8000, s5  }
0xe: {  	s10 =	sadd.s32 $0xA000, s5;
	s11 =	sadd.s32 $0xC000, s5;
	s12 =	sadd.s32 $0xE000, s5  }
0xf: {  	s13 =	sadd.s32 $0x10000, s5;
	s14 =	sadd.s32 $0x12000, s5;
	s21 =	sshrl.u32 s5, $0x3  }
0x10: {  	v0 =	vimm.f32 $0.0e+00;
	v1 =	vimm.f32 $1.000000000e+00;
	s4 =	sadd.s32 $0x2C00, s6;
	s6 =	sadd.s32 $0x2000, s5;
	s15 =	sadd.s32 $0x16C00, s15  }
.LBB2_1:
0x11: {  	[tilespmem:s3], [sflag:$0x1] =	stream.linear.gather [hbm4b:s4+s3], $0x5000, $0x38;
	[tilespmem:$0x1AC00] =	vst v63  }
0x12: {  	_ =	swait.ge [sflag:s17], $0x5000  }
0x13: {  	[sflag:s17] =	ssyncset.done $0x0  }
0x14: {  	s23 =	simm.s32 $0x0;
	s24 =	simm.s32 $0x200;
	[sflag:s17] =	ssyncadd.s32 $0xFFFFB000  }
.LBB2_2:
0x15: {  	p0 =	sne.s32 s24, $0x7E00;
	[tilespmem:s23+$0x5070] =	vst v0  }
0x16: {  	[tilespmem:s23+$0x5000] =	vst v0  }
0x17: {  	[tilespmem:s23+$0x5010] =	vst v0  }
.Ltmp0:
0x18: {  	[tilespmem:s23+$0x5020] =	vst v0;
	(pc) =	sbr.rel @p0 .LBB2_2-.Ltmp0, $4  }
0x19: {  	[tilespmem:s23+$0x5030] =	vst v0  }
0x1a: {  	[tilespmem:s23+$0x5040] =	vst v0  }
0x1b: {  	[tilespmem:s23+$0x5050] =	vst v0  }
0x1c: {  	[tilespmem:s23+$0x5060] =	vst v0;
	s23 =	sshra.s32 s24, $0x2;
	s24 =	sadd.s32 $0x200, s24  }
0x1d: {  	[tilespmem:s23+$0x5070] =	vst v0  }
0x1e: {  	[tilespmem:s23+$0x5000] =	vst v0  }
0x1f: {  	[tilespmem:s23+$0x5010] =	vst v0  }
0x20: {  	[tilespmem:s23+$0x5020] =	vst v0  }
0x21: {  	[tilespmem:s23+$0x5030] =	vst v0  }
0x22: {  	[tilespmem:s23+$0x5040] =	vst v0  }
0x23: {  	[tilespmem:s23+$0x5050] =	vst v0  }
0x24: {  	[tilespmem:s23+$0x5060] =	vst v0  }
0x25: {  	[spmem:s5] =	stream.linear.scatter [tilespmem:s18], [sflag:$0x1], $0x2000, $0x38;
	[tilespmem:$0x1AC00] =	vst v63  }
0x26: {  	_ =	swait.ge [sflag:s17], $0x2000  }
0x27: {  	[sflag:s17] =	ssyncset.done $0x0  }
0x28: {  	[sflag:s17] =	ssyncadd.s32 $0xFFFFE000  }
0x29: {  	[spmem:s6] =	stream.linear.scatter [tilespmem:s18], [sflag:$0x1], $0x2000, $0x38;
	[tilespmem:$0x1AC00] =	vst v63  }
0x2a: {  	_ =	swait.ge [sflag:s17], $0x2000  }
0x2b: {  	[sflag:s17] =	ssyncset.done $0x0  }
0x2c: {  	[sflag:s17] =	ssyncadd.s32 $0xFFFFE000  }
0x2d: {  	[spmem:s7] =	stream.linear.scatter [tilespmem:s18], [sflag:$0x1], $0x2000, $0x38;
	[tilespmem:$0x1AC00] =	vst v63  }
0x2e: {  	_ =	swait.ge [sflag:s17], $0x2000  }
0x2f: {  	[sflag:s17] =	ssyncset.done $0x0  }
0x30: {  	[sflag:s17] =	ssyncadd.s32 $0xFFFFE000  }
0x31: {  	[spmem:s8] =	stream.linear.scatter [tilespmem:s18], [sflag:$0x1], $0x2000, $0x38;
	[tilespmem:$0x1AC00] =	vst v63  }
0x32: {  	_ =	swait.ge [sflag:s17], $0x2000  }
0x33: {  	[sflag:s17] =	ssyncset.done $0x0  }
0x34: {  	[sflag:s17] =	ssyncadd.s32 $0xFFFFE000  }
0x35: {  	[spmem:s9] =	stream.linear.scatter [tilespmem:s18], [sflag:$0x1], $0x2000, $0x38;
	[tilespmem:$0x1AC00] =	vst v63  }
0x36: {  	_ =	swait.ge [sflag:s17], $0x2000  }
0x37: {  	[sflag:s17] =	ssyncset.done $0x0  }
0x38: {  	[sflag:s17] =	ssyncadd.s32 $0xFFFFE000  }
0x39: {  	[spmem:s10] =	stream.linear.scatter [tilespmem:s18], [sflag:$0x1], $0x2000, $0x38;
	[tilespmem:$0x1AC00] =	vst v63  }
0x3a: {  	_ =	swait.ge [sflag:s17], $0x2000  }
0x3b: {  	[sflag:s17] =	ssyncset.done $0x0  }
0x3c: {  	[sflag:s17] =	ssyncadd.s32 $0xFFFFE000  }
0x3d: {  	[spmem:s11] =	stream.linear.scatter [tilespmem:s18], [sflag:$0x1], $0x2000, $0x38;
	[tilespmem:$0x1AC00] =	vst v63  }
0x3e: {  	_ =	swait.ge [sflag:s17], $0x2000  }
0x3f: {  	[sflag:s17] =	ssyncset.done $0x0  }
0x40: {  	[sflag:s17] =	ssyncadd.s32 $0xFFFFE000  }
0x41: {  	[spmem:s12] =	stream.linear.scatter [tilespmem:s18], [sflag:$0x1], $0x2000, $0x38;
	[tilespmem:$0x1AC00] =	vst v63  }
0x42: {  	_ =	swait.ge [sflag:s17], $0x2000  }
0x43: {  	[sflag:s17] =	ssyncset.done $0x0  }
0x44: {  	[sflag:s17] =	ssyncadd.s32 $0xFFFFE000  }
0x45: {  	[spmem:s13] =	stream.linear.scatter [tilespmem:s18], [sflag:$0x1], $0x2000, $0x38;
	[tilespmem:$0x1AC00] =	vst v63  }
0x46: {  	_ =	swait.ge [sflag:s17], $0x2000  }
0x47: {  	[sflag:s17] =	ssyncset.done $0x0  }
0x48: {  	[sflag:s17] =	ssyncadd.s32 $0xFFFFE000  }
0x49: {  	[spmem:s14] =	stream.linear.scatter [tilespmem:s18], [sflag:$0x1], $0x1C00, $0x38;
	[tilespmem:$0x1AC00] =	vst v63  }
0x4a: {  	_ =	swait.ge [sflag:s17], $0x1C00  }
0x4b: {  	[sflag:s17] =	ssyncset.done $0x0  }
0x4c: {  	s23 =	simm.s32 $0x0;
	s24 =	simm.s32 $0x200;
	[sflag:s17] =	ssyncadd.s32 $0xFFFFE400  }
.LBB2_4:
0x4d: {  	p0 =	sne.s32 s24, $0x7E00;
	[tilespmem:s23+$0x5070] =	vst v1  }
0x4e: {  	[tilespmem:s23+$0x5000] =	vst v1  }
0x4f: {  	[tilespmem:s23+$0x5010] =	vst v1  }
.Ltmp1:
0x50: {  	[tilespmem:s23+$0x5020] =	vst v1;
	(pc) =	sbr.rel @p0 .LBB2_4-.Ltmp1, $4  }
0x51: {  	[tilespmem:s23+$0x5030] =	vst v1  }
0x52: {  	[tilespmem:s23+$0x5040] =	vst v1  }
0x53: {  	[tilespmem:s23+$0x5050] =	vst v1  }
0x54: {  	[tilespmem:s23+$0x5060] =	vst v1;
	s23 =	sshra.s32 s24, $0x2;
	s24 =	sadd.s32 $0x200, s24  }
0x55: {  	[tilespmem:s23+$0x5070] =	vst v1  }
0x56: {  	[tilespmem:s23+$0x5000] =	vst v1  }
0x57: {  	[tilespmem:s23+$0x5010] =	vst v1  }
0x58: {  	[tilespmem:s23+$0x5020] =	vst v1  }
0x59: {  	[tilespmem:s23+$0x5030] =	vst v1  }
0x5a: {  	[tilespmem:s23+$0x5040] =	vst v1  }
0x5b: {  	[tilespmem:s23+$0x5050] =	vst v1  }
0x5c: {  	[tilespmem:s23+$0x5060] =	vst v1  }
0x5d: {  	s31 =	simm.s32 $0x0;
	[bflag:$0x0] =	sbarrier.arrive $0xFFFF  }
0x5e: {  	[spmem:s2] =	stream.indirect.scatter.add.f32 [tilespmem:s18], [sflag:$0x1], $0x80, s31, s19, $0xb8;
	[tilespmem:$0x1AC00] =	vst v63  }
0x5f: {  	_ =	swait.ge [sflag:s17], $0x2000  }
0x60: {  	s23 =	simm.s32 $0x200;
	[sflag:s17] =	ssyncset.done $0x0  }
.LBB2_6:
0x61: {  	s24 =	sshra.s32 s23, $0x2;
	[sflag:s17] =	ssyncadd.s32 $0xFFFFE000;
	p0 =	sne.s32 s23, $0x13E00  }
0x62: {  	[spmem:s2] =	stream.indirect.scatter.add.f32 [tilespmem:s18], [sflag:$0x1], $0x80, s24, s19, $0xb8;
	[tilespmem:$0x1AC00] =	vst v63  }
.Ltmp2:
0x63: {  	_ = 	snop;
	(pc) =	sbr.rel @p0 .LBB2_6-.Ltmp2, $4  }
0x64: {  	_ = 	snop  }
0x65: {  	s23 =	sadd.s32 $0x200, s23  }
0x66: {  	_ =	swait.ge [sflag:s17], $0x2000  }
0x67: {  	[sflag:s17] =	ssyncset.done $0x0  }
0x68: {  	s22 =	sadd.s32 $0x1, s22  }
0x69: {  	[sflag:s17] =	ssyncadd.s32 $0xFFFFE000;
	p0 =	sne.s32 s22, s16  }
.Ltmp3:
0x6a: {  	[bflag:$0x0] =	sbarrier.arrive $0xFFFF;
	(pc) =	sbr.rel @p0 .LBB2_1-.Ltmp3, $4  }
0x6b: {  	[hbm:s15], [sflag:s20] =	dma.local [spmem:s21], $0x2780  }
0x6c: {  	_ =	swait.ge [sflag:s17], $0x2780  }
0x6d: {  	[sflag:s17] =	ssyncset.done $0x0  }
0x6e: {  	[sflag:s17] =	ssyncadd.s32 $0xFFFFD880  }
0x6f: {  	_ =	sfence.sel $0x180000  }
0x70: {  	[bflag:$0x0] =	sbarrier.arrive $0xFFFF  }
0x71: {  	p0 =	sne.s32 s1, $0x0;
	_ =	strace $0x90000047  }
0x72: {  	s0 =	sadd.s32 @!p0 $0x100000, s0;
	[bflag:$0x2] =	sbarrier.arrive $0xFFFF  }
0x73: {  	[sflag:s0] =	ssyncadd.tile.s32 @!p0 $0x1;
	_ =	shalt  }
.Lfunc_end2:
_tile_overlayer_lowered:
.L_overlay_start_2:
0x74: {  	(tag) =	ssettag $0x2  }
0x75: {  	s0 =	rddreg [dreg:$0x0];
	s2 =	stileid.u32  }
0x76: {  	s1 =	rddreg [dreg:$0x1];
	p0 =	sne.s32 s2, $0x0  }
0x77: {  	s3 =	rddreg [dreg:$0x2];
	[bflag:$0x3] =	sbarrier.arrive $0xFFFF;
	s2 =	simm.s32 @!p0 $0x1C01  }
0x78: {  	[timem:s3], [sflag:s2] =	dma.local @!p0 [hbm:s0], s1  }
0x79: {  	s0 =	simm.s32 @!p0 $0x1  }
0x7a: {  	_ =	swait.ge @!p0 [sflag:s0], s1  }
0x7b: {  	s1 =	ssub.s32 @!p0 $0x0, s1;
	[sflag:s0] =	ssyncset.done @!p0 $0x0  }
0x7c: {  	[sflag:s0] =	ssyncadd.s32 @!p0 s1  }
0x7d: {  	[bflag:$0x3] =	sbarrier.arrive $0xFFFF  }
0x7e: {  	_ =	shalt  }

// kernel: kernel.13.cloned.1.call-start
scs
__scs_entry_jumppad:
0x0: {  	(pc) =	sbr.rel $0x88, $3  }
0x1: {  	(tag) =	ssettag $0x0;
	lr =	simm.s32 $0x1  }
0x2: {  	[smem:$0x3F98] =	sst lr;
	_ =	strace $0xD0000000  }
0x3: {  	_ = 	snop  }
0x4: {  	_ = 	snop  }
0x5: {  	_ = 	snop  }
0x6: {  	_ = 	snop  }
0x7: {  	_ = 	snop  }
__scs_overlays_trampoline_lowered:
0x8: {  	[smem:$0x3FA7] =	sst s0  }
0x9: {  	[smem:$0x3FA8] =	sst s1  }
0xa: {  	[smem:$0x3FA9] =	sst s2  }
0xb: {  	[smem:$0x3FAA] =	sst s3  }
0xc: {  	[smem:$0x3FAB] =	sst s4  }
0xd: {  	[smem:$0x3FAC] =	sst s5  }
0xe: {  	[smem:$0x3FAD] =	sst s6  }
0xf: {  	[smem:$0x3FAE] =	sst s7  }
0x10: {  	[smem:$0x3FAF] =	sst s8  }
0x11: {  	[smem:$0x3FB0] =	sst s9;
	s0 =	simm.s32 @!p0 $0x0  }
0x12: {  	s1 =	sld [smem:$0x3F96];
	s0 =	simm.s32 @p0 $0x1  }
0x13: {  	[smem:$0x3FB1] =	sst s0;
	s0 =	simm.s32 @!p1 $0x0  }
0x14: {  	s2 =	sld [smem:$0x3F95];
	s0 =	simm.s32 @p1 $0x1  }
0x15: {  	[smem:$0x3FB2] =	sst s0;
	s0 =	simm.s32 @!p2 $0x0  }
0x16: {  	s3 =	sld [smem:$0x3FDB];
	s0 =	simm.s32 @p2 $0x1  }
0x17: {  	s4 =	simm.s32 $0x1BF5;
	[smem:$0x3FB4] =	sst s0  }
0x18: {  	s0 =	sld [smem:$0x3F97];
	_ =	swait.ge [sflag:s4], $0x0  }
0x19: {  	s7 =	sld [smem:$0x3F98]  }
0x1a: {  	s8 =	sadd.s32 $0xFFFFE003, lr  }
0x1b: {  	s9 =	sadd.s32 $0xFFFFFEF7, lr;
	s5 =	simm.s32 $0xFFFFFFFF;
	p2 =	slt.u32 s8, $0xFFFFF086  }
0x1c: {  	p1 =	slt.u32 s9, $0xF7A;
	s5 =	simm.s32 @!p2 $0x0  }
0x1d: {  	s5 =	simm.s32 @p1 $0x1;
	p0 =	seq.s32 s7, s2  }
0x1e: {  	s7 =	smul.u32 @!p0 $0xF7A, s2;
	p2 =	seq.s32 @!p0 s5, $0x0  }
0x1f: {  	s9 =	smul.u32 $0xF7A, s1;
	s8 =	simm.s32 @!p0 $0x1BF5;
	p2 =	por !p2, p0  }
0x20: {  	[sflag:s8] =	ssyncset.s32 @!p0 $0xFFFFF086;
	s6 =	sadd.s32 @!p0 s3, s7;
	s7 =	simm.s32 @!p0 $0x108  }
0x21: {  	s3 =	sadd.s32 s3, s9;
	s6 =	sadd.s32 @!p0 $0x88, s6;
	s7 =	simm.s32 @p2 $0x1082  }
0x22: {  	[simem:s7], [sflag:s8] =	dma.local @!p0 [hbm:s6], $0xF7A  }
0x23: {  	s9 =	sor.u32 $0xD0000000, s2;
	s6 =	simm.s32 $0x108;
	_ =	swait.ge @!p0 [sflag:s8], $0x0  }
0x24: {  	s3 =	sadd.s32 $0x88, s3;
	s6 =	simm.s32 @!p1 $0x1082;
	[sflag:s4] =	ssyncset.s32 $0xFFFFF086  }
0x25: {  	[simem:s6], [sflag:s4] =	dma.local [hbm:s3], $0xF7A  }
0x26: {  	[smem:$0x3F98] =	sst s1;
	(tag) =	ssettag s2;
	_ =	strace s9  }
0x27: {  	s1 =	sld [smem:$0x3FA8]  }
0x28: {  	s2 =	sld [smem:$0x3FA9]  }
0x29: {  	s4 =	sld [smem:$0x3FAB]  }
0x2a: {  	p0 =	seq.s32 s5, $0x0;
	s5 =	sld [smem:$0x3FAC]  }
0x2b: {  	s6 =	sld [smem:$0x3FAD]  }
0x2c: {  	s7 =	sld [smem:$0x3FAE]  }
0x2d: {  	s3 =	simm.s32 $0x108;
	s8 =	sld [smem:$0x3FAF]  }
0x2e: {  	s3 =	simm.s32 @!p0 $0x1082;
	s9 =	sld [smem:$0x3FB0]  }
0x2f: {  	lr =	sadd.s32 s0, s3;
	s0 =	sld [smem:$0x3FA7]  }
0x30: {  	s3 =	sld [smem:$0x3FAA]  }
0x31: {  	[smem:$0x3FB3] =	sst s10  }
0x32: {  	s10 =	sld [smem:$0x3FB1];
	_ =	sdelay $0x3  }
0x33: {  	p0 =	seq.s32 s10, $0x1;
	s10 =	sld [smem:$0x3FB3];
	_ =	sdelay $0x3  }
0x34: {  	[smem:$0x3FB3] =	sst s10  }
0x35: {  	s10 =	sld [smem:$0x3FB2];
	_ =	sdelay $0x3  }
0x36: {  	p1 =	seq.s32 s10, $0x1;
	s10 =	sld [smem:$0x3FB3];
	_ =	sdelay $0x3  }
0x37: {  	[smem:$0x3FB3] =	sst s10  }
0x38: {  	s10 =	sld [smem:$0x3FB4]  }
0x39: {  	_ = 	snop;
	(pc) =	sbr.ind lr, $3  }
0x3a: {  	_ = 	snop  }
0x3b: {  	_ = 	snop  }
0x3c: {  	p2 =	seq.s32 s10, $0x1;
	s10 =	sld [smem:$0x3FB3]  }
0x3d: {  	_ =	shalt  }
0x3e: {  	_ =	shalt  }
0x3f: {  	_ =	shalt  }
0x40: {  	_ =	shalt  }
0x41: {  	_ =	shalt  }
0x42: {  	_ =	shalt  }
0x43: {  	_ =	shalt  }
0x44: {  	_ =	shalt  }
0x45: {  	_ =	shalt  }
0x46: {  	_ =	shalt  }
0x47: {  	_ =	shalt  }
0x48: {  	_ =	shalt  }
0x49: {  	_ =	shalt  }
0x4a: {  	_ =	shalt  }
0x4b: {  	_ =	shalt  }
0x4c: {  	_ =	shalt  }
0x4d: {  	_ =	shalt  }
0x4e: {  	_ =	shalt  }
0x4f: {  	_ =	shalt  }
0x50: {  	_ =	shalt  }
0x51: {  	_ =	shalt  }
0x52: {  	_ =	shalt  }
0x53: {  	_ =	shalt  }
0x54: {  	_ =	shalt  }
0x55: {  	_ =	shalt  }
0x56: {  	_ =	shalt  }
0x57: {  	_ =	shalt  }
0x58: {  	_ =	shalt  }
0x59: {  	_ =	shalt  }
0x5a: {  	_ =	shalt  }
0x5b: {  	_ =	shalt  }
0x5c: {  	_ =	shalt  }
0x5d: {  	_ =	shalt  }
0x5e: {  	_ =	shalt  }
0x5f: {  	_ =	shalt  }
0x60: {  	_ =	shalt  }
0x61: {  	_ =	shalt  }
0x62: {  	_ =	shalt  }
0x63: {  	_ =	shalt  }
0x64: {  	_ =	shalt  }
0x65: {  	_ =	shalt  }
0x66: {  	_ =	shalt  }
0x67: {  	_ =	shalt  }
0x68: {  	_ =	shalt  }
0x69: {  	_ =	shalt  }
0x6a: {  	_ =	shalt  }
0x6b: {  	_ =	shalt  }
0x6c: {  	_ =	shalt  }
0x6d: {  	_ =	shalt  }
0x6e: {  	_ =	shalt  }
0x6f: {  	_ =	shalt  }
0x70: {  	_ =	shalt  }
0x71: {  	_ =	shalt  }
0x72: {  	_ =	shalt  }
0x73: {  	_ =	shalt  }
0x74: {  	_ =	shalt  }
0x75: {  	_ =	shalt  }
0x76: {  	_ =	shalt  }
0x77: {  	_ =	shalt  }
0x78: {  	_ =	shalt  }
0x79: {  	_ =	shalt  }
0x7a: {  	_ =	shalt  }
0x7b: {  	_ =	shalt  }
0x7c: {  	_ =	shalt  }
0x7d: {  	_ =	shalt  }
0x7e: {  	_ =	shalt  }
0x7f: {  	_ =	shalt  }
0x80: {  	_ =	shalt  }
0x81: {  	_ =	shalt  }
0x82: {  	_ =	shalt  }
0x83: {  	_ =	shalt  }
0x84: {  	_ =	shalt  }
0x85: {  	_ =	shalt  }
0x86: {  	_ =	shalt  }
0x87: {  	_ =	shalt  }
.Lfunc_end0:
.L_simem_size_0:
called_computation.1_lowered:
.L_overlay_start_0:
0x88: {  	s2 =	sld [smem:$0x3FD9]  }
0x89: {  	s3 =	sld [smem:$0x3FFE];
	_ =	sdelay $0x1  }
0x8a: {  	s1 =	srdreg.scid  }
0x8b: {  	s0 =	sand.u32 $0x1, s1  }
0x8c: {  	s16 =	sshll.u32 s0, $0xA;
	s2 =	sadd.s32 s3, s2  }
0x8d: {  	s2 =	sadd.s32 s2, s16  }
0x8e: {  	[smem:$0x3FBF] =	sst s2  }
0x8f: {  	_ = 	snop  }
0x90: {  	(tm) =	ssettm $0x1  }
0x91: {  	s17 =	sld [smem:$0x3FFB];
	_ =	sdelay $0x3  }
0x92: {  	_ =	strace s17  }
0x93: {  	s2 =	sld [smem:$0x3FFC];
	_ =	sdelay $0x3  }
0x94: {  	_ =	strace s2  }
0x95: {  	s2 =	sld [smem:$0x3FFD];
	_ =	sdelay $0x3  }
0x96: {  	_ =	strace s2  }
0x97: {  	_ =	strace $0x8FFFFFFF  }
0x98: {  	s18 =	sld [smem:$0x3FDB];
	_ =	sdelay $0x1  }
0x99: {  	s19 =	simm.s32 $_scs_section_size  }
0x9a: {  	s4 =	simm.s32 $_size__tile_overlayer_lowered;
	s5 =	simm.s32 $_tile_overlayer_lowered  }
0x9b: {  	s22 =	simm.s32 $0x1BFF;
	s21 =	sshll.u32 s5, $0x1;
	s2 =	sadd.s32 s19, s18  }
0x9c: {  	s6 =	simm.s32 $0x0;
	s20 =	sshll.u32 s4, $0x1;
	s4 =	sadd.s32 s21, s2  }
0x9d: {  	[timem:s6], [sflag:s22] =	dma.local [hbm:s4], s20  }
0x9e: {  	_ =	swait.ge [sflag:s22], s20  }
0x9f: {  	s3 =	ssub.s32 $0x0, s20;
	[sflag:s22] =	ssyncset.done $0x0  }
0xa0: {  	[sflag:s22] =	ssyncadd.s32 s3;
	_ =	sdelay $0x1  }
0xa1: {  	s23 =	simm.s32 $0x1B8B  }
0xa2: {  	_ =	swait.ge [sflag:s23], $0x1  }
0xa3: {  	[sflag:s23] =	ssyncset.done $0x0  }
0xa4: {  	s25 =	simm.s32 $0x1B8E;
	s24 =	sld [smem:$0x3FFE];
	[sflag:s23] =	ssyncadd.s32 $0xFFFFFFFF  }
0xa5: {  	s26 =	simm.s32 $execute0_lowered;
	[smem:$0x3FD2] =	sst s25  }
0xa6: {  	s4 =	sshll.u32 s26, $0x1;
	_ =	strace $0x80000049;
	[dreg:$0x1] =	wrdreg $0xFFFFFFFF  }
0xa7: {  	s28 =	simm.s32 $_size_execute0_lowered;
	s2 =	sadd.s32 s2, s4;
	[dreg:$0x0] =	wrdreg $0x0  }
0xa8: {  	s4 =	sshll.u32 s28, $0x1;
	[dreg:$0x2] =	wrdreg s2  }
0xa9: {  	[dreg:$0x3] =	wrdreg s4  }
0xaa: {  	[dreg:$0x4] =	wrdreg $0xC0  }
0xab: {  	_ =	task [dreg:s6], $0x5FFFF  }
0xac: {  	[dreg:$0x1] =	wrdreg $0xFFFFFFFF  }
0xad: {  	[dreg:$0x0] =	wrdreg $0x60  }
0xae: {  	[dreg:$0x2] =	wrdreg s24  }
0xaf: {  	[dreg:$0x3] =	wrdreg $0xA8000  }
0xb0: {  	[dreg:$0x4] =	wrdreg $0x9  }
0xb1: {  	_ =	task.clear_ibuf [dreg:s6], $0x5FFFF;
	_ =	strace $0x90000049  }
0xb2: {  	s29 =	simm.s32 $0x9;
	_ =	strace $0x8000004B  }
0xb3: {  	_ =	swait.ge [sflag:s29], $0x1  }
0xb4: {  	[sflag:s29] =	ssyncadd.s32 $0xFFFFFFFF  }
0xb5: {  	_ =	strace $0x9000004B  }
0xb6: {  	_ =	sfence  }
0xb7: {  	s30 =	sld [smem:$0x0];
	_ =	sdelay $0x2  }
0xb8: {  	s31 =	sshll.u32 s1, $0xD;
	s1 =	sshrl.u32 s1, $0x2  }
0xb9: {  	s3 =	sand.u32 $0x4000, s31;
	s1 =	sadd.s32 s1, s30  }
0xba: {  	s0 =	sor.u32 s3, s0;
	s1 =	sshll.u32 s1, $0x11  }
0xbb: {  	s0 =	sor.u32 s1, s0  }
0xbc: {  	s0 =	sadd.s32 $0x8F2B, s0  }
0xbd: {  	[sflag:s0] =	ssyncadd.remote.s32 $0x1  }
0xbe: {  	_ =	sfence.sel $0xFFFF  }
0xbf: {  	[dreg:$0x0] =	wrdreg $0xFFFFFFFF;
	(pc) =	sbr.abs _section_cstart, $3  }
0xc0: {  	[dreg:$0x1] =	wrdreg $0xFFFFFFFF  }
0xc1: {  	_ =	task.clear_ibuf [dreg:s6], $0x2FFFF;
	_ =	strace $0x9FFFFFFF  }
0xc2: {  	(tm) =	ssettm $0x7FFFFFFF  }
0xc3: {  	_ =	shalt  }
tec
execute0_lowered:
.L_overlay_start_1:
0x0: {  	(tag) =	ssettag $0x1  }
0x1: {  	s0 =	rddreg [dreg:$0x0]  }
0x2: {  	s1 =	rddreg [dreg:$0x1];
	s2 =	srdreg.scid  }
0x3: {  	s3 =	simm.s32 $0x0;
	s12 =	stileid.u32;
	s21 =	simm.s32 $0x2800  }
0x4: {  	s22 =	simm.s32 $0x2;
	s28 =	simm.s32 $0x8800;
	s29 =	simm.s32 $0x1  }
0x5: {  	s30 =	simm.s32 $0x0;
	s2 =	sand.u32 $0x1, s2;
	s8 =	smul.u32 $0x13C00, s12  }
0x6: {  	[smem:$0x7FF] =	sst s3;
	s4 =	sadd.s32 $0x16C00, s0;
	s10 =	smul.u32 $0x4F000, s12  }
0x7: {  	s5 =	sadd.s32 $0x65C00, s0;
	s6 =	sadd.s32 $0x2C00, s0;
	s24 =	smul.u32 $0x50, s12  }
0x8: {  	s7 =	smul.u32 $0x13C000, s2;
	_ =	strace $0x8000004A;
	s23 =	ssub.s32 $0x2, s2  }
0x9: {  	p0 =	seq.s32 s2, $0x0;
	s2 =	smul.u32 $0xF0, s12;
	s9 =	sshrl.u32 s23, $0x1  }
0xa: {  	s25 =	sshrl.u32 s10, $0x2;
	s7 =	sadd.s32 s8, s7;
	s11 =	ssub.s32 s23, s9  }
0xb: {  	s8 =	sadd.s32 $0xF00, s24;
	s9 =	sadd.s32 s25, s1;
	s23 =	simm.s32 $0x1400  }
0xc: {  	s24 =	simm.s32 $0x40;
	s25 =	simm.s32 $0x4800;
	s7 =	sshrl.u32 s7, $0x3  }
0xd: {  	s8 =	smov.u32 @p0 s2;
	s26 =	sadd.s32 $0x2000, s9;
	s31 =	sadd.s32 $0x4000, s9  }
0xe: {  	s12 =	sadd.s32 $0x6000, s9;
	s13 =	sadd.s32 $0x8000, s9;
	s14 =	sadd.s32 $0xA000, s9  }
0xf: {  	s15 =	sadd.s32 $0xC000, s9;
	s16 =	sadd.s32 $0xE000, s9;
	s17 =	sadd.s32 $0x10000, s9  }
0x10: {  	s18 =	sadd.s32 $0x12000, s9;
	s20 =	smax.u32 s11, $0x1;
	[dreg:$0x3] =	wrdreg s26  }
0x11: {  	s0 =	sadd.s32 s7, s0;
	s7 =	simm.s32 $0x6;
	[dreg:$0x4] =	wrdreg s31  }
0x12: {  	v0 =	vimm.f32 $0.0e+00;
	s26 =	simm.s32 $0x6800;
	s7 =	simm.s32 @!p0 $0x2;
	s19 =	sadd.s32 $0x79C00, s0  }
.LBB2_1:
0x13: {  	s0 =	simm.s32 $0x0;
	s2 =	simm.s32 $0x200  }
.LBB2_2:
0x14: {  	p0 =	sne.s32 s2, $0x7E00;
	[tilespmem:s0+$0x2870] =	vst v0  }
0x15: {  	[tilespmem:s0+$0x2800] =	vst v0  }
0x16: {  	[tilespmem:s0+$0x2810] =	vst v0  }
.Ltmp0:
0x17: {  	[tilespmem:s0+$0x2820] =	vst v0;
	(pc) =	sbr.rel @p0 .LBB2_2-.Ltmp0, $4  }
0x18: {  	[tilespmem:s0+$0x2830] =	vst v0  }
0x19: {  	[tilespmem:s0+$0x2840] =	vst v0  }
0x1a: {  	[tilespmem:s0+$0x2850] =	vst v0  }
0x1b: {  	[tilespmem:s0+$0x2860] =	vst v0;
	s0 =	sshra.s32 s2, $0x2;
	s2 =	sadd.s32 $0x200, s2  }
0x1c: {  	[tilespmem:s0+$0x2870] =	vst v0  }
0x1d: {  	[tilespmem:s0+$0x2800] =	vst v0  }
0x1e: {  	[tilespmem:s0+$0x2810] =	vst v0  }
0x1f: {  	[tilespmem:s0+$0x2820] =	vst v0  }
0x20: {  	[tilespmem:s0+$0x2830] =	vst v0  }
0x21: {  	[tilespmem:s0+$0x2840] =	vst v0  }
0x22: {  	[tilespmem:s0+$0x2850] =	vst v0  }
0x23: {  	[tilespmem:s0+$0x2860] =	vst v0  }
0x24: {  	[spmem:s9] =	stream.linear.scatter [tilespmem:s21], [sflag:$0x2], $0x2000, $0x38;
	[tilespmem:$0x1E400] =	vst v63  }
0x25: {  	_ =	swait.ge [sflag:s22], $0x2000  }
0x26: {  	[sflag:s22] =	ssyncset.done $0x0  }
0x27: {  	s10 =	rddreg [dreg:$0x3];
	[sflag:s22] =	ssyncadd.s32 $0xFFFFE000  }
0x28: {  	[spmem:s10] =	stream.linear.scatter [tilespmem:s21], [sflag:$0x2], $0x2000, $0x38;
	[tilespmem:$0x1E400] =	vst v63  }
0x29: {  	_ =	swait.ge [sflag:s22], $0x2000  }
0x2a: {  	[sflag:s22] =	ssyncset.done $0x0  }
0x2b: {  	s11 =	rddreg [dreg:$0x4];
	[sflag:s22] =	ssyncadd.s32 $0xFFFFE000  }
0x2c: {  	[spmem:s11] =	stream.linear.scatter [tilespmem:s21], [sflag:$0x2], $0x2000, $0x38;
	[tilespmem:$0x1E400] =	vst v63  }
0x2d: {  	_ =	swait.ge [sflag:s22], $0x2000  }
0x2e: {  	[sflag:s22] =	ssyncset.done $0x0  }
0x2f: {  	[sflag:s22] =	ssyncadd.s32 $0xFFFFE000  }
0x30: {  	[spmem:s12] =	stream.linear.scatter [tilespmem:s21], [sflag:$0x2], $0x2000, $0x38;
	[tilespmem:$0x1E400] =	vst v63  }
0x31: {  	_ =	swait.ge [sflag:s22], $0x2000  }
0x32: {  	[sflag:s22] =	ssyncset.done $0x0  }
0x33: {  	[sflag:s22] =	ssyncadd.s32 $0xFFFFE000  }
0x34: {  	[spmem:s13] =	stream.linear.scatter [tilespmem:s21], [sflag:$0x2], $0x2000, $0x38;
	[tilespmem:$0x1E400] =	vst v63  }
0x35: {  	_ =	swait.ge [sflag:s22], $0x2000  }
0x36: {  	[sflag:s22] =	ssyncset.done $0x0  }
0x37: {  	[sflag:s22] =	ssyncadd.s32 $0xFFFFE000  }
0x38: {  	[spmem:s14] =	stream.linear.scatter [tilespmem:s21], [sflag:$0x2], $0x2000, $0x38;
	[tilespmem:$0x1E400] =	vst v63  }
0x39: {  	_ =	swait.ge [sflag:s22], $0x2000  }
0x3a: {  	[sflag:s22] =	ssyncset.done $0x0  }
0x3b: {  	[sflag:s22] =	ssyncadd.s32 $0xFFFFE000  }
0x3c: {  	[spmem:s15] =	stream.linear.scatter [tilespmem:s21], [sflag:$0x2], $0x2000, $0x38;
	[tilespmem:$0x1E400] =	vst v63  }
0x3d: {  	_ =	swait.ge [sflag:s22], $0x2000  }
0x3e: {  	[sflag:s22] =	ssyncset.done $0x0  }
0x3f: {  	[sflag:s22] =	ssyncadd.s32 $0xFFFFE000  }
0x40: {  	[spmem:s16] =	stream.linear.scatter [tilespmem:s21], [sflag:$0x2], $0x2000, $0x38;
	[tilespmem:$0x1E400] =	vst v63  }
0x41: {  	_ =	swait.ge [sflag:s22], $0x2000  }
0x42: {  	[sflag:s22] =	ssyncset.done $0x0  }
0x43: {  	[sflag:s22] =	ssyncadd.s32 $0xFFFFE000  }
0x44: {  	[spmem:s17] =	stream.linear.scatter [tilespmem:s21], [sflag:$0x2], $0x2000, $0x38;
	[tilespmem:$0x1E400] =	vst v63  }
0x45: {  	_ =	swait.ge [sflag:s22], $0x2000  }
0x46: {  	[sflag:s22] =	ssyncset.done $0x0  }
0x47: {  	[sflag:s22] =	ssyncadd.s32 $0xFFFFE000  }
0x48: {  	[spmem:s18] =	stream.linear.scatter [tilespmem:s21], [sflag:$0x2], $0x1C00, $0x38;
	[tilespmem:$0x1E400] =	vst v63  }
0x49: {  	_ =	swait.ge [sflag:s22], $0x1C00  }
0x4a: {  	[sflag:s22] =	ssyncset.done $0x0  }
0x4b: {  	[sflag:s22] =	ssyncadd.s32 $0xFFFFE400  }
0x4c: {  	s31 =	simm.s32 $0x0;
	[bflag:$0x0] =	sbarrier.arrive $0xFFFF  }
.LBB2_4:
0x4d: {  	s0 =	smul.u32 $0x28, s31;
	_ =	sdelay $0x1  }
0x4e: {  	s0 =	sadd.s32 s8, s0  }
0x4f: {  	s0 =	sshll.u32 s0, $0x4  }
0x50: {  	s2 =	sadd.s32 s5, s0  }
0x51: {  	[tilespmem:s30], [sflag:$0x2] =	stream.linear.gather [hbm4b:s2+s30], $0x1400, $0x38;
	[tilespmem:$0x1E400] =	vst v63  }
0x52: {  	_ =	swait.ge [sflag:s22], $0x1400  }
0x53: {  	[sflag:s22] =	ssyncset.done $0x0  }
0x54: {  	s0 =	sadd.s32 s6, s0;
	[sflag:s22] =	ssyncadd.s32 $0xFFFFEC00  }
0x55: {  	[tilespmem:s23], [sflag:$0x2] =	stream.linear.gather [hbm4b:s0+s30], $0x1400, $0x38;
	[tilespmem:$0x1E400] =	vst v63  }
0x56: {  	_ =	swait.ge [sflag:s22], $0x1400  }
0x57: {  	[sflag:s22] =	ssyncset.done $0x0  }
0x58: {  	s10 =	simm.s32 $0x0;
	[sflag:s22] =	ssyncadd.s32 $0xFFFFEC00  }
0x59: {  	[tilespmem:s21], [sflag:$0x1] =	stream.indirect.gather [hbm4b:s4+s24], $0x80, s10, s24, $0xb8;
	[tilespmem:$0x1E400] =	vst v63  }
0x5a: {  	s11 =	simm.s32 $0x80  }
0x5b: {  	[tilespmem:s25], [sflag:$0x1] =	stream.indirect.gather [hbm4b:s4+s24], $0x80, s11, s24, $0xb8;
	[tilespmem:$0x1E400] =	vst v63  }
0x5c: {  	s2 =	simm.s32 $0x100  }
0x5d: {  	[tilespmem:s26], [sflag:$0x1] =	stream.indirect.gather [hbm4b:s4+s24], $0x80, s2, s24, $0xb8;
	[tilespmem:$0x1E400] =	vst v63  }
0x5e: {  	s10 =	simm.s32 $0x180  }
0x5f: {  	[tilespmem:s28], [sflag:$0x1] =	stream.indirect.gather [hbm4b:s4+s24], $0x80, s10, s24, $0xb8;
	[tilespmem:$0x1E400] =	vst v63  }
0x60: {  	_ =	swait.ge [sflag:s29], $0x2000  }
0x61: {  	[sflag:s29] =	ssyncset.done $0x0  }
0x62: {  	[sflag:s29] =	ssyncadd.s32 $0xFFFFE000  }
0x63: {  	_ =	swait.ge [sflag:s29], $0x2000  }
0x64: {  	[sflag:s29] =	ssyncset.done $0x0  }
0x65: {  	[sflag:s29] =	ssyncadd.s32 $0xFFFFE000  }
0x66: {  	_ =	swait.ge [sflag:s29], $0x2000  }
0x67: {  	[sflag:s29] =	ssyncset.done $0x0  }
0x68: {  	[sflag:s29] =	ssyncadd.s32 $0xFFFFE000  }
0x69: {  	_ =	swait.ge [sflag:s29], $0x2000  }
0x6a: {  	[sflag:s29] =	ssyncset.done $0x0  }
0x6b: {  	s11 =	simm.s32 $0x1400;
	[sflag:s29] =	ssyncadd.s32 $0xFFFFE000  }
0x6c: {  	[spmem:s1] =	stream.indirect.scatter.add.f32 [tilespmem:s21], [sflag:$0x2], $0x80, s11, s24, $0xb8;
	[tilespmem:$0x1E400] =	vst v63  }
0x6d: {  	_ =	swait.ge [sflag:s22], $0x2000  }
0x6e: {  	[sflag:s22] =	ssyncset.done $0x0  }
0x6f: {  	s2 =	simm.s32 $0x1480;
	[sflag:s22] =	ssyncadd.s32 $0xFFFFE000  }
0x70: {  	[spmem:s1] =	stream.indirect.scatter.add.f32 [tilespmem:s25], [sflag:$0x2], $0x80, s2, s24, $0xb8;
	[tilespmem:$0x1E400] =	vst v63  }
0x71: {  	_ =	swait.ge [sflag:s22], $0x2000  }
0x72: {  	[sflag:s22] =	ssyncset.done $0x0  }
0x73: {  	s10 =	simm.s32 $0x1500;
	[sflag:s22] =	ssyncadd.s32 $0xFFFFE000  }
0x74: {  	[spmem:s1] =	stream.indirect.scatter.add.f32 [tilespmem:s26], [sflag:$0x2], $0x80, s10, s24, $0xb8;
	[tilespmem:$0x1E400] =	vst v63  }
0x75: {  	_ =	swait.ge [sflag:s22], $0x2000  }
0x76: {  	[sflag:s22] =	ssyncset.done $0x0  }
0x77: {  	s11 =	simm.s32 $0x1580;
	[sflag:s22] =	ssyncadd.s32 $0xFFFFE000  }
0x78: {  	[spmem:s1] =	stream.indirect.scatter.add.f32 [tilespmem:s28], [sflag:$0x2], $0x80, s11, s24, $0xb8;
	[tilespmem:$0x1E400] =	vst v63  }
0x79: {  	_ =	swait.ge [sflag:s22], $0x2000  }
0x7a: {  	s0 =	simm.s32 $0x800;
	s2 =	simm.s32 $0x1000;
	[sflag:s22] =	ssyncset.done $0x0  }
.LBB2_5:
0x7b: {  	s10 =	sshra.s32 s0, $0x2  }
0x7c: {  	[sflag:s22] =	ssyncadd.s32 $0xFFFFE000;
	s0 =	smov.u32 s2;
	s11 =	sadd.s32 $0x800, s2  }
0x7d: {  	[tilespmem:s21], [sflag:$0x1] =	stream.indirect.gather [hbm4b:s4+s24], $0x80, s10, s24, $0xb8;
	[tilespmem:$0x1E400] =	vst v63  }
0x7e: {  	p0 =	sne.s32 s2, $0x4800;
	s2 =	sadd.s32 $0x80, s10  }
0x7f: {  	[tilespmem:s25], [sflag:$0x1] =	stream.indirect.gather [hbm4b:s4+s24], $0x80, s2, s24, $0xb8;
	[tilespmem:$0x1E400] =	vst v63  }
0x80: {  	s2 =	sadd.s32 $0x100, s10  }
0x81: {  	[tilespmem:s26], [sflag:$0x1] =	stream.indirect.gather [hbm4b:s4+s24], $0x80, s2, s24, $0xb8;
	[tilespmem:$0x1E400] =	vst v63  }
0x82: {  	s2 =	sadd.s32 $0x180, s10  }
0x83: {  	[tilespmem:s28], [sflag:$0x1] =	stream.indirect.gather [hbm4b:s4+s24], $0x80, s2, s24, $0xb8;
	[tilespmem:$0x1E400] =	vst v63  }
0x84: {  	_ =	swait.ge [sflag:s29], $0x2000  }
0x85: {  	[sflag:s29] =	ssyncset.done $0x0  }
0x86: {  	[sflag:s29] =	ssyncadd.s32 $0xFFFFE000  }
0x87: {  	_ =	swait.ge [sflag:s29], $0x2000  }
0x88: {  	[sflag:s29] =	ssyncset.done $0x0  }
0x89: {  	[sflag:s29] =	ssyncadd.s32 $0xFFFFE000  }
0x8a: {  	_ =	swait.ge [sflag:s29], $0x2000  }
0x8b: {  	[sflag:s29] =	ssyncset.done $0x0  }
0x8c: {  	[sflag:s29] =	ssyncadd.s32 $0xFFFFE000  }
0x8d: {  	_ =	swait.ge [sflag:s29], $0x2000  }
0x8e: {  	[sflag:s29] =	ssyncset.done $0x0  }
0x8f: {  	s2 =	sadd.s32 $0x1400, s10;
	[sflag:s29] =	ssyncadd.s32 $0xFFFFE000  }
0x90: {  	[spmem:s1] =	stream.indirect.scatter.add.f32 [tilespmem:s21], [sflag:$0x2], $0x80, s2, s24, $0xb8;
	[tilespmem:$0x1E400] =	vst v63  }
0x91: {  	_ =	swait.ge [sflag:s22], $0x2000  }
0x92: {  	[sflag:s22] =	ssyncset.done $0x0  }
0x93: {  	s2 =	sadd.s32 $0x1480, s10;
	[sflag:s22] =	ssyncadd.s32 $0xFFFFE000  }
0x94: {  	[spmem:s1] =	stream.indirect.scatter.add.f32 [tilespmem:s25], [sflag:$0x2], $0x80, s2, s24, $0xb8;
	[tilespmem:$0x1E400] =	vst v63  }
0x95: {  	_ =	swait.ge [sflag:s22], $0x2000  }
0x96: {  	[sflag:s22] =	ssyncset.done $0x0  }
0x97: {  	s2 =	sadd.s32 $0x1500, s10;
	[sflag:s22] =	ssyncadd.s32 $0xFFFFE000  }
0x98: {  	[spmem:s1] =	stream.indirect.scatter.add.f32 [tilespmem:s26], [sflag:$0x2], $0x80, s2, s24, $0xb8;
	[tilespmem:$0x1E400] =	vst v63  }
0x99: {  	_ =	swait.ge [sflag:s22], $0x2000  }
.Ltmp1:
0x9a: {  	[sflag:s22] =	ssyncset.done $0x0;
	(pc) =	sbr.rel @p0 .LBB2_5-.Ltmp1, $4  }
0x9b: {  	s2 =	sadd.s32 $0x1580, s10;
	[sflag:s22] =	ssyncadd.s32 $0xFFFFE000  }
0x9c: {  	[spmem:s1] =	stream.indirect.scatter.add.f32 [tilespmem:s28], [sflag:$0x2], $0x80, s2, s24, $0xb8;
	[tilespmem:$0x1E400] =	vst v63  }
0x9d: {  	_ =	swait.ge [sflag:s22], $0x2000  }
0x9e: {  	s2 =	smov.u32 s11;
	[sflag:s22] =	ssyncset.done $0x0  }
0x9f: {  	s0 =	sshra.s32 s0, $0x2;
	[sflag:s22] =	ssyncadd.s32 $0xFFFFE000  }
0xa0: {  	[tilespmem:s21], [sflag:$0x1] =	stream.indirect.gather [hbm4b:s4+s24], $0x80, s0, s24, $0xb8;
	[tilespmem:$0x1E400] =	vst v63  }
0xa1: {  	s2 =	sadd.s32 $0x80, s0  }
0xa2: {  	[tilespmem:s25], [sflag:$0x1] =	stream.indirect.gather [hbm4b:s4+s24], $0x80, s2, s24, $0xb8;
	[tilespmem:$0x1E400] =	vst v63  }
0xa3: {  	s11 =	sadd.s32 $0x100, s0  }
0xa4: {  	[tilespmem:s26], [sflag:$0x1] =	stream.indirect.gather [hbm4b:s4+s24], $0x80, s11, s24, $0xb8;
	[tilespmem:$0x1E400] =	vst v63  }
0xa5: {  	s10 =	sadd.s32 $0x180, s0  }
0xa6: {  	[tilespmem:s28], [sflag:$0x1] =	stream.indirect.gather [hbm4b:s4+s24], $0x80, s10, s24, $0xb8;
	[tilespmem:$0x1E400] =	vst v63  }
0xa7: {  	_ =	swait.ge [sflag:s29], $0x2000  }
0xa8: {  	[sflag:s29] =	ssyncset.done $0x0  }
0xa9: {  	[sflag:s29] =	ssyncadd.s32 $0xFFFFE000  }
0xaa: {  	_ =	swait.ge [sflag:s29], $0x2000  }
0xab: {  	[sflag:s29] =	ssyncset.done $0x0  }
0xac: {  	[sflag:s29] =	ssyncadd.s32 $0xFFFFE000  }
0xad: {  	_ =	swait.ge [sflag:s29], $0x2000  }
0xae: {  	[sflag:s29] =	ssyncset.done $0x0  }
0xaf: {  	[sflag:s29] =	ssyncadd.s32 $0xFFFFE000  }
0xb0: {  	_ =	swait.ge [sflag:s29], $0x2000  }
0xb1: {  	[sflag:s29] =	ssyncset.done $0x0  }
0xb2: {  	s11 =	sadd.s32 $0x1400, s0;
	[sflag:s29] =	ssyncadd.s32 $0xFFFFE000  }
0xb3: {  	[spmem:s1] =	stream.indirect.scatter.add.f32 [tilespmem:s21], [sflag:$0x2], $0x80, s11, s24, $0xb8;
	[tilespmem:$0x1E400] =	vst v63  }
0xb4: {  	_ =	swait.ge [sflag:s22], $0x2000  }
0xb5: {  	[sflag:s22] =	ssyncset.done $0x0  }
0xb6: {  	s10 =	sadd.s32 $0x1480, s0;
	[sflag:s22] =	ssyncadd.s32 $0xFFFFE000  }
0xb7: {  	[spmem:s1] =	stream.indirect.scatter.add.f32 [tilespmem:s25], [sflag:$0x2], $0x80, s10, s24, $0xb8;
	[tilespmem:$0x1E400] =	vst v63  }
0xb8: {  	_ =	swait.ge [sflag:s22], $0x2000  }
0xb9: {  	[sflag:s22] =	ssyncset.done $0x0  }
0xba: {  	s11 =	sadd.s32 $0x1500, s0;
	[sflag:s22] =	ssyncadd.s32 $0xFFFFE000  }
0xbb: {  	[spmem:s1] =	stream.indirect.scatter.add.f32 [tilespmem:s26], [sflag:$0x2], $0x80, s11, s24, $0xb8;
	[tilespmem:$0x1E400] =	vst v63  }
0xbc: {  	s31 =	sadd.s32 $0x1, s31;
	_ =	swait.ge [sflag:s22], $0x2000  }
0xbd: {  	p0 =	sne.s32 s31, s7;
	[sflag:s22] =	ssyncset.done $0x0  }
.Ltmp2:
0xbe: {  	s0 =	sadd.s32 $0x1580, s0;
	[sflag:s22] =	ssyncadd.s32 $0xFFFFE000;
	(pc) =	sbr.rel @p0 .LBB2_4-.Ltmp2, $4  }
0xbf: {  	[spmem:s1] =	stream.indirect.scatter.add.f32 [tilespmem:s28], [sflag:$0x2], $0x80, s0, s24, $0xb8;
	[tilespmem:$0x1E400] =	vst v63  }
0xc0: {  	_ =	swait.ge [sflag:s22], $0x2000  }
0xc1: {  	[sflag:s22] =	ssyncset.done $0x0  }
0xc2: {  	[sflag:s22] =	ssyncadd.s32 $0xFFFFE000  }
0xc3: {  	s0 =	stileid.u32;
	s3 =	sadd.s32 $0x1, s3  }
0xc4: {  	[bflag:$0x0] =	sbarrier.arrive $0xFFFF;
	s0 =	sshll.u32 s0, $0x6;
	p0 =	sne.s32 s3, s20  }
.Ltmp3:
0xc5: {  	s2 =	sshrl.u32 s9, $0x3;
	s0 =	sor.u32 $0x1C02, s0;
	(pc) =	sbr.rel @p0 .LBB2_1-.Ltmp3, $4  }
0xc6: {  	[hbm:s19], [sflag:s0] =	dma.local [spmem:s2], $0x2780  }
0xc7: {  	_ =	swait.ge [sflag:s22], $0x2780  }
0xc8: {  	[sflag:s22] =	ssyncset.done $0x0  }
0xc9: {  	[sflag:s22] =	ssyncadd.s32 $0xFFFFD880  }
0xca: {  	_ =	sfence.sel $0x180000  }
0xcb: {  	[bflag:$0x0] =	sbarrier.arrive $0xFFFF  }
0xcc: {  	_ =	strace $0x9000004A  }
0xcd: {  	s0 =	stileid.u32;
	[bflag:$0x2] =	sbarrier.arrive $0xFFFF  }
0xce: {  	p0 =	sne.s32 s0, $0x0;
	s0 =	rddreg [dreg:$0x2]  }
0xcf: {  	s0 =	sadd.s32 @!p0 $0x100000, s0  }
0xd0: {  	[sflag:s0] =	ssyncadd.tile.s32 @!p0 $0x1;
	_ =	shalt  }
.Lfunc_end2:
_tile_overlayer_lowered:
.L_overlay_start_2:
0xd1: {  	(tag) =	ssettag $0x2  }
0xd2: {  	s0 =	rddreg [dreg:$0x0];
	s2 =	stileid.u32  }
0xd3: {  	s1 =	rddreg [dreg:$0x1];
	p0 =	sne.s32 s2, $0x0  }
0xd4: {  	s3 =	rddreg [dreg:$0x2];
	[bflag:$0x3] =	sbarrier.arrive $0xFFFF;
	s2 =	simm.s32 @!p0 $0x1C02  }
0xd5: {  	[timem:s3], [sflag:s2] =	dma.local @!p0 [hbm:s0], s1  }
0xd6: {  	s0 =	simm.s32 @!p0 $0x2  }
0xd7: {  	_ =	swait.ge @!p0 [sflag:s0], s1  }
0xd8: {  	s1 =	ssub.s32 @!p0 $0x0, s1;
	[sflag:s0] =	ssyncset.done @!p0 $0x0  }
0xd9: {  	[sflag:s0] =	ssyncadd.s32 @!p0 s1  }
0xda: {  	[bflag:$0x3] =	sbarrier.arrive $0xFFFF  }
0xdb: {  	_ =	shalt  }

// kernel: kernel.16.cloned.1.call-start
scs
__scs_entry_jumppad:
0x0: {  	(pc) =	sbr.rel $0x88, $3  }
0x1: {  	(tag) =	ssettag $0x0;
	lr =	simm.s32 $0x1  }
0x2: {  	[smem:$0x3F98] =	sst lr;
	_ =	strace $0xD0000000  }
0x3: {  	_ = 	snop  }
0x4: {  	_ = 	snop  }
0x5: {  	_ = 	snop  }
0x6: {  	_ = 	snop  }
0x7: {  	_ = 	snop  }
__scs_overlays_trampoline_lowered:
0x8: {  	[smem:$0x3FA7] =	sst s0  }
0x9: {  	[smem:$0x3FA8] =	sst s1  }
0xa: {  	[smem:$0x3FA9] =	sst s2  }
0xb: {  	[smem:$0x3FAA] =	sst s3  }
0xc: {  	[smem:$0x3FAB] =	sst s4  }
0xd: {  	[smem:$0x3FAC] =	sst s5  }
0xe: {  	[smem:$0x3FAD] =	sst s6  }
0xf: {  	[smem:$0x3FAE] =	sst s7  }
0x10: {  	[smem:$0x3FAF] =	sst s8  }
0x11: {  	[smem:$0x3FB0] =	sst s9;
	s0 =	simm.s32 @!p0 $0x0  }
0x12: {  	s1 =	sld [smem:$0x3F96];
	s0 =	simm.s32 @p0 $0x1  }
0x13: {  	[smem:$0x3FB1] =	sst s0;
	s0 =	simm.s32 @!p1 $0x0  }
0x14: {  	s2 =	sld [smem:$0x3F95];
	s0 =	simm.s32 @p1 $0x1  }
0x15: {  	[smem:$0x3FB2] =	sst s0;
	s0 =	simm.s32 @!p2 $0x0  }
0x16: {  	s3 =	sld [smem:$0x3FDB];
	s0 =	simm.s32 @p2 $0x1  }
0x17: {  	s4 =	simm.s32 $0x1BF5;
	[smem:$0x3FB4] =	sst s0  }
0x18: {  	s0 =	sld [smem:$0x3F97];
	_ =	swait.ge [sflag:s4], $0x0  }
0x19: {  	s7 =	sld [smem:$0x3F98]  }
0x1a: {  	s8 =	sadd.s32 $0xFFFFE003, lr  }
0x1b: {  	s9 =	sadd.s32 $0xFFFFFEF7, lr;
	s5 =	simm.s32 $0xFFFFFFFF;
	p2 =	slt.u32 s8, $0xFFFFF086  }
0x1c: {  	p1 =	slt.u32 s9, $0xF7A;
	s5 =	simm.s32 @!p2 $0x0  }
0x1d: {  	s5 =	simm.s32 @p1 $0x1;
	p0 =	seq.s32 s7, s2  }
0x1e: {  	s7 =	smul.u32 @!p0 $0xF7A, s2;
	p2 =	seq.s32 @!p0 s5, $0x0  }
0x1f: {  	s9 =	smul.u32 $0xF7A, s1;
	s8 =	simm.s32 @!p0 $0x1BF5;
	p2 =	por !p2, p0  }
0x20: {  	[sflag:s8] =	ssyncset.s32 @!p0 $0xFFFFF086;
	s6 =	sadd.s32 @!p0 s3, s7;
	s7 =	simm.s32 @!p0 $0x108  }
0x21: {  	s3 =	sadd.s32 s3, s9;
	s6 =	sadd.s32 @!p0 $0x88, s6;
	s7 =	simm.s32 @p2 $0x1082  }
0x22: {  	[simem:s7], [sflag:s8] =	dma.local @!p0 [hbm:s6], $0xF7A  }
0x23: {  	s9 =	sor.u32 $0xD0000000, s2;
	s6 =	simm.s32 $0x108;
	_ =	swait.ge @!p0 [sflag:s8], $0x0  }
0x24: {  	s3 =	sadd.s32 $0x88, s3;
	s6 =	simm.s32 @!p1 $0x1082;
	[sflag:s4] =	ssyncset.s32 $0xFFFFF086  }
0x25: {  	[simem:s6], [sflag:s4] =	dma.local [hbm:s3], $0xF7A  }
0x26: {  	[smem:$0x3F98] =	sst s1;
	(tag) =	ssettag s2;
	_ =	strace s9  }
0x27: {  	s1 =	sld [smem:$0x3FA8]  }
0x28: {  	s2 =	sld [smem:$0x3FA9]  }
0x29: {  	s4 =	sld [smem:$0x3FAB]  }
0x2a: {  	p0 =	seq.s32 s5, $0x0;
	s5 =	sld [smem:$0x3FAC]  }
0x2b: {  	s6 =	sld [smem:$0x3FAD]  }
0x2c: {  	s7 =	sld [smem:$0x3FAE]  }
0x2d: {  	s3 =	simm.s32 $0x108;
	s8 =	sld [smem:$0x3FAF]  }
0x2e: {  	s3 =	simm.s32 @!p0 $0x1082;
	s9 =	sld [smem:$0x3FB0]  }
0x2f: {  	lr =	sadd.s32 s0, s3;
	s0 =	sld [smem:$0x3FA7]  }
0x30: {  	s3 =	sld [smem:$0x3FAA]  }
0x31: {  	[smem:$0x3FB3] =	sst s10  }
0x32: {  	s10 =	sld [smem:$0x3FB1];
	_ =	sdelay $0x3  }
0x33: {  	p0 =	seq.s32 s10, $0x1;
	s10 =	sld [smem:$0x3FB3];
	_ =	sdelay $0x3  }
0x34: {  	[smem:$0x3FB3] =	sst s10  }
0x35: {  	s10 =	sld [smem:$0x3FB2];
	_ =	sdelay $0x3  }
0x36: {  	p1 =	seq.s32 s10, $0x1;
	s10 =	sld [smem:$0x3FB3];
	_ =	sdelay $0x3  }
0x37: {  	[smem:$0x3FB3] =	sst s10  }
0x38: {  	s10 =	sld [smem:$0x3FB4]  }
0x39: {  	_ = 	snop;
	(pc) =	sbr.ind lr, $3  }
0x3a: {  	_ = 	snop  }
0x3b: {  	_ = 	snop  }
0x3c: {  	p2 =	seq.s32 s10, $0x1;
	s10 =	sld [smem:$0x3FB3]  }
0x3d: {  	_ =	shalt  }
0x3e: {  	_ =	shalt  }
0x3f: {  	_ =	shalt  }
0x40: {  	_ =	shalt  }
0x41: {  	_ =	shalt  }
0x42: {  	_ =	shalt  }
0x43: {  	_ =	shalt  }
0x44: {  	_ =	shalt  }
0x45: {  	_ =	shalt  }
0x46: {  	_ =	shalt  }
0x47: {  	_ =	shalt  }
0x48: {  	_ =	shalt  }
0x49: {  	_ =	shalt  }
0x4a: {  	_ =	shalt  }
0x4b: {  	_ =	shalt  }
0x4c: {  	_ =	shalt  }
0x4d: {  	_ =	shalt  }
0x4e: {  	_ =	shalt  }
0x4f: {  	_ =	shalt  }
0x50: {  	_ =	shalt  }
0x51: {  	_ =	shalt  }
0x52: {  	_ =	shalt  }
0x53: {  	_ =	shalt  }
0x54: {  	_ =	shalt  }
0x55: {  	_ =	shalt  }
0x56: {  	_ =	shalt  }
0x57: {  	_ =	shalt  }
0x58: {  	_ =	shalt  }
0x59: {  	_ =	shalt  }
0x5a: {  	_ =	shalt  }
0x5b: {  	_ =	shalt  }
0x5c: {  	_ =	shalt  }
0x5d: {  	_ =	shalt  }
0x5e: {  	_ =	shalt  }
0x5f: {  	_ =	shalt  }
0x60: {  	_ =	shalt  }
0x61: {  	_ =	shalt  }
0x62: {  	_ =	shalt  }
0x63: {  	_ =	shalt  }
0x64: {  	_ =	shalt  }
0x65: {  	_ =	shalt  }
0x66: {  	_ =	shalt  }
0x67: {  	_ =	shalt  }
0x68: {  	_ =	shalt  }
0x69: {  	_ =	shalt  }
0x6a: {  	_ =	shalt  }
0x6b: {  	_ =	shalt  }
0x6c: {  	_ =	shalt  }
0x6d: {  	_ =	shalt  }
0x6e: {  	_ =	shalt  }
0x6f: {  	_ =	shalt  }
0x70: {  	_ =	shalt  }
0x71: {  	_ =	shalt  }
0x72: {  	_ =	shalt  }
0x73: {  	_ =	shalt  }
0x74: {  	_ =	shalt  }
0x75: {  	_ =	shalt  }
0x76: {  	_ =	shalt  }
0x77: {  	_ =	shalt  }
0x78: {  	_ =	shalt  }
0x79: {  	_ =	shalt  }
0x7a: {  	_ =	shalt  }
0x7b: {  	_ =	shalt  }
0x7c: {  	_ =	shalt  }
0x7d: {  	_ =	shalt  }
0x7e: {  	_ =	shalt  }
0x7f: {  	_ =	shalt  }
0x80: {  	_ =	shalt  }
0x81: {  	_ =	shalt  }
0x82: {  	_ =	shalt  }
0x83: {  	_ =	shalt  }
0x84: {  	_ =	shalt  }
0x85: {  	_ =	shalt  }
0x86: {  	_ =	shalt  }
0x87: {  	_ =	shalt  }
.Lfunc_end0:
.L_simem_size_0:
called_computation.2_lowered:
.L_overlay_start_0:
0x88: {  	s2 =	sld [smem:$0x3FD9]  }
0x89: {  	s3 =	sld [smem:$0x3FFE];
	_ =	sdelay $0x1  }
0x8a: {  	s1 =	srdreg.scid  }
0x8b: {  	s0 =	sand.u32 $0x1, s1  }
0x8c: {  	s16 =	sshll.u32 s0, $0xA;
	s2 =	sadd.s32 s3, s2  }
0x8d: {  	s2 =	sadd.s32 s2, s16  }
0x8e: {  	[smem:$0x3FBF] =	sst s2  }
0x8f: {  	_ = 	snop  }
0x90: {  	(tm) =	ssettm $0x1  }
0x91: {  	s17 =	sld [smem:$0x3FFB];
	_ =	sdelay $0x3  }
0x92: {  	_ =	strace s17  }
0x93: {  	s2 =	sld [smem:$0x3FFC];
	_ =	sdelay $0x3  }
0x94: {  	_ =	strace s2  }
0x95: {  	s2 =	sld [smem:$0x3FFD];
	_ =	sdelay $0x3  }
0x96: {  	_ =	strace s2  }
0x97: {  	_ =	strace $0x8FFFFFFF  }
0x98: {  	s18 =	sld [smem:$0x3FDB];
	_ =	sdelay $0x1  }
0x99: {  	s19 =	simm.s32 $_scs_section_size  }
0x9a: {  	s4 =	simm.s32 $_size__tile_overlayer_lowered;
	s5 =	simm.s32 $_tile_overlayer_lowered  }
0x9b: {  	s22 =	simm.s32 $0x1BFF;
	s21 =	sshll.u32 s5, $0x1;
	s2 =	sadd.s32 s19, s18  }
0x9c: {  	s6 =	simm.s32 $0x0;
	s20 =	sshll.u32 s4, $0x1;
	s4 =	sadd.s32 s21, s2  }
0x9d: {  	[timem:s6], [sflag:s22] =	dma.local [hbm:s4], s20  }
0x9e: {  	_ =	swait.ge [sflag:s22], s20  }
0x9f: {  	s3 =	ssub.s32 $0x0, s20;
	[sflag:s22] =	ssyncset.done $0x0  }
0xa0: {  	[sflag:s22] =	ssyncadd.s32 s3;
	_ =	sdelay $0x1  }
0xa1: {  	s23 =	simm.s32 $0x1B8B  }
0xa2: {  	_ =	swait.ge [sflag:s23], $0x1  }
0xa3: {  	[sflag:s23] =	ssyncset.done $0x0  }
0xa4: {  	s25 =	simm.s32 $0x1B8E;
	s24 =	sld [smem:$0x3FFE];
	[sflag:s23] =	ssyncadd.s32 $0xFFFFFFFF  }
0xa5: {  	s26 =	simm.s32 $execute0_lowered;
	[smem:$0x3FD2] =	sst s25  }
0xa6: {  	s4 =	sshll.u32 s26, $0x1;
	_ =	strace $0x8000004C;
	[dreg:$0x1] =	wrdreg $0xFFFFFFFF  }
0xa7: {  	s28 =	simm.s32 $_size_execute0_lowered;
	s2 =	sadd.s32 s2, s4;
	[dreg:$0x0] =	wrdreg $0x0  }
0xa8: {  	s4 =	sshll.u32 s28, $0x1;
	[dreg:$0x2] =	wrdreg s2  }
0xa9: {  	[dreg:$0x3] =	wrdreg s4  }
0xaa: {  	[dreg:$0x4] =	wrdreg $0xC0  }
0xab: {  	_ =	task [dreg:s6], $0x5FFFF  }
0xac: {  	[dreg:$0x1] =	wrdreg $0xFFFFFFFF  }
0xad: {  	[dreg:$0x0] =	wrdreg $0x60  }
0xae: {  	[dreg:$0x2] =	wrdreg s24  }
0xaf: {  	[dreg:$0x3] =	wrdreg $0xA8000  }
0xb0: {  	[dreg:$0x4] =	wrdreg $0x9  }
0xb1: {  	_ =	task.clear_ibuf [dreg:s6], $0x5FFFF;
	_ =	strace $0x9000004C  }
0xb2: {  	s29 =	simm.s32 $0x9;
	_ =	strace $0x8000004E  }
0xb3: {  	_ =	swait.ge [sflag:s29], $0x1  }
0xb4: {  	[sflag:s29] =	ssyncadd.s32 $0xFFFFFFFF  }
0xb5: {  	_ =	strace $0x9000004E  }
0xb6: {  	_ =	sfence  }
0xb7: {  	s30 =	sld [smem:$0x0];
	_ =	sdelay $0x2  }
0xb8: {  	s31 =	sshll.u32 s1, $0xD;
	s1 =	sshrl.u32 s1, $0x2  }
0xb9: {  	s3 =	sand.u32 $0x4000, s31;
	s1 =	sadd.s32 s1, s30  }
0xba: {  	s0 =	sor.u32 s3, s0;
	s1 =	sshll.u32 s1, $0x11  }
0xbb: {  	s0 =	sor.u32 s1, s0  }
0xbc: {  	s0 =	sadd.s32 $0x8F2B, s0  }
0xbd: {  	[sflag:s0] =	ssyncadd.remote.s32 $0x1  }
0xbe: {  	_ =	sfence.sel $0xFFFF  }
0xbf: {  	[dreg:$0x0] =	wrdreg $0xFFFFFFFF;
	(pc) =	sbr.abs _section_cstart, $3  }
0xc0: {  	[dreg:$0x1] =	wrdreg $0xFFFFFFFF  }
0xc1: {  	_ =	task.clear_ibuf [dreg:s6], $0x2FFFF;
	_ =	strace $0x9FFFFFFF  }
0xc2: {  	(tm) =	ssettm $0x7FFFFFFF  }
0xc3: {  	_ =	shalt  }
tec
execute0_lowered:
.L_overlay_start_1:
0x0: {  	(tag) =	ssettag $0x1  }
0x1: {  	s0 =	rddreg [dreg:$0x0]  }
0x2: {  	s1 =	rddreg [dreg:$0x1];
	s2 =	srdreg.scid  }
0x3: {  	s3 =	simm.s32 $0x0;
	s12 =	stileid.u32;
	s21 =	simm.s32 $0x2800  }
0x4: {  	s22 =	simm.s32 $0x2;
	s28 =	simm.s32 $0x8800;
	s29 =	simm.s32 $0x1  }
0x5: {  	s30 =	simm.s32 $0x0;
	s2 =	sand.u32 $0x1, s2;
	s8 =	smul.u32 $0x13C00, s12  }
0x6: {  	[smem:$0x7FF] =	sst s3;
	s4 =	sadd.s32 $0x16C00, s0;
	s10 =	smul.u32 $0x4F000, s12  }
0x7: {  	s5 =	sadd.s32 $0x65C00, s0;
	s6 =	sadd.s32 $0x2C00, s0;
	s24 =	smul.u32 $0x50, s12  }
0x8: {  	s7 =	smul.u32 $0x13C000, s2;
	_ =	strace $0x8000004D;
	s23 =	ssub.s32 $0x2, s2  }
0x9: {  	p0 =	seq.s32 s2, $0x0;
	s2 =	smul.u32 $0xF0, s12;
	s9 =	sshrl.u32 s23, $0x1  }
0xa: {  	s25 =	sshrl.u32 s10, $0x2;
	s7 =	sadd.s32 s8, s7;
	s11 =	ssub.s32 s23, s9  }
0xb: {  	s8 =	sadd.s32 $0xF00, s24;
	s9 =	sadd.s32 s25, s1;
	s23 =	simm.s32 $0x1400  }
0xc: {  	s24 =	simm.s32 $0x40;
	s25 =	simm.s32 $0x4800;
	s7 =	sshrl.u32 s7, $0x3  }
0xd: {  	s8 =	smov.u32 @p0 s2;
	s26 =	sadd.s32 $0x2000, s9;
	s31 =	sadd.s32 $0x4000, s9  }
0xe: {  	s12 =	sadd.s32 $0x6000, s9;
	s13 =	sadd.s32 $0x8000, s9;
	s14 =	sadd.s32 $0xA000, s9  }
0xf: {  	s15 =	sadd.s32 $0xC000, s9;
	s16 =	sadd.s32 $0xE000, s9;
	s17 =	sadd.s32 $0x10000, s9  }
0x10: {  	s18 =	sadd.s32 $0x12000, s9;
	s20 =	smax.u32 s11, $0x1;
	[dreg:$0x3] =	wrdreg s26  }
0x11: {  	s0 =	sadd.s32 s7, s0;
	s7 =	simm.s32 $0x6;
	[dreg:$0x4] =	wrdreg s31  }
0x12: {  	v0 =	vimm.f32 $0.0e+00;
	s26 =	simm.s32 $0x6800;
	s7 =	simm.s32 @!p0 $0x2;
	s19 =	sadd.s32 $0x79C00, s0  }
.LBB2_1:
0x13: {  	s0 =	simm.s32 $0x0;
	s2 =	simm.s32 $0x200  }
.LBB2_2:
0x14: {  	p0 =	sne.s32 s2, $0x7E00;
	[tilespmem:s0+$0x2870] =	vst v0  }
0x15: {  	[tilespmem:s0+$0x2800] =	vst v0  }
0x16: {  	[tilespmem:s0+$0x2810] =	vst v0  }
.Ltmp0:
0x17: {  	[tilespmem:s0+$0x2820] =	vst v0;
	(pc) =	sbr.rel @p0 .LBB2_2-.Ltmp0, $4  }
0x18: {  	[tilespmem:s0+$0x2830] =	vst v0  }
0x19: {  	[tilespmem:s0+$0x2840] =	vst v0  }
0x1a: {  	[tilespmem:s0+$0x2850] =	vst v0  }
0x1b: {  	[tilespmem:s0+$0x2860] =	vst v0;
	s0 =	sshra.s32 s2, $0x2;
	s2 =	sadd.s32 $0x200, s2  }
0x1c: {  	[tilespmem:s0+$0x2870] =	vst v0  }
0x1d: {  	[tilespmem:s0+$0x2800] =	vst v0  }
0x1e: {  	[tilespmem:s0+$0x2810] =	vst v0  }
0x1f: {  	[tilespmem:s0+$0x2820] =	vst v0  }
0x20: {  	[tilespmem:s0+$0x2830] =	vst v0  }
0x21: {  	[tilespmem:s0+$0x2840] =	vst v0  }
0x22: {  	[tilespmem:s0+$0x2850] =	vst v0  }
0x23: {  	[tilespmem:s0+$0x2860] =	vst v0  }
0x24: {  	[spmem:s9] =	stream.linear.scatter [tilespmem:s21], [sflag:$0x2], $0x2000, $0x38;
	[tilespmem:$0x1E400] =	vst v63  }
0x25: {  	_ =	swait.ge [sflag:s22], $0x2000  }
0x26: {  	[sflag:s22] =	ssyncset.done $0x0  }
0x27: {  	s10 =	rddreg [dreg:$0x3];
	[sflag:s22] =	ssyncadd.s32 $0xFFFFE000  }
0x28: {  	[spmem:s10] =	stream.linear.scatter [tilespmem:s21], [sflag:$0x2], $0x2000, $0x38;
	[tilespmem:$0x1E400] =	vst v63  }
0x29: {  	_ =	swait.ge [sflag:s22], $0x2000  }
0x2a: {  	[sflag:s22] =	ssyncset.done $0x0  }
0x2b: {  	s11 =	rddreg [dreg:$0x4];
	[sflag:s22] =	ssyncadd.s32 $0xFFFFE000  }
0x2c: {  	[spmem:s11] =	stream.linear.scatter [tilespmem:s21], [sflag:$0x2], $0x2000, $0x38;
	[tilespmem:$0x1E400] =	vst v63  }
0x2d: {  	_ =	swait.ge [sflag:s22], $0x2000  }
0x2e: {  	[sflag:s22] =	ssyncset.done $0x0  }
0x2f: {  	[sflag:s22] =	ssyncadd.s32 $0xFFFFE000  }
0x30: {  	[spmem:s12] =	stream.linear.scatter [tilespmem:s21], [sflag:$0x2], $0x2000, $0x38;
	[tilespmem:$0x1E400] =	vst v63  }
0x31: {  	_ =	swait.ge [sflag:s22], $0x2000  }
0x32: {  	[sflag:s22] =	ssyncset.done $0x0  }
0x33: {  	[sflag:s22] =	ssyncadd.s32 $0xFFFFE000  }
0x34: {  	[spmem:s13] =	stream.linear.scatter [tilespmem:s21], [sflag:$0x2], $0x2000, $0x38;
	[tilespmem:$0x1E400] =	vst v63  }
0x35: {  	_ =	swait.ge [sflag:s22], $0x2000  }
0x36: {  	[sflag:s22] =	ssyncset.done $0x0  }
0x37: {  	[sflag:s22] =	ssyncadd.s32 $0xFFFFE000  }
0x38: {  	[spmem:s14] =	stream.linear.scatter [tilespmem:s21], [sflag:$0x2], $0x2000, $0x38;
	[tilespmem:$0x1E400] =	vst v63  }
0x39: {  	_ =	swait.ge [sflag:s22], $0x2000  }
0x3a: {  	[sflag:s22] =	ssyncset.done $0x0  }
0x3b: {  	[sflag:s22] =	ssyncadd.s32 $0xFFFFE000  }
0x3c: {  	[spmem:s15] =	stream.linear.scatter [tilespmem:s21], [sflag:$0x2], $0x2000, $0x38;
	[tilespmem:$0x1E400] =	vst v63  }
0x3d: {  	_ =	swait.ge [sflag:s22], $0x2000  }
0x3e: {  	[sflag:s22] =	ssyncset.done $0x0  }
0x3f: {  	[sflag:s22] =	ssyncadd.s32 $0xFFFFE000  }
0x40: {  	[spmem:s16] =	stream.linear.scatter [tilespmem:s21], [sflag:$0x2], $0x2000, $0x38;
	[tilespmem:$0x1E400] =	vst v63  }
0x41: {  	_ =	swait.ge [sflag:s22], $0x2000  }
0x42: {  	[sflag:s22] =	ssyncset.done $0x0  }
0x43: {  	[sflag:s22] =	ssyncadd.s32 $0xFFFFE000  }
0x44: {  	[spmem:s17] =	stream.linear.scatter [tilespmem:s21], [sflag:$0x2], $0x2000, $0x38;
	[tilespmem:$0x1E400] =	vst v63  }
0x45: {  	_ =	swait.ge [sflag:s22], $0x2000  }
0x46: {  	[sflag:s22] =	ssyncset.done $0x0  }
0x47: {  	[sflag:s22] =	ssyncadd.s32 $0xFFFFE000  }
0x48: {  	[spmem:s18] =	stream.linear.scatter [tilespmem:s21], [sflag:$0x2], $0x1C00, $0x38;
	[tilespmem:$0x1E400] =	vst v63  }
0x49: {  	_ =	swait.ge [sflag:s22], $0x1C00  }
0x4a: {  	[sflag:s22] =	ssyncset.done $0x0  }
0x4b: {  	[sflag:s22] =	ssyncadd.s32 $0xFFFFE400  }
0x4c: {  	s31 =	simm.s32 $0x0;
	[bflag:$0x0] =	sbarrier.arrive $0xFFFF  }
.LBB2_4:
0x4d: {  	s0 =	smul.u32 $0x28, s31;
	_ =	sdelay $0x1  }
0x4e: {  	s0 =	sadd.s32 s8, s0  }
0x4f: {  	s0 =	sshll.u32 s0, $0x4  }
0x50: {  	s2 =	sadd.s32 s5, s0  }
0x51: {  	[tilespmem:s30], [sflag:$0x2] =	stream.linear.gather [hbm4b:s2+s30], $0x1400, $0x38;
	[tilespmem:$0x1E400] =	vst v63  }
0x52: {  	_ =	swait.ge [sflag:s22], $0x1400  }
0x53: {  	[sflag:s22] =	ssyncset.done $0x0  }
0x54: {  	s0 =	sadd.s32 s6, s0;
	[sflag:s22] =	ssyncadd.s32 $0xFFFFEC00  }
0x55: {  	[tilespmem:s23], [sflag:$0x2] =	stream.linear.gather [hbm4b:s0+s30], $0x1400, $0x38;
	[tilespmem:$0x1E400] =	vst v63  }
0x56: {  	_ =	swait.ge [sflag:s22], $0x1400  }
0x57: {  	[sflag:s22] =	ssyncset.done $0x0  }
0x58: {  	s10 =	simm.s32 $0x0;
	[sflag:s22] =	ssyncadd.s32 $0xFFFFEC00  }
0x59: {  	[tilespmem:s21], [sflag:$0x1] =	stream.indirect.gather [hbm4b:s4+s24], $0x80, s10, s24, $0xb8;
	[tilespmem:$0x1E400] =	vst v63  }
0x5a: {  	s11 =	simm.s32 $0x80  }
0x5b: {  	[tilespmem:s25], [sflag:$0x1] =	stream.indirect.gather [hbm4b:s4+s24], $0x80, s11, s24, $0xb8;
	[tilespmem:$0x1E400] =	vst v63  }
0x5c: {  	s2 =	simm.s32 $0x100  }
0x5d: {  	[tilespmem:s26], [sflag:$0x1] =	stream.indirect.gather [hbm4b:s4+s24], $0x80, s2, s24, $0xb8;
	[tilespmem:$0x1E400] =	vst v63  }
0x5e: {  	s10 =	simm.s32 $0x180  }
0x5f: {  	[tilespmem:s28], [sflag:$0x1] =	stream.indirect.gather [hbm4b:s4+s24], $0x80, s10, s24, $0xb8;
	[tilespmem:$0x1E400] =	vst v63  }
0x60: {  	_ =	swait.ge [sflag:s29], $0x2000  }
0x61: {  	[sflag:s29] =	ssyncset.done $0x0  }
0x62: {  	[sflag:s29] =	ssyncadd.s32 $0xFFFFE000  }
0x63: {  	_ =	swait.ge [sflag:s29], $0x2000  }
0x64: {  	[sflag:s29] =	ssyncset.done $0x0  }
0x65: {  	[sflag:s29] =	ssyncadd.s32 $0xFFFFE000  }
0x66: {  	_ =	swait.ge [sflag:s29], $0x2000  }
0x67: {  	[sflag:s29] =	ssyncset.done $0x0  }
0x68: {  	[sflag:s29] =	ssyncadd.s32 $0xFFFFE000  }
0x69: {  	_ =	swait.ge [sflag:s29], $0x2000  }
0x6a: {  	[sflag:s29] =	ssyncset.done $0x0  }
0x6b: {  	s11 =	simm.s32 $0x1400;
	[sflag:s29] =	ssyncadd.s32 $0xFFFFE000  }
0x6c: {  	[spmem:s1] =	stream.indirect.scatter.add.f32 [tilespmem:s21], [sflag:$0x2], $0x80, s11, s24, $0xb8;
	[tilespmem:$0x1E400] =	vst v63  }
0x6d: {  	_ =	swait.ge [sflag:s22], $0x2000  }
0x6e: {  	[sflag:s22] =	ssyncset.done $0x0  }
0x6f: {  	s2 =	simm.s32 $0x1480;
	[sflag:s22] =	ssyncadd.s32 $0xFFFFE000  }
0x70: {  	[spmem:s1] =	stream.indirect.scatter.add.f32 [tilespmem:s25], [sflag:$0x2], $0x80, s2, s24, $0xb8;
	[tilespmem:$0x1E400] =	vst v63  }
0x71: {  	_ =	swait.ge [sflag:s22], $0x2000  }
0x72: {  	[sflag:s22] =	ssyncset.done $0x0  }
0x73: {  	s10 =	simm.s32 $0x1500;
	[sflag:s22] =	ssyncadd.s32 $0xFFFFE000  }
0x74: {  	[spmem:s1] =	stream.indirect.scatter.add.f32 [tilespmem:s26], [sflag:$0x2], $0x80, s10, s24, $0xb8;
	[tilespmem:$0x1E400] =	vst v63  }
0x75: {  	_ =	swait.ge [sflag:s22], $0x2000  }
0x76: {  	[sflag:s22] =	ssyncset.done $0x0  }
0x77: {  	s11 =	simm.s32 $0x1580;
	[sflag:s22] =	ssyncadd.s32 $0xFFFFE000  }
0x78: {  	[spmem:s1] =	stream.indirect.scatter.add.f32 [tilespmem:s28], [sflag:$0x2], $0x80, s11, s24, $0xb8;
	[tilespmem:$0x1E400] =	vst v63  }
0x79: {  	_ =	swait.ge [sflag:s22], $0x2000  }
0x7a: {  	s0 =	simm.s32 $0x800;
	s2 =	simm.s32 $0x1000;
	[sflag:s22] =	ssyncset.done $0x0  }
.LBB2_5:
0x7b: {  	s10 =	sshra.s32 s0, $0x2  }
0x7c: {  	[sflag:s22] =	ssyncadd.s32 $0xFFFFE000;
	s0 =	smov.u32 s2;
	s11 =	sadd.s32 $0x800, s2  }
0x7d: {  	[tilespmem:s21], [sflag:$0x1] =	stream.indirect.gather [hbm4b:s4+s24], $0x80, s10, s24, $0xb8;
	[tilespmem:$0x1E400] =	vst v63  }
0x7e: {  	p0 =	sne.s32 s2, $0x4800;
	s2 =	sadd.s32 $0x80, s10  }
0x7f: {  	[tilespmem:s25], [sflag:$0x1] =	stream.indirect.gather [hbm4b:s4+s24], $0x80, s2, s24, $0xb8;
	[tilespmem:$0x1E400] =	vst v63  }
0x80: {  	s2 =	sadd.s32 $0x100, s10  }
0x81: {  	[tilespmem:s26], [sflag:$0x1] =	stream.indirect.gather [hbm4b:s4+s24], $0x80, s2, s24, $0xb8;
	[tilespmem:$0x1E400] =	vst v63  }
0x82: {  	s2 =	sadd.s32 $0x180, s10  }
0x83: {  	[tilespmem:s28], [sflag:$0x1] =	stream.indirect.gather [hbm4b:s4+s24], $0x80, s2, s24, $0xb8;
	[tilespmem:$0x1E400] =	vst v63  }
0x84: {  	_ =	swait.ge [sflag:s29], $0x2000  }
0x85: {  	[sflag:s29] =	ssyncset.done $0x0  }
0x86: {  	[sflag:s29] =	ssyncadd.s32 $0xFFFFE000  }
0x87: {  	_ =	swait.ge [sflag:s29], $0x2000  }
0x88: {  	[sflag:s29] =	ssyncset.done $0x0  }
0x89: {  	[sflag:s29] =	ssyncadd.s32 $0xFFFFE000  }
0x8a: {  	_ =	swait.ge [sflag:s29], $0x2000  }
0x8b: {  	[sflag:s29] =	ssyncset.done $0x0  }
0x8c: {  	[sflag:s29] =	ssyncadd.s32 $0xFFFFE000  }
0x8d: {  	_ =	swait.ge [sflag:s29], $0x2000  }
0x8e: {  	[sflag:s29] =	ssyncset.done $0x0  }
0x8f: {  	s2 =	sadd.s32 $0x1400, s10;
	[sflag:s29] =	ssyncadd.s32 $0xFFFFE000  }
0x90: {  	[spmem:s1] =	stream.indirect.scatter.add.f32 [tilespmem:s21], [sflag:$0x2], $0x80, s2, s24, $0xb8;
	[tilespmem:$0x1E400] =	vst v63  }
0x91: {  	_ =	swait.ge [sflag:s22], $0x2000  }
0x92: {  	[sflag:s22] =	ssyncset.done $0x0  }
0x93: {  	s2 =	sadd.s32 $0x1480, s10;
	[sflag:s22] =	ssyncadd.s32 $0xFFFFE000  }
0x94: {  	[spmem:s1] =	stream.indirect.scatter.add.f32 [tilespmem:s25], [sflag:$0x2], $0x80, s2, s24, $0xb8;
	[tilespmem:$0x1E400] =	vst v63  }
0x95: {  	_ =	swait.ge [sflag:s22], $0x2000  }
0x96: {  	[sflag:s22] =	ssyncset.done $0x0  }
0x97: {  	s2 =	sadd.s32 $0x1500, s10;
	[sflag:s22] =	ssyncadd.s32 $0xFFFFE000  }
0x98: {  	[spmem:s1] =	stream.indirect.scatter.add.f32 [tilespmem:s26], [sflag:$0x2], $0x80, s2, s24, $0xb8;
	[tilespmem:$0x1E400] =	vst v63  }
0x99: {  	_ =	swait.ge [sflag:s22], $0x2000  }
.Ltmp1:
0x9a: {  	[sflag:s22] =	ssyncset.done $0x0;
	(pc) =	sbr.rel @p0 .LBB2_5-.Ltmp1, $4  }
0x9b: {  	s2 =	sadd.s32 $0x1580, s10;
	[sflag:s22] =	ssyncadd.s32 $0xFFFFE000  }
0x9c: {  	[spmem:s1] =	stream.indirect.scatter.add.f32 [tilespmem:s28], [sflag:$0x2], $0x80, s2, s24, $0xb8;
	[tilespmem:$0x1E400] =	vst v63  }
0x9d: {  	_ =	swait.ge [sflag:s22], $0x2000  }
0x9e: {  	s2 =	smov.u32 s11;
	[sflag:s22] =	ssyncset.done $0x0  }
0x9f: {  	s0 =	sshra.s32 s0, $0x2;
	[sflag:s22] =	ssyncadd.s32 $0xFFFFE000  }
0xa0: {  	[tilespmem:s21], [sflag:$0x1] =	stream.indirect.gather [hbm4b:s4+s24], $0x80, s0, s24, $0xb8;
	[tilespmem:$0x1E400] =	vst v63  }
0xa1: {  	s2 =	sadd.s32 $0x80, s0  }
0xa2: {  	[tilespmem:s25], [sflag:$0x1] =	stream.indirect.gather [hbm4b:s4+s24], $0x80, s2, s24, $0xb8;
	[tilespmem:$0x1E400] =	vst v63  }
0xa3: {  	s11 =	sadd.s32 $0x100, s0  }
0xa4: {  	[tilespmem:s26], [sflag:$0x1] =	stream.indirect.gather [hbm4b:s4+s24], $0x80, s11, s24, $0xb8;
	[tilespmem:$0x1E400] =	vst v63  }
0xa5: {  	s10 =	sadd.s32 $0x180, s0  }
0xa6: {  	[tilespmem:s28], [sflag:$0x1] =	stream.indirect.gather [hbm4b:s4+s24], $0x80, s10, s24, $0xb8;
	[tilespmem:$0x1E400] =	vst v63  }
0xa7: {  	_ =	swait.ge [sflag:s29], $0x2000  }
0xa8: {  	[sflag:s29] =	ssyncset.done $0x0  }
0xa9: {  	[sflag:s29] =	ssyncadd.s32 $0xFFFFE000  }
0xaa: {  	_ =	swait.ge [sflag:s29], $0x2000  }
0xab: {  	[sflag:s29] =	ssyncset.done $0x0  }
0xac: {  	[sflag:s29] =	ssyncadd.s32 $0xFFFFE000  }
0xad: {  	_ =	swait.ge [sflag:s29], $0x2000  }
0xae: {  	[sflag:s29] =	ssyncset.done $0x0  }
0xaf: {  	[sflag:s29] =	ssyncadd.s32 $0xFFFFE000  }
0xb0: {  	_ =	swait.ge [sflag:s29], $0x2000  }
0xb1: {  	[sflag:s29] =	ssyncset.done $0x0  }
0xb2: {  	s11 =	sadd.s32 $0x1400, s0;
	[sflag:s29] =	ssyncadd.s32 $0xFFFFE000  }
0xb3: {  	[spmem:s1] =	stream.indirect.scatter.add.f32 [tilespmem:s21], [sflag:$0x2], $0x80, s11, s24, $0xb8;
	[tilespmem:$0x1E400] =	vst v63  }
0xb4: {  	_ =	swait.ge [sflag:s22], $0x2000  }
0xb5: {  	[sflag:s22] =	ssyncset.done $0x0  }
0xb6: {  	s10 =	sadd.s32 $0x1480, s0;
	[sflag:s22] =	ssyncadd.s32 $0xFFFFE000  }
0xb7: {  	[spmem:s1] =	stream.indirect.scatter.add.f32 [tilespmem:s25], [sflag:$0x2], $0x80, s10, s24, $0xb8;
	[tilespmem:$0x1E400] =	vst v63  }
0xb8: {  	_ =	swait.ge [sflag:s22], $0x2000  }
0xb9: {  	[sflag:s22] =	ssyncset.done $0x0  }
0xba: {  	s11 =	sadd.s32 $0x1500, s0;
	[sflag:s22] =	ssyncadd.s32 $0xFFFFE000  }
0xbb: {  	[spmem:s1] =	stream.indirect.scatter.add.f32 [tilespmem:s26], [sflag:$0x2], $0x80, s11, s24, $0xb8;
	[tilespmem:$0x1E400] =	vst v63  }
0xbc: {  	s31 =	sadd.s32 $0x1, s31;
	_ =	swait.ge [sflag:s22], $0x2000  }
0xbd: {  	p0 =	sne.s32 s31, s7;
	[sflag:s22] =	ssyncset.done $0x0  }
.Ltmp2:
0xbe: {  	s0 =	sadd.s32 $0x1580, s0;
	[sflag:s22] =	ssyncadd.s32 $0xFFFFE000;
	(pc) =	sbr.rel @p0 .LBB2_4-.Ltmp2, $4  }
0xbf: {  	[spmem:s1] =	stream.indirect.scatter.add.f32 [tilespmem:s28], [sflag:$0x2], $0x80, s0, s24, $0xb8;
	[tilespmem:$0x1E400] =	vst v63  }
0xc0: {  	_ =	swait.ge [sflag:s22], $0x2000  }
0xc1: {  	[sflag:s22] =	ssyncset.done $0x0  }
0xc2: {  	[sflag:s22] =	ssyncadd.s32 $0xFFFFE000  }
0xc3: {  	s0 =	stileid.u32;
	s3 =	sadd.s32 $0x1, s3  }
0xc4: {  	[bflag:$0x0] =	sbarrier.arrive $0xFFFF;
	s0 =	sshll.u32 s0, $0x6;
	p0 =	sne.s32 s3, s20  }
.Ltmp3:
0xc5: {  	s2 =	sshrl.u32 s9, $0x3;
	s0 =	sor.u32 $0x1C02, s0;
	(pc) =	sbr.rel @p0 .LBB2_1-.Ltmp3, $4  }
0xc6: {  	[hbm:s19], [sflag:s0] =	dma.local [spmem:s2], $0x2780  }
0xc7: {  	_ =	swait.ge [sflag:s22], $0x2780  }
0xc8: {  	[sflag:s22] =	ssyncset.done $0x0  }
0xc9: {  	[sflag:s22] =	ssyncadd.s32 $0xFFFFD880  }
0xca: {  	_ =	sfence.sel $0x180000  }
0xcb: {  	[bflag:$0x0] =	sbarrier.arrive $0xFFFF  }
0xcc: {  	_ =	strace $0x9000004D  }
0xcd: {  	s0 =	stileid.u32;
	[bflag:$0x2] =	sbarrier.arrive $0xFFFF  }
0xce: {  	p0 =	sne.s32 s0, $0x0;
	s0 =	rddreg [dreg:$0x2]  }
0xcf: {  	s0 =	sadd.s32 @!p0 $0x100000, s0  }
0xd0: {  	[sflag:s0] =	ssyncadd.tile.s32 @!p0 $0x1;
	_ =	shalt  }
.Lfunc_end2:
_tile_overlayer_lowered:
.L_overlay_start_2:
0xd1: {  	(tag) =	ssettag $0x2  }
0xd2: {  	s0 =	rddreg [dreg:$0x0];
	s2 =	stileid.u32  }
0xd3: {  	s1 =	rddreg [dreg:$0x1];
	p0 =	sne.s32 s2, $0x0  }
0xd4: {  	s3 =	rddreg [dreg:$0x2];
	[bflag:$0x3] =	sbarrier.arrive $0xFFFF;
	s2 =	simm.s32 @!p0 $0x1C02  }
0xd5: {  	[timem:s3], [sflag:s2] =	dma.local @!p0 [hbm:s0], s1  }
0xd6: {  	s0 =	simm.s32 @!p0 $0x2  }
0xd7: {  	_ =	swait.ge @!p0 [sflag:s0], s1  }
0xd8: {  	s1 =	ssub.s32 @!p0 $0x0, s1;
	[sflag:s0] =	ssyncset.done @!p0 $0x0  }
0xd9: {  	[sflag:s0] =	ssyncadd.s32 @!p0 s1  }
0xda: {  	[bflag:$0x3] =	sbarrier.arrive $0xFFFF  }
0xdb: {  	_ =	shalt  }

// kernel: kernel.19.cloned.1.call-start
scs
__scs_entry_jumppad:
0x0: {  	(pc) =	sbr.rel $0x88, $3  }
0x1: {  	(tag) =	ssettag $0x0;
	lr =	simm.s32 $0x1  }
0x2: {  	[smem:$0x3F98] =	sst lr;
	_ =	strace $0xD0000000  }
0x3: {  	_ = 	snop  }
0x4: {  	_ = 	snop  }
0x5: {  	_ = 	snop  }
0x6: {  	_ = 	snop  }
0x7: {  	_ = 	snop  }
__scs_overlays_trampoline_lowered:
0x8: {  	[smem:$0x3FA7] =	sst s0  }
0x9: {  	[smem:$0x3FA8] =	sst s1  }
0xa: {  	[smem:$0x3FA9] =	sst s2  }
0xb: {  	[smem:$0x3FAA] =	sst s3  }
0xc: {  	[smem:$0x3FAB] =	sst s4  }
0xd: {  	[smem:$0x3FAC] =	sst s5  }
0xe: {  	[smem:$0x3FAD] =	sst s6  }
0xf: {  	[smem:$0x3FAE] =	sst s7  }
0x10: {  	[smem:$0x3FAF] =	sst s8  }
0x11: {  	[smem:$0x3FB0] =	sst s9;
	s0 =	simm.s32 @!p0 $0x0  }
0x12: {  	s1 =	sld [smem:$0x3F96];
	s0 =	simm.s32 @p0 $0x1  }
0x13: {  	[smem:$0x3FB1] =	sst s0;
	s0 =	simm.s32 @!p1 $0x0  }
0x14: {  	s2 =	sld [smem:$0x3F95];
	s0 =	simm.s32 @p1 $0x1  }
0x15: {  	[smem:$0x3FB2] =	sst s0;
	s0 =	simm.s32 @!p2 $0x0  }
0x16: {  	s3 =	sld [smem:$0x3FDB];
	s0 =	simm.s32 @p2 $0x1  }
0x17: {  	s4 =	simm.s32 $0x1BF5;
	[smem:$0x3FB4] =	sst s0  }
0x18: {  	s0 =	sld [smem:$0x3F97];
	_ =	swait.ge [sflag:s4], $0x0  }
0x19: {  	s7 =	sld [smem:$0x3F98]  }
0x1a: {  	s8 =	sadd.s32 $0xFFFFE003, lr  }
0x1b: {  	s9 =	sadd.s32 $0xFFFFFEF7, lr;
	s5 =	simm.s32 $0xFFFFFFFF;
	p2 =	slt.u32 s8, $0xFFFFF086  }
0x1c: {  	p1 =	slt.u32 s9, $0xF7A;
	s5 =	simm.s32 @!p2 $0x0  }
0x1d: {  	s5 =	simm.s32 @p1 $0x1;
	p0 =	seq.s32 s7, s2  }
0x1e: {  	s7 =	smul.u32 @!p0 $0xF7A, s2;
	p2 =	seq.s32 @!p0 s5, $0x0  }
0x1f: {  	s9 =	smul.u32 $0xF7A, s1;
	s8 =	simm.s32 @!p0 $0x1BF5;
	p2 =	por !p2, p0  }
0x20: {  	[sflag:s8] =	ssyncset.s32 @!p0 $0xFFFFF086;
	s6 =	sadd.s32 @!p0 s3, s7;
	s7 =	simm.s32 @!p0 $0x108  }
0x21: {  	s3 =	sadd.s32 s3, s9;
	s6 =	sadd.s32 @!p0 $0x88, s6;
	s7 =	simm.s32 @p2 $0x1082  }
0x22: {  	[simem:s7], [sflag:s8] =	dma.local @!p0 [hbm:s6], $0xF7A  }
0x23: {  	s9 =	sor.u32 $0xD0000000, s2;
	s6 =	simm.s32 $0x108;
	_ =	swait.ge @!p0 [sflag:s8], $0x0  }
0x24: {  	s3 =	sadd.s32 $0x88, s3;
	s6 =	simm.s32 @!p1 $0x1082;
	[sflag:s4] =	ssyncset.s32 $0xFFFFF086  }
0x25: {  	[simem:s6], [sflag:s4] =	dma.local [hbm:s3], $0xF7A  }
0x26: {  	[smem:$0x3F98] =	sst s1;
	(tag) =	ssettag s2;
	_ =	strace s9  }
0x27: {  	s1 =	sld [smem:$0x3FA8]  }
0x28: {  	s2 =	sld [smem:$0x3FA9]  }
0x29: {  	s4 =	sld [smem:$0x3FAB]  }
0x2a: {  	p0 =	seq.s32 s5, $0x0;
	s5 =	sld [smem:$0x3FAC]  }
0x2b: {  	s6 =	sld [smem:$0x3FAD]  }
0x2c: {  	s7 =	sld [smem:$0x3FAE]  }
0x2d: {  	s3 =	simm.s32 $0x108;
	s8 =	sld [smem:$0x3FAF]  }
0x2e: {  	s3 =	simm.s32 @!p0 $0x1082;
	s9 =	sld [smem:$0x3FB0]  }
0x2f: {  	lr =	sadd.s32 s0, s3;
	s0 =	sld [smem:$0x3FA7]  }
0x30: {  	s3 =	sld [smem:$0x3FAA]  }
0x31: {  	[smem:$0x3FB3] =	sst s10  }
0x32: {  	s10 =	sld [smem:$0x3FB1];
	_ =	sdelay $0x3  }
0x33: {  	p0 =	seq.s32 s10, $0x1;
	s10 =	sld [smem:$0x3FB3];
	_ =	sdelay $0x3  }
0x34: {  	[smem:$0x3FB3] =	sst s10  }
0x35: {  	s10 =	sld [smem:$0x3FB2];
	_ =	sdelay $0x3  }
0x36: {  	p1 =	seq.s32 s10, $0x1;
	s10 =	sld [smem:$0x3FB3];
	_ =	sdelay $0x3  }
0x37: {  	[smem:$0x3FB3] =	sst s10  }
0x38: {  	s10 =	sld [smem:$0x3FB4]  }
0x39: {  	_ = 	snop;
	(pc) =	sbr.ind lr, $3  }
0x3a: {  	_ = 	snop  }
0x3b: {  	_ = 	snop  }
0x3c: {  	p2 =	seq.s32 s10, $0x1;
	s10 =	sld [smem:$0x3FB3]  }
0x3d: {  	_ =	shalt  }
0x3e: {  	_ =	shalt  }
0x3f: {  	_ =	shalt  }
0x40: {  	_ =	shalt  }
0x41: {  	_ =	shalt  }
0x42: {  	_ =	shalt  }
0x43: {  	_ =	shalt  }
0x44: {  	_ =	shalt  }
0x45: {  	_ =	shalt  }
0x46: {  	_ =	shalt  }
0x47: {  	_ =	shalt  }
0x48: {  	_ =	shalt  }
0x49: {  	_ =	shalt  }
0x4a: {  	_ =	shalt  }
0x4b: {  	_ =	shalt  }
0x4c: {  	_ =	shalt  }
0x4d: {  	_ =	shalt  }
0x4e: {  	_ =	shalt  }
0x4f: {  	_ =	shalt  }
0x50: {  	_ =	shalt  }
0x51: {  	_ =	shalt  }
0x52: {  	_ =	shalt  }
0x53: {  	_ =	shalt  }
0x54: {  	_ =	shalt  }
0x55: {  	_ =	shalt  }
0x56: {  	_ =	shalt  }
0x57: {  	_ =	shalt  }
0x58: {  	_ =	shalt  }
0x59: {  	_ =	shalt  }
0x5a: {  	_ =	shalt  }
0x5b: {  	_ =	shalt  }
0x5c: {  	_ =	shalt  }
0x5d: {  	_ =	shalt  }
0x5e: {  	_ =	shalt  }
0x5f: {  	_ =	shalt  }
0x60: {  	_ =	shalt  }
0x61: {  	_ =	shalt  }
0x62: {  	_ =	shalt  }
0x63: {  	_ =	shalt  }
0x64: {  	_ =	shalt  }
0x65: {  	_ =	shalt  }
0x66: {  	_ =	shalt  }
0x67: {  	_ =	shalt  }
0x68: {  	_ =	shalt  }
0x69: {  	_ =	shalt  }
0x6a: {  	_ =	shalt  }
0x6b: {  	_ =	shalt  }
0x6c: {  	_ =	shalt  }
0x6d: {  	_ =	shalt  }
0x6e: {  	_ =	shalt  }
0x6f: {  	_ =	shalt  }
0x70: {  	_ =	shalt  }
0x71: {  	_ =	shalt  }
0x72: {  	_ =	shalt  }
0x73: {  	_ =	shalt  }
0x74: {  	_ =	shalt  }
0x75: {  	_ =	shalt  }
0x76: {  	_ =	shalt  }
0x77: {  	_ =	shalt  }
0x78: {  	_ =	shalt  }
0x79: {  	_ =	shalt  }
0x7a: {  	_ =	shalt  }
0x7b: {  	_ =	shalt  }
0x7c: {  	_ =	shalt  }
0x7d: {  	_ =	shalt  }
0x7e: {  	_ =	shalt  }
0x7f: {  	_ =	shalt  }
0x80: {  	_ =	shalt  }
0x81: {  	_ =	shalt  }
0x82: {  	_ =	shalt  }
0x83: {  	_ =	shalt  }
0x84: {  	_ =	shalt  }
0x85: {  	_ =	shalt  }
0x86: {  	_ =	shalt  }
0x87: {  	_ =	shalt  }
.Lfunc_end0:
.L_simem_size_0:
called_computation.3_lowered:
.L_overlay_start_0:
0x88: {  	s2 =	sld [smem:$0x3FD9]  }
0x89: {  	s3 =	sld [smem:$0x3FFE];
	_ =	sdelay $0x1  }
0x8a: {  	s1 =	srdreg.scid  }
0x8b: {  	s0 =	sand.u32 $0x1, s1  }
0x8c: {  	s16 =	sshll.u32 s0, $0xA;
	s2 =	sadd.s32 s3, s2  }
0x8d: {  	s2 =	sadd.s32 s2, s16  }
0x8e: {  	[smem:$0x3FBF] =	sst s2  }
0x8f: {  	_ = 	snop  }
0x90: {  	(tm) =	ssettm $0x1  }
0x91: {  	s17 =	sld [smem:$0x3FFB];
	_ =	sdelay $0x3  }
0x92: {  	_ =	strace s17  }
0x93: {  	s2 =	sld [smem:$0x3FFC];
	_ =	sdelay $0x3  }
0x94: {  	_ =	strace s2  }
0x95: {  	s2 =	sld [smem:$0x3FFD];
	_ =	sdelay $0x3  }
0x96: {  	_ =	strace s2  }
0x97: {  	_ =	strace $0x8FFFFFFF  }
0x98: {  	s18 =	sld [smem:$0x3FDB];
	_ =	sdelay $0x1  }
0x99: {  	s19 =	simm.s32 $_scs_section_size  }
0x9a: {  	s4 =	simm.s32 $_size__tile_overlayer_lowered;
	s5 =	simm.s32 $_tile_overlayer_lowered  }
0x9b: {  	s22 =	simm.s32 $0x1BFF;
	s21 =	sshll.u32 s5, $0x1;
	s2 =	sadd.s32 s19, s18  }
0x9c: {  	s6 =	simm.s32 $0x0;
	s20 =	sshll.u32 s4, $0x1;
	s4 =	sadd.s32 s21, s2  }
0x9d: {  	[timem:s6], [sflag:s22] =	dma.local [hbm:s4], s20  }
0x9e: {  	_ =	swait.ge [sflag:s22], s20  }
0x9f: {  	s3 =	ssub.s32 $0x0, s20;
	[sflag:s22] =	ssyncset.done $0x0  }
0xa0: {  	[sflag:s22] =	ssyncadd.s32 s3;
	_ =	sdelay $0x1  }
0xa1: {  	s23 =	simm.s32 $0x1B8B  }
0xa2: {  	_ =	swait.ge [sflag:s23], $0x1  }
0xa3: {  	[sflag:s23] =	ssyncset.done $0x0  }
0xa4: {  	s25 =	simm.s32 $0x1B8E;
	s24 =	sld [smem:$0x3FFE];
	[sflag:s23] =	ssyncadd.s32 $0xFFFFFFFF  }
0xa5: {  	s26 =	simm.s32 $execute0_lowered;
	[smem:$0x3FD2] =	sst s25  }
0xa6: {  	s4 =	sshll.u32 s26, $0x1;
	_ =	strace $0x8000004F;
	[dreg:$0x1] =	wrdreg $0xFFFFFFFF  }
0xa7: {  	s28 =	simm.s32 $_size_execute0_lowered;
	s2 =	sadd.s32 s2, s4;
	[dreg:$0x0] =	wrdreg $0x0  }
0xa8: {  	s4 =	sshll.u32 s28, $0x1;
	[dreg:$0x2] =	wrdreg s2  }
0xa9: {  	[dreg:$0x3] =	wrdreg s4  }
0xaa: {  	[dreg:$0x4] =	wrdreg $0xC0  }
0xab: {  	_ =	task [dreg:s6], $0x5FFFF  }
0xac: {  	[dreg:$0x1] =	wrdreg $0xFFFFFFFF  }
0xad: {  	[dreg:$0x0] =	wrdreg $0x60  }
0xae: {  	[dreg:$0x2] =	wrdreg s24  }
0xaf: {  	[dreg:$0x3] =	wrdreg $0xA8000  }
0xb0: {  	[dreg:$0x4] =	wrdreg $0x9  }
0xb1: {  	_ =	task.clear_ibuf [dreg:s6], $0x5FFFF;
	_ =	strace $0x9000004F  }
0xb2: {  	s29 =	simm.s32 $0x9;
	_ =	strace $0x80000051  }
0xb3: {  	_ =	swait.ge [sflag:s29], $0x1  }
0xb4: {  	[sflag:s29] =	ssyncadd.s32 $0xFFFFFFFF  }
0xb5: {  	_ =	strace $0x90000051  }
0xb6: {  	_ =	sfence  }
0xb7: {  	s30 =	sld [smem:$0x0];
	_ =	sdelay $0x2  }
0xb8: {  	s31 =	sshll.u32 s1, $0xD;
	s1 =	sshrl.u32 s1, $0x2  }
0xb9: {  	s3 =	sand.u32 $0x4000, s31;
	s1 =	sadd.s32 s1, s30  }
0xba: {  	s0 =	sor.u32 s3, s0;
	s1 =	sshll.u32 s1, $0x11  }
0xbb: {  	s0 =	sor.u32 s1, s0  }
0xbc: {  	s0 =	sadd.s32 $0x8F2B, s0  }
0xbd: {  	[sflag:s0] =	ssyncadd.remote.s32 $0x1  }
0xbe: {  	_ =	sfence.sel $0xFFFF  }
0xbf: {  	[dreg:$0x0] =	wrdreg $0xFFFFFFFF;
	(pc) =	sbr.abs _section_cstart, $3  }
0xc0: {  	[dreg:$0x1] =	wrdreg $0xFFFFFFFF  }
0xc1: {  	_ =	task.clear_ibuf [dreg:s6], $0x2FFFF;
	_ =	strace $0x9FFFFFFF  }
0xc2: {  	(tm) =	ssettm $0x7FFFFFFF  }
0xc3: {  	_ =	shalt  }
tec
execute0_lowered:
.L_overlay_start_1:
0x0: {  	(tag) =	ssettag $0x1  }
0x1: {  	s0 =	rddreg [dreg:$0x0]  }
0x2: {  	s1 =	rddreg [dreg:$0x1];
	s2 =	srdreg.scid  }
0x3: {  	s3 =	simm.s32 $0x0;
	s12 =	stileid.u32;
	s21 =	simm.s32 $0x2800  }
0x4: {  	s22 =	simm.s32 $0x2;
	s28 =	simm.s32 $0x8800;
	s29 =	simm.s32 $0x1  }
0x5: {  	s30 =	simm.s32 $0x0;
	s2 =	sand.u32 $0x1, s2;
	s8 =	smul.u32 $0x13C00, s12  }
0x6: {  	[smem:$0x7FF] =	sst s3;
	s4 =	sadd.s32 $0x16C00, s0;
	s10 =	smul.u32 $0x4F000, s12  }
0x7: {  	s5 =	sadd.s32 $0x65C00, s0;
	s6 =	sadd.s32 $0x2C00, s0;
	s24 =	smul.u32 $0x50, s12  }
0x8: {  	s7 =	smul.u32 $0x13C000, s2;
	_ =	strace $0x80000050;
	s23 =	ssub.s32 $0x2, s2  }
0x9: {  	p0 =	seq.s32 s2, $0x0;
	s2 =	smul.u32 $0xF0, s12;
	s9 =	sshrl.u32 s23, $0x1  }
0xa: {  	s25 =	sshrl.u32 s10, $0x2;
	s7 =	sadd.s32 s8, s7;
	s11 =	ssub.s32 s23, s9  }
0xb: {  	s8 =	sadd.s32 $0xF00, s24;
	s9 =	sadd.s32 s25, s1;
	s23 =	simm.s32 $0x1400  }
0xc: {  	s24 =	simm.s32 $0x40;
	s25 =	simm.s32 $0x4800;
	s7 =	sshrl.u32 s7, $0x3  }
0xd: {  	s8 =	smov.u32 @p0 s2;
	s26 =	sadd.s32 $0x2000, s9;
	s31 =	sadd.s32 $0x4000, s9  }
0xe: {  	s12 =	sadd.s32 $0x6000, s9;
	s13 =	sadd.s32 $0x8000, s9;
	s14 =	sadd.s32 $0xA000, s9  }
0xf: {  	s15 =	sadd.s32 $0xC000, s9;
	s16 =	sadd.s32 $0xE000, s9;
	s17 =	sadd.s32 $0x10000, s9  }
0x10: {  	s18 =	sadd.s32 $0x12000, s9;
	s20 =	smax.u32 s11, $0x1;
	[dreg:$0x3] =	wrdreg s26  }
0x11: {  	s0 =	sadd.s32 s7, s0;
	s7 =	simm.s32 $0x6;
	[dreg:$0x4] =	wrdreg s31  }
0x12: {  	v0 =	vimm.f32 $0.0e+00;
	s26 =	simm.s32 $0x6800;
	s7 =	simm.s32 @!p0 $0x2;
	s19 =	sadd.s32 $0x79C00, s0  }
.LBB2_1:
0x13: {  	s0 =	simm.s32 $0x0;
	s2 =	simm.s32 $0x200  }
.LBB2_2:
0x14: {  	p0 =	sne.s32 s2, $0x7E00;
	[tilespmem:s0+$0x2870] =	vst v0  }
0x15: {  	[tilespmem:s0+$0x2800] =	vst v0  }
0x16: {  	[tilespmem:s0+$0x2810] =	vst v0  }
.Ltmp0:
0x17: {  	[tilespmem:s0+$0x2820] =	vst v0;
	(pc) =	sbr.rel @p0 .LBB2_2-.Ltmp0, $4  }
0x18: {  	[tilespmem:s0+$0x2830] =	vst v0  }
0x19: {  	[tilespmem:s0+$0x2840] =	vst v0  }
0x1a: {  	[tilespmem:s0+$0x2850] =	vst v0  }
0x1b: {  	[tilespmem:s0+$0x2860] =	vst v0;
	s0 =	sshra.s32 s2, $0x2;
	s2 =	sadd.s32 $0x200, s2  }
0x1c: {  	[tilespmem:s0+$0x2870] =	vst v0  }
0x1d: {  	[tilespmem:s0+$0x2800] =	vst v0  }
0x1e: {  	[tilespmem:s0+$0x2810] =	vst v0  }
0x1f: {  	[tilespmem:s0+$0x2820] =	vst v0  }
0x20: {  	[tilespmem:s0+$0x2830] =	vst v0  }
0x21: {  	[tilespmem:s0+$0x2840] =	vst v0  }
0x22: {  	[tilespmem:s0+$0x2850] =	vst v0  }
0x23: {  	[tilespmem:s0+$0x2860] =	vst v0  }
0x24: {  	[spmem:s9] =	stream.linear.scatter [tilespmem:s21], [sflag:$0x2], $0x2000, $0x38;
	[tilespmem:$0x1E400] =	vst v63  }
0x25: {  	_ =	swait.ge [sflag:s22], $0x2000  }
0x26: {  	[sflag:s22] =	ssyncset.done $0x0  }
0x27: {  	s10 =	rddreg [dreg:$0x3];
	[sflag:s22] =	ssyncadd.s32 $0xFFFFE000  }
0x28: {  	[spmem:s10] =	stream.linear.scatter [tilespmem:s21], [sflag:$0x2], $0x2000, $0x38;
	[tilespmem:$0x1E400] =	vst v63  }
0x29: {  	_ =	swait.ge [sflag:s22], $0x2000  }
0x2a: {  	[sflag:s22] =	ssyncset.done $0x0  }
0x2b: {  	s11 =	rddreg [dreg:$0x4];
	[sflag:s22] =	ssyncadd.s32 $0xFFFFE000  }
0x2c: {  	[spmem:s11] =	stream.linear.scatter [tilespmem:s21], [sflag:$0x2], $0x2000, $0x38;
	[tilespmem:$0x1E400] =	vst v63  }
0x2d: {  	_ =	swait.ge [sflag:s22], $0x2000  }
0x2e: {  	[sflag:s22] =	ssyncset.done $0x0  }
0x2f: {  	[sflag:s22] =	ssyncadd.s32 $0xFFFFE000  }
0x30: {  	[spmem:s12] =	stream.linear.scatter [tilespmem:s21], [sflag:$0x2], $0x2000, $0x38;
	[tilespmem:$0x1E400] =	vst v63  }
0x31: {  	_ =	swait.ge [sflag:s22], $0x2000  }
0x32: {  	[sflag:s22] =	ssyncset.done $0x0  }
0x33: {  	[sflag:s22] =	ssyncadd.s32 $0xFFFFE000  }
0x34: {  	[spmem:s13] =	stream.linear.scatter [tilespmem:s21], [sflag:$0x2], $0x2000, $0x38;
	[tilespmem:$0x1E400] =	vst v63  }
0x35: {  	_ =	swait.ge [sflag:s22], $0x2000  }
0x36: {  	[sflag:s22] =	ssyncset.done $0x0  }
0x37: {  	[sflag:s22] =	ssyncadd.s32 $0xFFFFE000  }
0x38: {  	[spmem:s14] =	stream.linear.scatter [tilespmem:s21], [sflag:$0x2], $0x2000, $0x38;
	[tilespmem:$0x1E400] =	vst v63  }
0x39: {  	_ =	swait.ge [sflag:s22], $0x2000  }
0x3a: {  	[sflag:s22] =	ssyncset.done $0x0  }
0x3b: {  	[sflag:s22] =	ssyncadd.s32 $0xFFFFE000  }
0x3c: {  	[spmem:s15] =	stream.linear.scatter [tilespmem:s21], [sflag:$0x2], $0x2000, $0x38;
	[tilespmem:$0x1E400] =	vst v63  }
0x3d: {  	_ =	swait.ge [sflag:s22], $0x2000  }
0x3e: {  	[sflag:s22] =	ssyncset.done $0x0  }
0x3f: {  	[sflag:s22] =	ssyncadd.s32 $0xFFFFE000  }
0x40: {  	[spmem:s16] =	stream.linear.scatter [tilespmem:s21], [sflag:$0x2], $0x2000, $0x38;
	[tilespmem:$0x1E400] =	vst v63  }
0x41: {  	_ =	swait.ge [sflag:s22], $0x2000  }
0x42: {  	[sflag:s22] =	ssyncset.done $0x0  }
0x43: {  	[sflag:s22] =	ssyncadd.s32 $0xFFFFE000  }
0x44: {  	[spmem:s17] =	stream.linear.scatter [tilespmem:s21], [sflag:$0x2], $0x2000, $0x38;
	[tilespmem:$0x1E400] =	vst v63  }
0x45: {  	_ =	swait.ge [sflag:s22], $0x2000  }
0x46: {  	[sflag:s22] =	ssyncset.done $0x0  }
0x47: {  	[sflag:s22] =	ssyncadd.s32 $0xFFFFE000  }
0x48: {  	[spmem:s18] =	stream.linear.scatter [tilespmem:s21], [sflag:$0x2], $0x1C00, $0x38;
	[tilespmem:$0x1E400] =	vst v63  }
0x49: {  	_ =	swait.ge [sflag:s22], $0x1C00  }
0x4a: {  	[sflag:s22] =	ssyncset.done $0x0  }
0x4b: {  	[sflag:s22] =	ssyncadd.s32 $0xFFFFE400  }
0x4c: {  	s31 =	simm.s32 $0x0;
	[bflag:$0x0] =	sbarrier.arrive $0xFFFF  }
.LBB2_4:
0x4d: {  	s0 =	smul.u32 $0x28, s31;
	_ =	sdelay $0x1  }
0x4e: {  	s0 =	sadd.s32 s8, s0  }
0x4f: {  	s0 =	sshll.u32 s0, $0x4  }
0x50: {  	s2 =	sadd.s32 s5, s0  }
0x51: {  	[tilespmem:s30], [sflag:$0x2] =	stream.linear.gather [hbm4b:s2+s30], $0x1400, $0x38;
	[tilespmem:$0x1E400] =	vst v63  }
0x52: {  	_ =	swait.ge [sflag:s22], $0x1400  }
0x53: {  	[sflag:s22] =	ssyncset.done $0x0  }
0x54: {  	s0 =	sadd.s32 s6, s0;
	[sflag:s22] =	ssyncadd.s32 $0xFFFFEC00  }
0x55: {  	[tilespmem:s23], [sflag:$0x2] =	stream.linear.gather [hbm4b:s0+s30], $0x1400, $0x38;
	[tilespmem:$0x1E400] =	vst v63  }
0x56: {  	_ =	swait.ge [sflag:s22], $0x1400  }
0x57: {  	[sflag:s22] =	ssyncset.done $0x0  }
0x58: {  	s10 =	simm.s32 $0x0;
	[sflag:s22] =	ssyncadd.s32 $0xFFFFEC00  }
0x59: {  	[tilespmem:s21], [sflag:$0x1] =	stream.indirect.gather [hbm4b:s4+s24], $0x80, s10, s24, $0xb8;
	[tilespmem:$0x1E400] =	vst v63  }
0x5a: {  	s11 =	simm.s32 $0x80  }
0x5b: {  	[tilespmem:s25], [sflag:$0x1] =	stream.indirect.gather [hbm4b:s4+s24], $0x80, s11, s24, $0xb8;
	[tilespmem:$0x1E400] =	vst v63  }
0x5c: {  	s2 =	simm.s32 $0x100  }
0x5d: {  	[tilespmem:s26], [sflag:$0x1] =	stream.indirect.gather [hbm4b:s4+s24], $0x80, s2, s24, $0xb8;
	[tilespmem:$0x1E400] =	vst v63  }
0x5e: {  	s10 =	simm.s32 $0x180  }
0x5f: {  	[tilespmem:s28], [sflag:$0x1] =	stream.indirect.gather [hbm4b:s4+s24], $0x80, s10, s24, $0xb8;
	[tilespmem:$0x1E400] =	vst v63  }
0x60: {  	_ =	swait.ge [sflag:s29], $0x2000  }
0x61: {  	[sflag:s29] =	ssyncset.done $0x0  }
0x62: {  	[sflag:s29] =	ssyncadd.s32 $0xFFFFE000  }
0x63: {  	_ =	swait.ge [sflag:s29], $0x2000  }
0x64: {  	[sflag:s29] =	ssyncset.done $0x0  }
0x65: {  	[sflag:s29] =	ssyncadd.s32 $0xFFFFE000  }
0x66: {  	_ =	swait.ge [sflag:s29], $0x2000  }
0x67: {  	[sflag:s29] =	ssyncset.done $0x0  }
0x68: {  	[sflag:s29] =	ssyncadd.s32 $0xFFFFE000  }
0x69: {  	_ =	swait.ge [sflag:s29], $0x2000  }
0x6a: {  	[sflag:s29] =	ssyncset.done $0x0  }
0x6b: {  	s11 =	simm.s32 $0x1400;
	[sflag:s29] =	ssyncadd.s32 $0xFFFFE000  }
0x6c: {  	[spmem:s1] =	stream.indirect.scatter.add.f32 [tilespmem:s21], [sflag:$0x2], $0x80, s11, s24, $0xb8;
	[tilespmem:$0x1E400] =	vst v63  }
0x6d: {  	_ =	swait.ge [sflag:s22], $0x2000  }
0x6e: {  	[sflag:s22] =	ssyncset.done $0x0  }
0x6f: {  	s2 =	simm.s32 $0x1480;
	[sflag:s22] =	ssyncadd.s32 $0xFFFFE000  }
0x70: {  	[spmem:s1] =	stream.indirect.scatter.add.f32 [tilespmem:s25], [sflag:$0x2], $0x80, s2, s24, $0xb8;
	[tilespmem:$0x1E400] =	vst v63  }
0x71: {  	_ =	swait.ge [sflag:s22], $0x2000  }
0x72: {  	[sflag:s22] =	ssyncset.done $0x0  }
0x73: {  	s10 =	simm.s32 $0x1500;
	[sflag:s22] =	ssyncadd.s32 $0xFFFFE000  }
0x74: {  	[spmem:s1] =	stream.indirect.scatter.add.f32 [tilespmem:s26], [sflag:$0x2], $0x80, s10, s24, $0xb8;
	[tilespmem:$0x1E400] =	vst v63  }
0x75: {  	_ =	swait.ge [sflag:s22], $0x2000  }
0x76: {  	[sflag:s22] =	ssyncset.done $0x0  }
0x77: {  	s11 =	simm.s32 $0x1580;
	[sflag:s22] =	ssyncadd.s32 $0xFFFFE000  }
0x78: {  	[spmem:s1] =	stream.indirect.scatter.add.f32 [tilespmem:s28], [sflag:$0x2], $0x80, s11, s24, $0xb8;
	[tilespmem:$0x1E400] =	vst v63  }
0x79: {  	_ =	swait.ge [sflag:s22], $0x2000  }
0x7a: {  	s0 =	simm.s32 $0x800;
	s2 =	simm.s32 $0x1000;
	[sflag:s22] =	ssyncset.done $0x0  }
.LBB2_5:
0x7b: {  	s10 =	sshra.s32 s0, $0x2  }
0x7c: {  	[sflag:s22] =	ssyncadd.s32 $0xFFFFE000;
	s0 =	smov.u32 s2;
	s11 =	sadd.s32 $0x800, s2  }
0x7d: {  	[tilespmem:s21], [sflag:$0x1] =	stream.indirect.gather [hbm4b:s4+s24], $0x80, s10, s24, $0xb8;
	[tilespmem:$0x1E400] =	vst v63  }
0x7e: {  	p0 =	sne.s32 s2, $0x4800;
	s2 =	sadd.s32 $0x80, s10  }
0x7f: {  	[tilespmem:s25], [sflag:$0x1] =	stream.indirect.gather [hbm4b:s4+s24], $0x80, s2, s24, $0xb8;
	[tilespmem:$0x1E400] =	vst v63  }
0x80: {  	s2 =	sadd.s32 $0x100, s10  }
0x81: {  	[tilespmem:s26], [sflag:$0x1] =	stream.indirect.gather [hbm4b:s4+s24], $0x80, s2, s24, $0xb8;
	[tilespmem:$0x1E400] =	vst v63  }
0x82: {  	s2 =	sadd.s32 $0x180, s10  }
0x83: {  	[tilespmem:s28], [sflag:$0x1] =	stream.indirect.gather [hbm4b:s4+s24], $0x80, s2, s24, $0xb8;
	[tilespmem:$0x1E400] =	vst v63  }
0x84: {  	_ =	swait.ge [sflag:s29], $0x2000  }
0x85: {  	[sflag:s29] =	ssyncset.done $0x0  }
0x86: {  	[sflag:s29] =	ssyncadd.s32 $0xFFFFE000  }
0x87: {  	_ =	swait.ge [sflag:s29], $0x2000  }
0x88: {  	[sflag:s29] =	ssyncset.done $0x0  }
0x89: {  	[sflag:s29] =	ssyncadd.s32 $0xFFFFE000  }
0x8a: {  	_ =	swait.ge [sflag:s29], $0x2000  }
0x8b: {  	[sflag:s29] =	ssyncset.done $0x0  }
0x8c: {  	[sflag:s29] =	ssyncadd.s32 $0xFFFFE000  }
0x8d: {  	_ =	swait.ge [sflag:s29], $0x2000  }
0x8e: {  	[sflag:s29] =	ssyncset.done $0x0  }
0x8f: {  	s2 =	sadd.s32 $0x1400, s10;
	[sflag:s29] =	ssyncadd.s32 $0xFFFFE000  }
0x90: {  	[spmem:s1] =	stream.indirect.scatter.add.f32 [tilespmem:s21], [sflag:$0x2], $0x80, s2, s24, $0xb8;
	[tilespmem:$0x1E400] =	vst v63  }
0x91: {  	_ =	swait.ge [sflag:s22], $0x2000  }
0x92: {  	[sflag:s22] =	ssyncset.done $0x0  }
0x93: {  	s2 =	sadd.s32 $0x1480, s10;
	[sflag:s22] =	ssyncadd.s32 $0xFFFFE000  }
0x94: {  	[spmem:s1] =	stream.indirect.scatter.add.f32 [tilespmem:s25], [sflag:$0x2], $0x80, s2, s24, $0xb8;
	[tilespmem:$0x1E400] =	vst v63  }
0x95: {  	_ =	swait.ge [sflag:s22], $0x2000  }
0x96: {  	[sflag:s22] =	ssyncset.done $0x0  }
0x97: {  	s2 =	sadd.s32 $0x1500, s10;
	[sflag:s22] =	ssyncadd.s32 $0xFFFFE000  }
0x98: {  	[spmem:s1] =	stream.indirect.scatter.add.f32 [tilespmem:s26], [sflag:$0x2], $0x80, s2, s24, $0xb8;
	[tilespmem:$0x1E400] =	vst v63  }
0x99: {  	_ =	swait.ge [sflag:s22], $0x2000  }
.Ltmp1:
0x9a: {  	[sflag:s22] =	ssyncset.done $0x0;
	(pc) =	sbr.rel @p0 .LBB2_5-.Ltmp1, $4  }
0x9b: {  	s2 =	sadd.s32 $0x1580, s10;
	[sflag:s22] =	ssyncadd.s32 $0xFFFFE000  }
0x9c: {  	[spmem:s1] =	stream.indirect.scatter.add.f32 [tilespmem:s28], [sflag:$0x2], $0x80, s2, s24, $0xb8;
	[tilespmem:$0x1E400] =	vst v63  }
0x9d: {  	_ =	swait.ge [sflag:s22], $0x2000  }
0x9e: {  	s2 =	smov.u32 s11;
	[sflag:s22] =	ssyncset.done $0x0  }
0x9f: {  	s0 =	sshra.s32 s0, $0x2;
	[sflag:s22] =	ssyncadd.s32 $0xFFFFE000  }
0xa0: {  	[tilespmem:s21], [sflag:$0x1] =	stream.indirect.gather [hbm4b:s4+s24], $0x80, s0, s24, $0xb8;
	[tilespmem:$0x1E400] =	vst v63  }
0xa1: {  	s2 =	sadd.s32 $0x80, s0  }
0xa2: {  	[tilespmem:s25], [sflag:$0x1] =	stream.indirect.gather [hbm4b:s4+s24], $0x80, s2, s24, $0xb8;
	[tilespmem:$0x1E400] =	vst v63  }
0xa3: {  	s11 =	sadd.s32 $0x100, s0  }
0xa4: {  	[tilespmem:s26], [sflag:$0x1] =	stream.indirect.gather [hbm4b:s4+s24], $0x80, s11, s24, $0xb8;
	[tilespmem:$0x1E400] =	vst v63  }
0xa5: {  	s10 =	sadd.s32 $0x180, s0  }
0xa6: {  	[tilespmem:s28], [sflag:$0x1] =	stream.indirect.gather [hbm4b:s4+s24], $0x80, s10, s24, $0xb8;
	[tilespmem:$0x1E400] =	vst v63  }
0xa7: {  	_ =	swait.ge [sflag:s29], $0x2000  }
0xa8: {  	[sflag:s29] =	ssyncset.done $0x0  }
0xa9: {  	[sflag:s29] =	ssyncadd.s32 $0xFFFFE000  }
0xaa: {  	_ =	swait.ge [sflag:s29], $0x2000  }
0xab: {  	[sflag:s29] =	ssyncset.done $0x0  }
0xac: {  	[sflag:s29] =	ssyncadd.s32 $0xFFFFE000  }
0xad: {  	_ =	swait.ge [sflag:s29], $0x2000  }
0xae: {  	[sflag:s29] =	ssyncset.done $0x0  }
0xaf: {  	[sflag:s29] =	ssyncadd.s32 $0xFFFFE000  }
0xb0: {  	_ =	swait.ge [sflag:s29], $0x2000  }
0xb1: {  	[sflag:s29] =	ssyncset.done $0x0  }
0xb2: {  	s11 =	sadd.s32 $0x1400, s0;
	[sflag:s29] =	ssyncadd.s32 $0xFFFFE000  }
0xb3: {  	[spmem:s1] =	stream.indirect.scatter.add.f32 [tilespmem:s21], [sflag:$0x2], $0x80, s11, s24, $0xb8;
	[tilespmem:$0x1E400] =	vst v63  }
0xb4: {  	_ =	swait.ge [sflag:s22], $0x2000  }
0xb5: {  	[sflag:s22] =	ssyncset.done $0x0  }
0xb6: {  	s10 =	sadd.s32 $0x1480, s0;
	[sflag:s22] =	ssyncadd.s32 $0xFFFFE000  }
0xb7: {  	[spmem:s1] =	stream.indirect.scatter.add.f32 [tilespmem:s25], [sflag:$0x2], $0x80, s10, s24, $0xb8;
	[tilespmem:$0x1E400] =	vst v63  }
0xb8: {  	_ =	swait.ge [sflag:s22], $0x2000  }
0xb9: {  	[sflag:s22] =	ssyncset.done $0x0  }
0xba: {  	s11 =	sadd.s32 $0x1500, s0;
	[sflag:s22] =	ssyncadd.s32 $0xFFFFE000  }
0xbb: {  	[spmem:s1] =	stream.indirect.scatter.add.f32 [tilespmem:s26], [sflag:$0x2], $0x80, s11, s24, $0xb8;
	[tilespmem:$0x1E400] =	vst v63  }
0xbc: {  	s31 =	sadd.s32 $0x1, s31;
	_ =	swait.ge [sflag:s22], $0x2000  }
0xbd: {  	p0 =	sne.s32 s31, s7;
	[sflag:s22] =	ssyncset.done $0x0  }
.Ltmp2:
0xbe: {  	s0 =	sadd.s32 $0x1580, s0;
	[sflag:s22] =	ssyncadd.s32 $0xFFFFE000;
	(pc) =	sbr.rel @p0 .LBB2_4-.Ltmp2, $4  }
0xbf: {  	[spmem:s1] =	stream.indirect.scatter.add.f32 [tilespmem:s28], [sflag:$0x2], $0x80, s0, s24, $0xb8;
	[tilespmem:$0x1E400] =	vst v63  }
0xc0: {  	_ =	swait.ge [sflag:s22], $0x2000  }
0xc1: {  	[sflag:s22] =	ssyncset.done $0x0  }
0xc2: {  	[sflag:s22] =	ssyncadd.s32 $0xFFFFE000  }
0xc3: {  	s0 =	stileid.u32;
	s3 =	sadd.s32 $0x1, s3  }
0xc4: {  	[bflag:$0x0] =	sbarrier.arrive $0xFFFF;
	s0 =	sshll.u32 s0, $0x6;
	p0 =	sne.s32 s3, s20  }
.Ltmp3:
0xc5: {  	s2 =	sshrl.u32 s9, $0x3;
	s0 =	sor.u32 $0x1C02, s0;
	(pc) =	sbr.rel @p0 .LBB2_1-.Ltmp3, $4  }
0xc6: {  	[hbm:s19], [sflag:s0] =	dma.local [spmem:s2], $0x2780  }
0xc7: {  	_ =	swait.ge [sflag:s22], $0x2780  }
0xc8: {  	[sflag:s22] =	ssyncset.done $0x0  }
0xc9: {  	[sflag:s22] =	ssyncadd.s32 $0xFFFFD880  }
0xca: {  	_ =	sfence.sel $0x180000  }
0xcb: {  	[bflag:$0x0] =	sbarrier.arrive $0xFFFF  }
0xcc: {  	_ =	strace $0x90000050  }
0xcd: {  	s0 =	stileid.u32;
	[bflag:$0x2] =	sbarrier.arrive $0xFFFF  }
0xce: {  	p0 =	sne.s32 s0, $0x0;
	s0 =	rddreg [dreg:$0x2]  }
0xcf: {  	s0 =	sadd.s32 @!p0 $0x100000, s0  }
0xd0: {  	[sflag:s0] =	ssyncadd.tile.s32 @!p0 $0x1;
	_ =	shalt  }
.Lfunc_end2:
_tile_overlayer_lowered:
.L_overlay_start_2:
0xd1: {  	(tag) =	ssettag $0x2  }
0xd2: {  	s0 =	rddreg [dreg:$0x0];
	s2 =	stileid.u32  }
0xd3: {  	s1 =	rddreg [dreg:$0x1];
	p0 =	sne.s32 s2, $0x0  }
0xd4: {  	s3 =	rddreg [dreg:$0x2];
	[bflag:$0x3] =	sbarrier.arrive $0xFFFF;
	s2 =	simm.s32 @!p0 $0x1C02  }
0xd5: {  	[timem:s3], [sflag:s2] =	dma.local @!p0 [hbm:s0], s1  }
0xd6: {  	s0 =	simm.s32 @!p0 $0x2  }
0xd7: {  	_ =	swait.ge @!p0 [sflag:s0], s1  }
0xd8: {  	s1 =	ssub.s32 @!p0 $0x0, s1;
	[sflag:s0] =	ssyncset.done @!p0 $0x0  }
0xd9: {  	[sflag:s0] =	ssyncadd.s32 @!p0 s1  }
0xda: {  	[bflag:$0x3] =	sbarrier.arrive $0xFFFF  }
0xdb: {  	_ =	shalt  }

</sc_bundles>
